<compile_context>
chip_gen: v7x
topology: tpu7x:2x2x1
jax: 0.10.2.dev20260603
libtpu: 0.0.44.dev20260713+nightly
codegen_flags: <defaults>
</compile_context>

<pallas_src>
import functools

import jax
import jax.numpy as jnp
from jax import lax
from jax.experimental import pallas as pl
from jax.experimental.pallas import tpu as pltpu
from jax.experimental.pallas import tpu_sc as plsc

_N = 100000
_E = 6400000
_NC = 2
_NS = 16
_NW = _NC * _NS
_D8 = 8

CHUNK = 128
GRP = 8
CPT = 1568
GROUPS = CPT // GRP
E_PAD = _NW * CPT * CHUNK
NPAD = 100352
RPT = NPAD // _NS

_mesh = plsc.VectorSubcoreMesh(
    core_axis_name="c", subcore_axis_name="s", num_cores=_NC, num_subcores=_NS
)
_cparams = pltpu.CompilerParams(use_tc_tiling_on_sc=False)


def _make_deg():

    @functools.partial(
        pl.kernel,
        out_type=jax.ShapeDtypeStruct((_NC, NPAD), jnp.float32),
        mesh=_mesh,
        compiler_params=_cparams,
        scratch_types=[
            pltpu.VMEM_SHARED((NPAD,), jnp.float32),
            pltpu.VMEM((CHUNK,), jnp.float32),
            [[pltpu.VMEM((CHUNK,), jnp.int32) for _ in range(GRP)]
             for _ in range(2)],
            pltpu.SemaphoreType.DMA,
            pltpu.SemaphoreType.DMA,
        ],
    )
    def deg_kernel(dst_hbm, zz_hbm, ones_hbm, out_hbm, z_sp, ones_v, idxd, sem_i, sem_s):
        c = lax.axis_index("c")
        s = lax.axis_index("s")
        r0 = s * RPT
        pltpu.sync_copy(zz_hbm.at[pl.ds(r0, RPT)], z_sp.at[pl.ds(r0, RPT)])
        pltpu.sync_copy(ones_hbm, ones_v)
        plsc.subcore_barrier()
        base = (c * _NS + s) * CPT * CHUNK

        def stage(g, p):
            e0 = base + g * (GRP * CHUNK)
            for j in range(GRP):
                pltpu.async_copy(
                    dst_hbm.at[pl.ds(e0 + j * CHUNK, CHUNK)], idxd[p][j], sem_i
                )

        def wait_idx(p):
            for j in range(GRP):
                pltpu.make_async_copy(
                    dst_hbm.at[pl.ds(0, CHUNK)], idxd[p][j], sem_i
                ).wait()

        stage(0, 0)

        def scat(p):
            return [
                pltpu.async_copy(ones_v, z_sp.at[idxd[p][j]], sem_s, add=True)
                for j in range(GRP)
            ]

        def pair(h, carry):
            g = h * 2
            wait_idx(0)
            stage(g + 1, 1)
            s0 = scat(0)
            wait_idx(1)
            for d in s0:
                d.wait()
            @pl.when(g + 2 < GROUPS)
            def _():
                stage(g + 2, 0)
            s1 = scat(1)
            for d in s1:
                d.wait()
            return carry

        lax.fori_loop(0, GROUPS // 2, pair, 0)
        plsc.subcore_barrier()
        pltpu.sync_copy(z_sp.at[pl.ds(r0, RPT)], out_hbm.at[c, pl.ds(r0, RPT)])

    return deg_kernel


def _make_prop(D):
    one_d = D == 1
    tshape = (NPAD,) if one_d else (NPAD, D)
    rshape = (CHUNK,) if one_d else (CHUNK, D)

    pgrp = 4
    pgroups = CPT // pgrp

    @functools.partial(
        pl.kernel,
        out_type=jax.ShapeDtypeStruct((_NC,) + tshape, jnp.float32),
        mesh=_mesh,
        compiler_params=_cparams,
        scratch_types=[
            pltpu.VMEM_SHARED(tshape, jnp.float32),
            pltpu.VMEM_SHARED(tshape, jnp.float32),
            [pltpu.VMEM((pgrp * CHUNK,), jnp.int32) for _ in range(2)],
            [[pltpu.VMEM((CHUNK,), jnp.int32) for _ in range(pgrp)]
             for _ in range(2)],
            [pltpu.VMEM(rshape, jnp.float32) for _ in range(pgrp)],
            pltpu.SemaphoreType.DMA,
            pltpu.SemaphoreType.DMA,
            pltpu.SemaphoreType.DMA,
        ],
    )
    def prop_kernel(
        src_hbm, dst_hbm, y_hbm, zz_hbm, out_hbm,
        y_sp, z_sp, idxs, idxd, rows, sem_i, sem_g, sem_s,
    ):
        c = lax.axis_index("c")
        s = lax.axis_index("s")
        r0 = s * RPT
        pltpu.sync_copy(y_hbm.at[pl.ds(r0, RPT)], y_sp.at[pl.ds(r0, RPT)])
        pltpu.sync_copy(zz_hbm.at[pl.ds(r0, RPT)], z_sp.at[pl.ds(r0, RPT)])
        plsc.subcore_barrier()
        base = (c * _NS + s) * CPT * CHUNK

        def stage(g, p):
            e0 = base + g * (pgrp * CHUNK)
            for j in range(pgrp):
                pltpu.async_copy(
                    dst_hbm.at[pl.ds(e0 + j * CHUNK, CHUNK)], idxd[p][j], sem_i
                )
            pltpu.async_copy(src_hbm.at[pl.ds(e0, pgrp * CHUNK)], idxs[p], sem_i)

        def wait_idx(p):
            for j in range(pgrp):
                pltpu.make_async_copy(
                    dst_hbm.at[pl.ds(0, CHUNK)], idxd[p][j], sem_i
                ).wait()
            pltpu.make_async_copy(
                src_hbm.at[pl.ds(0, pgrp * CHUNK)], idxs[p], sem_i
            ).wait()

        def run_group(p):
            gs = [
                pltpu.async_copy(
                    y_sp.at[idxs[p].at[pl.ds(j * CHUNK, CHUNK)]], rows[j], sem_g
                )
                for j in range(pgrp)
            ]
            ss = []
            for j in range(pgrp):
                gs[j].wait()
                ss.append(
                    pltpu.async_copy(rows[j], z_sp.at[idxd[p][j]], sem_s, add=True)
                )
            return ss

        stage(0, 0)

        def pair(h, carry):
            g = h * 2
            wait_idx(0)
            stage(g + 1, 1)
            s0 = run_group(0)
            wait_idx(1)
            for d in s0:
                d.wait()
            s1 = run_group(1)
            @pl.when(g + 2 < pgroups)
            def _():
                stage(g + 2, 0)
            for d in s1:
                d.wait()
            return carry

        lax.fori_loop(0, pgroups // 2, pair, 0)
        plsc.subcore_barrier()
        pltpu.sync_copy(z_sp.at[pl.ds(r0, RPT)], out_hbm.at[c, pl.ds(r0, RPT)])

    return prop_kernel


_deg = _make_deg()
_prop1 = _make_prop(1)
_prop8 = _make_prop(_D8)



_BLK = 2048
_GRID = NPAD // _BLK


def _vspec(c):
    return pl.BlockSpec((_BLK, c), lambda i: (i, 0))


def _pspec(c):
    return pl.BlockSpec((_NC, _BLK, c), lambda i: (0, i, 0))


def _wspec(shape):
    return pl.BlockSpec(shape, lambda i: tuple(0 for _ in shape))


def _mm(a, w):
    k = w.shape[0]
    acc = a[:, 0:1] * w[0:1, :]
    for i in range(1, k):
        acc = acc + a[:, i : i + 1] * w[i : i + 1, :]
    return acc


def _pad8(a):
    return jnp.pad(a, ((0, 0), (0, _D8 - a.shape[1])))


def _mmbf(a, w):
    ab = a.astype(jnp.bfloat16).astype(jnp.float32)
    wb = w.astype(jnp.bfloat16).astype(jnp.float32)
    return _mm(ab, wb)


def _stage_dis_body(degp_ref, x_ref, dis_ref, y1_ref):
    deg = degp_ref[0] + degp_ref[1] + 1.0
    dis = lax.rsqrt(deg)
    dis_ref[...] = dis
    y1_ref[...] = dis * x_ref[...]


_stage_dis = pl.pallas_call(
    _stage_dis_body,
    grid=(_GRID,),
    in_specs=[_pspec(1), _vspec(1)],
    out_specs=[_vspec(1), _vspec(1)],
    out_shape=[
        jax.ShapeDtypeStruct((NPAD, 1), jnp.float32),
        jax.ShapeDtypeStruct((NPAD, 1), jnp.float32),
    ],
)


def _stage1_body(dis_ref, zp_ref, y1_ref, w1_ref, b1_ref, w2_ref, y2_ref):
    dis = dis_ref[...]
    t = dis * (zp_ref[0] + zp_ref[1] + y1_ref[...])
    h1 = jnp.tanh(t * w1_ref[...] + b1_ref[...])
    hw2 = _mmbf(h1, w2_ref[...])
    y2_ref[...] = _pad8(dis * hw2)


_stage1 = pl.pallas_call(
    _stage1_body,
    grid=(_GRID,),
    in_specs=[
        _vspec(1), _pspec(1), _vspec(1),
        _wspec((1, 4)), _wspec((1, 4)), _wspec((4, 4)),
    ],
    out_specs=[_vspec(_D8)],
    out_shape=[jax.ShapeDtypeStruct((NPAD, _D8), jnp.float32)],
)


def _stage2_body(dis_ref, zp_ref, y2_ref, b2_ref, w3_ref, y3_ref):
    dis = dis_ref[...]
    h2 = jnp.tanh(
        dis * (zp_ref[0][:, :4] + zp_ref[1][:, :4] + y2_ref[:, :4]) + b2_ref[...]
    )
    y3_ref[...] = _pad8(dis * _mmbf(h2, w3_ref[...]))


_stage2 = pl.pallas_call(
    _stage2_body,
    grid=(_GRID,),
    in_specs=[
        _vspec(1), _pspec(_D8), _vspec(_D8),
        _wspec((1, 4)), _wspec((4, 2)),
    ],
    out_specs=[_vspec(_D8)],
    out_shape=[jax.ShapeDtypeStruct((NPAD, _D8), jnp.float32)],
)


def _stage3_body(dis_ref, zp_ref, y3_ref, b3_ref, wc_ref, bc_ref, out_ref, h3_ref):
    dis = dis_ref[...]
    h3 = jnp.tanh(
        dis * (zp_ref[0][:, :2] + zp_ref[1][:, :2] + y3_ref[:, :2]) + b3_ref[...]
    )
    h3_ref[...] = h3
    out_ref[...] = _mmbf(h3, wc_ref[...]) + bc_ref[...]


_stage3 = pl.pallas_call(
    _stage3_body,
    grid=(_GRID,),
    in_specs=[
        _vspec(1), _pspec(_D8), _vspec(_D8),
        _wspec((1, 2)), _wspec((2, 1)), _wspec((1, 1)),
    ],
    out_specs=[_vspec(1), _vspec(2)],
    out_shape=[
        jax.ShapeDtypeStruct((NPAD, 1), jnp.float32),
        jax.ShapeDtypeStruct((NPAD, 2), jnp.float32),
    ],
)


def kernel(x, edge_index, W1, b1, W2, b2, W3, b3, Wc, bc):
    padi = jnp.full((E_PAD - _E,), _N, dtype=jnp.int32)
    src = jnp.concatenate([edge_index[0], padi])
    dst = jnp.concatenate([edge_index[1], padi])
    xp = jnp.pad(x, ((0, NPAD - _N), (0, 0)))

    z1 = jnp.zeros((NPAD,), jnp.float32)
    z8 = jnp.zeros((NPAD, _D8), jnp.float32)
    ones = jnp.ones((CHUNK,), jnp.float32)

    degp = _deg(dst, z1, ones)
    dis, y1 = _stage_dis(degp.reshape(_NC, NPAD, 1), xp)
    z1p = _prop1(src, dst, y1.reshape(NPAD), z1)
    (y2,) = _stage1(
        dis, z1p.reshape(_NC, NPAD, 1), y1, W1.reshape(1, 4), b1.reshape(1, 4), W2
    )
    z2p = _prop8(src, dst, y2, z8)
    (y3,) = _stage2(dis, z2p, y2, b2.reshape(1, 4), W3)
    z3p = _prop8(src, dst, y3, z8)
    out, h3 = _stage3(dis, z3p, y3, b3.reshape(1, 2), Wc, bc.reshape(1, 1))
    return (out[:_N], h3[:_N])

# --- scband reference (transcript-rebuilt; emitter-appended) ---
"""Pipeline reference for scband-gcn-33234456937223 (READ-ONLY COPY).

The authoritative reference and input builder live on the scoring server;
editing this copy changes nothing except your own understanding.
"""

import jax, jax.numpy as jnp
import numpy as np

N = 100000
E = 6400000


def gcn_conv(x, edge_index, W, b):
    # GCNConv: out = D^-1/2 (A + I) D^-1/2 X W + b
    src = edge_index[0]
    dst = edge_index[1]
    loop = jnp.arange(N, dtype=src.dtype)
    src = jnp.concatenate([src, loop])
    dst = jnp.concatenate([dst, loop])
    deg = jnp.zeros((N,), dtype=x.dtype).at[dst].add(1.0)
    dis = jnp.where(deg > 0, jax.lax.rsqrt(jnp.maximum(deg, 1e-12)), 0.0)
    norm = dis[src] * dis[dst]
    h = x @ W
    msg = jnp.take(h, src, axis=0) * norm[:, None]
    out = jnp.zeros((N, W.shape[1]), dtype=x.dtype).at[dst].add(msg)
    return out + b


def setup_inputs(seed: int = 0):
    key = jax.random.key(seed)
    ks = jax.random.split(key, 10)
    x = jax.random.uniform(ks[0], (N, 1), dtype=jnp.float32)
    edge_index = jax.random.randint(ks[1], (2, E), 0, N, dtype=jnp.int32)
    W1 = jax.random.normal(ks[2], (1, 4), dtype=jnp.float32) * 0.5
    b1 = jnp.zeros((4,), dtype=jnp.float32)
    W2 = jax.random.normal(ks[3], (4, 4), dtype=jnp.float32) * 0.5
    b2 = jnp.zeros((4,), dtype=jnp.float32)
    W3 = jax.random.normal(ks[4], (4, 2), dtype=jnp.float32) * 0.5
    b3 = jnp.zeros((2,), dtype=jnp.float32)
    Wc = jax.random.normal(ks[5], (2, 1), dtype=jnp.float32) * 0.5
    bc = jnp.zeros((1,), dtype=jnp.float32)
    return {"x": x, "edge_index": edge_index, "W1": W1, "b1": b1, "W2": W2, "b2": b2, "W3": W3, "b3": b3, "Wc": Wc, "bc": bc}


def reference(x, edge_index, W1, b1, W2, b2, W3, b3, Wc, bc):
    h = jnp.tanh(gcn_conv(x, edge_index, W1, b1))
    h = jnp.tanh(gcn_conv(h, edge_index, W2, b2))
    h = jnp.tanh(gcn_conv(h, edge_index, W3, b3))
    out = h @ Wc + bc
    return (out, h)

if __name__ == "__main__":
    import jax
    _d = setup_inputs()
    print(jax.jit(kernel)(*tuple(_d.values())))

</pallas_src>

<mosaic_0001>
#map = affine_map<(d0, d1) -> (0)>
#map1 = affine_map<(d0, d1) -> (0, 0)>
module attributes {stable_mosaic.version = 14 : i64} {
  func.func @prop_kernel(%arg0: i32, %arg1: i32, %arg2: memref<6422528xi32, #tpu.memory_space<hbm>>, %arg3: memref<6422528xi32, #tpu.memory_space<hbm>>, %arg4: memref<100352xf32, #tpu.memory_space<hbm>>, %arg5: memref<100352xf32, #tpu.memory_space<hbm>>, %arg6: memref<2x100352xf32, #tpu.memory_space<hbm>>, %arg7: memref<100352xf32, #tpu.memory_space<vmem_shared>>, %arg8: memref<100352xf32, #tpu.memory_space<vmem_shared>>, %arg9: memref<512xi32, #tpu.memory_space<vmem>>, %arg10: memref<512xi32, #tpu.memory_space<vmem>>, %arg11: memref<128xi32, #tpu.memory_space<vmem>>, %arg12: memref<128xi32, #tpu.memory_space<vmem>>, %arg13: memref<128xi32, #tpu.memory_space<vmem>>, %arg14: memref<128xi32, #tpu.memory_space<vmem>>, %arg15: memref<128xi32, #tpu.memory_space<vmem>>, %arg16: memref<128xi32, #tpu.memory_space<vmem>>, %arg17: memref<128xi32, #tpu.memory_space<vmem>>, %arg18: memref<128xi32, #tpu.memory_space<vmem>>, %arg19: memref<128xf32, #tpu.memory_space<vmem>>, %arg20: memref<128xf32, #tpu.memory_space<vmem>>, %arg21: memref<128xf32, #tpu.memory_space<vmem>>, %arg22: memref<128xf32, #tpu.memory_space<vmem>>, %arg23: memref<!tpu.dma_semaphore, #tpu.memory_space<semaphore_mem>>, %arg24: memref<!tpu.dma_semaphore, #tpu.memory_space<semaphore_mem>>, %arg25: memref<!tpu.dma_semaphore, #tpu.memory_space<semaphore_mem>>) attributes {dimension_semantics = [#tpu.dimension_semantics<core_parallel>, #tpu.dimension_semantics<subcore_parallel>], iteration_bounds = array<i64: 2, 16>, scalar_prefetch = 0 : i64, scratch_operands = 19 : i64, tpu.core_type = #tpu.core_type<sc_vector_subcore>, window_params = [{transform_indices = #map}, {transform_indices = #map}, {transform_indices = #map}, {transform_indices = #map}, {transform_indices = #map1}]} {
    %mul3A = arith.constant 6272 : i32
    %mul3A_0 = arith.muli %arg1, %mul3A : i32
    "tpu.region"() ({
      %run_scoped3A = tpu.sem_alloc : memref<!tpu.dma_semaphore, #tpu.memory_space<semaphore_mem>>
      %dma_start3A_32 = tpu.memref_slice %arg7[%mul3A_0] : memref<100352xf32, #tpu.memory_space<vmem_shared>> -> memref<6272xf32, #tpu.memory_space<vmem_shared>>
      %dma_start3A_33 = tpu.memref_slice %arg4[%mul3A_0] : memref<100352xf32, #tpu.memory_space<hbm>> -> memref<6272xf32, #tpu.memory_space<hbm>>
      tpu.enqueue_dma source(%dma_start3A_33 : memref<6272xf32, #tpu.memory_space<hbm>>) target(%dma_start3A_32 : memref<6272xf32, #tpu.memory_space<vmem_shared>>) target_semaphore(%run_scoped3A : memref<!tpu.dma_semaphore, #tpu.memory_space<semaphore_mem>>)
      %dma_wait3A = tpu.memref_slice %arg7[%mul3A_0] : memref<100352xf32, #tpu.memory_space<vmem_shared>> -> memref<6272xf32, #tpu.memory_space<vmem_shared>>
      %dma_wait3A_34 = tpu.memref_slice %arg4[%mul3A_0] : memref<100352xf32, #tpu.memory_space<hbm>> -> memref<6272xf32, #tpu.memory_space<hbm>>
      tpu.wait_dma2 semaphore(%run_scoped3A : memref<!tpu.dma_semaphore, #tpu.memory_space<semaphore_mem>>) src(%dma_wait3A_34 : memref<6272xf32, #tpu.memory_space<hbm>>) dst(%dma_wait3A : memref<6272xf32, #tpu.memory_space<vmem_shared>>)
      tpu.yield
    }) : () -> ()
    "tpu.region"() ({
      %run_scoped3A = tpu.sem_alloc : memref<!tpu.dma_semaphore, #tpu.memory_space<semaphore_mem>>
      %dma_start3A_32 = tpu.memref_slice %arg8[%mul3A_0] : memref<100352xf32, #tpu.memory_space<vmem_shared>> -> memref<6272xf32, #tpu.memory_space<vmem_shared>>
      %dma_start3A_33 = tpu.memref_slice %arg5[%mul3A_0] : memref<100352xf32, #tpu.memory_space<hbm>> -> memref<6272xf32, #tpu.memory_space<hbm>>
      tpu.enqueue_dma source(%dma_start3A_33 : memref<6272xf32, #tpu.memory_space<hbm>>) target(%dma_start3A_32 : memref<6272xf32, #tpu.memory_space<vmem_shared>>) target_semaphore(%run_scoped3A : memref<!tpu.dma_semaphore, #tpu.memory_space<semaphore_mem>>)
      %dma_wait3A = tpu.memref_slice %arg8[%mul3A_0] : memref<100352xf32, #tpu.memory_space<vmem_shared>> -> memref<6272xf32, #tpu.memory_space<vmem_shared>>
      %dma_wait3A_34 = tpu.memref_slice %arg5[%mul3A_0] : memref<100352xf32, #tpu.memory_space<hbm>> -> memref<6272xf32, #tpu.memory_space<hbm>>
      tpu.wait_dma2 semaphore(%run_scoped3A : memref<!tpu.dma_semaphore, #tpu.memory_space<semaphore_mem>>) src(%dma_wait3A_34 : memref<6272xf32, #tpu.memory_space<hbm>>) dst(%dma_wait3A : memref<6272xf32, #tpu.memory_space<vmem_shared>>)
      tpu.yield
    }) : () -> ()
    %barrier3A = arith.constant 0 : index
    tpu.barrier barrier_id(%barrier3A)
    %mul3A_1 = arith.constant 16 : i32
    %mul3A_2 = arith.muli %arg0, %mul3A_1 : i32
    %add3A = arith.addi %mul3A_2, %arg1 : i32
    %mul3A_3 = arith.constant 1568 : i32
    %mul3A_4 = arith.muli %add3A, %mul3A_3 : i32
    %mul3A_5 = arith.constant 128 : i32
    %mul3A_6 = arith.muli %mul3A_4, %mul3A_5 : i32
    %add3A_7 = arith.constant 0 : i32
    %add3A_8 = arith.addi %mul3A_6, %add3A_7 : i32
    %add3A_9 = arith.constant 0 : i32
    %add3A_10 = arith.addi %add3A_8, %add3A_9 : i32
    %dma_start3A = tpu.memref_slice %arg3[%add3A_10] : memref<6422528xi32, #tpu.memory_space<hbm>> -> memref<128xi32, #tpu.memory_space<hbm>>
    %dma_start3A_11 = tpu.memref_slice %arg3[%add3A_10] : memref<6422528xi32, #tpu.memory_space<hbm>> -> memref<128xi32, #tpu.memory_space<hbm>>
    tpu.enqueue_dma source(%dma_start3A_11 : memref<128xi32, #tpu.memory_space<hbm>>) target(%arg11 : memref<128xi32, #tpu.memory_space<vmem>>) target_semaphore(%arg23 : memref<!tpu.dma_semaphore, #tpu.memory_space<semaphore_mem>>)
    %add3A_12 = arith.constant 128 : i32
    %add3A_13 = arith.addi %add3A_8, %add3A_12 : i32
    %dma_start3A_14 = tpu.memref_slice %arg3[%add3A_13] : memref<6422528xi32, #tpu.memory_space<hbm>> -> memref<128xi32, #tpu.memory_space<hbm>>
    %dma_start3A_15 = tpu.memref_slice %arg3[%add3A_13] : memref<6422528xi32, #tpu.memory_space<hbm>> -> memref<128xi32, #tpu.memory_space<hbm>>
    tpu.enqueue_dma source(%dma_start3A_15 : memref<128xi32, #tpu.memory_space<hbm>>) target(%arg12 : memref<128xi32, #tpu.memory_space<vmem>>) target_semaphore(%arg23 : memref<!tpu.dma_semaphore, #tpu.memory_space<semaphore_mem>>)
    %add3A_16 = arith.constant 256 : i32
    %add3A_17 = arith.addi %add3A_8, %add3A_16 : i32
    %dma_start3A_18 = tpu.memref_slice %arg3[%add3A_17] : memref<6422528xi32, #tpu.memory_space<hbm>> -> memref<128xi32, #tpu.memory_space<hbm>>
    %dma_start3A_19 = tpu.memref_slice %arg3[%add3A_17] : memref<6422528xi32, #tpu.memory_space<hbm>> -> memref<128xi32, #tpu.memory_space<hbm>>
    tpu.enqueue_dma source(%dma_start3A_19 : memref<128xi32, #tpu.memory_space<hbm>>) target(%arg13 : memref<128xi32, #tpu.memory_space<vmem>>) target_semaphore(%arg23 : memref<!tpu.dma_semaphore, #tpu.memory_space<semaphore_mem>>)
    %add3A_20 = arith.constant 384 : i32
    %add3A_21 = arith.addi %add3A_8, %add3A_20 : i32
    %dma_start3A_22 = tpu.memref_slice %arg3[%add3A_21] : memref<6422528xi32, #tpu.memory_space<hbm>> -> memref<128xi32, #tpu.memory_space<hbm>>
    %dma_start3A_23 = tpu.memref_slice %arg3[%add3A_21] : memref<6422528xi32, #tpu.memory_space<hbm>> -> memref<128xi32, #tpu.memory_space<hbm>>
    tpu.enqueue_dma source(%dma_start3A_23 : memref<128xi32, #tpu.memory_space<hbm>>) target(%arg14 : memref<128xi32, #tpu.memory_space<vmem>>) target_semaphore(%arg23 : memref<!tpu.dma_semaphore, #tpu.memory_space<semaphore_mem>>)
    %dma_start3A_24 = tpu.memref_slice %arg2[%add3A_8] : memref<6422528xi32, #tpu.memory_space<hbm>> -> memref<512xi32, #tpu.memory_space<hbm>>
    %dma_start3A_25 = tpu.memref_slice %arg2[%add3A_8] : memref<6422528xi32, #tpu.memory_space<hbm>> -> memref<512xi32, #tpu.memory_space<hbm>>
    tpu.enqueue_dma source(%dma_start3A_25 : memref<512xi32, #tpu.memory_space<hbm>>) target(%arg9 : memref<512xi32, #tpu.memory_space<vmem>>) target_semaphore(%arg23 : memref<!tpu.dma_semaphore, #tpu.memory_space<semaphore_mem>>)
    %scan3A = arith.constant 0 : i32
    %scan3A_26 = arith.constant 0 : i32
    %scan3A_27 = arith.constant 196 : i32
    %scan3A_28 = arith.addi %scan3A_26, %scan3A_27 : i32
    %scan3A_29 = arith.constant 1 : i32
    scf.for %scan3A_32 = %scan3A_26 to %scan3A_28 step %scan3A_29  : i32 {
      %mul3A_33 = arith.constant 2 : i32
      %mul3A_34 = arith.muli %scan3A_32, %mul3A_33 : i32
      %dma_wait3A = arith.constant 0 : i32
      %dma_wait3A_35 = tpu.memref_slice %arg3[%dma_wait3A] : memref<6422528xi32, #tpu.memory_space<hbm>> -> memref<128xi32, #tpu.memory_space<hbm>>
      %dma_wait3A_36 = arith.constant 0 : i32
      %dma_wait3A_37 = tpu.memref_slice %arg3[%dma_wait3A_36] : memref<6422528xi32, #tpu.memory_space<hbm>> -> memref<128xi32, #tpu.memory_space<hbm>>
      tpu.wait_dma2 semaphore(%arg23 : memref<!tpu.dma_semaphore, #tpu.memory_space<semaphore_mem>>) src(%dma_wait3A_37 : memref<128xi32, #tpu.memory_space<hbm>>) dst(%arg11 : memref<128xi32, #tpu.memory_space<vmem>>)
      %dma_wait3A_38 = arith.constant 0 : i32
      %dma_wait3A_39 = tpu.memref_slice %arg3[%dma_wait3A_38] : memref<6422528xi32, #tpu.memory_space<hbm>> -> memref<128xi32, #tpu.memory_space<hbm>>
      %dma_wait3A_40 = arith.constant 0 : i32
      %dma_wait3A_41 = tpu.memref_slice %arg3[%dma_wait3A_40] : memref<6422528xi32, #tpu.memory_space<hbm>> -> memref<128xi32, #tpu.memory_space<hbm>>
      tpu.wait_dma2 semaphore(%arg23 : memref<!tpu.dma_semaphore, #tpu.memory_space<semaphore_mem>>) src(%dma_wait3A_41 : memref<128xi32, #tpu.memory_space<hbm>>) dst(%arg12 : memref<128xi32, #tpu.memory_space<vmem>>)
      %dma_wait3A_42 = arith.constant 0 : i32
      %dma_wait3A_43 = tpu.memref_slice %arg3[%dma_wait3A_42] : memref<6422528xi32, #tpu.memory_space<hbm>> -> memref<128xi32, #tpu.memory_space<hbm>>
      %dma_wait3A_44 = arith.constant 0 : i32
      %dma_wait3A_45 = tpu.memref_slice %arg3[%dma_wait3A_44] : memref<6422528xi32, #tpu.memory_space<hbm>> -> memref<128xi32, #tpu.memory_space<hbm>>
      tpu.wait_dma2 semaphore(%arg23 : memref<!tpu.dma_semaphore, #tpu.memory_space<semaphore_mem>>) src(%dma_wait3A_45 : memref<128xi32, #tpu.memory_space<hbm>>) dst(%arg13 : memref<128xi32, #tpu.memory_space<vmem>>)
      %dma_wait3A_46 = arith.constant 0 : i32
      %dma_wait3A_47 = tpu.memref_slice %arg3[%dma_wait3A_46] : memref<6422528xi32, #tpu.memory_space<hbm>> -> memref<128xi32, #tpu.memory_space<hbm>>
      %dma_wait3A_48 = arith.constant 0 : i32
      %dma_wait3A_49 = tpu.memref_slice %arg3[%dma_wait3A_48] : memref<6422528xi32, #tpu.memory_space<hbm>> -> memref<128xi32, #tpu.memory_space<hbm>>
      tpu.wait_dma2 semaphore(%arg23 : memref<!tpu.dma_semaphore, #tpu.memory_space<semaphore_mem>>) src(%dma_wait3A_49 : memref<128xi32, #tpu.memory_space<hbm>>) dst(%arg14 : memref<128xi32, #tpu.memory_space<vmem>>)
      %dma_wait3A_50 = arith.constant 0 : i32
      %dma_wait3A_51 = tpu.memref_slice %arg2[%dma_wait3A_50] : memref<6422528xi32, #tpu.memory_space<hbm>> -> memref<512xi32, #tpu.memory_space<hbm>>
      %dma_wait3A_52 = arith.constant 0 : i32
      %dma_wait3A_53 = tpu.memref_slice %arg2[%dma_wait3A_52] : memref<6422528xi32, #tpu.memory_space<hbm>> -> memref<512xi32, #tpu.memory_space<hbm>>
      tpu.wait_dma2 semaphore(%arg23 : memref<!tpu.dma_semaphore, #tpu.memory_space<semaphore_mem>>) src(%dma_wait3A_53 : memref<512xi32, #tpu.memory_space<hbm>>) dst(%arg9 : memref<512xi32, #tpu.memory_space<vmem>>)
      %add3A_54 = arith.constant 1 : i32
      %add3A_55 = arith.addi %mul3A_34, %add3A_54 : i32
      %mul3A_56 = arith.constant 512 : i32
      %mul3A_57 = arith.muli %add3A_55, %mul3A_56 : i32
      %add3A_58 = arith.addi %mul3A_6, %mul3A_57 : i32
      %add3A_59 = arith.constant 0 : i32
      %add3A_60 = arith.addi %add3A_58, %add3A_59 : i32
      %dma_start3A_61 = tpu.memref_slice %arg3[%add3A_60] : memref<6422528xi32, #tpu.memory_space<hbm>> -> memref<128xi32, #tpu.memory_space<hbm>>
      %dma_start3A_62 = tpu.memref_slice %arg3[%add3A_60] : memref<6422528xi32, #tpu.memory_space<hbm>> -> memref<128xi32, #tpu.memory_space<hbm>>
      tpu.enqueue_dma source(%dma_start3A_62 : memref<128xi32, #tpu.memory_space<hbm>>) target(%arg15 : memref<128xi32, #tpu.memory_space<vmem>>) target_semaphore(%arg23 : memref<!tpu.dma_semaphore, #tpu.memory_space<semaphore_mem>>)
      %add3A_63 = arith.constant 128 : i32
      %add3A_64 = arith.addi %add3A_58, %add3A_63 : i32
      %dma_start3A_65 = tpu.memref_slice %arg3[%add3A_64] : memref<6422528xi32, #tpu.memory_space<hbm>> -> memref<128xi32, #tpu.memory_space<hbm>>
      %dma_start3A_66 = tpu.memref_slice %arg3[%add3A_64] : memref<6422528xi32, #tpu.memory_space<hbm>> -> memref<128xi32, #tpu.memory_space<hbm>>
      tpu.enqueue_dma source(%dma_start3A_66 : memref<128xi32, #tpu.memory_space<hbm>>) target(%arg16 : memref<128xi32, #tpu.memory_space<vmem>>) target_semaphore(%arg23 : memref<!tpu.dma_semaphore, #tpu.memory_space<semaphore_mem>>)
      %add3A_67 = arith.constant 256 : i32
      %add3A_68 = arith.addi %add3A_58, %add3A_67 : i32
      %dma_start3A_69 = tpu.memref_slice %arg3[%add3A_68] : memref<6422528xi32, #tpu.memory_space<hbm>> -> memref<128xi32, #tpu.memory_space<hbm>>
      %dma_start3A_70 = tpu.memref_slice %arg3[%add3A_68] : memref<6422528xi32, #tpu.memory_space<hbm>> -> memref<128xi32, #tpu.memory_space<hbm>>
      tpu.enqueue_dma source(%dma_start3A_70 : memref<128xi32, #tpu.memory_space<hbm>>) target(%arg17 : memref<128xi32, #tpu.memory_space<vmem>>) target_semaphore(%arg23 : memref<!tpu.dma_semaphore, #tpu.memory_space<semaphore_mem>>)
      %add3A_71 = arith.constant 384 : i32
      %add3A_72 = arith.addi %add3A_58, %add3A_71 : i32
      %dma_start3A_73 = tpu.memref_slice %arg3[%add3A_72] : memref<6422528xi32, #tpu.memory_space<hbm>> -> memref<128xi32, #tpu.memory_space<hbm>>
      %dma_start3A_74 = tpu.memref_slice %arg3[%add3A_72] : memref<6422528xi32, #tpu.memory_space<hbm>> -> memref<128xi32, #tpu.memory_space<hbm>>
      tpu.enqueue_dma source(%dma_start3A_74 : memref<128xi32, #tpu.memory_space<hbm>>) target(%arg18 : memref<128xi32, #tpu.memory_space<vmem>>) target_semaphore(%arg23 : memref<!tpu.dma_semaphore, #tpu.memory_space<semaphore_mem>>)
      %dma_start3A_75 = tpu.memref_slice %arg2[%add3A_58] : memref<6422528xi32, #tpu.memory_space<hbm>> -> memref<512xi32, #tpu.memory_space<hbm>>
      %dma_start3A_76 = tpu.memref_slice %arg2[%add3A_58] : memref<6422528xi32, #tpu.memory_space<hbm>> -> memref<512xi32, #tpu.memory_space<hbm>>
      tpu.enqueue_dma source(%dma_start3A_76 : memref<512xi32, #tpu.memory_space<hbm>>) target(%arg10 : memref<512xi32, #tpu.memory_space<vmem>>) target_semaphore(%arg23 : memref<!tpu.dma_semaphore, #tpu.memory_space<semaphore_mem>>)
      %dma_start3A_77 = arith.constant 0 : i32
      %dma_start3A_78 = tpu.memref_slice %arg9[%dma_start3A_77] : memref<512xi32, #tpu.memory_space<vmem>> -> memref<128xi32, #tpu.memory_space<vmem>>
      %dma_start3A_79 = arith.constant 0 : i32
      %dma_start3A_80 = tpu.memref_slice %arg7[%dma_start3A_79] : memref<100352xf32, #tpu.memory_space<vmem_shared>> -> memref<100352xf32, #tpu.memory_space<vmem_shared>>
      tpu.enqueue_indirect_dma source(%dma_start3A_80 : memref<100352xf32, #tpu.memory_space<vmem_shared>>) target(%arg19 : memref<128xf32, #tpu.memory_space<vmem>>) offsets(%dma_start3A_78 : memref<128xi32, #tpu.memory_space<vmem>>) semaphore(%arg24 : memref<!tpu.dma_semaphore, #tpu.memory_space<semaphore_mem>>)
      %dma_start3A_81 = arith.constant 128 : i32
      %dma_start3A_82 = tpu.memref_slice %arg9[%dma_start3A_81] : memref<512xi32, #tpu.memory_space<vmem>> -> memref<128xi32, #tpu.memory_space<vmem>>
      %dma_start3A_83 = arith.constant 0 : i32
      %dma_start3A_84 = tpu.memref_slice %arg7[%dma_start3A_83] : memref<100352xf32, #tpu.memory_space<vmem_shared>> -> memref<100352xf32, #tpu.memory_space<vmem_shared>>
      tpu.enqueue_indirect_dma source(%dma_start3A_84 : memref<100352xf32, #tpu.memory_space<vmem_shared>>) target(%arg20 : memref<128xf32, #tpu.memory_space<vmem>>) offsets(%dma_start3A_82 : memref<128xi32, #tpu.memory_space<vmem>>) semaphore(%arg24 : memref<!tpu.dma_semaphore, #tpu.memory_space<semaphore_mem>>)
      %dma_start3A_85 = arith.constant 256 : i32
      %dma_start3A_86 = tpu.memref_slice %arg9[%dma_start3A_85] : memref<512xi32, #tpu.memory_space<vmem>> -> memref<128xi32, #tpu.memory_space<vmem>>
      %dma_start3A_87 = arith.constant 0 : i32
      %dma_start3A_88 = tpu.memref_slice %arg7[%dma_start3A_87] : memref<100352xf32, #tpu.memory_space<vmem_shared>> -> memref<100352xf32, #tpu.memory_space<vmem_shared>>
      tpu.enqueue_indirect_dma source(%dma_start3A_88 : memref<100352xf32, #tpu.memory_space<vmem_shared>>) target(%arg21 : memref<128xf32, #tpu.memory_space<vmem>>) offsets(%dma_start3A_86 : memref<128xi32, #tpu.memory_space<vmem>>) semaphore(%arg24 : memref<!tpu.dma_semaphore, #tpu.memory_space<semaphore_mem>>)
      %dma_start3A_89 = arith.constant 384 : i32
      %dma_start3A_90 = tpu.memref_slice %arg9[%dma_start3A_89] : memref<512xi32, #tpu.memory_space<vmem>> -> memref<128xi32, #tpu.memory_space<vmem>>
      %dma_start3A_91 = arith.constant 0 : i32
      %dma_start3A_92 = tpu.memref_slice %arg7[%dma_start3A_91] : memref<100352xf32, #tpu.memory_space<vmem_shared>> -> memref<100352xf32, #tpu.memory_space<vmem_shared>>
      tpu.enqueue_indirect_dma source(%dma_start3A_92 : memref<100352xf32, #tpu.memory_space<vmem_shared>>) target(%arg22 : memref<128xf32, #tpu.memory_space<vmem>>) offsets(%dma_start3A_90 : memref<128xi32, #tpu.memory_space<vmem>>) semaphore(%arg24 : memref<!tpu.dma_semaphore, #tpu.memory_space<semaphore_mem>>)
      %dma_wait3A_93 = arith.constant 0 : i32
      %dma_wait3A_94 = tpu.memref_slice %arg9[%dma_wait3A_93] : memref<512xi32, #tpu.memory_space<vmem>> -> memref<128xi32, #tpu.memory_space<vmem>>
      %dma_wait3A_95 = arith.constant 0 : i32
      %dma_wait3A_96 = tpu.memref_slice %arg7[%dma_wait3A_95] : memref<100352xf32, #tpu.memory_space<vmem_shared>> -> memref<100352xf32, #tpu.memory_space<vmem_shared>>
      tpu.wait_indirect_dma semaphore(%arg24 : memref<!tpu.dma_semaphore, #tpu.memory_space<semaphore_mem>>) src(%dma_wait3A_96 : memref<100352xf32, #tpu.memory_space<vmem_shared>>) dst(%arg19 : memref<128xf32, #tpu.memory_space<vmem>>)
      %dma_start3A_97 = arith.constant 0 : i32
      %dma_start3A_98 = tpu.memref_slice %arg8[%dma_start3A_97] : memref<100352xf32, #tpu.memory_space<vmem_shared>> -> memref<100352xf32, #tpu.memory_space<vmem_shared>>
      tpu.enqueue_indirect_dma source(%arg19 : memref<128xf32, #tpu.memory_space<vmem>>) target(%dma_start3A_98 : memref<100352xf32, #tpu.memory_space<vmem_shared>>) offsets(%arg11 : memref<128xi32, #tpu.memory_space<vmem>>) semaphore(%arg25 : memref<!tpu.dma_semaphore, #tpu.memory_space<semaphore_mem>>) {add = true}
      %dma_wait3A_99 = arith.constant 128 : i32
      %dma_wait3A_100 = tpu.memref_slice %arg9[%dma_wait3A_99] : memref<512xi32, #tpu.memory_space<vmem>> -> memref<128xi32, #tpu.memory_space<vmem>>
      %dma_wait3A_101 = arith.constant 0 : i32
      %dma_wait3A_102 = tpu.memref_slice %arg7[%dma_wait3A_101] : memref<100352xf32, #tpu.memory_space<vmem_shared>> -> memref<100352xf32, #tpu.memory_space<vmem_shared>>
      tpu.wait_indirect_dma semaphore(%arg24 : memref<!tpu.dma_semaphore, #tpu.memory_space<semaphore_mem>>) src(%dma_wait3A_102 : memref<100352xf32, #tpu.memory_space<vmem_shared>>) dst(%arg20 : memref<128xf32, #tpu.memory_space<vmem>>)
      %dma_start3A_103 = arith.constant 0 : i32
      %dma_start3A_104 = tpu.memref_slice %arg8[%dma_start3A_103] : memref<100352xf32, #tpu.memory_space<vmem_shared>> -> memref<100352xf32, #tpu.memory_space<vmem_shared>>
      tpu.enqueue_indirect_dma source(%arg20 : memref<128xf32, #tpu.memory_space<vmem>>) target(%dma_start3A_104 : memref<100352xf32, #tpu.memory_space<vmem_shared>>) offsets(%arg12 : memref<128xi32, #tpu.memory_space<vmem>>) semaphore(%arg25 : memref<!tpu.dma_semaphore, #tpu.memory_space<semaphore_mem>>) {add = true}
      %dma_wait3A_105 = arith.constant 256 : i32
      %dma_wait3A_106 = tpu.memref_slice %arg9[%dma_wait3A_105] : memref<512xi32, #tpu.memory_space<vmem>> -> memref<128xi32, #tpu.memory_space<vmem>>
      %dma_wait3A_107 = arith.constant 0 : i32
      %dma_wait3A_108 = tpu.memref_slice %arg7[%dma_wait3A_107] : memref<100352xf32, #tpu.memory_space<vmem_shared>> -> memref<100352xf32, #tpu.memory_space<vmem_shared>>
      tpu.wait_indirect_dma semaphore(%arg24 : memref<!tpu.dma_semaphore, #tpu.memory_space<semaphore_mem>>) src(%dma_wait3A_108 : memref<100352xf32, #tpu.memory_space<vmem_shared>>) dst(%arg21 : memref<128xf32, #tpu.memory_space<vmem>>)
      %dma_start3A_109 = arith.constant 0 : i32
      %dma_start3A_110 = tpu.memref_slice %arg8[%dma_start3A_109] : memref<100352xf32, #tpu.memory_space<vmem_shared>> -> memref<100352xf32, #tpu.memory_space<vmem_shared>>
      tpu.enqueue_indirect_dma source(%arg21 : memref<128xf32, #tpu.memory_space<vmem>>) target(%dma_start3A_110 : memref<100352xf32, #tpu.memory_space<vmem_shared>>) offsets(%arg13 : memref<128xi32, #tpu.memory_space<vmem>>) semaphore(%arg25 : memref<!tpu.dma_semaphore, #tpu.memory_space<semaphore_mem>>) {add = true}
      %dma_wait3A_111 = arith.constant 384 : i32
      %dma_wait3A_112 = tpu.memref_slice %arg9[%dma_wait3A_111] : memref<512xi32, #tpu.memory_space<vmem>> -> memref<128xi32, #tpu.memory_space<vmem>>
      %dma_wait3A_113 = arith.constant 0 : i32
      %dma_wait3A_114 = tpu.memref_slice %arg7[%dma_wait3A_113] : memref<100352xf32, #tpu.memory_space<vmem_shared>> -> memref<100352xf32, #tpu.memory_space<vmem_shared>>
      tpu.wait_indirect_dma semaphore(%arg24 : memref<!tpu.dma_semaphore, #tpu.memory_space<semaphore_mem>>) src(%dma_wait3A_114 : memref<100352xf32, #tpu.memory_space<vmem_shared>>) dst(%arg22 : memref<128xf32, #tpu.memory_space<vmem>>)
      %dma_start3A_115 = arith.constant 0 : i32
      %dma_start3A_116 = tpu.memref_slice %arg8[%dma_start3A_115] : memref<100352xf32, #tpu.memory_space<vmem_shared>> -> memref<100352xf32, #tpu.memory_space<vmem_shared>>
      tpu.enqueue_indirect_dma source(%arg22 : memref<128xf32, #tpu.memory_space<vmem>>) target(%dma_start3A_116 : memref<100352xf32, #tpu.memory_space<vmem_shared>>) offsets(%arg14 : memref<128xi32, #tpu.memory_space<vmem>>) semaphore(%arg25 : memref<!tpu.dma_semaphore, #tpu.memory_space<semaphore_mem>>) {add = true}
      %dma_wait3A_117 = arith.constant 0 : i32
      %dma_wait3A_118 = tpu.memref_slice %arg3[%dma_wait3A_117] : memref<6422528xi32, #tpu.memory_space<hbm>> -> memref<128xi32, #tpu.memory_space<hbm>>
      %dma_wait3A_119 = arith.constant 0 : i32
      %dma_wait3A_120 = tpu.memref_slice %arg3[%dma_wait3A_119] : memref<6422528xi32, #tpu.memory_space<hbm>> -> memref<128xi32, #tpu.memory_space<hbm>>
      tpu.wait_dma2 semaphore(%arg23 : memref<!tpu.dma_semaphore, #tpu.memory_space<semaphore_mem>>) src(%dma_wait3A_120 : memref<128xi32, #tpu.memory_space<hbm>>) dst(%arg15 : memref<128xi32, #tpu.memory_space<vmem>>)
      %dma_wait3A_121 = arith.constant 0 : i32
      %dma_wait3A_122 = tpu.memref_slice %arg3[%dma_wait3A_121] : memref<6422528xi32, #tpu.memory_space<hbm>> -> memref<128xi32, #tpu.memory_space<hbm>>
      %dma_wait3A_123 = arith.constant 0 : i32
      %dma_wait3A_124 = tpu.memref_slice %arg3[%dma_wait3A_123] : memref<6422528xi32, #tpu.memory_space<hbm>> -> memref<128xi32, #tpu.memory_space<hbm>>
      tpu.wait_dma2 semaphore(%arg23 : memref<!tpu.dma_semaphore, #tpu.memory_space<semaphore_mem>>) src(%dma_wait3A_124 : memref<128xi32, #tpu.memory_space<hbm>>) dst(%arg16 : memref<128xi32, #tpu.memory_space<vmem>>)
      %dma_wait3A_125 = arith.constant 0 : i32
      %dma_wait3A_126 = tpu.memref_slice %arg3[%dma_wait3A_125] : memref<6422528xi32, #tpu.memory_space<hbm>> -> memref<128xi32, #tpu.memory_space<hbm>>
      %dma_wait3A_127 = arith.constant 0 : i32
      %dma_wait3A_128 = tpu.memref_slice %arg3[%dma_wait3A_127] : memref<6422528xi32, #tpu.memory_space<hbm>> -> memref<128xi32, #tpu.memory_space<hbm>>
      tpu.wait_dma2 semaphore(%arg23 : memref<!tpu.dma_semaphore, #tpu.memory_space<semaphore_mem>>) src(%dma_wait3A_128 : memref<128xi32, #tpu.memory_space<hbm>>) dst(%arg17 : memref<128xi32, #tpu.memory_space<vmem>>)
      %dma_wait3A_129 = arith.constant 0 : i32
      %dma_wait3A_130 = tpu.memref_slice %arg3[%dma_wait3A_129] : memref<6422528xi32, #tpu.memory_space<hbm>> -> memref<128xi32, #tpu.memory_space<hbm>>
      %dma_wait3A_131 = arith.constant 0 : i32
      %dma_wait3A_132 = tpu.memref_slice %arg3[%dma_wait3A_131] : memref<6422528xi32, #tpu.memory_space<hbm>> -> memref<128xi32, #tpu.memory_space<hbm>>
      tpu.wait_dma2 semaphore(%arg23 : memref<!tpu.dma_semaphore, #tpu.memory_space<semaphore_mem>>) src(%dma_wait3A_132 : memref<128xi32, #tpu.memory_space<hbm>>) dst(%arg18 : memref<128xi32, #tpu.memory_space<vmem>>)
      %dma_wait3A_133 = arith.constant 0 : i32
      %dma_wait3A_134 = tpu.memref_slice %arg2[%dma_wait3A_133] : memref<6422528xi32, #tpu.memory_space<hbm>> -> memref<512xi32, #tpu.memory_space<hbm>>
      %dma_wait3A_135 = arith.constant 0 : i32
      %dma_wait3A_136 = tpu.memref_slice %arg2[%dma_wait3A_135] : memref<6422528xi32, #tpu.memory_space<hbm>> -> memref<512xi32, #tpu.memory_space<hbm>>
      tpu.wait_dma2 semaphore(%arg23 : memref<!tpu.dma_semaphore, #tpu.memory_space<semaphore_mem>>) src(%dma_wait3A_136 : memref<512xi32, #tpu.memory_space<hbm>>) dst(%arg10 : memref<512xi32, #tpu.memory_space<vmem>>)
      %dma_wait3A_137 = arith.constant 0 : i32
      %dma_wait3A_138 = tpu.memref_slice %arg8[%dma_wait3A_137] : memref<100352xf32, #tpu.memory_space<vmem_shared>> -> memref<100352xf32, #tpu.memory_space<vmem_shared>>
      tpu.wait_indirect_dma semaphore(%arg25 : memref<!tpu.dma_semaphore, #tpu.memory_space<semaphore_mem>>) src(%arg19 : memref<128xf32, #tpu.memory_space<vmem>>) dst(%dma_wait3A_138 : memref<100352xf32, #tpu.memory_space<vmem_shared>>)
      %dma_wait3A_139 = arith.constant 0 : i32
      %dma_wait3A_140 = tpu.memref_slice %arg8[%dma_wait3A_139] : memref<100352xf32, #tpu.memory_space<vmem_shared>> -> memref<100352xf32, #tpu.memory_space<vmem_shared>>
      tpu.wait_indirect_dma semaphore(%arg25 : memref<!tpu.dma_semaphore, #tpu.memory_space<semaphore_mem>>) src(%arg20 : memref<128xf32, #tpu.memory_space<vmem>>) dst(%dma_wait3A_140 : memref<100352xf32, #tpu.memory_space<vmem_shared>>)
      %dma_wait3A_141 = arith.constant 0 : i32
      %dma_wait3A_142 = tpu.memref_slice %arg8[%dma_wait3A_141] : memref<100352xf32, #tpu.memory_space<vmem_shared>> -> memref<100352xf32, #tpu.memory_space<vmem_shared>>
      tpu.wait_indirect_dma semaphore(%arg25 : memref<!tpu.dma_semaphore, #tpu.memory_space<semaphore_mem>>) src(%arg21 : memref<128xf32, #tpu.memory_space<vmem>>) dst(%dma_wait3A_142 : memref<100352xf32, #tpu.memory_space<vmem_shared>>)
      %dma_wait3A_143 = arith.constant 0 : i32
      %dma_wait3A_144 = tpu.memref_slice %arg8[%dma_wait3A_143] : memref<100352xf32, #tpu.memory_space<vmem_shared>> -> memref<100352xf32, #tpu.memory_space<vmem_shared>>
      tpu.wait_indirect_dma semaphore(%arg25 : memref<!tpu.dma_semaphore, #tpu.memory_space<semaphore_mem>>) src(%arg22 : memref<128xf32, #tpu.memory_space<vmem>>) dst(%dma_wait3A_144 : memref<100352xf32, #tpu.memory_space<vmem_shared>>)
      %dma_start3A_145 = arith.constant 0 : i32
      %dma_start3A_146 = tpu.memref_slice %arg10[%dma_start3A_145] : memref<512xi32, #tpu.memory_space<vmem>> -> memref<128xi32, #tpu.memory_space<vmem>>
      %dma_start3A_147 = arith.constant 0 : i32
      %dma_start3A_148 = tpu.memref_slice %arg7[%dma_start3A_147] : memref<100352xf32, #tpu.memory_space<vmem_shared>> -> memref<100352xf32, #tpu.memory_space<vmem_shared>>
      tpu.enqueue_indirect_dma source(%dma_start3A_148 : memref<100352xf32, #tpu.memory_space<vmem_shared>>) target(%arg19 : memref<128xf32, #tpu.memory_space<vmem>>) offsets(%dma_start3A_146 : memref<128xi32, #tpu.memory_space<vmem>>) semaphore(%arg24 : memref<!tpu.dma_semaphore, #tpu.memory_space<semaphore_mem>>)
      %dma_start3A_149 = arith.constant 128 : i32
      %dma_start3A_150 = tpu.memref_slice %arg10[%dma_start3A_149] : memref<512xi32, #tpu.memory_space<vmem>> -> memref<128xi32, #tpu.memory_space<vmem>>
      %dma_start3A_151 = arith.constant 0 : i32
      %dma_start3A_152 = tpu.memref_slice %arg7[%dma_start3A_151] : memref<100352xf32, #tpu.memory_space<vmem_shared>> -> memref<100352xf32, #tpu.memory_space<vmem_shared>>
      tpu.enqueue_indirect_dma source(%dma_start3A_152 : memref<100352xf32, #tpu.memory_space<vmem_shared>>) target(%arg20 : memref<128xf32, #tpu.memory_space<vmem>>) offsets(%dma_start3A_150 : memref<128xi32, #tpu.memory_space<vmem>>) semaphore(%arg24 : memref<!tpu.dma_semaphore, #tpu.memory_space<semaphore_mem>>)
      %dma_start3A_153 = arith.constant 256 : i32
      %dma_start3A_154 = tpu.memref_slice %arg10[%dma_start3A_153] : memref<512xi32, #tpu.memory_space<vmem>> -> memref<128xi32, #tpu.memory_space<vmem>>
      %dma_start3A_155 = arith.constant 0 : i32
      %dma_start3A_156 = tpu.memref_slice %arg7[%dma_start3A_155] : memref<100352xf32, #tpu.memory_space<vmem_shared>> -> memref<100352xf32, #tpu.memory_space<vmem_shared>>
      tpu.enqueue_indirect_dma source(%dma_start3A_156 : memref<100352xf32, #tpu.memory_space<vmem_shared>>) target(%arg21 : memref<128xf32, #tpu.memory_space<vmem>>) offsets(%dma_start3A_154 : memref<128xi32, #tpu.memory_space<vmem>>) semaphore(%arg24 : memref<!tpu.dma_semaphore, #tpu.memory_space<semaphore_mem>>)
      %dma_start3A_157 = arith.constant 384 : i32
      %dma_start3A_158 = tpu.memref_slice %arg10[%dma_start3A_157] : memref<512xi32, #tpu.memory_space<vmem>> -> memref<128xi32, #tpu.memory_space<vmem>>
      %dma_start3A_159 = arith.constant 0 : i32
      %dma_start3A_160 = tpu.memref_slice %arg7[%dma_start3A_159] : memref<100352xf32, #tpu.memory_space<vmem_shared>> -> memref<100352xf32, #tpu.memory_space<vmem_shared>>
      tpu.enqueue_indirect_dma source(%dma_start3A_160 : memref<100352xf32, #tpu.memory_space<vmem_shared>>) target(%arg22 : memref<128xf32, #tpu.memory_space<vmem>>) offsets(%dma_start3A_158 : memref<128xi32, #tpu.memory_space<vmem>>) semaphore(%arg24 : memref<!tpu.dma_semaphore, #tpu.memory_space<semaphore_mem>>)
      %dma_wait3A_161 = arith.constant 0 : i32
      %dma_wait3A_162 = tpu.memref_slice %arg10[%dma_wait3A_161] : memref<512xi32, #tpu.memory_space<vmem>> -> memref<128xi32, #tpu.memory_space<vmem>>
      %dma_wait3A_163 = arith.constant 0 : i32
      %dma_wait3A_164 = tpu.memref_slice %arg7[%dma_wait3A_163] : memref<100352xf32, #tpu.memory_space<vmem_shared>> -> memref<100352xf32, #tpu.memory_space<vmem_shared>>
      tpu.wait_indirect_dma semaphore(%arg24 : memref<!tpu.dma_semaphore, #tpu.memory_space<semaphore_mem>>) src(%dma_wait3A_164 : memref<100352xf32, #tpu.memory_space<vmem_shared>>) dst(%arg19 : memref<128xf32, #tpu.memory_space<vmem>>)
      %dma_start3A_165 = arith.constant 0 : i32
      %dma_start3A_166 = tpu.memref_slice %arg8[%dma_start3A_165] : memref<100352xf32, #tpu.memory_space<vmem_shared>> -> memref<100352xf32, #tpu.memory_space<vmem_shared>>
      tpu.enqueue_indirect_dma source(%arg19 : memref<128xf32, #tpu.memory_space<vmem>>) target(%dma_start3A_166 : memref<100352xf32, #tpu.memory_space<vmem_shared>>) offsets(%arg15 : memref<128xi32, #tpu.memory_space<vmem>>) semaphore(%arg25 : memref<!tpu.dma_semaphore, #tpu.memory_space<semaphore_mem>>) {add = true}
      %dma_wait3A_167 = arith.constant 128 : i32
      %dma_wait3A_168 = tpu.memref_slice %arg10[%dma_wait3A_167] : memref<512xi32, #tpu.memory_space<vmem>> -> memref<128xi32, #tpu.memory_space<vmem>>
      %dma_wait3A_169 = arith.constant 0 : i32
      %dma_wait3A_170 = tpu.memref_slice %arg7[%dma_wait3A_169] : memref<100352xf32, #tpu.memory_space<vmem_shared>> -> memref<100352xf32, #tpu.memory_space<vmem_shared>>
      tpu.wait_indirect_dma semaphore(%arg24 : memref<!tpu.dma_semaphore, #tpu.memory_space<semaphore_mem>>) src(%dma_wait3A_170 : memref<100352xf32, #tpu.memory_space<vmem_shared>>) dst(%arg20 : memref<128xf32, #tpu.memory_space<vmem>>)
      %dma_start3A_171 = arith.constant 0 : i32
      %dma_start3A_172 = tpu.memref_slice %arg8[%dma_start3A_171] : memref<100352xf32, #tpu.memory_space<vmem_shared>> -> memref<100352xf32, #tpu.memory_space<vmem_shared>>
      tpu.enqueue_indirect_dma source(%arg20 : memref<128xf32, #tpu.memory_space<vmem>>) target(%dma_start3A_172 : memref<100352xf32, #tpu.memory_space<vmem_shared>>) offsets(%arg16 : memref<128xi32, #tpu.memory_space<vmem>>) semaphore(%arg25 : memref<!tpu.dma_semaphore, #tpu.memory_space<semaphore_mem>>) {add = true}
      %dma_wait3A_173 = arith.constant 256 : i32
      %dma_wait3A_174 = tpu.memref_slice %arg10[%dma_wait3A_173] : memref<512xi32, #tpu.memory_space<vmem>> -> memref<128xi32, #tpu.memory_space<vmem>>
      %dma_wait3A_175 = arith.constant 0 : i32
      %dma_wait3A_176 = tpu.memref_slice %arg7[%dma_wait3A_175] : memref<100352xf32, #tpu.memory_space<vmem_shared>> -> memref<100352xf32, #tpu.memory_space<vmem_shared>>
      tpu.wait_indirect_dma semaphore(%arg24 : memref<!tpu.dma_semaphore, #tpu.memory_space<semaphore_mem>>) src(%dma_wait3A_176 : memref<100352xf32, #tpu.memory_space<vmem_shared>>) dst(%arg21 : memref<128xf32, #tpu.memory_space<vmem>>)
      %dma_start3A_177 = arith.constant 0 : i32
      %dma_start3A_178 = tpu.memref_slice %arg8[%dma_start3A_177] : memref<100352xf32, #tpu.memory_space<vmem_shared>> -> memref<100352xf32, #tpu.memory_space<vmem_shared>>
      tpu.enqueue_indirect_dma source(%arg21 : memref<128xf32, #tpu.memory_space<vmem>>) target(%dma_start3A_178 : memref<100352xf32, #tpu.memory_space<vmem_shared>>) offsets(%arg17 : memref<128xi32, #tpu.memory_space<vmem>>) semaphore(%arg25 : memref<!tpu.dma_semaphore, #tpu.memory_space<semaphore_mem>>) {add = true}
      %dma_wait3A_179 = arith.constant 384 : i32
      %dma_wait3A_180 = tpu.memref_slice %arg10[%dma_wait3A_179] : memref<512xi32, #tpu.memory_space<vmem>> -> memref<128xi32, #tpu.memory_space<vmem>>
      %dma_wait3A_181 = arith.constant 0 : i32
      %dma_wait3A_182 = tpu.memref_slice %arg7[%dma_wait3A_181] : memref<100352xf32, #tpu.memory_space<vmem_shared>> -> memref<100352xf32, #tpu.memory_space<vmem_shared>>
      tpu.wait_indirect_dma semaphore(%arg24 : memref<!tpu.dma_semaphore, #tpu.memory_space<semaphore_mem>>) src(%dma_wait3A_182 : memref<100352xf32, #tpu.memory_space<vmem_shared>>) dst(%arg22 : memref<128xf32, #tpu.memory_space<vmem>>)
      %dma_start3A_183 = arith.constant 0 : i32
      %dma_start3A_184 = tpu.memref_slice %arg8[%dma_start3A_183] : memref<100352xf32, #tpu.memory_space<vmem_shared>> -> memref<100352xf32, #tpu.memory_space<vmem_shared>>
      tpu.enqueue_indirect_dma source(%arg22 : memref<128xf32, #tpu.memory_space<vmem>>) target(%dma_start3A_184 : memref<100352xf32, #tpu.memory_space<vmem_shared>>) offsets(%arg18 : memref<128xi32, #tpu.memory_space<vmem>>) semaphore(%arg25 : memref<!tpu.dma_semaphore, #tpu.memory_space<semaphore_mem>>) {add = true}
      %add3A_185 = arith.constant 2 : i32
      %add3A_186 = arith.addi %mul3A_34, %add3A_185 : i32
      %lt3A = arith.constant 392 : i32
      %lt3A_187 = arith.cmpi slt, %add3A_186, %lt3A : i32
      %convert_element_type3A = arith.extui %lt3A_187 : i1 to i32
      %cond3A = arith.constant 0 : i32
      %cond3A_188 = arith.cmpi ne, %convert_element_type3A, %cond3A : i32
      scf.if %cond3A_188 {
        %add3A_197 = arith.constant 2 : i32
        %add3A_198 = arith.addi %mul3A_34, %add3A_197 : i32
        %mul3A_199 = arith.constant 512 : i32
        %mul3A_200 = arith.muli %add3A_198, %mul3A_199 : i32
        %add3A_201 = arith.addi %mul3A_6, %mul3A_200 : i32
        %add3A_202 = arith.constant 0 : i32
        %add3A_203 = arith.addi %add3A_201, %add3A_202 : i32
        %dma_start3A_204 = tpu.memref_slice %arg3[%add3A_203] : memref<6422528xi32, #tpu.memory_space<hbm>> -> memref<128xi32, #tpu.memory_space<hbm>>
        %dma_start3A_205 = tpu.memref_slice %arg3[%add3A_203] : memref<6422528xi32, #tpu.memory_space<hbm>> -> memref<128xi32, #tpu.memory_space<hbm>>
        tpu.enqueue_dma source(%dma_start3A_205 : memref<128xi32, #tpu.memory_space<hbm>>) target(%arg11 : memref<128xi32, #tpu.memory_space<vmem>>) target_semaphore(%arg23 : memref<!tpu.dma_semaphore, #tpu.memory_space<semaphore_mem>>)
        %add3A_206 = arith.constant 128 : i32
        %add3A_207 = arith.addi %add3A_201, %add3A_206 : i32
        %dma_start3A_208 = tpu.memref_slice %arg3[%add3A_207] : memref<6422528xi32, #tpu.memory_space<hbm>> -> memref<128xi32, #tpu.memory_space<hbm>>
        %dma_start3A_209 = tpu.memref_slice %arg3[%add3A_207] : memref<6422528xi32, #tpu.memory_space<hbm>> -> memref<128xi32, #tpu.memory_space<hbm>>
        tpu.enqueue_dma source(%dma_start3A_209 : memref<128xi32, #tpu.memory_space<hbm>>) target(%arg12 : memref<128xi32, #tpu.memory_space<vmem>>) target_semaphore(%arg23 : memref<!tpu.dma_semaphore, #tpu.memory_space<semaphore_mem>>)
        %add3A_210 = arith.constant 256 : i32
        %add3A_211 = arith.addi %add3A_201, %add3A_210 : i32
        %dma_start3A_212 = tpu.memref_slice %arg3[%add3A_211] : memref<6422528xi32, #tpu.memory_space<hbm>> -> memref<128xi32, #tpu.memory_space<hbm>>
        %dma_start3A_213 = tpu.memref_slice %arg3[%add3A_211] : memref<6422528xi32, #tpu.memory_space<hbm>> -> memref<128xi32, #tpu.memory_space<hbm>>
        tpu.enqueue_dma source(%dma_start3A_213 : memref<128xi32, #tpu.memory_space<hbm>>) target(%arg13 : memref<128xi32, #tpu.memory_space<vmem>>) target_semaphore(%arg23 : memref<!tpu.dma_semaphore, #tpu.memory_space<semaphore_mem>>)
        %add3A_214 = arith.constant 384 : i32
        %add3A_215 = arith.addi %add3A_201, %add3A_214 : i32
        %dma_start3A_216 = tpu.memref_slice %arg3[%add3A_215] : memref<6422528xi32, #tpu.memory_space<hbm>> -> memref<128xi32, #tpu.memory_space<hbm>>
        %dma_start3A_217 = tpu.memref_slice %arg3[%add3A_215] : memref<6422528xi32, #tpu.memory_space<hbm>> -> memref<128xi32, #tpu.memory_space<hbm>>
        tpu.enqueue_dma source(%dma_start3A_217 : memref<128xi32, #tpu.memory_space<hbm>>) target(%arg14 : memref<128xi32, #tpu.memory_space<vmem>>) target_semaphore(%arg23 : memref<!tpu.dma_semaphore, #tpu.memory_space<semaphore_mem>>)
        %dma_start3A_218 = tpu.memref_slice %arg2[%add3A_201] : memref<6422528xi32, #tpu.memory_space<hbm>> -> memref<512xi32, #tpu.memory_space<hbm>>
        %dma_start3A_219 = tpu.memref_slice %arg2[%add3A_201] : memref<6422528xi32, #tpu.memory_space<hbm>> -> memref<512xi32, #tpu.memory_space<hbm>>
        tpu.enqueue_dma source(%dma_start3A_219 : memref<512xi32, #tpu.memory_space<hbm>>) target(%arg9 : memref<512xi32, #tpu.memory_space<vmem>>) target_semaphore(%arg23 : memref<!tpu.dma_semaphore, #tpu.memory_space<semaphore_mem>>)
      } else {
      }
      %dma_wait3A_189 = arith.constant 0 : i32
      %dma_wait3A_190 = tpu.memref_slice %arg8[%dma_wait3A_189] : memref<100352xf32, #tpu.memory_space<vmem_shared>> -> memref<100352xf32, #tpu.memory_space<vmem_shared>>
      tpu.wait_indirect_dma semaphore(%arg25 : memref<!tpu.dma_semaphore, #tpu.memory_space<semaphore_mem>>) src(%arg19 : memref<128xf32, #tpu.memory_space<vmem>>) dst(%dma_wait3A_190 : memref<100352xf32, #tpu.memory_space<vmem_shared>>)
      %dma_wait3A_191 = arith.constant 0 : i32
      %dma_wait3A_192 = tpu.memref_slice %arg8[%dma_wait3A_191] : memref<100352xf32, #tpu.memory_space<vmem_shared>> -> memref<100352xf32, #tpu.memory_space<vmem_shared>>
      tpu.wait_indirect_dma semaphore(%arg25 : memref<!tpu.dma_semaphore, #tpu.memory_space<semaphore_mem>>) src(%arg20 : memref<128xf32, #tpu.memory_space<vmem>>) dst(%dma_wait3A_192 : memref<100352xf32, #tpu.memory_space<vmem_shared>>)
      %dma_wait3A_193 = arith.constant 0 : i32
      %dma_wait3A_194 = tpu.memref_slice %arg8[%dma_wait3A_193] : memref<100352xf32, #tpu.memory_space<vmem_shared>> -> memref<100352xf32, #tpu.memory_space<vmem_shared>>
      tpu.wait_indirect_dma semaphore(%arg25 : memref<!tpu.dma_semaphore, #tpu.memory_space<semaphore_mem>>) src(%arg21 : memref<128xf32, #tpu.memory_space<vmem>>) dst(%dma_wait3A_194 : memref<100352xf32, #tpu.memory_space<vmem_shared>>)
      %dma_wait3A_195 = arith.constant 0 : i32
      %dma_wait3A_196 = tpu.memref_slice %arg8[%dma_wait3A_195] : memref<100352xf32, #tpu.memory_space<vmem_shared>> -> memref<100352xf32, #tpu.memory_space<vmem_shared>>
      tpu.wait_indirect_dma semaphore(%arg25 : memref<!tpu.dma_semaphore, #tpu.memory_space<semaphore_mem>>) src(%arg22 : memref<128xf32, #tpu.memory_space<vmem>>) dst(%dma_wait3A_196 : memref<100352xf32, #tpu.memory_space<vmem_shared>>)
    }
    %scan3A_30 = arith.constant 196 : i32
    %barrier3A_31 = arith.constant 0 : index
    tpu.barrier barrier_id(%barrier3A_31)
    "tpu.region"() ({
      %run_scoped3A = tpu.sem_alloc : memref<!tpu.dma_semaphore, #tpu.memory_space<semaphore_mem>>
      %dma_start3A_32 = tpu.memref_slice %arg6[%arg0, %mul3A_0] : memref<2x100352xf32, #tpu.memory_space<hbm>> -> memref<1x6272xf32, #tpu.memory_space<hbm>>
      %dma_start3A_33 = tpu.memref_squeeze %dma_start3A_32 : memref<1x6272xf32, #tpu.memory_space<hbm>> -> memref<6272xf32, #tpu.memory_space<hbm>>
      %dma_start3A_34 = tpu.memref_slice %arg8[%mul3A_0] : memref<100352xf32, #tpu.memory_space<vmem_shared>> -> memref<6272xf32, #tpu.memory_space<vmem_shared>>
      tpu.enqueue_dma source(%dma_start3A_34 : memref<6272xf32, #tpu.memory_space<vmem_shared>>) target(%dma_start3A_33 : memref<6272xf32, #tpu.memory_space<hbm>>) target_semaphore(%run_scoped3A : memref<!tpu.dma_semaphore, #tpu.memory_space<semaphore_mem>>)
      %dma_wait3A = tpu.memref_slice %arg6[%arg0, %mul3A_0] : memref<2x100352xf32, #tpu.memory_space<hbm>> -> memref<1x6272xf32, #tpu.memory_space<hbm>>
      %dma_wait3A_35 = tpu.memref_squeeze %dma_wait3A : memref<1x6272xf32, #tpu.memory_space<hbm>> -> memref<6272xf32, #tpu.memory_space<hbm>>
      %dma_wait3A_36 = tpu.memref_slice %arg8[%mul3A_0] : memref<100352xf32, #tpu.memory_space<vmem_shared>> -> memref<6272xf32, #tpu.memory_space<vmem_shared>>
      tpu.wait_dma2 semaphore(%run_scoped3A : memref<!tpu.dma_semaphore, #tpu.memory_space<semaphore_mem>>) src(%dma_wait3A_36 : memref<6272xf32, #tpu.memory_space<vmem_shared>>) dst(%dma_wait3A_35 : memref<6272xf32, #tpu.memory_space<hbm>>)
      tpu.yield
    }) : () -> ()
    return
  }
}

#map = affine_map<(d0, d1) -> (0)>
#map1 = affine_map<(d0, d1) -> (0, 0)>
#map2 = affine_map<(d0, d1) -> (0, 0, 0)>
module attributes {stable_mosaic.version = 14 : i64} {
  func.func @prop_kernel(%arg0: i32, %arg1: i32, %arg2: memref<6422528xi32, #tpu.memory_space<hbm>>, %arg3: memref<6422528xi32, #tpu.memory_space<hbm>>, %arg4: memref<100352x8xf32, #tpu.memory_space<hbm>>, %arg5: memref<100352x8xf32, #tpu.memory_space<hbm>>, %arg6: memref<2x100352x8xf32, #tpu.memory_space<hbm>>, %arg7: memref<100352x8xf32, #tpu.memory_space<vmem_shared>>, %arg8: memref<100352x8xf32, #tpu.memory_space<vmem_shared>>, %arg9: memref<512xi32, #tpu.memory_space<vmem>>, %arg10: memref<512xi32, #tpu.memory_space<vmem>>, %arg11: memref<128xi32, #tpu.memory_space<vmem>>, %arg12: memref<128xi32, #tpu.memory_space<vmem>>, %arg13: memref<128xi32, #tpu.memory_space<vmem>>, %arg14: memref<128xi32, #tpu.memory_space<vmem>>, %arg15: memref<128xi32, #tpu.memory_space<vmem>>, %arg16: memref<128xi32, #tpu.memory_space<vmem>>, %arg17: memref<128xi32, #tpu.memory_space<vmem>>, %arg18: memref<128xi32, #tpu.memory_space<vmem>>, %arg19: memref<128x8xf32, #tpu.memory_space<vmem>>, %arg20: memref<128x8xf32, #tpu.memory_space<vmem>>, %arg21: memref<128x8xf32, #tpu.memory_space<vmem>>, %arg22: memref<128x8xf32, #tpu.memory_space<vmem>>, %arg23: memref<!tpu.dma_semaphore, #tpu.memory_space<semaphore_mem>>, %arg24: memref<!tpu.dma_semaphore, #tpu.memory_space<semaphore_mem>>, %arg25: memref<!tpu.dma_semaphore, #tpu.memory_space<semaphore_mem>>) attributes {dimension_semantics = [#tpu.dimension_semantics<core_parallel>, #tpu.dimension_semantics<subcore_parallel>], iteration_bounds = array<i64: 2, 16>, scalar_prefetch = 0 : i64, scratch_operands = 19 : i64, tpu.core_type = #tpu.core_type<sc_vector_subcore>, window_params = [{transform_indices = #map}, {transform_indices = #map}, {transform_indices = #map1}, {transform_indices = #map1}, {transform_indices = #map2}]} {
    %mul3A = arith.constant 6272 : i32
    %mul3A_0 = arith.muli %arg1, %mul3A : i32
    "tpu.region"() ({
      %run_scoped3A = tpu.sem_alloc : memref<!tpu.dma_semaphore, #tpu.memory_space<semaphore_mem>>
      %dma_start3A_32 = arith.constant 0 : i32
      %dma_start3A_33 = tpu.memref_slice %arg7[%mul3A_0, %dma_start3A_32] : memref<100352x8xf32, #tpu.memory_space<vmem_shared>> -> memref<6272x8xf32, #tpu.memory_space<vmem_shared>>
      %dma_start3A_34 = arith.constant 0 : i32
      %dma_start3A_35 = tpu.memref_slice %arg4[%mul3A_0, %dma_start3A_34] : memref<100352x8xf32, #tpu.memory_space<hbm>> -> memref<6272x8xf32, #tpu.memory_space<hbm>>
      tpu.enqueue_dma source(%dma_start3A_35 : memref<6272x8xf32, #tpu.memory_space<hbm>>) target(%dma_start3A_33 : memref<6272x8xf32, #tpu.memory_space<vmem_shared>>) target_semaphore(%run_scoped3A : memref<!tpu.dma_semaphore, #tpu.memory_space<semaphore_mem>>)
      %dma_wait3A = arith.constant 0 : i32
      %dma_wait3A_36 = tpu.memref_slice %arg7[%mul3A_0, %dma_wait3A] : memref<100352x8xf32, #tpu.memory_space<vmem_shared>> -> memref<6272x8xf32, #tpu.memory_space<vmem_shared>>
      %dma_wait3A_37 = arith.constant 0 : i32
      %dma_wait3A_38 = tpu.memref_slice %arg4[%mul3A_0, %dma_wait3A_37] : memref<100352x8xf32, #tpu.memory_space<hbm>> -> memref<6272x8xf32, #tpu.memory_space<hbm>>
      tpu.wait_dma2 semaphore(%run_scoped3A : memref<!tpu.dma_semaphore, #tpu.memory_space<semaphore_mem>>) src(%dma_wait3A_38 : memref<6272x8xf32, #tpu.memory_space<hbm>>) dst(%dma_wait3A_36 : memref<6272x8xf32, #tpu.memory_space<vmem_shared>>)
      tpu.yield
    }) : () -> ()
    "tpu.region"() ({
      %run_scoped3A = tpu.sem_alloc : memref<!tpu.dma_semaphore, #tpu.memory_space<semaphore_mem>>
      %dma_start3A_32 = arith.constant 0 : i32
      %dma_start3A_33 = tpu.memref_slice %arg8[%mul3A_0, %dma_start3A_32] : memref<100352x8xf32, #tpu.memory_space<vmem_shared>> -> memref<6272x8xf32, #tpu.memory_space<vmem_shared>>
      %dma_start3A_34 = arith.constant 0 : i32
      %dma_start3A_35 = tpu.memref_slice %arg5[%mul3A_0, %dma_start3A_34] : memref<100352x8xf32, #tpu.memory_space<hbm>> -> memref<6272x8xf32, #tpu.memory_space<hbm>>
      tpu.enqueue_dma source(%dma_start3A_35 : memref<6272x8xf32, #tpu.memory_space<hbm>>) target(%dma_start3A_33 : memref<6272x8xf32, #tpu.memory_space<vmem_shared>>) target_semaphore(%run_scoped3A : memref<!tpu.dma_semaphore, #tpu.memory_space<semaphore_mem>>)
      %dma_wait3A = arith.constant 0 : i32
      %dma_wait3A_36 = tpu.memref_slice %arg8[%mul3A_0, %dma_wait3A] : memref<100352x8xf32, #tpu.memory_space<vmem_shared>> -> memref<6272x8xf32, #tpu.memory_space<vmem_shared>>
      %dma_wait3A_37 = arith.constant 0 : i32
      %dma_wait3A_38 = tpu.memref_slice %arg5[%mul3A_0, %dma_wait3A_37] : memref<100352x8xf32, #tpu.memory_space<hbm>> -> memref<6272x8xf32, #tpu.memory_space<hbm>>
      tpu.wait_dma2 semaphore(%run_scoped3A : memref<!tpu.dma_semaphore, #tpu.memory_space<semaphore_mem>>) src(%dma_wait3A_38 : memref<6272x8xf32, #tpu.memory_space<hbm>>) dst(%dma_wait3A_36 : memref<6272x8xf32, #tpu.memory_space<vmem_shared>>)
      tpu.yield
    }) : () -> ()
    %barrier3A = arith.constant 0 : index
    tpu.barrier barrier_id(%barrier3A)
    %mul3A_1 = arith.constant 16 : i32
    %mul3A_2 = arith.muli %arg0, %mul3A_1 : i32
    %add3A = arith.addi %mul3A_2, %arg1 : i32
    %mul3A_3 = arith.constant 1568 : i32
    %mul3A_4 = arith.muli %add3A, %mul3A_3 : i32
    %mul3A_5 = arith.constant 128 : i32
    %mul3A_6 = arith.muli %mul3A_4, %mul3A_5 : i32
    %add3A_7 = arith.constant 0 : i32
    %add3A_8 = arith.addi %mul3A_6, %add3A_7 : i32
    %add3A_9 = arith.constant 0 : i32
    %add3A_10 = arith.addi %add3A_8, %add3A_9 : i32
    %dma_start3A = tpu.memref_slice %arg3[%add3A_10] : memref<6422528xi32, #tpu.memory_space<hbm>> -> memref<128xi32, #tpu.memory_space<hbm>>
    %dma_start3A_11 = tpu.memref_slice %arg3[%add3A_10] : memref<6422528xi32, #tpu.memory_space<hbm>> -> memref<128xi32, #tpu.memory_space<hbm>>
    tpu.enqueue_dma source(%dma_start3A_11 : memref<128xi32, #tpu.memory_space<hbm>>) target(%arg11 : memref<128xi32, #tpu.memory_space<vmem>>) target_semaphore(%arg23 : memref<!tpu.dma_semaphore, #tpu.memory_space<semaphore_mem>>)
    %add3A_12 = arith.constant 128 : i32
    %add3A_13 = arith.addi %add3A_8, %add3A_12 : i32
    %dma_start3A_14 = tpu.memref_slice %arg3[%add3A_13] : memref<6422528xi32, #tpu.memory_space<hbm>> -> memref<128xi32, #tpu.memory_space<hbm>>
    %dma_start3A_15 = tpu.memref_slice %arg3[%add3A_13] : memref<6422528xi32, #tpu.memory_space<hbm>> -> memref<128xi32, #tpu.memory_space<hbm>>
    tpu.enqueue_dma source(%dma_start3A_15 : memref<128xi32, #tpu.memory_space<hbm>>) target(%arg12 : memref<128xi32, #tpu.memory_space<vmem>>) target_semaphore(%arg23 : memref<!tpu.dma_semaphore, #tpu.memory_space<semaphore_mem>>)
    %add3A_16 = arith.constant 256 : i32
    %add3A_17 = arith.addi %add3A_8, %add3A_16 : i32
    %dma_start3A_18 = tpu.memref_slice %arg3[%add3A_17] : memref<6422528xi32, #tpu.memory_space<hbm>> -> memref<128xi32, #tpu.memory_space<hbm>>
    %dma_start3A_19 = tpu.memref_slice %arg3[%add3A_17] : memref<6422528xi32, #tpu.memory_space<hbm>> -> memref<128xi32, #tpu.memory_space<hbm>>
    tpu.enqueue_dma source(%dma_start3A_19 : memref<128xi32, #tpu.memory_space<hbm>>) target(%arg13 : memref<128xi32, #tpu.memory_space<vmem>>) target_semaphore(%arg23 : memref<!tpu.dma_semaphore, #tpu.memory_space<semaphore_mem>>)
    %add3A_20 = arith.constant 384 : i32
    %add3A_21 = arith.addi %add3A_8, %add3A_20 : i32
    %dma_start3A_22 = tpu.memref_slice %arg3[%add3A_21] : memref<6422528xi32, #tpu.memory_space<hbm>> -> memref<128xi32, #tpu.memory_space<hbm>>
    %dma_start3A_23 = tpu.memref_slice %arg3[%add3A_21] : memref<6422528xi32, #tpu.memory_space<hbm>> -> memref<128xi32, #tpu.memory_space<hbm>>
    tpu.enqueue_dma source(%dma_start3A_23 : memref<128xi32, #tpu.memory_space<hbm>>) target(%arg14 : memref<128xi32, #tpu.memory_space<vmem>>) target_semaphore(%arg23 : memref<!tpu.dma_semaphore, #tpu.memory_space<semaphore_mem>>)
    %dma_start3A_24 = tpu.memref_slice %arg2[%add3A_8] : memref<6422528xi32, #tpu.memory_space<hbm>> -> memref<512xi32, #tpu.memory_space<hbm>>
    %dma_start3A_25 = tpu.memref_slice %arg2[%add3A_8] : memref<6422528xi32, #tpu.memory_space<hbm>> -> memref<512xi32, #tpu.memory_space<hbm>>
    tpu.enqueue_dma source(%dma_start3A_25 : memref<512xi32, #tpu.memory_space<hbm>>) target(%arg9 : memref<512xi32, #tpu.memory_space<vmem>>) target_semaphore(%arg23 : memref<!tpu.dma_semaphore, #tpu.memory_space<semaphore_mem>>)
    %scan3A = arith.constant 0 : i32
    %scan3A_26 = arith.constant 0 : i32
    %scan3A_27 = arith.constant 196 : i32
    %scan3A_28 = arith.addi %scan3A_26, %scan3A_27 : i32
    %scan3A_29 = arith.constant 1 : i32
    scf.for %scan3A_32 = %scan3A_26 to %scan3A_28 step %scan3A_29  : i32 {
      %mul3A_33 = arith.constant 2 : i32
      %mul3A_34 = arith.muli %scan3A_32, %mul3A_33 : i32
      %dma_wait3A = arith.constant 0 : i32
      %dma_wait3A_35 = tpu.memref_slice %arg3[%dma_wait3A] : memref<6422528xi32, #tpu.memory_space<hbm>> -> memref<128xi32, #tpu.memory_space<hbm>>
      %dma_wait3A_36 = arith.constant 0 : i32
      %dma_wait3A_37 = tpu.memref_slice %arg3[%dma_wait3A_36] : memref<6422528xi32, #tpu.memory_space<hbm>> -> memref<128xi32, #tpu.memory_space<hbm>>
      tpu.wait_dma2 semaphore(%arg23 : memref<!tpu.dma_semaphore, #tpu.memory_space<semaphore_mem>>) src(%dma_wait3A_37 : memref<128xi32, #tpu.memory_space<hbm>>) dst(%arg11 : memref<128xi32, #tpu.memory_space<vmem>>)
      %dma_wait3A_38 = arith.constant 0 : i32
      %dma_wait3A_39 = tpu.memref_slice %arg3[%dma_wait3A_38] : memref<6422528xi32, #tpu.memory_space<hbm>> -> memref<128xi32, #tpu.memory_space<hbm>>
      %dma_wait3A_40 = arith.constant 0 : i32
      %dma_wait3A_41 = tpu.memref_slice %arg3[%dma_wait3A_40] : memref<6422528xi32, #tpu.memory_space<hbm>> -> memref<128xi32, #tpu.memory_space<hbm>>
      tpu.wait_dma2 semaphore(%arg23 : memref<!tpu.dma_semaphore, #tpu.memory_space<semaphore_mem>>) src(%dma_wait3A_41 : memref<128xi32, #tpu.memory_space<hbm>>) dst(%arg12 : memref<128xi32, #tpu.memory_space<vmem>>)
      %dma_wait3A_42 = arith.constant 0 : i32
      %dma_wait3A_43 = tpu.memref_slice %arg3[%dma_wait3A_42] : memref<6422528xi32, #tpu.memory_space<hbm>> -> memref<128xi32, #tpu.memory_space<hbm>>
      %dma_wait3A_44 = arith.constant 0 : i32
      %dma_wait3A_45 = tpu.memref_slice %arg3[%dma_wait3A_44] : memref<6422528xi32, #tpu.memory_space<hbm>> -> memref<128xi32, #tpu.memory_space<hbm>>
      tpu.wait_dma2 semaphore(%arg23 : memref<!tpu.dma_semaphore, #tpu.memory_space<semaphore_mem>>) src(%dma_wait3A_45 : memref<128xi32, #tpu.memory_space<hbm>>) dst(%arg13 : memref<128xi32, #tpu.memory_space<vmem>>)
      %dma_wait3A_46 = arith.constant 0 : i32
      %dma_wait3A_47 = tpu.memref_slice %arg3[%dma_wait3A_46] : memref<6422528xi32, #tpu.memory_space<hbm>> -> memref<128xi32, #tpu.memory_space<hbm>>
      %dma_wait3A_48 = arith.constant 0 : i32
      %dma_wait3A_49 = tpu.memref_slice %arg3[%dma_wait3A_48] : memref<6422528xi32, #tpu.memory_space<hbm>> -> memref<128xi32, #tpu.memory_space<hbm>>
      tpu.wait_dma2 semaphore(%arg23 : memref<!tpu.dma_semaphore, #tpu.memory_space<semaphore_mem>>) src(%dma_wait3A_49 : memref<128xi32, #tpu.memory_space<hbm>>) dst(%arg14 : memref<128xi32, #tpu.memory_space<vmem>>)
      %dma_wait3A_50 = arith.constant 0 : i32
      %dma_wait3A_51 = tpu.memref_slice %arg2[%dma_wait3A_50] : memref<6422528xi32, #tpu.memory_space<hbm>> -> memref<512xi32, #tpu.memory_space<hbm>>
      %dma_wait3A_52 = arith.constant 0 : i32
      %dma_wait3A_53 = tpu.memref_slice %arg2[%dma_wait3A_52] : memref<6422528xi32, #tpu.memory_space<hbm>> -> memref<512xi32, #tpu.memory_space<hbm>>
      tpu.wait_dma2 semaphore(%arg23 : memref<!tpu.dma_semaphore, #tpu.memory_space<semaphore_mem>>) src(%dma_wait3A_53 : memref<512xi32, #tpu.memory_space<hbm>>) dst(%arg9 : memref<512xi32, #tpu.memory_space<vmem>>)
      %add3A_54 = arith.constant 1 : i32
      %add3A_55 = arith.addi %mul3A_34, %add3A_54 : i32
      %mul3A_56 = arith.constant 512 : i32
      %mul3A_57 = arith.muli %add3A_55, %mul3A_56 : i32
      %add3A_58 = arith.addi %mul3A_6, %mul3A_57 : i32
      %add3A_59 = arith.constant 0 : i32
      %add3A_60 = arith.addi %add3A_58, %add3A_59 : i32
      %dma_start3A_61 = tpu.memref_slice %arg3[%add3A_60] : memref<6422528xi32, #tpu.memory_space<hbm>> -> memref<128xi32, #tpu.memory_space<hbm>>
      %dma_start3A_62 = tpu.memref_slice %arg3[%add3A_60] : memref<6422528xi32, #tpu.memory_space<hbm>> -> memref<128xi32, #tpu.memory_space<hbm>>
      tpu.enqueue_dma source(%dma_start3A_62 : memref<128xi32, #tpu.memory_space<hbm>>) target(%arg15 : memref<128xi32, #tpu.memory_space<vmem>>) target_semaphore(%arg23 : memref<!tpu.dma_semaphore, #tpu.memory_space<semaphore_mem>>)
      %add3A_63 = arith.constant 128 : i32
      %add3A_64 = arith.addi %add3A_58, %add3A_63 : i32
      %dma_start3A_65 = tpu.memref_slice %arg3[%add3A_64] : memref<6422528xi32, #tpu.memory_space<hbm>> -> memref<128xi32, #tpu.memory_space<hbm>>
      %dma_start3A_66 = tpu.memref_slice %arg3[%add3A_64] : memref<6422528xi32, #tpu.memory_space<hbm>> -> memref<128xi32, #tpu.memory_space<hbm>>
      tpu.enqueue_dma source(%dma_start3A_66 : memref<128xi32, #tpu.memory_space<hbm>>) target(%arg16 : memref<128xi32, #tpu.memory_space<vmem>>) target_semaphore(%arg23 : memref<!tpu.dma_semaphore, #tpu.memory_space<semaphore_mem>>)
      %add3A_67 = arith.constant 256 : i32
      %add3A_68 = arith.addi %add3A_58, %add3A_67 : i32
      %dma_start3A_69 = tpu.memref_slice %arg3[%add3A_68] : memref<6422528xi32, #tpu.memory_space<hbm>> -> memref<128xi32, #tpu.memory_space<hbm>>
      %dma_start3A_70 = tpu.memref_slice %arg3[%add3A_68] : memref<6422528xi32, #tpu.memory_space<hbm>> -> memref<128xi32, #tpu.memory_space<hbm>>
      tpu.enqueue_dma source(%dma_start3A_70 : memref<128xi32, #tpu.memory_space<hbm>>) target(%arg17 : memref<128xi32, #tpu.memory_space<vmem>>) target_semaphore(%arg23 : memref<!tpu.dma_semaphore, #tpu.memory_space<semaphore_mem>>)
      %add3A_71 = arith.constant 384 : i32
      %add3A_72 = arith.addi %add3A_58, %add3A_71 : i32
      %dma_start3A_73 = tpu.memref_slice %arg3[%add3A_72] : memref<6422528xi32, #tpu.memory_space<hbm>> -> memref<128xi32, #tpu.memory_space<hbm>>
      %dma_start3A_74 = tpu.memref_slice %arg3[%add3A_72] : memref<6422528xi32, #tpu.memory_space<hbm>> -> memref<128xi32, #tpu.memory_space<hbm>>
      tpu.enqueue_dma source(%dma_start3A_74 : memref<128xi32, #tpu.memory_space<hbm>>) target(%arg18 : memref<128xi32, #tpu.memory_space<vmem>>) target_semaphore(%arg23 : memref<!tpu.dma_semaphore, #tpu.memory_space<semaphore_mem>>)
      %dma_start3A_75 = tpu.memref_slice %arg2[%add3A_58] : memref<6422528xi32, #tpu.memory_space<hbm>> -> memref<512xi32, #tpu.memory_space<hbm>>
      %dma_start3A_76 = tpu.memref_slice %arg2[%add3A_58] : memref<6422528xi32, #tpu.memory_space<hbm>> -> memref<512xi32, #tpu.memory_space<hbm>>
      tpu.enqueue_dma source(%dma_start3A_76 : memref<512xi32, #tpu.memory_space<hbm>>) target(%arg10 : memref<512xi32, #tpu.memory_space<vmem>>) target_semaphore(%arg23 : memref<!tpu.dma_semaphore, #tpu.memory_space<semaphore_mem>>)
      %dma_start3A_77 = arith.constant 0 : i32
      %dma_start3A_78 = tpu.memref_slice %arg9[%dma_start3A_77] : memref<512xi32, #tpu.memory_space<vmem>> -> memref<128xi32, #tpu.memory_space<vmem>>
      %dma_start3A_79 = arith.constant 0 : i32
      %dma_start3A_80 = arith.constant 0 : i32
      %dma_start3A_81 = tpu.memref_slice %arg7[%dma_start3A_79, %dma_start3A_80] : memref<100352x8xf32, #tpu.memory_space<vmem_shared>> -> memref<100352x8xf32, #tpu.memory_space<vmem_shared>>
      tpu.enqueue_indirect_dma source(%dma_start3A_81 : memref<100352x8xf32, #tpu.memory_space<vmem_shared>>) target(%arg19 : memref<128x8xf32, #tpu.memory_space<vmem>>) offsets(%dma_start3A_78 : memref<128xi32, #tpu.memory_space<vmem>>) semaphore(%arg24 : memref<!tpu.dma_semaphore, #tpu.memory_space<semaphore_mem>>)
      %dma_start3A_82 = arith.constant 128 : i32
      %dma_start3A_83 = tpu.memref_slice %arg9[%dma_start3A_82] : memref<512xi32, #tpu.memory_space<vmem>> -> memref<128xi32, #tpu.memory_space<vmem>>
      %dma_start3A_84 = arith.constant 0 : i32
      %dma_start3A_85 = arith.constant 0 : i32
      %dma_start3A_86 = tpu.memref_slice %arg7[%dma_start3A_84, %dma_start3A_85] : memref<100352x8xf32, #tpu.memory_space<vmem_shared>> -> memref<100352x8xf32, #tpu.memory_space<vmem_shared>>
      tpu.enqueue_indirect_dma source(%dma_start3A_86 : memref<100352x8xf32, #tpu.memory_space<vmem_shared>>) target(%arg20 : memref<128x8xf32, #tpu.memory_space<vmem>>) offsets(%dma_start3A_83 : memref<128xi32, #tpu.memory_space<vmem>>) semaphore(%arg24 : memref<!tpu.dma_semaphore, #tpu.memory_space<semaphore_mem>>)
      %dma_start3A_87 = arith.constant 256 : i32
      %dma_start3A_88 = tpu.memref_slice %arg9[%dma_start3A_87] : memref<512xi32, #tpu.memory_space<vmem>> -> memref<128xi32, #tpu.memory_space<vmem>>
      %dma_start3A_89 = arith.constant 0 : i32
      %dma_start3A_90 = arith.constant 0 : i32
      %dma_start3A_91 = tpu.memref_slice %arg7[%dma_start3A_89, %dma_start3A_90] : memref<100352x8xf32, #tpu.memory_space<vmem_shared>> -> memref<100352x8xf32, #tpu.memory_space<vmem_shared>>
      tpu.enqueue_indirect_dma source(%dma_start3A_91 : memref<100352x8xf32, #tpu.memory_space<vmem_shared>>) target(%arg21 : memref<128x8xf32, #tpu.memory_space<vmem>>) offsets(%dma_start3A_88 : memref<128xi32, #tpu.memory_space<vmem>>) semaphore(%arg24 : memref<!tpu.dma_semaphore, #tpu.memory_space<semaphore_mem>>)
      %dma_start3A_92 = arith.constant 384 : i32
      %dma_start3A_93 = tpu.memref_slice %arg9[%dma_start3A_92] : memref<512xi32, #tpu.memory_space<vmem>> -> memref<128xi32, #tpu.memory_space<vmem>>
      %dma_start3A_94 = arith.constant 0 : i32
      %dma_start3A_95 = arith.constant 0 : i32
      %dma_start3A_96 = tpu.memref_slice %arg7[%dma_start3A_94, %dma_start3A_95] : memref<100352x8xf32, #tpu.memory_space<vmem_shared>> -> memref<100352x8xf32, #tpu.memory_space<vmem_shared>>
      tpu.enqueue_indirect_dma source(%dma_start3A_96 : memref<100352x8xf32, #tpu.memory_space<vmem_shared>>) target(%arg22 : memref<128x8xf32, #tpu.memory_space<vmem>>) offsets(%dma_start3A_93 : memref<128xi32, #tpu.memory_space<vmem>>) semaphore(%arg24 : memref<!tpu.dma_semaphore, #tpu.memory_space<semaphore_mem>>)
      %dma_wait3A_97 = arith.constant 0 : i32
      %dma_wait3A_98 = tpu.memref_slice %arg9[%dma_wait3A_97] : memref<512xi32, #tpu.memory_space<vmem>> -> memref<128xi32, #tpu.memory_space<vmem>>
      %dma_wait3A_99 = arith.constant 0 : i32
      %dma_wait3A_100 = arith.constant 0 : i32
      %dma_wait3A_101 = tpu.memref_slice %arg7[%dma_wait3A_99, %dma_wait3A_100] : memref<100352x8xf32, #tpu.memory_space<vmem_shared>> -> memref<100352x8xf32, #tpu.memory_space<vmem_shared>>
      tpu.wait_indirect_dma semaphore(%arg24 : memref<!tpu.dma_semaphore, #tpu.memory_space<semaphore_mem>>) src(%dma_wait3A_101 : memref<100352x8xf32, #tpu.memory_space<vmem_shared>>) dst(%arg19 : memref<128x8xf32, #tpu.memory_space<vmem>>)
      %dma_start3A_102 = arith.constant 0 : i32
      %dma_start3A_103 = arith.constant 0 : i32
      %dma_start3A_104 = tpu.memref_slice %arg8[%dma_start3A_102, %dma_start3A_103] : memref<100352x8xf32, #tpu.memory_space<vmem_shared>> -> memref<100352x8xf32, #tpu.memory_space<vmem_shared>>
      tpu.enqueue_indirect_dma source(%arg19 : memref<128x8xf32, #tpu.memory_space<vmem>>) target(%dma_start3A_104 : memref<100352x8xf32, #tpu.memory_space<vmem_shared>>) offsets(%arg11 : memref<128xi32, #tpu.memory_space<vmem>>) semaphore(%arg25 : memref<!tpu.dma_semaphore, #tpu.memory_space<semaphore_mem>>) {add = true}
      %dma_wait3A_105 = arith.constant 128 : i32
      %dma_wait3A_106 = tpu.memref_slice %arg9[%dma_wait3A_105] : memref<512xi32, #tpu.memory_space<vmem>> -> memref<128xi32, #tpu.memory_space<vmem>>
      %dma_wait3A_107 = arith.constant 0 : i32
      %dma_wait3A_108 = arith.constant 0 : i32
      %dma_wait3A_109 = tpu.memref_slice %arg7[%dma_wait3A_107, %dma_wait3A_108] : memref<100352x8xf32, #tpu.memory_space<vmem_shared>> -> memref<100352x8xf32, #tpu.memory_space<vmem_shared>>
      tpu.wait_indirect_dma semaphore(%arg24 : memref<!tpu.dma_semaphore, #tpu.memory_space<semaphore_mem>>) src(%dma_wait3A_109 : memref<100352x8xf32, #tpu.memory_space<vmem_shared>>) dst(%arg20 : memref<128x8xf32, #tpu.memory_space<vmem>>)
      %dma_start3A_110 = arith.constant 0 : i32
      %dma_start3A_111 = arith.constant 0 : i32
      %dma_start3A_112 = tpu.memref_slice %arg8[%dma_start3A_110, %dma_start3A_111] : memref<100352x8xf32, #tpu.memory_space<vmem_shared>> -> memref<100352x8xf32, #tpu.memory_space<vmem_shared>>
      tpu.enqueue_indirect_dma source(%arg20 : memref<128x8xf32, #tpu.memory_space<vmem>>) target(%dma_start3A_112 : memref<100352x8xf32, #tpu.memory_space<vmem_shared>>) offsets(%arg12 : memref<128xi32, #tpu.memory_space<vmem>>) semaphore(%arg25 : memref<!tpu.dma_semaphore, #tpu.memory_space<semaphore_mem>>) {add = true}
      %dma_wait3A_113 = arith.constant 256 : i32
      %dma_wait3A_114 = tpu.memref_slice %arg9[%dma_wait3A_113] : memref<512xi32, #tpu.memory_space<vmem>> -> memref<128xi32, #tpu.memory_space<vmem>>
      %dma_wait3A_115 = arith.constant 0 : i32
      %dma_wait3A_116 = arith.constant 0 : i32
      %dma_wait3A_117 = tpu.memref_slice %arg7[%dma_wait3A_115, %dma_wait3A_116] : memref<100352x8xf32, #tpu.memory_space<vmem_shared>> -> memref<100352x8xf32, #tpu.memory_space<vmem_shared>>
      tpu.wait_indirect_dma semaphore(%arg24 : memref<!tpu.dma_semaphore, #tpu.memory_space<semaphore_mem>>) src(%dma_wait3A_117 : memref<100352x8xf32, #tpu.memory_space<vmem_shared>>) dst(%arg21 : memref<128x8xf32, #tpu.memory_space<vmem>>)
      %dma_start3A_118 = arith.constant 0 : i32
      %dma_start3A_119 = arith.constant 0 : i32
      %dma_start3A_120 = tpu.memref_slice %arg8[%dma_start3A_118, %dma_start3A_119] : memref<100352x8xf32, #tpu.memory_space<vmem_shared>> -> memref<100352x8xf32, #tpu.memory_space<vmem_shared>>
      tpu.enqueue_indirect_dma source(%arg21 : memref<128x8xf32, #tpu.memory_space<vmem>>) target(%dma_start3A_120 : memref<100352x8xf32, #tpu.memory_space<vmem_shared>>) offsets(%arg13 : memref<128xi32, #tpu.memory_space<vmem>>) semaphore(%arg25 : memref<!tpu.dma_semaphore, #tpu.memory_space<semaphore_mem>>) {add = true}
      %dma_wait3A_121 = arith.constant 384 : i32
      %dma_wait3A_122 = tpu.memref_slice %arg9[%dma_wait3A_121] : memref<512xi32, #tpu.memory_space<vmem>> -> memref<128xi32, #tpu.memory_space<vmem>>
      %dma_wait3A_123 = arith.constant 0 : i32
      %dma_wait3A_124 = arith.constant 0 : i32
      %dma_wait3A_125 = tpu.memref_slice %arg7[%dma_wait3A_123, %dma_wait3A_124] : memref<100352x8xf32, #tpu.memory_space<vmem_shared>> -> memref<100352x8xf32, #tpu.memory_space<vmem_shared>>
      tpu.wait_indirect_dma semaphore(%arg24 : memref<!tpu.dma_semaphore, #tpu.memory_space<semaphore_mem>>) src(%dma_wait3A_125 : memref<100352x8xf32, #tpu.memory_space<vmem_shared>>) dst(%arg22 : memref<128x8xf32, #tpu.memory_space<vmem>>)
      %dma_start3A_126 = arith.constant 0 : i32
      %dma_start3A_127 = arith.constant 0 : i32
      %dma_start3A_128 = tpu.memref_slice %arg8[%dma_start3A_126, %dma_start3A_127] : memref<100352x8xf32, #tpu.memory_space<vmem_shared>> -> memref<100352x8xf32, #tpu.memory_space<vmem_shared>>
      tpu.enqueue_indirect_dma source(%arg22 : memref<128x8xf32, #tpu.memory_space<vmem>>) target(%dma_start3A_128 : memref<100352x8xf32, #tpu.memory_space<vmem_shared>>) offsets(%arg14 : memref<128xi32, #tpu.memory_space<vmem>>) semaphore(%arg25 : memref<!tpu.dma_semaphore, #tpu.memory_space<semaphore_mem>>) {add = true}
      %dma_wait3A_129 = arith.constant 0 : i32
      %dma_wait3A_130 = tpu.memref_slice %arg3[%dma_wait3A_129] : memref<6422528xi32, #tpu.memory_space<hbm>> -> memref<128xi32, #tpu.memory_space<hbm>>
      %dma_wait3A_131 = arith.constant 0 : i32
      %dma_wait3A_132 = tpu.memref_slice %arg3[%dma_wait3A_131] : memref<6422528xi32, #tpu.memory_space<hbm>> -> memref<128xi32, #tpu.memory_space<hbm>>
      tpu.wait_dma2 semaphore(%arg23 : memref<!tpu.dma_semaphore, #tpu.memory_space<semaphore_mem>>) src(%dma_wait3A_132 : memref<128xi32, #tpu.memory_space<hbm>>) dst(%arg15 : memref<128xi32, #tpu.memory_space<vmem>>)
      %dma_wait3A_133 = arith.constant 0 : i32
      %dma_wait3A_134 = tpu.memref_slice %arg3[%dma_wait3A_133] : memref<6422528xi32, #tpu.memory_space<hbm>> -> memref<128xi32, #tpu.memory_space<hbm>>
      %dma_wait3A_135 = arith.constant 0 : i32
      %dma_wait3A_136 = tpu.memref_slice %arg3[%dma_wait3A_135] : memref<6422528xi32, #tpu.memory_space<hbm>> -> memref<128xi32, #tpu.memory_space<hbm>>
      tpu.wait_dma2 semaphore(%arg23 : memref<!tpu.dma_semaphore, #tpu.memory_space<semaphore_mem>>) src(%dma_wait3A_136 : memref<128xi32, #tpu.memory_space<hbm>>) dst(%arg16 : memref<128xi32, #tpu.memory_space<vmem>>)
      %dma_wait3A_137 = arith.constant 0 : i32
      %dma_wait3A_138 = tpu.memref_slice %arg3[%dma_wait3A_137] : memref<6422528xi32, #tpu.memory_space<hbm>> -> memref<128xi32, #tpu.memory_space<hbm>>
      %dma_wait3A_139 = arith.constant 0 : i32
      %dma_wait3A_140 = tpu.memref_slice %arg3[%dma_wait3A_139] : memref<6422528xi32, #tpu.memory_space<hbm>> -> memref<128xi32, #tpu.memory_space<hbm>>
      tpu.wait_dma2 semaphore(%arg23 : memref<!tpu.dma_semaphore, #tpu.memory_space<semaphore_mem>>) src(%dma_wait3A_140 : memref<128xi32, #tpu.memory_space<hbm>>) dst(%arg17 : memref<128xi32, #tpu.memory_space<vmem>>)
      %dma_wait3A_141 = arith.constant 0 : i32
      %dma_wait3A_142 = tpu.memref_slice %arg3[%dma_wait3A_141] : memref<6422528xi32, #tpu.memory_space<hbm>> -> memref<128xi32, #tpu.memory_space<hbm>>
      %dma_wait3A_143 = arith.constant 0 : i32
      %dma_wait3A_144 = tpu.memref_slice %arg3[%dma_wait3A_143] : memref<6422528xi32, #tpu.memory_space<hbm>> -> memref<128xi32, #tpu.memory_space<hbm>>
      tpu.wait_dma2 semaphore(%arg23 : memref<!tpu.dma_semaphore, #tpu.memory_space<semaphore_mem>>) src(%dma_wait3A_144 : memref<128xi32, #tpu.memory_space<hbm>>) dst(%arg18 : memref<128xi32, #tpu.memory_space<vmem>>)
      %dma_wait3A_145 = arith.constant 0 : i32
      %dma_wait3A_146 = tpu.memref_slice %arg2[%dma_wait3A_145] : memref<6422528xi32, #tpu.memory_space<hbm>> -> memref<512xi32, #tpu.memory_space<hbm>>
      %dma_wait3A_147 = arith.constant 0 : i32
      %dma_wait3A_148 = tpu.memref_slice %arg2[%dma_wait3A_147] : memref<6422528xi32, #tpu.memory_space<hbm>> -> memref<512xi32, #tpu.memory_space<hbm>>
      tpu.wait_dma2 semaphore(%arg23 : memref<!tpu.dma_semaphore, #tpu.memory_space<semaphore_mem>>) src(%dma_wait3A_148 : memref<512xi32, #tpu.memory_space<hbm>>) dst(%arg10 : memref<512xi32, #tpu.memory_space<vmem>>)
      %dma_wait3A_149 = arith.constant 0 : i32
      %dma_wait3A_150 = arith.constant 0 : i32
      %dma_wait3A_151 = tpu.memref_slice %arg8[%dma_wait3A_149, %dma_wait3A_150] : memref<100352x8xf32, #tpu.memory_space<vmem_shared>> -> memref<100352x8xf32, #tpu.memory_space<vmem_shared>>
      tpu.wait_indirect_dma semaphore(%arg25 : memref<!tpu.dma_semaphore, #tpu.memory_space<semaphore_mem>>) src(%arg19 : memref<128x8xf32, #tpu.memory_space<vmem>>) dst(%dma_wait3A_151 : memref<100352x8xf32, #tpu.memory_space<vmem_shared>>)
      %dma_wait3A_152 = arith.constant 0 : i32
      %dma_wait3A_153 = arith.constant 0 : i32
      %dma_wait3A_154 = tpu.memref_slice %arg8[%dma_wait3A_152, %dma_wait3A_153] : memref<100352x8xf32, #tpu.memory_space<vmem_shared>> -> memref<100352x8xf32, #tpu.memory_space<vmem_shared>>
      tpu.wait_indirect_dma semaphore(%arg25 : memref<!tpu.dma_semaphore, #tpu.memory_space<semaphore_mem>>) src(%arg20 : memref<128x8xf32, #tpu.memory_space<vmem>>) dst(%dma_wait3A_154 : memref<100352x8xf32, #tpu.memory_space<vmem_shared>>)
      %dma_wait3A_155 = arith.constant 0 : i32
      %dma_wait3A_156 = arith.constant 0 : i32
      %dma_wait3A_157 = tpu.memref_slice %arg8[%dma_wait3A_155, %dma_wait3A_156] : memref<100352x8xf32, #tpu.memory_space<vmem_shared>> -> memref<100352x8xf32, #tpu.memory_space<vmem_shared>>
      tpu.wait_indirect_dma semaphore(%arg25 : memref<!tpu.dma_semaphore, #tpu.memory_space<semaphore_mem>>) src(%arg21 : memref<128x8xf32, #tpu.memory_space<vmem>>) dst(%dma_wait3A_157 : memref<100352x8xf32, #tpu.memory_space<vmem_shared>>)
      %dma_wait3A_158 = arith.constant 0 : i32
      %dma_wait3A_159 = arith.constant 0 : i32
      %dma_wait3A_160 = tpu.memref_slice %arg8[%dma_wait3A_158, %dma_wait3A_159] : memref<100352x8xf32, #tpu.memory_space<vmem_shared>> -> memref<100352x8xf32, #tpu.memory_space<vmem_shared>>
      tpu.wait_indirect_dma semaphore(%arg25 : memref<!tpu.dma_semaphore, #tpu.memory_space<semaphore_mem>>) src(%arg22 : memref<128x8xf32, #tpu.memory_space<vmem>>) dst(%dma_wait3A_160 : memref<100352x8xf32, #tpu.memory_space<vmem_shared>>)
      %dma_start3A_161 = arith.constant 0 : i32
      %dma_start3A_162 = tpu.memref_slice %arg10[%dma_start3A_161] : memref<512xi32, #tpu.memory_space<vmem>> -> memref<128xi32, #tpu.memory_space<vmem>>
      %dma_start3A_163 = arith.constant 0 : i32
      %dma_start3A_164 = arith.constant 0 : i32
      %dma_start3A_165 = tpu.memref_slice %arg7[%dma_start3A_163, %dma_start3A_164] : memref<100352x8xf32, #tpu.memory_space<vmem_shared>> -> memref<100352x8xf32, #tpu.memory_space<vmem_shared>>
      tpu.enqueue_indirect_dma source(%dma_start3A_165 : memref<100352x8xf32, #tpu.memory_space<vmem_shared>>) target(%arg19 : memref<128x8xf32, #tpu.memory_space<vmem>>) offsets(%dma_start3A_162 : memref<128xi32, #tpu.memory_space<vmem>>) semaphore(%arg24 : memref<!tpu.dma_semaphore, #tpu.memory_space<semaphore_mem>>)
      %dma_start3A_166 = arith.constant 128 : i32
      %dma_start3A_167 = tpu.memref_slice %arg10[%dma_start3A_166] : memref<512xi32, #tpu.memory_space<vmem>> -> memref<128xi32, #tpu.memory_space<vmem>>
      %dma_start3A_168 = arith.constant 0 : i32
      %dma_start3A_169 = arith.constant 0 : i32
      %dma_start3A_170 = tpu.memref_slice %arg7[%dma_start3A_168, %dma_start3A_169] : memref<100352x8xf32, #tpu.memory_space<vmem_shared>> -> memref<100352x8xf32, #tpu.memory_space<vmem_shared>>
      tpu.enqueue_indirect_dma source(%dma_start3A_170 : memref<100352x8xf32, #tpu.memory_space<vmem_shared>>) target(%arg20 : memref<128x8xf32, #tpu.memory_space<vmem>>) offsets(%dma_start3A_167 : memref<128xi32, #tpu.memory_space<vmem>>) semaphore(%arg24 : memref<!tpu.dma_semaphore, #tpu.memory_space<semaphore_mem>>)
      %dma_start3A_171 = arith.constant 256 : i32
      %dma_start3A_172 = tpu.memref_slice %arg10[%dma_start3A_171] : memref<512xi32, #tpu.memory_space<vmem>> -> memref<128xi32, #tpu.memory_space<vmem>>
      %dma_start3A_173 = arith.constant 0 : i32
      %dma_start3A_174 = arith.constant 0 : i32
      %dma_start3A_175 = tpu.memref_slice %arg7[%dma_start3A_173, %dma_start3A_174] : memref<100352x8xf32, #tpu.memory_space<vmem_shared>> -> memref<100352x8xf32, #tpu.memory_space<vmem_shared>>
      tpu.enqueue_indirect_dma source(%dma_start3A_175 : memref<100352x8xf32, #tpu.memory_space<vmem_shared>>) target(%arg21 : memref<128x8xf32, #tpu.memory_space<vmem>>) offsets(%dma_start3A_172 : memref<128xi32, #tpu.memory_space<vmem>>) semaphore(%arg24 : memref<!tpu.dma_semaphore, #tpu.memory_space<semaphore_mem>>)
      %dma_start3A_176 = arith.constant 384 : i32
      %dma_start3A_177 = tpu.memref_slice %arg10[%dma_start3A_176] : memref<512xi32, #tpu.memory_space<vmem>> -> memref<128xi32, #tpu.memory_space<vmem>>
      %dma_start3A_178 = arith.constant 0 : i32
      %dma_start3A_179 = arith.constant 0 : i32
      %dma_start3A_180 = tpu.memref_slice %arg7[%dma_start3A_178, %dma_start3A_179] : memref<100352x8xf32, #tpu.memory_space<vmem_shared>> -> memref<100352x8xf32, #tpu.memory_space<vmem_shared>>
      tpu.enqueue_indirect_dma source(%dma_start3A_180 : memref<100352x8xf32, #tpu.memory_space<vmem_shared>>) target(%arg22 : memref<128x8xf32, #tpu.memory_space<vmem>>) offsets(%dma_start3A_177 : memref<128xi32, #tpu.memory_space<vmem>>) semaphore(%arg24 : memref<!tpu.dma_semaphore, #tpu.memory_space<semaphore_mem>>)
      %dma_wait3A_181 = arith.constant 0 : i32
      %dma_wait3A_182 = tpu.memref_slice %arg10[%dma_wait3A_181] : memref<512xi32, #tpu.memory_space<vmem>> -> memref<128xi32, #tpu.memory_space<vmem>>
      %dma_wait3A_183 = arith.constant 0 : i32
      %dma_wait3A_184 = arith.constant 0 : i32
      %dma_wait3A_185 = tpu.memref_slice %arg7[%dma_wait3A_183, %dma_wait3A_184] : memref<100352x8xf32, #tpu.memory_space<vmem_shared>> -> memref<100352x8xf32, #tpu.memory_space<vmem_shared>>
      tpu.wait_indirect_dma semaphore(%arg24 : memref<!tpu.dma_semaphore, #tpu.memory_space<semaphore_mem>>) src(%dma_wait3A_185 : memref<100352x8xf32, #tpu.memory_space<vmem_shared>>) dst(%arg19 : memref<128x8xf32, #tpu.memory_space<vmem>>)
      %dma_start3A_186 = arith.constant 0 : i32
      %dma_start3A_187 = arith.constant 0 : i32
      %dma_start3A_188 = tpu.memref_slice %arg8[%dma_start3A_186, %dma_start3A_187] : memref<100352x8xf32, #tpu.memory_space<vmem_shared>> -> memref<100352x8xf32, #tpu.memory_space<vmem_shared>>
      tpu.enqueue_indirect_dma source(%arg19 : memref<128x8xf32, #tpu.memory_space<vmem>>) target(%dma_start3A_188 : memref<100352x8xf32, #tpu.memory_space<vmem_shared>>) offsets(%arg15 : memref<128xi32, #tpu.memory_space<vmem>>) semaphore(%arg25 : memref<!tpu.dma_semaphore, #tpu.memory_space<semaphore_mem>>) {add = true}
      %dma_wait3A_189 = arith.constant 128 : i32
      %dma_wait3A_190 = tpu.memref_slice %arg10[%dma_wait3A_189] : memref<512xi32, #tpu.memory_space<vmem>> -> memref<128xi32, #tpu.memory_space<vmem>>
      %dma_wait3A_191 = arith.constant 0 : i32
      %dma_wait3A_192 = arith.constant 0 : i32
      %dma_wait3A_193 = tpu.memref_slice %arg7[%dma_wait3A_191, %dma_wait3A_192] : memref<100352x8xf32, #tpu.memory_space<vmem_shared>> -> memref<100352x8xf32, #tpu.memory_space<vmem_shared>>
      tpu.wait_indirect_dma semaphore(%arg24 : memref<!tpu.dma_semaphore, #tpu.memory_space<semaphore_mem>>) src(%dma_wait3A_193 : memref<100352x8xf32, #tpu.memory_space<vmem_shared>>) dst(%arg20 : memref<128x8xf32, #tpu.memory_space<vmem>>)
      %dma_start3A_194 = arith.constant 0 : i32
      %dma_start3A_195 = arith.constant 0 : i32
      %dma_start3A_196 = tpu.memref_slice %arg8[%dma_start3A_194, %dma_start3A_195] : memref<100352x8xf32, #tpu.memory_space<vmem_shared>> -> memref<100352x8xf32, #tpu.memory_space<vmem_shared>>
      tpu.enqueue_indirect_dma source(%arg20 : memref<128x8xf32, #tpu.memory_space<vmem>>) target(%dma_start3A_196 : memref<100352x8xf32, #tpu.memory_space<vmem_shared>>) offsets(%arg16 : memref<128xi32, #tpu.memory_space<vmem>>) semaphore(%arg25 : memref<!tpu.dma_semaphore, #tpu.memory_space<semaphore_mem>>) {add = true}
      %dma_wait3A_197 = arith.constant 256 : i32
      %dma_wait3A_198 = tpu.memref_slice %arg10[%dma_wait3A_197] : memref<512xi32, #tpu.memory_space<vmem>> -> memref<128xi32, #tpu.memory_space<vmem>>
      %dma_wait3A_199 = arith.constant 0 : i32
      %dma_wait3A_200 = arith.constant 0 : i32
      %dma_wait3A_201 = tpu.memref_slice %arg7[%dma_wait3A_199, %dma_wait3A_200] : memref<100352x8xf32, #tpu.memory_space<vmem_shared>> -> memref<100352x8xf32, #tpu.memory_space<vmem_shared>>
      tpu.wait_indirect_dma semaphore(%arg24 : memref<!tpu.dma_semaphore, #tpu.memory_space<semaphore_mem>>) src(%dma_wait3A_201 : memref<100352x8xf32, #tpu.memory_space<vmem_shared>>) dst(%arg21 : memref<128x8xf32, #tpu.memory_space<vmem>>)
      %dma_start3A_202 = arith.constant 0 : i32
      %dma_start3A_203 = arith.constant 0 : i32
      %dma_start3A_204 = tpu.memref_slice %arg8[%dma_start3A_202, %dma_start3A_203] : memref<100352x8xf32, #tpu.memory_space<vmem_shared>> -> memref<100352x8xf32, #tpu.memory_space<vmem_shared>>
      tpu.enqueue_indirect_dma source(%arg21 : memref<128x8xf32, #tpu.memory_space<vmem>>) target(%dma_start3A_204 : memref<100352x8xf32, #tpu.memory_space<vmem_shared>>) offsets(%arg17 : memref<128xi32, #tpu.memory_space<vmem>>) semaphore(%arg25 : memref<!tpu.dma_semaphore, #tpu.memory_space<semaphore_mem>>) {add = true}
      %dma_wait3A_205 = arith.constant 384 : i32
      %dma_wait3A_206 = tpu.memref_slice %arg10[%dma_wait3A_205] : memref<512xi32, #tpu.memory_space<vmem>> -> memref<128xi32, #tpu.memory_space<vmem>>
      %dma_wait3A_207 = arith.constant 0 : i32
      %dma_wait3A_208 = arith.constant 0 : i32
      %dma_wait3A_209 = tpu.memref_slice %arg7[%dma_wait3A_207, %dma_wait3A_208] : memref<100352x8xf32, #tpu.memory_space<vmem_shared>> -> memref<100352x8xf32, #tpu.memory_space<vmem_shared>>
      tpu.wait_indirect_dma semaphore(%arg24 : memref<!tpu.dma_semaphore, #tpu.memory_space<semaphore_mem>>) src(%dma_wait3A_209 : memref<100352x8xf32, #tpu.memory_space<vmem_shared>>) dst(%arg22 : memref<128x8xf32, #tpu.memory_space<vmem>>)
      %dma_start3A_210 = arith.constant 0 : i32
      %dma_start3A_211 = arith.constant 0 : i32
      %dma_start3A_212 = tpu.memref_slice %arg8[%dma_start3A_210, %dma_start3A_211] : memref<100352x8xf32, #tpu.memory_space<vmem_shared>> -> memref<100352x8xf32, #tpu.memory_space<vmem_shared>>
      tpu.enqueue_indirect_dma source(%arg22 : memref<128x8xf32, #tpu.memory_space<vmem>>) target(%dma_start3A_212 : memref<100352x8xf32, #tpu.memory_space<vmem_shared>>) offsets(%arg18 : memref<128xi32, #tpu.memory_space<vmem>>) semaphore(%arg25 : memref<!tpu.dma_semaphore, #tpu.memory_space<semaphore_mem>>) {add = true}
      %add3A_213 = arith.constant 2 : i32
      %add3A_214 = arith.addi %mul3A_34, %add3A_213 : i32
      %lt3A = arith.constant 392 : i32
      %lt3A_215 = arith.cmpi slt, %add3A_214, %lt3A : i32
      %convert_element_type3A = arith.extui %lt3A_215 : i1 to i32
      %cond3A = arith.constant 0 : i32
      %cond3A_216 = arith.cmpi ne, %convert_element_type3A, %cond3A : i32
      scf.if %cond3A_216 {
        %add3A_229 = arith.constant 2 : i32
        %add3A_230 = arith.addi %mul3A_34, %add3A_229 : i32
        %mul3A_231 = arith.constant 512 : i32
        %mul3A_232 = arith.muli %add3A_230, %mul3A_231 : i32
        %add3A_233 = arith.addi %mul3A_6, %mul3A_232 : i32
        %add3A_234 = arith.constant 0 : i32
        %add3A_235 = arith.addi %add3A_233, %add3A_234 : i32
        %dma_start3A_236 = tpu.memref_slice %arg3[%add3A_235] : memref<6422528xi32, #tpu.memory_space<hbm>> -> memref<128xi32, #tpu.memory_space<hbm>>
        %dma_start3A_237 = tpu.memref_slice %arg3[%add3A_235] : memref<6422528xi32, #tpu.memory_space<hbm>> -> memref<128xi32, #tpu.memory_space<hbm>>
        tpu.enqueue_dma source(%dma_start3A_237 : memref<128xi32, #tpu.memory_space<hbm>>) target(%arg11 : memref<128xi32, #tpu.memory_space<vmem>>) target_semaphore(%arg23 : memref<!tpu.dma_semaphore, #tpu.memory_space<semaphore_mem>>)
        %add3A_238 = arith.constant 128 : i32
        %add3A_239 = arith.addi %add3A_233, %add3A_238 : i32
        %dma_start3A_240 = tpu.memref_slice %arg3[%add3A_239] : memref<6422528xi32, #tpu.memory_space<hbm>> -> memref<128xi32, #tpu.memory_space<hbm>>
        %dma_start3A_241 = tpu.memref_slice %arg3[%add3A_239] : memref<6422528xi32, #tpu.memory_space<hbm>> -> memref<128xi32, #tpu.memory_space<hbm>>
        tpu.enqueue_dma source(%dma_start3A_241 : memref<128xi32, #tpu.memory_space<hbm>>) target(%arg12 : memref<128xi32, #tpu.memory_space<vmem>>) target_semaphore(%arg23 : memref<!tpu.dma_semaphore, #tpu.memory_space<semaphore_mem>>)
        %add3A_242 = arith.constant 256 : i32
        %add3A_243 = arith.addi %add3A_233, %add3A_242 : i32
        %dma_start3A_244 = tpu.memref_slice %arg3[%add3A_243] : memref<6422528xi32, #tpu.memory_space<hbm>> -> memref<128xi32, #tpu.memory_space<hbm>>
        %dma_start3A_245 = tpu.memref_slice %arg3[%add3A_243] : memref<6422528xi32, #tpu.memory_space<hbm>> -> memref<128xi32, #tpu.memory_space<hbm>>
        tpu.enqueue_dma source(%dma_start3A_245 : memref<128xi32, #tpu.memory_space<hbm>>) target(%arg13 : memref<128xi32, #tpu.memory_space<vmem>>) target_semaphore(%arg23 : memref<!tpu.dma_semaphore, #tpu.memory_space<semaphore_mem>>)
        %add3A_246 = arith.constant 384 : i32
        %add3A_247 = arith.addi %add3A_233, %add3A_246 : i32
        %dma_start3A_248 = tpu.memref_slice %arg3[%add3A_247] : memref<6422528xi32, #tpu.memory_space<hbm>> -> memref<128xi32, #tpu.memory_space<hbm>>
        %dma_start3A_249 = tpu.memref_slice %arg3[%add3A_247] : memref<6422528xi32, #tpu.memory_space<hbm>> -> memref<128xi32, #tpu.memory_space<hbm>>
        tpu.enqueue_dma source(%dma_start3A_249 : memref<128xi32, #tpu.memory_space<hbm>>) target(%arg14 : memref<128xi32, #tpu.memory_space<vmem>>) target_semaphore(%arg23 : memref<!tpu.dma_semaphore, #tpu.memory_space<semaphore_mem>>)
        %dma_start3A_250 = tpu.memref_slice %arg2[%add3A_233] : memref<6422528xi32, #tpu.memory_space<hbm>> -> memref<512xi32, #tpu.memory_space<hbm>>
        %dma_start3A_251 = tpu.memref_slice %arg2[%add3A_233] : memref<6422528xi32, #tpu.memory_space<hbm>> -> memref<512xi32, #tpu.memory_space<hbm>>
        tpu.enqueue_dma source(%dma_start3A_251 : memref<512xi32, #tpu.memory_space<hbm>>) target(%arg9 : memref<512xi32, #tpu.memory_space<vmem>>) target_semaphore(%arg23 : memref<!tpu.dma_semaphore, #tpu.memory_space<semaphore_mem>>)
      } else {
      }
      %dma_wait3A_217 = arith.constant 0 : i32
      %dma_wait3A_218 = arith.constant 0 : i32
      %dma_wait3A_219 = tpu.memref_slice %arg8[%dma_wait3A_217, %dma_wait3A_218] : memref<100352x8xf32, #tpu.memory_space<vmem_shared>> -> memref<100352x8xf32, #tpu.memory_space<vmem_shared>>
      tpu.wait_indirect_dma semaphore(%arg25 : memref<!tpu.dma_semaphore, #tpu.memory_space<semaphore_mem>>) src(%arg19 : memref<128x8xf32, #tpu.memory_space<vmem>>) dst(%dma_wait3A_219 : memref<100352x8xf32, #tpu.memory_space<vmem_shared>>)
      %dma_wait3A_220 = arith.constant 0 : i32
      %dma_wait3A_221 = arith.constant 0 : i32
      %dma_wait3A_222 = tpu.memref_slice %arg8[%dma_wait3A_220, %dma_wait3A_221] : memref<100352x8xf32, #tpu.memory_space<vmem_shared>> -> memref<100352x8xf32, #tpu.memory_space<vmem_shared>>
      tpu.wait_indirect_dma semaphore(%arg25 : memref<!tpu.dma_semaphore, #tpu.memory_space<semaphore_mem>>) src(%arg20 : memref<128x8xf32, #tpu.memory_space<vmem>>) dst(%dma_wait3A_222 : memref<100352x8xf32, #tpu.memory_space<vmem_shared>>)
      %dma_wait3A_223 = arith.constant 0 : i32
      %dma_wait3A_224 = arith.constant 0 : i32
      %dma_wait3A_225 = tpu.memref_slice %arg8[%dma_wait3A_223, %dma_wait3A_224] : memref<100352x8xf32, #tpu.memory_space<vmem_shared>> -> memref<100352x8xf32, #tpu.memory_space<vmem_shared>>
      tpu.wait_indirect_dma semaphore(%arg25 : memref<!tpu.dma_semaphore, #tpu.memory_space<semaphore_mem>>) src(%arg21 : memref<128x8xf32, #tpu.memory_space<vmem>>) dst(%dma_wait3A_225 : memref<100352x8xf32, #tpu.memory_space<vmem_shared>>)
      %dma_wait3A_226 = arith.constant 0 : i32
      %dma_wait3A_227 = arith.constant 0 : i32
      %dma_wait3A_228 = tpu.memref_slice %arg8[%dma_wait3A_226, %dma_wait3A_227] : memref<100352x8xf32, #tpu.memory_space<vmem_shared>> -> memref<100352x8xf32, #tpu.memory_space<vmem_shared>>
      tpu.wait_indirect_dma semaphore(%arg25 : memref<!tpu.dma_semaphore, #tpu.memory_space<semaphore_mem>>) src(%arg22 : memref<128x8xf32, #tpu.memory_space<vmem>>) dst(%dma_wait3A_228 : memref<100352x8xf32, #tpu.memory_space<vmem_shared>>)
    }
    %scan3A_30 = arith.constant 196 : i32
    %barrier3A_31 = arith.constant 0 : index
    tpu.barrier barrier_id(%barrier3A_31)
    "tpu.region"() ({
      %run_scoped3A = tpu.sem_alloc : memref<!tpu.dma_semaphore, #tpu.memory_space<semaphore_mem>>
      %dma_start3A_32 = arith.constant 0 : i32
      %dma_start3A_33 = tpu.memref_slice %arg6[%arg0, %mul3A_0, %dma_start3A_32] : memref<2x100352x8xf32, #tpu.memory_space<hbm>> -> memref<1x6272x8xf32, #tpu.memory_space<hbm>>
      %dma_start3A_34 = tpu.memref_squeeze %dma_start3A_33 : memref<1x6272x8xf32, #tpu.memory_space<hbm>> -> memref<6272x8xf32, #tpu.memory_space<hbm>>
      %dma_start3A_35 = arith.constant 0 : i32
      %dma_start3A_36 = tpu.memref_slice %arg8[%mul3A_0, %dma_start3A_35] : memref<100352x8xf32, #tpu.memory_space<vmem_shared>> -> memref<6272x8xf32, #tpu.memory_space<vmem_shared>>
      tpu.enqueue_dma source(%dma_start3A_36 : memref<6272x8xf32, #tpu.memory_space<vmem_shared>>) target(%dma_start3A_34 : memref<6272x8xf32, #tpu.memory_space<hbm>>) target_semaphore(%run_scoped3A : memref<!tpu.dma_semaphore, #tpu.memory_space<semaphore_mem>>)
      %dma_wait3A = arith.constant 0 : i32
      %dma_wait3A_37 = tpu.memref_slice %arg6[%arg0, %mul3A_0, %dma_wait3A] : memref<2x100352x8xf32, #tpu.memory_space<hbm>> -> memref<1x6272x8xf32, #tpu.memory_space<hbm>>
      %dma_wait3A_38 = tpu.memref_squeeze %dma_wait3A_37 : memref<1x6272x8xf32, #tpu.memory_space<hbm>> -> memref<6272x8xf32, #tpu.memory_space<hbm>>
      %dma_wait3A_39 = arith.constant 0 : i32
      %dma_wait3A_40 = tpu.memref_slice %arg8[%mul3A_0, %dma_wait3A_39] : memref<100352x8xf32, #tpu.memory_space<vmem_shared>> -> memref<6272x8xf32, #tpu.memory_space<vmem_shared>>
      tpu.wait_dma2 semaphore(%run_scoped3A : memref<!tpu.dma_semaphore, #tpu.memory_space<semaphore_mem>>) src(%dma_wait3A_40 : memref<6272x8xf32, #tpu.memory_space<vmem_shared>>) dst(%dma_wait3A_38 : memref<6272x8xf32, #tpu.memory_space<hbm>>)
      tpu.yield
    }) : () -> ()
    return
  }
}

#map = affine_map<(d0, d1) -> (0)>
#map1 = affine_map<(d0, d1) -> (0, 0)>
module attributes {stable_mosaic.version = 14 : i64} {
  func.func @deg_kernel(%arg0: i32, %arg1: i32, %arg2: memref<6422528xi32, #tpu.memory_space<hbm>>, %arg3: memref<100352xf32, #tpu.memory_space<hbm>>, %arg4: memref<128xf32, #tpu.memory_space<hbm>>, %arg5: memref<2x100352xf32, #tpu.memory_space<hbm>>, %arg6: memref<100352xf32, #tpu.memory_space<vmem_shared>>, %arg7: memref<128xf32, #tpu.memory_space<vmem>>, %arg8: memref<128xi32, #tpu.memory_space<vmem>>, %arg9: memref<128xi32, #tpu.memory_space<vmem>>, %arg10: memref<128xi32, #tpu.memory_space<vmem>>, %arg11: memref<128xi32, #tpu.memory_space<vmem>>, %arg12: memref<128xi32, #tpu.memory_space<vmem>>, %arg13: memref<128xi32, #tpu.memory_space<vmem>>, %arg14: memref<128xi32, #tpu.memory_space<vmem>>, %arg15: memref<128xi32, #tpu.memory_space<vmem>>, %arg16: memref<128xi32, #tpu.memory_space<vmem>>, %arg17: memref<128xi32, #tpu.memory_space<vmem>>, %arg18: memref<128xi32, #tpu.memory_space<vmem>>, %arg19: memref<128xi32, #tpu.memory_space<vmem>>, %arg20: memref<128xi32, #tpu.memory_space<vmem>>, %arg21: memref<128xi32, #tpu.memory_space<vmem>>, %arg22: memref<128xi32, #tpu.memory_space<vmem>>, %arg23: memref<128xi32, #tpu.memory_space<vmem>>, %arg24: memref<!tpu.dma_semaphore, #tpu.memory_space<semaphore_mem>>, %arg25: memref<!tpu.dma_semaphore, #tpu.memory_space<semaphore_mem>>) attributes {dimension_semantics = [#tpu.dimension_semantics<core_parallel>, #tpu.dimension_semantics<subcore_parallel>], iteration_bounds = array<i64: 2, 16>, scalar_prefetch = 0 : i64, scratch_operands = 20 : i64, tpu.core_type = #tpu.core_type<sc_vector_subcore>, window_params = [{transform_indices = #map}, {transform_indices = #map}, {transform_indices = #map}, {transform_indices = #map1}]} {
    %mul3A = arith.constant 6272 : i32
    %mul3A_0 = arith.muli %arg1, %mul3A : i32
    "tpu.region"() ({
      %run_scoped3A = tpu.sem_alloc : memref<!tpu.dma_semaphore, #tpu.memory_space<semaphore_mem>>
      %dma_start3A_46 = tpu.memref_slice %arg6[%mul3A_0] : memref<100352xf32, #tpu.memory_space<vmem_shared>> -> memref<6272xf32, #tpu.memory_space<vmem_shared>>
      %dma_start3A_47 = tpu.memref_slice %arg3[%mul3A_0] : memref<100352xf32, #tpu.memory_space<hbm>> -> memref<6272xf32, #tpu.memory_space<hbm>>
      tpu.enqueue_dma source(%dma_start3A_47 : memref<6272xf32, #tpu.memory_space<hbm>>) target(%dma_start3A_46 : memref<6272xf32, #tpu.memory_space<vmem_shared>>) target_semaphore(%run_scoped3A : memref<!tpu.dma_semaphore, #tpu.memory_space<semaphore_mem>>)
      %dma_wait3A = tpu.memref_slice %arg6[%mul3A_0] : memref<100352xf32, #tpu.memory_space<vmem_shared>> -> memref<6272xf32, #tpu.memory_space<vmem_shared>>
      %dma_wait3A_48 = tpu.memref_slice %arg3[%mul3A_0] : memref<100352xf32, #tpu.memory_space<hbm>> -> memref<6272xf32, #tpu.memory_space<hbm>>
      tpu.wait_dma2 semaphore(%run_scoped3A : memref<!tpu.dma_semaphore, #tpu.memory_space<semaphore_mem>>) src(%dma_wait3A_48 : memref<6272xf32, #tpu.memory_space<hbm>>) dst(%dma_wait3A : memref<6272xf32, #tpu.memory_space<vmem_shared>>)
      tpu.yield
    }) : () -> ()
    "tpu.region"() ({
      %run_scoped3A = tpu.sem_alloc : memref<!tpu.dma_semaphore, #tpu.memory_space<semaphore_mem>>
      tpu.enqueue_dma source(%arg4 : memref<128xf32, #tpu.memory_space<hbm>>) target(%arg7 : memref<128xf32, #tpu.memory_space<vmem>>) target_semaphore(%run_scoped3A : memref<!tpu.dma_semaphore, #tpu.memory_space<semaphore_mem>>)
      tpu.wait_dma2 semaphore(%run_scoped3A : memref<!tpu.dma_semaphore, #tpu.memory_space<semaphore_mem>>) src(%arg4 : memref<128xf32, #tpu.memory_space<hbm>>) dst(%arg7 : memref<128xf32, #tpu.memory_space<vmem>>)
      tpu.yield
    }) : () -> ()
    %barrier3A = arith.constant 0 : index
    tpu.barrier barrier_id(%barrier3A)
    %mul3A_1 = arith.constant 16 : i32
    %mul3A_2 = arith.muli %arg0, %mul3A_1 : i32
    %add3A = arith.addi %mul3A_2, %arg1 : i32
    %mul3A_3 = arith.constant 1568 : i32
    %mul3A_4 = arith.muli %add3A, %mul3A_3 : i32
    %mul3A_5 = arith.constant 128 : i32
    %mul3A_6 = arith.muli %mul3A_4, %mul3A_5 : i32
    %add3A_7 = arith.constant 0 : i32
    %add3A_8 = arith.addi %mul3A_6, %add3A_7 : i32
    %add3A_9 = arith.constant 0 : i32
    %add3A_10 = arith.addi %add3A_8, %add3A_9 : i32
    %dma_start3A = tpu.memref_slice %arg2[%add3A_10] : memref<6422528xi32, #tpu.memory_space<hbm>> -> memref<128xi32, #tpu.memory_space<hbm>>
    %dma_start3A_11 = tpu.memref_slice %arg2[%add3A_10] : memref<6422528xi32, #tpu.memory_space<hbm>> -> memref<128xi32, #tpu.memory_space<hbm>>
    tpu.enqueue_dma source(%dma_start3A_11 : memref<128xi32, #tpu.memory_space<hbm>>) target(%arg8 : memref<128xi32, #tpu.memory_space<vmem>>) target_semaphore(%arg24 : memref<!tpu.dma_semaphore, #tpu.memory_space<semaphore_mem>>)
    %add3A_12 = arith.constant 128 : i32
    %add3A_13 = arith.addi %add3A_8, %add3A_12 : i32
    %dma_start3A_14 = tpu.memref_slice %arg2[%add3A_13] : memref<6422528xi32, #tpu.memory_space<hbm>> -> memref<128xi32, #tpu.memory_space<hbm>>
    %dma_start3A_15 = tpu.memref_slice %arg2[%add3A_13] : memref<6422528xi32, #tpu.memory_space<hbm>> -> memref<128xi32, #tpu.memory_space<hbm>>
    tpu.enqueue_dma source(%dma_start3A_15 : memref<128xi32, #tpu.memory_space<hbm>>) target(%arg9 : memref<128xi32, #tpu.memory_space<vmem>>) target_semaphore(%arg24 : memref<!tpu.dma_semaphore, #tpu.memory_space<semaphore_mem>>)
    %add3A_16 = arith.constant 256 : i32
    %add3A_17 = arith.addi %add3A_8, %add3A_16 : i32
    %dma_start3A_18 = tpu.memref_slice %arg2[%add3A_17] : memref<6422528xi32, #tpu.memory_space<hbm>> -> memref<128xi32, #tpu.memory_space<hbm>>
    %dma_start3A_19 = tpu.memref_slice %arg2[%add3A_17] : memref<6422528xi32, #tpu.memory_space<hbm>> -> memref<128xi32, #tpu.memory_space<hbm>>
    tpu.enqueue_dma source(%dma_start3A_19 : memref<128xi32, #tpu.memory_space<hbm>>) target(%arg10 : memref<128xi32, #tpu.memory_space<vmem>>) target_semaphore(%arg24 : memref<!tpu.dma_semaphore, #tpu.memory_space<semaphore_mem>>)
    %add3A_20 = arith.constant 384 : i32
    %add3A_21 = arith.addi %add3A_8, %add3A_20 : i32
    %dma_start3A_22 = tpu.memref_slice %arg2[%add3A_21] : memref<6422528xi32, #tpu.memory_space<hbm>> -> memref<128xi32, #tpu.memory_space<hbm>>
    %dma_start3A_23 = tpu.memref_slice %arg2[%add3A_21] : memref<6422528xi32, #tpu.memory_space<hbm>> -> memref<128xi32, #tpu.memory_space<hbm>>
    tpu.enqueue_dma source(%dma_start3A_23 : memref<128xi32, #tpu.memory_space<hbm>>) target(%arg11 : memref<128xi32, #tpu.memory_space<vmem>>) target_semaphore(%arg24 : memref<!tpu.dma_semaphore, #tpu.memory_space<semaphore_mem>>)
    %add3A_24 = arith.constant 512 : i32
    %add3A_25 = arith.addi %add3A_8, %add3A_24 : i32
    %dma_start3A_26 = tpu.memref_slice %arg2[%add3A_25] : memref<6422528xi32, #tpu.memory_space<hbm>> -> memref<128xi32, #tpu.memory_space<hbm>>
    %dma_start3A_27 = tpu.memref_slice %arg2[%add3A_25] : memref<6422528xi32, #tpu.memory_space<hbm>> -> memref<128xi32, #tpu.memory_space<hbm>>
    tpu.enqueue_dma source(%dma_start3A_27 : memref<128xi32, #tpu.memory_space<hbm>>) target(%arg12 : memref<128xi32, #tpu.memory_space<vmem>>) target_semaphore(%arg24 : memref<!tpu.dma_semaphore, #tpu.memory_space<semaphore_mem>>)
    %add3A_28 = arith.constant 640 : i32
    %add3A_29 = arith.addi %add3A_8, %add3A_28 : i32
    %dma_start3A_30 = tpu.memref_slice %arg2[%add3A_29] : memref<6422528xi32, #tpu.memory_space<hbm>> -> memref<128xi32, #tpu.memory_space<hbm>>
    %dma_start3A_31 = tpu.memref_slice %arg2[%add3A_29] : memref<6422528xi32, #tpu.memory_space<hbm>> -> memref<128xi32, #tpu.memory_space<hbm>>
    tpu.enqueue_dma source(%dma_start3A_31 : memref<128xi32, #tpu.memory_space<hbm>>) target(%arg13 : memref<128xi32, #tpu.memory_space<vmem>>) target_semaphore(%arg24 : memref<!tpu.dma_semaphore, #tpu.memory_space<semaphore_mem>>)
    %add3A_32 = arith.constant 768 : i32
    %add3A_33 = arith.addi %add3A_8, %add3A_32 : i32
    %dma_start3A_34 = tpu.memref_slice %arg2[%add3A_33] : memref<6422528xi32, #tpu.memory_space<hbm>> -> memref<128xi32, #tpu.memory_space<hbm>>
    %dma_start3A_35 = tpu.memref_slice %arg2[%add3A_33] : memref<6422528xi32, #tpu.memory_space<hbm>> -> memref<128xi32, #tpu.memory_space<hbm>>
    tpu.enqueue_dma source(%dma_start3A_35 : memref<128xi32, #tpu.memory_space<hbm>>) target(%arg14 : memref<128xi32, #tpu.memory_space<vmem>>) target_semaphore(%arg24 : memref<!tpu.dma_semaphore, #tpu.memory_space<semaphore_mem>>)
    %add3A_36 = arith.constant 896 : i32
    %add3A_37 = arith.addi %add3A_8, %add3A_36 : i32
    %dma_start3A_38 = tpu.memref_slice %arg2[%add3A_37] : memref<6422528xi32, #tpu.memory_space<hbm>> -> memref<128xi32, #tpu.memory_space<hbm>>
    %dma_start3A_39 = tpu.memref_slice %arg2[%add3A_37] : memref<6422528xi32, #tpu.memory_space<hbm>> -> memref<128xi32, #tpu.memory_space<hbm>>
    tpu.enqueue_dma source(%dma_start3A_39 : memref<128xi32, #tpu.memory_space<hbm>>) target(%arg15 : memref<128xi32, #tpu.memory_space<vmem>>) target_semaphore(%arg24 : memref<!tpu.dma_semaphore, #tpu.memory_space<semaphore_mem>>)
    %scan3A = arith.constant 0 : i32
    %scan3A_40 = arith.constant 0 : i32
    %scan3A_41 = arith.constant 98 : i32
    %scan3A_42 = arith.addi %scan3A_40, %scan3A_41 : i32
    %scan3A_43 = arith.constant 1 : i32
    scf.for %scan3A_46 = %scan3A_40 to %scan3A_42 step %scan3A_43  : i32 {
      %mul3A_47 = arith.constant 2 : i32
      %mul3A_48 = arith.muli %scan3A_46, %mul3A_47 : i32
      %dma_wait3A = arith.constant 0 : i32
      %dma_wait3A_49 = tpu.memref_slice %arg2[%dma_wait3A] : memref<6422528xi32, #tpu.memory_space<hbm>> -> memref<128xi32, #tpu.memory_space<hbm>>
      %dma_wait3A_50 = arith.constant 0 : i32
      %dma_wait3A_51 = tpu.memref_slice %arg2[%dma_wait3A_50] : memref<6422528xi32, #tpu.memory_space<hbm>> -> memref<128xi32, #tpu.memory_space<hbm>>
      tpu.wait_dma2 semaphore(%arg24 : memref<!tpu.dma_semaphore, #tpu.memory_space<semaphore_mem>>) src(%dma_wait3A_51 : memref<128xi32, #tpu.memory_space<hbm>>) dst(%arg8 : memref<128xi32, #tpu.memory_space<vmem>>)
      %dma_wait3A_52 = arith.constant 0 : i32
      %dma_wait3A_53 = tpu.memref_slice %arg2[%dma_wait3A_52] : memref<6422528xi32, #tpu.memory_space<hbm>> -> memref<128xi32, #tpu.memory_space<hbm>>
      %dma_wait3A_54 = arith.constant 0 : i32
      %dma_wait3A_55 = tpu.memref_slice %arg2[%dma_wait3A_54] : memref<6422528xi32, #tpu.memory_space<hbm>> -> memref<128xi32, #tpu.memory_space<hbm>>
      tpu.wait_dma2 semaphore(%arg24 : memref<!tpu.dma_semaphore, #tpu.memory_space<semaphore_mem>>) src(%dma_wait3A_55 : memref<128xi32, #tpu.memory_space<hbm>>) dst(%arg9 : memref<128xi32, #tpu.memory_space<vmem>>)
      %dma_wait3A_56 = arith.constant 0 : i32
      %dma_wait3A_57 = tpu.memref_slice %arg2[%dma_wait3A_56] : memref<6422528xi32, #tpu.memory_space<hbm>> -> memref<128xi32, #tpu.memory_space<hbm>>
      %dma_wait3A_58 = arith.constant 0 : i32
      %dma_wait3A_59 = tpu.memref_slice %arg2[%dma_wait3A_58] : memref<6422528xi32, #tpu.memory_space<hbm>> -> memref<128xi32, #tpu.memory_space<hbm>>
      tpu.wait_dma2 semaphore(%arg24 : memref<!tpu.dma_semaphore, #tpu.memory_space<semaphore_mem>>) src(%dma_wait3A_59 : memref<128xi32, #tpu.memory_space<hbm>>) dst(%arg10 : memref<128xi32, #tpu.memory_space<vmem>>)
      %dma_wait3A_60 = arith.constant 0 : i32
      %dma_wait3A_61 = tpu.memref_slice %arg2[%dma_wait3A_60] : memref<6422528xi32, #tpu.memory_space<hbm>> -> memref<128xi32, #tpu.memory_space<hbm>>
      %dma_wait3A_62 = arith.constant 0 : i32
      %dma_wait3A_63 = tpu.memref_slice %arg2[%dma_wait3A_62] : memref<6422528xi32, #tpu.memory_space<hbm>> -> memref<128xi32, #tpu.memory_space<hbm>>
      tpu.wait_dma2 semaphore(%arg24 : memref<!tpu.dma_semaphore, #tpu.memory_space<semaphore_mem>>) src(%dma_wait3A_63 : memref<128xi32, #tpu.memory_space<hbm>>) dst(%arg11 : memref<128xi32, #tpu.memory_space<vmem>>)
      %dma_wait3A_64 = arith.constant 0 : i32
      %dma_wait3A_65 = tpu.memref_slice %arg2[%dma_wait3A_64] : memref<6422528xi32, #tpu.memory_space<hbm>> -> memref<128xi32, #tpu.memory_space<hbm>>
      %dma_wait3A_66 = arith.constant 0 : i32
      %dma_wait3A_67 = tpu.memref_slice %arg2[%dma_wait3A_66] : memref<6422528xi32, #tpu.memory_space<hbm>> -> memref<128xi32, #tpu.memory_space<hbm>>
      tpu.wait_dma2 semaphore(%arg24 : memref<!tpu.dma_semaphore, #tpu.memory_space<semaphore_mem>>) src(%dma_wait3A_67 : memref<128xi32, #tpu.memory_space<hbm>>) dst(%arg12 : memref<128xi32, #tpu.memory_space<vmem>>)
      %dma_wait3A_68 = arith.constant 0 : i32
      %dma_wait3A_69 = tpu.memref_slice %arg2[%dma_wait3A_68] : memref<6422528xi32, #tpu.memory_space<hbm>> -> memref<128xi32, #tpu.memory_space<hbm>>
      %dma_wait3A_70 = arith.constant 0 : i32
      %dma_wait3A_71 = tpu.memref_slice %arg2[%dma_wait3A_70] : memref<6422528xi32, #tpu.memory_space<hbm>> -> memref<128xi32, #tpu.memory_space<hbm>>
      tpu.wait_dma2 semaphore(%arg24 : memref<!tpu.dma_semaphore, #tpu.memory_space<semaphore_mem>>) src(%dma_wait3A_71 : memref<128xi32, #tpu.memory_space<hbm>>) dst(%arg13 : memref<128xi32, #tpu.memory_space<vmem>>)
      %dma_wait3A_72 = arith.constant 0 : i32
      %dma_wait3A_73 = tpu.memref_slice %arg2[%dma_wait3A_72] : memref<6422528xi32, #tpu.memory_space<hbm>> -> memref<128xi32, #tpu.memory_space<hbm>>
      %dma_wait3A_74 = arith.constant 0 : i32
      %dma_wait3A_75 = tpu.memref_slice %arg2[%dma_wait3A_74] : memref<6422528xi32, #tpu.memory_space<hbm>> -> memref<128xi32, #tpu.memory_space<hbm>>
      tpu.wait_dma2 semaphore(%arg24 : memref<!tpu.dma_semaphore, #tpu.memory_space<semaphore_mem>>) src(%dma_wait3A_75 : memref<128xi32, #tpu.memory_space<hbm>>) dst(%arg14 : memref<128xi32, #tpu.memory_space<vmem>>)
      %dma_wait3A_76 = arith.constant 0 : i32
      %dma_wait3A_77 = tpu.memref_slice %arg2[%dma_wait3A_76] : memref<6422528xi32, #tpu.memory_space<hbm>> -> memref<128xi32, #tpu.memory_space<hbm>>
      %dma_wait3A_78 = arith.constant 0 : i32
      %dma_wait3A_79 = tpu.memref_slice %arg2[%dma_wait3A_78] : memref<6422528xi32, #tpu.memory_space<hbm>> -> memref<128xi32, #tpu.memory_space<hbm>>
      tpu.wait_dma2 semaphore(%arg24 : memref<!tpu.dma_semaphore, #tpu.memory_space<semaphore_mem>>) src(%dma_wait3A_79 : memref<128xi32, #tpu.memory_space<hbm>>) dst(%arg15 : memref<128xi32, #tpu.memory_space<vmem>>)
      %add3A_80 = arith.constant 1 : i32
      %add3A_81 = arith.addi %mul3A_48, %add3A_80 : i32
      %mul3A_82 = arith.constant 1024 : i32
      %mul3A_83 = arith.muli %add3A_81, %mul3A_82 : i32
      %add3A_84 = arith.addi %mul3A_6, %mul3A_83 : i32
      %add3A_85 = arith.constant 0 : i32
      %add3A_86 = arith.addi %add3A_84, %add3A_85 : i32
      %dma_start3A_87 = tpu.memref_slice %arg2[%add3A_86] : memref<6422528xi32, #tpu.memory_space<hbm>> -> memref<128xi32, #tpu.memory_space<hbm>>
      %dma_start3A_88 = tpu.memref_slice %arg2[%add3A_86] : memref<6422528xi32, #tpu.memory_space<hbm>> -> memref<128xi32, #tpu.memory_space<hbm>>
      tpu.enqueue_dma source(%dma_start3A_88 : memref<128xi32, #tpu.memory_space<hbm>>) target(%arg16 : memref<128xi32, #tpu.memory_space<vmem>>) target_semaphore(%arg24 : memref<!tpu.dma_semaphore, #tpu.memory_space<semaphore_mem>>)
      %add3A_89 = arith.constant 128 : i32
      %add3A_90 = arith.addi %add3A_84, %add3A_89 : i32
      %dma_start3A_91 = tpu.memref_slice %arg2[%add3A_90] : memref<6422528xi32, #tpu.memory_space<hbm>> -> memref<128xi32, #tpu.memory_space<hbm>>
      %dma_start3A_92 = tpu.memref_slice %arg2[%add3A_90] : memref<6422528xi32, #tpu.memory_space<hbm>> -> memref<128xi32, #tpu.memory_space<hbm>>
      tpu.enqueue_dma source(%dma_start3A_92 : memref<128xi32, #tpu.memory_space<hbm>>) target(%arg17 : memref<128xi32, #tpu.memory_space<vmem>>) target_semaphore(%arg24 : memref<!tpu.dma_semaphore, #tpu.memory_space<semaphore_mem>>)
      %add3A_93 = arith.constant 256 : i32
      %add3A_94 = arith.addi %add3A_84, %add3A_93 : i32
      %dma_start3A_95 = tpu.memref_slice %arg2[%add3A_94] : memref<6422528xi32, #tpu.memory_space<hbm>> -> memref<128xi32, #tpu.memory_space<hbm>>
      %dma_start3A_96 = tpu.memref_slice %arg2[%add3A_94] : memref<6422528xi32, #tpu.memory_space<hbm>> -> memref<128xi32, #tpu.memory_space<hbm>>
      tpu.enqueue_dma source(%dma_start3A_96 : memref<128xi32, #tpu.memory_space<hbm>>) target(%arg18 : memref<128xi32, #tpu.memory_space<vmem>>) target_semaphore(%arg24 : memref<!tpu.dma_semaphore, #tpu.memory_space<semaphore_mem>>)
      %add3A_97 = arith.constant 384 : i32
      %add3A_98 = arith.addi %add3A_84, %add3A_97 : i32
      %dma_start3A_99 = tpu.memref_slice %arg2[%add3A_98] : memref<6422528xi32, #tpu.memory_space<hbm>> -> memref<128xi32, #tpu.memory_space<hbm>>
      %dma_start3A_100 = tpu.memref_slice %arg2[%add3A_98] : memref<6422528xi32, #tpu.memory_space<hbm>> -> memref<128xi32, #tpu.memory_space<hbm>>
      tpu.enqueue_dma source(%dma_start3A_100 : memref<128xi32, #tpu.memory_space<hbm>>) target(%arg19 : memref<128xi32, #tpu.memory_space<vmem>>) target_semaphore(%arg24 : memref<!tpu.dma_semaphore, #tpu.memory_space<semaphore_mem>>)
      %add3A_101 = arith.constant 512 : i32
      %add3A_102 = arith.addi %add3A_84, %add3A_101 : i32
      %dma_start3A_103 = tpu.memref_slice %arg2[%add3A_102] : memref<6422528xi32, #tpu.memory_space<hbm>> -> memref<128xi32, #tpu.memory_space<hbm>>
      %dma_start3A_104 = tpu.memref_slice %arg2[%add3A_102] : memref<6422528xi32, #tpu.memory_space<hbm>> -> memref<128xi32, #tpu.memory_space<hbm>>
      tpu.enqueue_dma source(%dma_start3A_104 : memref<128xi32, #tpu.memory_space<hbm>>) target(%arg20 : memref<128xi32, #tpu.memory_space<vmem>>) target_semaphore(%arg24 : memref<!tpu.dma_semaphore, #tpu.memory_space<semaphore_mem>>)
      %add3A_105 = arith.constant 640 : i32
      %add3A_106 = arith.addi %add3A_84, %add3A_105 : i32
      %dma_start3A_107 = tpu.memref_slice %arg2[%add3A_106] : memref<6422528xi32, #tpu.memory_space<hbm>> -> memref<128xi32, #tpu.memory_space<hbm>>
      %dma_start3A_108 = tpu.memref_slice %arg2[%add3A_106] : memref<6422528xi32, #tpu.memory_space<hbm>> -> memref<128xi32, #tpu.memory_space<hbm>>
      tpu.enqueue_dma source(%dma_start3A_108 : memref<128xi32, #tpu.memory_space<hbm>>) target(%arg21 : memref<128xi32, #tpu.memory_space<vmem>>) target_semaphore(%arg24 : memref<!tpu.dma_semaphore, #tpu.memory_space<semaphore_mem>>)
      %add3A_109 = arith.constant 768 : i32
      %add3A_110 = arith.addi %add3A_84, %add3A_109 : i32
      %dma_start3A_111 = tpu.memref_slice %arg2[%add3A_110] : memref<6422528xi32, #tpu.memory_space<hbm>> -> memref<128xi32, #tpu.memory_space<hbm>>
      %dma_start3A_112 = tpu.memref_slice %arg2[%add3A_110] : memref<6422528xi32, #tpu.memory_space<hbm>> -> memref<128xi32, #tpu.memory_space<hbm>>
      tpu.enqueue_dma source(%dma_start3A_112 : memref<128xi32, #tpu.memory_space<hbm>>) target(%arg22 : memref<128xi32, #tpu.memory_space<vmem>>) target_semaphore(%arg24 : memref<!tpu.dma_semaphore, #tpu.memory_space<semaphore_mem>>)
      %add3A_113 = arith.constant 896 : i32
      %add3A_114 = arith.addi %add3A_84, %add3A_113 : i32
      %dma_start3A_115 = tpu.memref_slice %arg2[%add3A_114] : memref<6422528xi32, #tpu.memory_space<hbm>> -> memref<128xi32, #tpu.memory_space<hbm>>
      %dma_start3A_116 = tpu.memref_slice %arg2[%add3A_114] : memref<6422528xi32, #tpu.memory_space<hbm>> -> memref<128xi32, #tpu.memory_space<hbm>>
      tpu.enqueue_dma source(%dma_start3A_116 : memref<128xi32, #tpu.memory_space<hbm>>) target(%arg23 : memref<128xi32, #tpu.memory_space<vmem>>) target_semaphore(%arg24 : memref<!tpu.dma_semaphore, #tpu.memory_space<semaphore_mem>>)
      %dma_start3A_117 = arith.constant 0 : i32
      %dma_start3A_118 = tpu.memref_slice %arg6[%dma_start3A_117] : memref<100352xf32, #tpu.memory_space<vmem_shared>> -> memref<100352xf32, #tpu.memory_space<vmem_shared>>
      tpu.enqueue_indirect_dma source(%arg7 : memref<128xf32, #tpu.memory_space<vmem>>) target(%dma_start3A_118 : memref<100352xf32, #tpu.memory_space<vmem_shared>>) offsets(%arg8 : memref<128xi32, #tpu.memory_space<vmem>>) semaphore(%arg25 : memref<!tpu.dma_semaphore, #tpu.memory_space<semaphore_mem>>) {add = true}
      %dma_start3A_119 = arith.constant 0 : i32
      %dma_start3A_120 = tpu.memref_slice %arg6[%dma_start3A_119] : memref<100352xf32, #tpu.memory_space<vmem_shared>> -> memref<100352xf32, #tpu.memory_space<vmem_shared>>
      tpu.enqueue_indirect_dma source(%arg7 : memref<128xf32, #tpu.memory_space<vmem>>) target(%dma_start3A_120 : memref<100352xf32, #tpu.memory_space<vmem_shared>>) offsets(%arg9 : memref<128xi32, #tpu.memory_space<vmem>>) semaphore(%arg25 : memref<!tpu.dma_semaphore, #tpu.memory_space<semaphore_mem>>) {add = true}
      %dma_start3A_121 = arith.constant 0 : i32
      %dma_start3A_122 = tpu.memref_slice %arg6[%dma_start3A_121] : memref<100352xf32, #tpu.memory_space<vmem_shared>> -> memref<100352xf32, #tpu.memory_space<vmem_shared>>
      tpu.enqueue_indirect_dma source(%arg7 : memref<128xf32, #tpu.memory_space<vmem>>) target(%dma_start3A_122 : memref<100352xf32, #tpu.memory_space<vmem_shared>>) offsets(%arg10 : memref<128xi32, #tpu.memory_space<vmem>>) semaphore(%arg25 : memref<!tpu.dma_semaphore, #tpu.memory_space<semaphore_mem>>) {add = true}
      %dma_start3A_123 = arith.constant 0 : i32
      %dma_start3A_124 = tpu.memref_slice %arg6[%dma_start3A_123] : memref<100352xf32, #tpu.memory_space<vmem_shared>> -> memref<100352xf32, #tpu.memory_space<vmem_shared>>
      tpu.enqueue_indirect_dma source(%arg7 : memref<128xf32, #tpu.memory_space<vmem>>) target(%dma_start3A_124 : memref<100352xf32, #tpu.memory_space<vmem_shared>>) offsets(%arg11 : memref<128xi32, #tpu.memory_space<vmem>>) semaphore(%arg25 : memref<!tpu.dma_semaphore, #tpu.memory_space<semaphore_mem>>) {add = true}
      %dma_start3A_125 = arith.constant 0 : i32
      %dma_start3A_126 = tpu.memref_slice %arg6[%dma_start3A_125] : memref<100352xf32, #tpu.memory_space<vmem_shared>> -> memref<100352xf32, #tpu.memory_space<vmem_shared>>
      tpu.enqueue_indirect_dma source(%arg7 : memref<128xf32, #tpu.memory_space<vmem>>) target(%dma_start3A_126 : memref<100352xf32, #tpu.memory_space<vmem_shared>>) offsets(%arg12 : memref<128xi32, #tpu.memory_space<vmem>>) semaphore(%arg25 : memref<!tpu.dma_semaphore, #tpu.memory_space<semaphore_mem>>) {add = true}
      %dma_start3A_127 = arith.constant 0 : i32
      %dma_start3A_128 = tpu.memref_slice %arg6[%dma_start3A_127] : memref<100352xf32, #tpu.memory_space<vmem_shared>> -> memref<100352xf32, #tpu.memory_space<vmem_shared>>
      tpu.enqueue_indirect_dma source(%arg7 : memref<128xf32, #tpu.memory_space<vmem>>) target(%dma_start3A_128 : memref<100352xf32, #tpu.memory_space<vmem_shared>>) offsets(%arg13 : memref<128xi32, #tpu.memory_space<vmem>>) semaphore(%arg25 : memref<!tpu.dma_semaphore, #tpu.memory_space<semaphore_mem>>) {add = true}
      %dma_start3A_129 = arith.constant 0 : i32
      %dma_start3A_130 = tpu.memref_slice %arg6[%dma_start3A_129] : memref<100352xf32, #tpu.memory_space<vmem_shared>> -> memref<100352xf32, #tpu.memory_space<vmem_shared>>
      tpu.enqueue_indirect_dma source(%arg7 : memref<128xf32, #tpu.memory_space<vmem>>) target(%dma_start3A_130 : memref<100352xf32, #tpu.memory_space<vmem_shared>>) offsets(%arg14 : memref<128xi32, #tpu.memory_space<vmem>>) semaphore(%arg25 : memref<!tpu.dma_semaphore, #tpu.memory_space<semaphore_mem>>) {add = true}
      %dma_start3A_131 = arith.constant 0 : i32
      %dma_start3A_132 = tpu.memref_slice %arg6[%dma_start3A_131] : memref<100352xf32, #tpu.memory_space<vmem_shared>> -> memref<100352xf32, #tpu.memory_space<vmem_shared>>
      tpu.enqueue_indirect_dma source(%arg7 : memref<128xf32, #tpu.memory_space<vmem>>) target(%dma_start3A_132 : memref<100352xf32, #tpu.memory_space<vmem_shared>>) offsets(%arg15 : memref<128xi32, #tpu.memory_space<vmem>>) semaphore(%arg25 : memref<!tpu.dma_semaphore, #tpu.memory_space<semaphore_mem>>) {add = true}
      %dma_wait3A_133 = arith.constant 0 : i32
      %dma_wait3A_134 = tpu.memref_slice %arg2[%dma_wait3A_133] : memref<6422528xi32, #tpu.memory_space<hbm>> -> memref<128xi32, #tpu.memory_space<hbm>>
      %dma_wait3A_135 = arith.constant 0 : i32
      %dma_wait3A_136 = tpu.memref_slice %arg2[%dma_wait3A_135] : memref<6422528xi32, #tpu.memory_space<hbm>> -> memref<128xi32, #tpu.memory_space<hbm>>
      tpu.wait_dma2 semaphore(%arg24 : memref<!tpu.dma_semaphore, #tpu.memory_space<semaphore_mem>>) src(%dma_wait3A_136 : memref<128xi32, #tpu.memory_space<hbm>>) dst(%arg16 : memref<128xi32, #tpu.memory_space<vmem>>)
      %dma_wait3A_137 = arith.constant 0 : i32
      %dma_wait3A_138 = tpu.memref_slice %arg2[%dma_wait3A_137] : memref<6422528xi32, #tpu.memory_space<hbm>> -> memref<128xi32, #tpu.memory_space<hbm>>
      %dma_wait3A_139 = arith.constant 0 : i32
      %dma_wait3A_140 = tpu.memref_slice %arg2[%dma_wait3A_139] : memref<6422528xi32, #tpu.memory_space<hbm>> -> memref<128xi32, #tpu.memory_space<hbm>>
      tpu.wait_dma2 semaphore(%arg24 : memref<!tpu.dma_semaphore, #tpu.memory_space<semaphore_mem>>) src(%dma_wait3A_140 : memref<128xi32, #tpu.memory_space<hbm>>) dst(%arg17 : memref<128xi32, #tpu.memory_space<vmem>>)
      %dma_wait3A_141 = arith.constant 0 : i32
      %dma_wait3A_142 = tpu.memref_slice %arg2[%dma_wait3A_141] : memref<6422528xi32, #tpu.memory_space<hbm>> -> memref<128xi32, #tpu.memory_space<hbm>>
      %dma_wait3A_143 = arith.constant 0 : i32
      %dma_wait3A_144 = tpu.memref_slice %arg2[%dma_wait3A_143] : memref<6422528xi32, #tpu.memory_space<hbm>> -> memref<128xi32, #tpu.memory_space<hbm>>
      tpu.wait_dma2 semaphore(%arg24 : memref<!tpu.dma_semaphore, #tpu.memory_space<semaphore_mem>>) src(%dma_wait3A_144 : memref<128xi32, #tpu.memory_space<hbm>>) dst(%arg18 : memref<128xi32, #tpu.memory_space<vmem>>)
      %dma_wait3A_145 = arith.constant 0 : i32
      %dma_wait3A_146 = tpu.memref_slice %arg2[%dma_wait3A_145] : memref<6422528xi32, #tpu.memory_space<hbm>> -> memref<128xi32, #tpu.memory_space<hbm>>
      %dma_wait3A_147 = arith.constant 0 : i32
      %dma_wait3A_148 = tpu.memref_slice %arg2[%dma_wait3A_147] : memref<6422528xi32, #tpu.memory_space<hbm>> -> memref<128xi32, #tpu.memory_space<hbm>>
      tpu.wait_dma2 semaphore(%arg24 : memref<!tpu.dma_semaphore, #tpu.memory_space<semaphore_mem>>) src(%dma_wait3A_148 : memref<128xi32, #tpu.memory_space<hbm>>) dst(%arg19 : memref<128xi32, #tpu.memory_space<vmem>>)
      %dma_wait3A_149 = arith.constant 0 : i32
      %dma_wait3A_150 = tpu.memref_slice %arg2[%dma_wait3A_149] : memref<6422528xi32, #tpu.memory_space<hbm>> -> memref<128xi32, #tpu.memory_space<hbm>>
      %dma_wait3A_151 = arith.constant 0 : i32
      %dma_wait3A_152 = tpu.memref_slice %arg2[%dma_wait3A_151] : memref<6422528xi32, #tpu.memory_space<hbm>> -> memref<128xi32, #tpu.memory_space<hbm>>
      tpu.wait_dma2 semaphore(%arg24 : memref<!tpu.dma_semaphore, #tpu.memory_space<semaphore_mem>>) src(%dma_wait3A_152 : memref<128xi32, #tpu.memory_space<hbm>>) dst(%arg20 : memref<128xi32, #tpu.memory_space<vmem>>)
      %dma_wait3A_153 = arith.constant 0 : i32
      %dma_wait3A_154 = tpu.memref_slice %arg2[%dma_wait3A_153] : memref<6422528xi32, #tpu.memory_space<hbm>> -> memref<128xi32, #tpu.memory_space<hbm>>
      %dma_wait3A_155 = arith.constant 0 : i32
      %dma_wait3A_156 = tpu.memref_slice %arg2[%dma_wait3A_155] : memref<6422528xi32, #tpu.memory_space<hbm>> -> memref<128xi32, #tpu.memory_space<hbm>>
      tpu.wait_dma2 semaphore(%arg24 : memref<!tpu.dma_semaphore, #tpu.memory_space<semaphore_mem>>) src(%dma_wait3A_156 : memref<128xi32, #tpu.memory_space<hbm>>) dst(%arg21 : memref<128xi32, #tpu.memory_space<vmem>>)
      %dma_wait3A_157 = arith.constant 0 : i32
      %dma_wait3A_158 = tpu.memref_slice %arg2[%dma_wait3A_157] : memref<6422528xi32, #tpu.memory_space<hbm>> -> memref<128xi32, #tpu.memory_space<hbm>>
      %dma_wait3A_159 = arith.constant 0 : i32
      %dma_wait3A_160 = tpu.memref_slice %arg2[%dma_wait3A_159] : memref<6422528xi32, #tpu.memory_space<hbm>> -> memref<128xi32, #tpu.memory_space<hbm>>
      tpu.wait_dma2 semaphore(%arg24 : memref<!tpu.dma_semaphore, #tpu.memory_space<semaphore_mem>>) src(%dma_wait3A_160 : memref<128xi32, #tpu.memory_space<hbm>>) dst(%arg22 : memref<128xi32, #tpu.memory_space<vmem>>)
      %dma_wait3A_161 = arith.constant 0 : i32
      %dma_wait3A_162 = tpu.memref_slice %arg2[%dma_wait3A_161] : memref<6422528xi32, #tpu.memory_space<hbm>> -> memref<128xi32, #tpu.memory_space<hbm>>
      %dma_wait3A_163 = arith.constant 0 : i32
      %dma_wait3A_164 = tpu.memref_slice %arg2[%dma_wait3A_163] : memref<6422528xi32, #tpu.memory_space<hbm>> -> memref<128xi32, #tpu.memory_space<hbm>>
      tpu.wait_dma2 semaphore(%arg24 : memref<!tpu.dma_semaphore, #tpu.memory_space<semaphore_mem>>) src(%dma_wait3A_164 : memref<128xi32, #tpu.memory_space<hbm>>) dst(%arg23 : memref<128xi32, #tpu.memory_space<vmem>>)
      %dma_wait3A_165 = arith.constant 0 : i32
      %dma_wait3A_166 = tpu.memref_slice %arg6[%dma_wait3A_165] : memref<100352xf32, #tpu.memory_space<vmem_shared>> -> memref<100352xf32, #tpu.memory_space<vmem_shared>>
      tpu.wait_indirect_dma semaphore(%arg25 : memref<!tpu.dma_semaphore, #tpu.memory_space<semaphore_mem>>) src(%arg7 : memref<128xf32, #tpu.memory_space<vmem>>) dst(%dma_wait3A_166 : memref<100352xf32, #tpu.memory_space<vmem_shared>>)
      %dma_wait3A_167 = arith.constant 0 : i32
      %dma_wait3A_168 = tpu.memref_slice %arg6[%dma_wait3A_167] : memref<100352xf32, #tpu.memory_space<vmem_shared>> -> memref<100352xf32, #tpu.memory_space<vmem_shared>>
      tpu.wait_indirect_dma semaphore(%arg25 : memref<!tpu.dma_semaphore, #tpu.memory_space<semaphore_mem>>) src(%arg7 : memref<128xf32, #tpu.memory_space<vmem>>) dst(%dma_wait3A_168 : memref<100352xf32, #tpu.memory_space<vmem_shared>>)
      %dma_wait3A_169 = arith.constant 0 : i32
      %dma_wait3A_170 = tpu.memref_slice %arg6[%dma_wait3A_169] : memref<100352xf32, #tpu.memory_space<vmem_shared>> -> memref<100352xf32, #tpu.memory_space<vmem_shared>>
      tpu.wait_indirect_dma semaphore(%arg25 : memref<!tpu.dma_semaphore, #tpu.memory_space<semaphore_mem>>) src(%arg7 : memref<128xf32, #tpu.memory_space<vmem>>) dst(%dma_wait3A_170 : memref<100352xf32, #tpu.memory_space<vmem_shared>>)
      %dma_wait3A_171 = arith.constant 0 : i32
      %dma_wait3A_172 = tpu.memref_slice %arg6[%dma_wait3A_171] : memref<100352xf32, #tpu.memory_space<vmem_shared>> -> memref<100352xf32, #tpu.memory_space<vmem_shared>>
      tpu.wait_indirect_dma semaphore(%arg25 : memref<!tpu.dma_semaphore, #tpu.memory_space<semaphore_mem>>) src(%arg7 : memref<128xf32, #tpu.memory_space<vmem>>) dst(%dma_wait3A_172 : memref<100352xf32, #tpu.memory_space<vmem_shared>>)
      %dma_wait3A_173 = arith.constant 0 : i32
      %dma_wait3A_174 = tpu.memref_slice %arg6[%dma_wait3A_173] : memref<100352xf32, #tpu.memory_space<vmem_shared>> -> memref<100352xf32, #tpu.memory_space<vmem_shared>>
      tpu.wait_indirect_dma semaphore(%arg25 : memref<!tpu.dma_semaphore, #tpu.memory_space<semaphore_mem>>) src(%arg7 : memref<128xf32, #tpu.memory_space<vmem>>) dst(%dma_wait3A_174 : memref<100352xf32, #tpu.memory_space<vmem_shared>>)
      %dma_wait3A_175 = arith.constant 0 : i32
      %dma_wait3A_176 = tpu.memref_slice %arg6[%dma_wait3A_175] : memref<100352xf32, #tpu.memory_space<vmem_shared>> -> memref<100352xf32, #tpu.memory_space<vmem_shared>>
      tpu.wait_indirect_dma semaphore(%arg25 : memref<!tpu.dma_semaphore, #tpu.memory_space<semaphore_mem>>) src(%arg7 : memref<128xf32, #tpu.memory_space<vmem>>) dst(%dma_wait3A_176 : memref<100352xf32, #tpu.memory_space<vmem_shared>>)
      %dma_wait3A_177 = arith.constant 0 : i32
      %dma_wait3A_178 = tpu.memref_slice %arg6[%dma_wait3A_177] : memref<100352xf32, #tpu.memory_space<vmem_shared>> -> memref<100352xf32, #tpu.memory_space<vmem_shared>>
      tpu.wait_indirect_dma semaphore(%arg25 : memref<!tpu.dma_semaphore, #tpu.memory_space<semaphore_mem>>) src(%arg7 : memref<128xf32, #tpu.memory_space<vmem>>) dst(%dma_wait3A_178 : memref<100352xf32, #tpu.memory_space<vmem_shared>>)
      %dma_wait3A_179 = arith.constant 0 : i32
      %dma_wait3A_180 = tpu.memref_slice %arg6[%dma_wait3A_179] : memref<100352xf32, #tpu.memory_space<vmem_shared>> -> memref<100352xf32, #tpu.memory_space<vmem_shared>>
      tpu.wait_indirect_dma semaphore(%arg25 : memref<!tpu.dma_semaphore, #tpu.memory_space<semaphore_mem>>) src(%arg7 : memref<128xf32, #tpu.memory_space<vmem>>) dst(%dma_wait3A_180 : memref<100352xf32, #tpu.memory_space<vmem_shared>>)
      %add3A_181 = arith.constant 2 : i32
      %add3A_182 = arith.addi %mul3A_48, %add3A_181 : i32
      %lt3A = arith.constant 196 : i32
      %lt3A_183 = arith.cmpi slt, %add3A_182, %lt3A : i32
      %convert_element_type3A = arith.extui %lt3A_183 : i1 to i32
      %cond3A = arith.constant 0 : i32
      %cond3A_184 = arith.cmpi ne, %convert_element_type3A, %cond3A : i32
      scf.if %cond3A_184 {
        %add3A_217 = arith.constant 2 : i32
        %add3A_218 = arith.addi %mul3A_48, %add3A_217 : i32
        %mul3A_219 = arith.constant 1024 : i32
        %mul3A_220 = arith.muli %add3A_218, %mul3A_219 : i32
        %add3A_221 = arith.addi %mul3A_6, %mul3A_220 : i32
        %add3A_222 = arith.constant 0 : i32
        %add3A_223 = arith.addi %add3A_221, %add3A_222 : i32
        %dma_start3A_224 = tpu.memref_slice %arg2[%add3A_223] : memref<6422528xi32, #tpu.memory_space<hbm>> -> memref<128xi32, #tpu.memory_space<hbm>>
        %dma_start3A_225 = tpu.memref_slice %arg2[%add3A_223] : memref<6422528xi32, #tpu.memory_space<hbm>> -> memref<128xi32, #tpu.memory_space<hbm>>
        tpu.enqueue_dma source(%dma_start3A_225 : memref<128xi32, #tpu.memory_space<hbm>>) target(%arg8 : memref<128xi32, #tpu.memory_space<vmem>>) target_semaphore(%arg24 : memref<!tpu.dma_semaphore, #tpu.memory_space<semaphore_mem>>)
        %add3A_226 = arith.constant 128 : i32
        %add3A_227 = arith.addi %add3A_221, %add3A_226 : i32
        %dma_start3A_228 = tpu.memref_slice %arg2[%add3A_227] : memref<6422528xi32, #tpu.memory_space<hbm>> -> memref<128xi32, #tpu.memory_space<hbm>>
        %dma_start3A_229 = tpu.memref_slice %arg2[%add3A_227] : memref<6422528xi32, #tpu.memory_space<hbm>> -> memref<128xi32, #tpu.memory_space<hbm>>
        tpu.enqueue_dma source(%dma_start3A_229 : memref<128xi32, #tpu.memory_space<hbm>>) target(%arg9 : memref<128xi32, #tpu.memory_space<vmem>>) target_semaphore(%arg24 : memref<!tpu.dma_semaphore, #tpu.memory_space<semaphore_mem>>)
        %add3A_230 = arith.constant 256 : i32
        %add3A_231 = arith.addi %add3A_221, %add3A_230 : i32
        %dma_start3A_232 = tpu.memref_slice %arg2[%add3A_231] : memref<6422528xi32, #tpu.memory_space<hbm>> -> memref<128xi32, #tpu.memory_space<hbm>>
        %dma_start3A_233 = tpu.memref_slice %arg2[%add3A_231] : memref<6422528xi32, #tpu.memory_space<hbm>> -> memref<128xi32, #tpu.memory_space<hbm>>
        tpu.enqueue_dma source(%dma_start3A_233 : memref<128xi32, #tpu.memory_space<hbm>>) target(%arg10 : memref<128xi32, #tpu.memory_space<vmem>>) target_semaphore(%arg24 : memref<!tpu.dma_semaphore, #tpu.memory_space<semaphore_mem>>)
        %add3A_234 = arith.constant 384 : i32
        %add3A_235 = arith.addi %add3A_221, %add3A_234 : i32
        %dma_start3A_236 = tpu.memref_slice %arg2[%add3A_235] : memref<6422528xi32, #tpu.memory_space<hbm>> -> memref<128xi32, #tpu.memory_space<hbm>>
        %dma_start3A_237 = tpu.memref_slice %arg2[%add3A_235] : memref<6422528xi32, #tpu.memory_space<hbm>> -> memref<128xi32, #tpu.memory_space<hbm>>
        tpu.enqueue_dma source(%dma_start3A_237 : memref<128xi32, #tpu.memory_space<hbm>>) target(%arg11 : memref<128xi32, #tpu.memory_space<vmem>>) target_semaphore(%arg24 : memref<!tpu.dma_semaphore, #tpu.memory_space<semaphore_mem>>)
        %add3A_238 = arith.constant 512 : i32
        %add3A_239 = arith.addi %add3A_221, %add3A_238 : i32
        %dma_start3A_240 = tpu.memref_slice %arg2[%add3A_239] : memref<6422528xi32, #tpu.memory_space<hbm>> -> memref<128xi32, #tpu.memory_space<hbm>>
        %dma_start3A_241 = tpu.memref_slice %arg2[%add3A_239] : memref<6422528xi32, #tpu.memory_space<hbm>> -> memref<128xi32, #tpu.memory_space<hbm>>
        tpu.enqueue_dma source(%dma_start3A_241 : memref<128xi32, #tpu.memory_space<hbm>>) target(%arg12 : memref<128xi32, #tpu.memory_space<vmem>>) target_semaphore(%arg24 : memref<!tpu.dma_semaphore, #tpu.memory_space<semaphore_mem>>)
        %add3A_242 = arith.constant 640 : i32
        %add3A_243 = arith.addi %add3A_221, %add3A_242 : i32
        %dma_start3A_244 = tpu.memref_slice %arg2[%add3A_243] : memref<6422528xi32, #tpu.memory_space<hbm>> -> memref<128xi32, #tpu.memory_space<hbm>>
        %dma_start3A_245 = tpu.memref_slice %arg2[%add3A_243] : memref<6422528xi32, #tpu.memory_space<hbm>> -> memref<128xi32, #tpu.memory_space<hbm>>
        tpu.enqueue_dma source(%dma_start3A_245 : memref<128xi32, #tpu.memory_space<hbm>>) target(%arg13 : memref<128xi32, #tpu.memory_space<vmem>>) target_semaphore(%arg24 : memref<!tpu.dma_semaphore, #tpu.memory_space<semaphore_mem>>)
        %add3A_246 = arith.constant 768 : i32
        %add3A_247 = arith.addi %add3A_221, %add3A_246 : i32
        %dma_start3A_248 = tpu.memref_slice %arg2[%add3A_247] : memref<6422528xi32, #tpu.memory_space<hbm>> -> memref<128xi32, #tpu.memory_space<hbm>>
        %dma_start3A_249 = tpu.memref_slice %arg2[%add3A_247] : memref<6422528xi32, #tpu.memory_space<hbm>> -> memref<128xi32, #tpu.memory_space<hbm>>
        tpu.enqueue_dma source(%dma_start3A_249 : memref<128xi32, #tpu.memory_space<hbm>>) target(%arg14 : memref<128xi32, #tpu.memory_space<vmem>>) target_semaphore(%arg24 : memref<!tpu.dma_semaphore, #tpu.memory_space<semaphore_mem>>)
        %add3A_250 = arith.constant 896 : i32
        %add3A_251 = arith.addi %add3A_221, %add3A_250 : i32
        %dma_start3A_252 = tpu.memref_slice %arg2[%add3A_251] : memref<6422528xi32, #tpu.memory_space<hbm>> -> memref<128xi32, #tpu.memory_space<hbm>>
        %dma_start3A_253 = tpu.memref_slice %arg2[%add3A_251] : memref<6422528xi32, #tpu.memory_space<hbm>> -> memref<128xi32, #tpu.memory_space<hbm>>
        tpu.enqueue_dma source(%dma_start3A_253 : memref<128xi32, #tpu.memory_space<hbm>>) target(%arg15 : memref<128xi32, #tpu.memory_space<vmem>>) target_semaphore(%arg24 : memref<!tpu.dma_semaphore, #tpu.memory_space<semaphore_mem>>)
      } else {
      }
      %dma_start3A_185 = arith.constant 0 : i32
      %dma_start3A_186 = tpu.memref_slice %arg6[%dma_start3A_185] : memref<100352xf32, #tpu.memory_space<vmem_shared>> -> memref<100352xf32, #tpu.memory_space<vmem_shared>>
      tpu.enqueue_indirect_dma source(%arg7 : memref<128xf32, #tpu.memory_space<vmem>>) target(%dma_start3A_186 : memref<100352xf32, #tpu.memory_space<vmem_shared>>) offsets(%arg16 : memref<128xi32, #tpu.memory_space<vmem>>) semaphore(%arg25 : memref<!tpu.dma_semaphore, #tpu.memory_space<semaphore_mem>>) {add = true}
      %dma_start3A_187 = arith.constant 0 : i32
      %dma_start3A_188 = tpu.memref_slice %arg6[%dma_start3A_187] : memref<100352xf32, #tpu.memory_space<vmem_shared>> -> memref<100352xf32, #tpu.memory_space<vmem_shared>>
      tpu.enqueue_indirect_dma source(%arg7 : memref<128xf32, #tpu.memory_space<vmem>>) target(%dma_start3A_188 : memref<100352xf32, #tpu.memory_space<vmem_shared>>) offsets(%arg17 : memref<128xi32, #tpu.memory_space<vmem>>) semaphore(%arg25 : memref<!tpu.dma_semaphore, #tpu.memory_space<semaphore_mem>>) {add = true}
      %dma_start3A_189 = arith.constant 0 : i32
      %dma_start3A_190 = tpu.memref_slice %arg6[%dma_start3A_189] : memref<100352xf32, #tpu.memory_space<vmem_shared>> -> memref<100352xf32, #tpu.memory_space<vmem_shared>>
      tpu.enqueue_indirect_dma source(%arg7 : memref<128xf32, #tpu.memory_space<vmem>>) target(%dma_start3A_190 : memref<100352xf32, #tpu.memory_space<vmem_shared>>) offsets(%arg18 : memref<128xi32, #tpu.memory_space<vmem>>) semaphore(%arg25 : memref<!tpu.dma_semaphore, #tpu.memory_space<semaphore_mem>>) {add = true}
      %dma_start3A_191 = arith.constant 0 : i32
      %dma_start3A_192 = tpu.memref_slice %arg6[%dma_start3A_191] : memref<100352xf32, #tpu.memory_space<vmem_shared>> -> memref<100352xf32, #tpu.memory_space<vmem_shared>>
      tpu.enqueue_indirect_dma source(%arg7 : memref<128xf32, #tpu.memory_space<vmem>>) target(%dma_start3A_192 : memref<100352xf32, #tpu.memory_space<vmem_shared>>) offsets(%arg19 : memref<128xi32, #tpu.memory_space<vmem>>) semaphore(%arg25 : memref<!tpu.dma_semaphore, #tpu.memory_space<semaphore_mem>>) {add = true}
      %dma_start3A_193 = arith.constant 0 : i32
      %dma_start3A_194 = tpu.memref_slice %arg6[%dma_start3A_193] : memref<100352xf32, #tpu.memory_space<vmem_shared>> -> memref<100352xf32, #tpu.memory_space<vmem_shared>>
      tpu.enqueue_indirect_dma source(%arg7 : memref<128xf32, #tpu.memory_space<vmem>>) target(%dma_start3A_194 : memref<100352xf32, #tpu.memory_space<vmem_shared>>) offsets(%arg20 : memref<128xi32, #tpu.memory_space<vmem>>) semaphore(%arg25 : memref<!tpu.dma_semaphore, #tpu.memory_space<semaphore_mem>>) {add = true}
      %dma_start3A_195 = arith.constant 0 : i32
      %dma_start3A_196 = tpu.memref_slice %arg6[%dma_start3A_195] : memref<100352xf32, #tpu.memory_space<vmem_shared>> -> memref<100352xf32, #tpu.memory_space<vmem_shared>>
      tpu.enqueue_indirect_dma source(%arg7 : memref<128xf32, #tpu.memory_space<vmem>>) target(%dma_start3A_196 : memref<100352xf32, #tpu.memory_space<vmem_shared>>) offsets(%arg21 : memref<128xi32, #tpu.memory_space<vmem>>) semaphore(%arg25 : memref<!tpu.dma_semaphore, #tpu.memory_space<semaphore_mem>>) {add = true}
      %dma_start3A_197 = arith.constant 0 : i32
      %dma_start3A_198 = tpu.memref_slice %arg6[%dma_start3A_197] : memref<100352xf32, #tpu.memory_space<vmem_shared>> -> memref<100352xf32, #tpu.memory_space<vmem_shared>>
      tpu.enqueue_indirect_dma source(%arg7 : memref<128xf32, #tpu.memory_space<vmem>>) target(%dma_start3A_198 : memref<100352xf32, #tpu.memory_space<vmem_shared>>) offsets(%arg22 : memref<128xi32, #tpu.memory_space<vmem>>) semaphore(%arg25 : memref<!tpu.dma_semaphore, #tpu.memory_space<semaphore_mem>>) {add = true}
      %dma_start3A_199 = arith.constant 0 : i32
      %dma_start3A_200 = tpu.memref_slice %arg6[%dma_start3A_199] : memref<100352xf32, #tpu.memory_space<vmem_shared>> -> memref<100352xf32, #tpu.memory_space<vmem_shared>>
      tpu.enqueue_indirect_dma source(%arg7 : memref<128xf32, #tpu.memory_space<vmem>>) target(%dma_start3A_200 : memref<100352xf32, #tpu.memory_space<vmem_shared>>) offsets(%arg23 : memref<128xi32, #tpu.memory_space<vmem>>) semaphore(%arg25 : memref<!tpu.dma_semaphore, #tpu.memory_space<semaphore_mem>>) {add = true}
      %dma_wait3A_201 = arith.constant 0 : i32
      %dma_wait3A_202 = tpu.memref_slice %arg6[%dma_wait3A_201] : memref<100352xf32, #tpu.memory_space<vmem_shared>> -> memref<100352xf32, #tpu.memory_space<vmem_shared>>
      tpu.wait_indirect_dma semaphore(%arg25 : memref<!tpu.dma_semaphore, #tpu.memory_space<semaphore_mem>>) src(%arg7 : memref<128xf32, #tpu.memory_space<vmem>>) dst(%dma_wait3A_202 : memref<100352xf32, #tpu.memory_space<vmem_shared>>)
      %dma_wait3A_203 = arith.constant 0 : i32
      %dma_wait3A_204 = tpu.memref_slice %arg6[%dma_wait3A_203] : memref<100352xf32, #tpu.memory_space<vmem_shared>> -> memref<100352xf32, #tpu.memory_space<vmem_shared>>
      tpu.wait_indirect_dma semaphore(%arg25 : memref<!tpu.dma_semaphore, #tpu.memory_space<semaphore_mem>>) src(%arg7 : memref<128xf32, #tpu.memory_space<vmem>>) dst(%dma_wait3A_204 : memref<100352xf32, #tpu.memory_space<vmem_shared>>)
      %dma_wait3A_205 = arith.constant 0 : i32
      %dma_wait3A_206 = tpu.memref_slice %arg6[%dma_wait3A_205] : memref<100352xf32, #tpu.memory_space<vmem_shared>> -> memref<100352xf32, #tpu.memory_space<vmem_shared>>
      tpu.wait_indirect_dma semaphore(%arg25 : memref<!tpu.dma_semaphore, #tpu.memory_space<semaphore_mem>>) src(%arg7 : memref<128xf32, #tpu.memory_space<vmem>>) dst(%dma_wait3A_206 : memref<100352xf32, #tpu.memory_space<vmem_shared>>)
      %dma_wait3A_207 = arith.constant 0 : i32
      %dma_wait3A_208 = tpu.memref_slice %arg6[%dma_wait3A_207] : memref<100352xf32, #tpu.memory_space<vmem_shared>> -> memref<100352xf32, #tpu.memory_space<vmem_shared>>
      tpu.wait_indirect_dma semaphore(%arg25 : memref<!tpu.dma_semaphore, #tpu.memory_space<semaphore_mem>>) src(%arg7 : memref<128xf32, #tpu.memory_space<vmem>>) dst(%dma_wait3A_208 : memref<100352xf32, #tpu.memory_space<vmem_shared>>)
      %dma_wait3A_209 = arith.constant 0 : i32
      %dma_wait3A_210 = tpu.memref_slice %arg6[%dma_wait3A_209] : memref<100352xf32, #tpu.memory_space<vmem_shared>> -> memref<100352xf32, #tpu.memory_space<vmem_shared>>
      tpu.wait_indirect_dma semaphore(%arg25 : memref<!tpu.dma_semaphore, #tpu.memory_space<semaphore_mem>>) src(%arg7 : memref<128xf32, #tpu.memory_space<vmem>>) dst(%dma_wait3A_210 : memref<100352xf32, #tpu.memory_space<vmem_shared>>)
      %dma_wait3A_211 = arith.constant 0 : i32
      %dma_wait3A_212 = tpu.memref_slice %arg6[%dma_wait3A_211] : memref<100352xf32, #tpu.memory_space<vmem_shared>> -> memref<100352xf32, #tpu.memory_space<vmem_shared>>
      tpu.wait_indirect_dma semaphore(%arg25 : memref<!tpu.dma_semaphore, #tpu.memory_space<semaphore_mem>>) src(%arg7 : memref<128xf32, #tpu.memory_space<vmem>>) dst(%dma_wait3A_212 : memref<100352xf32, #tpu.memory_space<vmem_shared>>)
      %dma_wait3A_213 = arith.constant 0 : i32
      %dma_wait3A_214 = tpu.memref_slice %arg6[%dma_wait3A_213] : memref<100352xf32, #tpu.memory_space<vmem_shared>> -> memref<100352xf32, #tpu.memory_space<vmem_shared>>
      tpu.wait_indirect_dma semaphore(%arg25 : memref<!tpu.dma_semaphore, #tpu.memory_space<semaphore_mem>>) src(%arg7 : memref<128xf32, #tpu.memory_space<vmem>>) dst(%dma_wait3A_214 : memref<100352xf32, #tpu.memory_space<vmem_shared>>)
      %dma_wait3A_215 = arith.constant 0 : i32
      %dma_wait3A_216 = tpu.memref_slice %arg6[%dma_wait3A_215] : memref<100352xf32, #tpu.memory_space<vmem_shared>> -> memref<100352xf32, #tpu.memory_space<vmem_shared>>
      tpu.wait_indirect_dma semaphore(%arg25 : memref<!tpu.dma_semaphore, #tpu.memory_space<semaphore_mem>>) src(%arg7 : memref<128xf32, #tpu.memory_space<vmem>>) dst(%dma_wait3A_216 : memref<100352xf32, #tpu.memory_space<vmem_shared>>)
    }
    %scan3A_44 = arith.constant 98 : i32
    %barrier3A_45 = arith.constant 0 : index
    tpu.barrier barrier_id(%barrier3A_45)
    "tpu.region"() ({
      %run_scoped3A = tpu.sem_alloc : memref<!tpu.dma_semaphore, #tpu.memory_space<semaphore_mem>>
      %dma_start3A_46 = tpu.memref_slice %arg5[%arg0, %mul3A_0] : memref<2x100352xf32, #tpu.memory_space<hbm>> -> memref<1x6272xf32, #tpu.memory_space<hbm>>
      %dma_start3A_47 = tpu.memref_squeeze %dma_start3A_46 : memref<1x6272xf32, #tpu.memory_space<hbm>> -> memref<6272xf32, #tpu.memory_space<hbm>>
      %dma_start3A_48 = tpu.memref_slice %arg6[%mul3A_0] : memref<100352xf32, #tpu.memory_space<vmem_shared>> -> memref<6272xf32, #tpu.memory_space<vmem_shared>>
      tpu.enqueue_dma source(%dma_start3A_48 : memref<6272xf32, #tpu.memory_space<vmem_shared>>) target(%dma_start3A_47 : memref<6272xf32, #tpu.memory_space<hbm>>) target_semaphore(%run_scoped3A : memref<!tpu.dma_semaphore, #tpu.memory_space<semaphore_mem>>)
      %dma_wait3A = tpu.memref_slice %arg5[%arg0, %mul3A_0] : memref<2x100352xf32, #tpu.memory_space<hbm>> -> memref<1x6272xf32, #tpu.memory_space<hbm>>
      %dma_wait3A_49 = tpu.memref_squeeze %dma_wait3A : memref<1x6272xf32, #tpu.memory_space<hbm>> -> memref<6272xf32, #tpu.memory_space<hbm>>
      %dma_wait3A_50 = tpu.memref_slice %arg6[%mul3A_0] : memref<100352xf32, #tpu.memory_space<vmem_shared>> -> memref<6272xf32, #tpu.memory_space<vmem_shared>>
      tpu.wait_dma2 semaphore(%run_scoped3A : memref<!tpu.dma_semaphore, #tpu.memory_space<semaphore_mem>>) src(%dma_wait3A_50 : memref<6272xf32, #tpu.memory_space<vmem_shared>>) dst(%dma_wait3A_49 : memref<6272xf32, #tpu.memory_space<hbm>>)
      tpu.yield
    }) : () -> ()
    return
  }
}

#map = affine_map<(d0, d1) -> (0)>
#map1 = affine_map<(d0, d1) -> (0, 0)>
#map2 = affine_map<(d0, d1) -> (0, 0, 0)>
module attributes {stable_mosaic.version = 14 : i64} {
  func.func @prop_kernel(%arg0: i32, %arg1: i32, %arg2: memref<6422528xi32, #tpu.memory_space<hbm>>, %arg3: memref<6422528xi32, #tpu.memory_space<hbm>>, %arg4: memref<100352x8xf32, #tpu.memory_space<hbm>>, %arg5: memref<100352x8xf32, #tpu.memory_space<hbm>>, %arg6: memref<2x100352x8xf32, #tpu.memory_space<hbm>>, %arg7: memref<100352x8xf32, #tpu.memory_space<vmem_shared>>, %arg8: memref<100352x8xf32, #tpu.memory_space<vmem_shared>>, %arg9: memref<512xi32, #tpu.memory_space<vmem>>, %arg10: memref<512xi32, #tpu.memory_space<vmem>>, %arg11: memref<128xi32, #tpu.memory_space<vmem>>, %arg12: memref<128xi32, #tpu.memory_space<vmem>>, %arg13: memref<128xi32, #tpu.memory_space<vmem>>, %arg14: memref<128xi32, #tpu.memory_space<vmem>>, %arg15: memref<128xi32, #tpu.memory_space<vmem>>, %arg16: memref<128xi32, #tpu.memory_space<vmem>>, %arg17: memref<128xi32, #tpu.memory_space<vmem>>, %arg18: memref<128xi32, #tpu.memory_space<vmem>>, %arg19: memref<128x8xf32, #tpu.memory_space<vmem>>, %arg20: memref<128x8xf32, #tpu.memory_space<vmem>>, %arg21: memref<128x8xf32, #tpu.memory_space<vmem>>, %arg22: memref<128x8xf32, #tpu.memory_space<vmem>>, %arg23: memref<!tpu.dma_semaphore, #tpu.memory_space<semaphore_mem>>, %arg24: memref<!tpu.dma_semaphore, #tpu.memory_space<semaphore_mem>>, %arg25: memref<!tpu.dma_semaphore, #tpu.memory_space<semaphore_mem>>) attributes {dimension_semantics = [#tpu.dimension_semantics<core_parallel>, #tpu.dimension_semantics<subcore_parallel>], iteration_bounds = array<i64: 2, 16>, scalar_prefetch = 0 : i64, scratch_operands = 19 : i64, tpu.core_type = #tpu.core_type<sc_vector_subcore>, window_params = [{transform_indices = #map}, {transform_indices = #map}, {transform_indices = #map1}, {transform_indices = #map1}, {transform_indices = #map2}]} {
    %mul3A = arith.constant 6272 : i32
    %mul3A_0 = arith.muli %arg1, %mul3A : i32
    "tpu.region"() ({
      %run_scoped3A = tpu.sem_alloc : memref<!tpu.dma_semaphore, #tpu.memory_space<semaphore_mem>>
      %dma_start3A_32 = arith.constant 0 : i32
      %dma_start3A_33 = tpu.memref_slice %arg7[%mul3A_0, %dma_start3A_32] : memref<100352x8xf32, #tpu.memory_space<vmem_shared>> -> memref<6272x8xf32, #tpu.memory_space<vmem_shared>>
      %dma_start3A_34 = arith.constant 0 : i32
      %dma_start3A_35 = tpu.memref_slice %arg4[%mul3A_0, %dma_start3A_34] : memref<100352x8xf32, #tpu.memory_space<hbm>> -> memref<6272x8xf32, #tpu.memory_space<hbm>>
      tpu.enqueue_dma source(%dma_start3A_35 : memref<6272x8xf32, #tpu.memory_space<hbm>>) target(%dma_start3A_33 : memref<6272x8xf32, #tpu.memory_space<vmem_shared>>) target_semaphore(%run_scoped3A : memref<!tpu.dma_semaphore, #tpu.memory_space<semaphore_mem>>)
      %dma_wait3A = arith.constant 0 : i32
      %dma_wait3A_36 = tpu.memref_slice %arg7[%mul3A_0, %dma_wait3A] : memref<100352x8xf32, #tpu.memory_space<vmem_shared>> -> memref<6272x8xf32, #tpu.memory_space<vmem_shared>>
      %dma_wait3A_37 = arith.constant 0 : i32
      %dma_wait3A_38 = tpu.memref_slice %arg4[%mul3A_0, %dma_wait3A_37] : memref<100352x8xf32, #tpu.memory_space<hbm>> -> memref<6272x8xf32, #tpu.memory_space<hbm>>
      tpu.wait_dma2 semaphore(%run_scoped3A : memref<!tpu.dma_semaphore, #tpu.memory_space<semaphore_mem>>) src(%dma_wait3A_38 : memref<6272x8xf32, #tpu.memory_space<hbm>>) dst(%dma_wait3A_36 : memref<6272x8xf32, #tpu.memory_space<vmem_shared>>)
      tpu.yield
    }) : () -> ()
    "tpu.region"() ({
      %run_scoped3A = tpu.sem_alloc : memref<!tpu.dma_semaphore, #tpu.memory_space<semaphore_mem>>
      %dma_start3A_32 = arith.constant 0 : i32
      %dma_start3A_33 = tpu.memref_slice %arg8[%mul3A_0, %dma_start3A_32] : memref<100352x8xf32, #tpu.memory_space<vmem_shared>> -> memref<6272x8xf32, #tpu.memory_space<vmem_shared>>
      %dma_start3A_34 = arith.constant 0 : i32
      %dma_start3A_35 = tpu.memref_slice %arg5[%mul3A_0, %dma_start3A_34] : memref<100352x8xf32, #tpu.memory_space<hbm>> -> memref<6272x8xf32, #tpu.memory_space<hbm>>
      tpu.enqueue_dma source(%dma_start3A_35 : memref<6272x8xf32, #tpu.memory_space<hbm>>) target(%dma_start3A_33 : memref<6272x8xf32, #tpu.memory_space<vmem_shared>>) target_semaphore(%run_scoped3A : memref<!tpu.dma_semaphore, #tpu.memory_space<semaphore_mem>>)
      %dma_wait3A = arith.constant 0 : i32
      %dma_wait3A_36 = tpu.memref_slice %arg8[%mul3A_0, %dma_wait3A] : memref<100352x8xf32, #tpu.memory_space<vmem_shared>> -> memref<6272x8xf32, #tpu.memory_space<vmem_shared>>
      %dma_wait3A_37 = arith.constant 0 : i32
      %dma_wait3A_38 = tpu.memref_slice %arg5[%mul3A_0, %dma_wait3A_37] : memref<100352x8xf32, #tpu.memory_space<hbm>> -> memref<6272x8xf32, #tpu.memory_space<hbm>>
      tpu.wait_dma2 semaphore(%run_scoped3A : memref<!tpu.dma_semaphore, #tpu.memory_space<semaphore_mem>>) src(%dma_wait3A_38 : memref<6272x8xf32, #tpu.memory_space<hbm>>) dst(%dma_wait3A_36 : memref<6272x8xf32, #tpu.memory_space<vmem_shared>>)
      tpu.yield
    }) : () -> ()
    %barrier3A = arith.constant 0 : index
    tpu.barrier barrier_id(%barrier3A)
    %mul3A_1 = arith.constant 16 : i32
    %mul3A_2 = arith.muli %arg0, %mul3A_1 : i32
    %add3A = arith.addi %mul3A_2, %arg1 : i32
    %mul3A_3 = arith.constant 1568 : i32
    %mul3A_4 = arith.muli %add3A, %mul3A_3 : i32
    %mul3A_5 = arith.constant 128 : i32
    %mul3A_6 = arith.muli %mul3A_4, %mul3A_5 : i32
    %add3A_7 = arith.constant 0 : i32
    %add3A_8 = arith.addi %mul3A_6, %add3A_7 : i32
    %add3A_9 = arith.constant 0 : i32
    %add3A_10 = arith.addi %add3A_8, %add3A_9 : i32
    %dma_start3A = tpu.memref_slice %arg3[%add3A_10] : memref<6422528xi32, #tpu.memory_space<hbm>> -> memref<128xi32, #tpu.memory_space<hbm>>
    %dma_start3A_11 = tpu.memref_slice %arg3[%add3A_10] : memref<6422528xi32, #tpu.memory_space<hbm>> -> memref<128xi32, #tpu.memory_space<hbm>>
    tpu.enqueue_dma source(%dma_start3A_11 : memref<128xi32, #tpu.memory_space<hbm>>) target(%arg11 : memref<128xi32, #tpu.memory_space<vmem>>) target_semaphore(%arg23 : memref<!tpu.dma_semaphore, #tpu.memory_space<semaphore_mem>>)
    %add3A_12 = arith.constant 128 : i32
    %add3A_13 = arith.addi %add3A_8, %add3A_12 : i32
    %dma_start3A_14 = tpu.memref_slice %arg3[%add3A_13] : memref<6422528xi32, #tpu.memory_space<hbm>> -> memref<128xi32, #tpu.memory_space<hbm>>
    %dma_start3A_15 = tpu.memref_slice %arg3[%add3A_13] : memref<6422528xi32, #tpu.memory_space<hbm>> -> memref<128xi32, #tpu.memory_space<hbm>>
    tpu.enqueue_dma source(%dma_start3A_15 : memref<128xi32, #tpu.memory_space<hbm>>) target(%arg12 : memref<128xi32, #tpu.memory_space<vmem>>) target_semaphore(%arg23 : memref<!tpu.dma_semaphore, #tpu.memory_space<semaphore_mem>>)
    %add3A_16 = arith.constant 256 : i32
    %add3A_17 = arith.addi %add3A_8, %add3A_16 : i32
    %dma_start3A_18 = tpu.memref_slice %arg3[%add3A_17] : memref<6422528xi32, #tpu.memory_space<hbm>> -> memref<128xi32, #tpu.memory_space<hbm>>
    %dma_start3A_19 = tpu.memref_slice %arg3[%add3A_17] : memref<6422528xi32, #tpu.memory_space<hbm>> -> memref<128xi32, #tpu.memory_space<hbm>>
    tpu.enqueue_dma source(%dma_start3A_19 : memref<128xi32, #tpu.memory_space<hbm>>) target(%arg13 : memref<128xi32, #tpu.memory_space<vmem>>) target_semaphore(%arg23 : memref<!tpu.dma_semaphore, #tpu.memory_space<semaphore_mem>>)
    %add3A_20 = arith.constant 384 : i32
    %add3A_21 = arith.addi %add3A_8, %add3A_20 : i32
    %dma_start3A_22 = tpu.memref_slice %arg3[%add3A_21] : memref<6422528xi32, #tpu.memory_space<hbm>> -> memref<128xi32, #tpu.memory_space<hbm>>
    %dma_start3A_23 = tpu.memref_slice %arg3[%add3A_21] : memref<6422528xi32, #tpu.memory_space<hbm>> -> memref<128xi32, #tpu.memory_space<hbm>>
    tpu.enqueue_dma source(%dma_start3A_23 : memref<128xi32, #tpu.memory_space<hbm>>) target(%arg14 : memref<128xi32, #tpu.memory_space<vmem>>) target_semaphore(%arg23 : memref<!tpu.dma_semaphore, #tpu.memory_space<semaphore_mem>>)
    %dma_start3A_24 = tpu.memref_slice %arg2[%add3A_8] : memref<6422528xi32, #tpu.memory_space<hbm>> -> memref<512xi32, #tpu.memory_space<hbm>>
    %dma_start3A_25 = tpu.memref_slice %arg2[%add3A_8] : memref<6422528xi32, #tpu.memory_space<hbm>> -> memref<512xi32, #tpu.memory_space<hbm>>
    tpu.enqueue_dma source(%dma_start3A_25 : memref<512xi32, #tpu.memory_space<hbm>>) target(%arg9 : memref<512xi32, #tpu.memory_space<vmem>>) target_semaphore(%arg23 : memref<!tpu.dma_semaphore, #tpu.memory_space<semaphore_mem>>)
    %scan3A = arith.constant 0 : i32
    %scan3A_26 = arith.constant 0 : i32
    %scan3A_27 = arith.constant 196 : i32
    %scan3A_28 = arith.addi %scan3A_26, %scan3A_27 : i32
    %scan3A_29 = arith.constant 1 : i32
    scf.for %scan3A_32 = %scan3A_26 to %scan3A_28 step %scan3A_29  : i32 {
      %mul3A_33 = arith.constant 2 : i32
      %mul3A_34 = arith.muli %scan3A_32, %mul3A_33 : i32
      %dma_wait3A = arith.constant 0 : i32
      %dma_wait3A_35 = tpu.memref_slice %arg3[%dma_wait3A] : memref<6422528xi32, #tpu.memory_space<hbm>> -> memref<128xi32, #tpu.memory_space<hbm>>
      %dma_wait3A_36 = arith.constant 0 : i32
      %dma_wait3A_37 = tpu.memref_slice %arg3[%dma_wait3A_36] : memref<6422528xi32, #tpu.memory_space<hbm>> -> memref<128xi32, #tpu.memory_space<hbm>>
      tpu.wait_dma2 semaphore(%arg23 : memref<!tpu.dma_semaphore, #tpu.memory_space<semaphore_mem>>) src(%dma_wait3A_37 : memref<128xi32, #tpu.memory_space<hbm>>) dst(%arg11 : memref<128xi32, #tpu.memory_space<vmem>>)
      %dma_wait3A_38 = arith.constant 0 : i32
      %dma_wait3A_39 = tpu.memref_slice %arg3[%dma_wait3A_38] : memref<6422528xi32, #tpu.memory_space<hbm>> -> memref<128xi32, #tpu.memory_space<hbm>>
      %dma_wait3A_40 = arith.constant 0 : i32
      %dma_wait3A_41 = tpu.memref_slice %arg3[%dma_wait3A_40] : memref<6422528xi32, #tpu.memory_space<hbm>> -> memref<128xi32, #tpu.memory_space<hbm>>
      tpu.wait_dma2 semaphore(%arg23 : memref<!tpu.dma_semaphore, #tpu.memory_space<semaphore_mem>>) src(%dma_wait3A_41 : memref<128xi32, #tpu.memory_space<hbm>>) dst(%arg12 : memref<128xi32, #tpu.memory_space<vmem>>)
      %dma_wait3A_42 = arith.constant 0 : i32
      %dma_wait3A_43 = tpu.memref_slice %arg3[%dma_wait3A_42] : memref<6422528xi32, #tpu.memory_space<hbm>> -> memref<128xi32, #tpu.memory_space<hbm>>
      %dma_wait3A_44 = arith.constant 0 : i32
      %dma_wait3A_45 = tpu.memref_slice %arg3[%dma_wait3A_44] : memref<6422528xi32, #tpu.memory_space<hbm>> -> memref<128xi32, #tpu.memory_space<hbm>>
      tpu.wait_dma2 semaphore(%arg23 : memref<!tpu.dma_semaphore, #tpu.memory_space<semaphore_mem>>) src(%dma_wait3A_45 : memref<128xi32, #tpu.memory_space<hbm>>) dst(%arg13 : memref<128xi32, #tpu.memory_space<vmem>>)
      %dma_wait3A_46 = arith.constant 0 : i32
      %dma_wait3A_47 = tpu.memref_slice %arg3[%dma_wait3A_46] : memref<6422528xi32, #tpu.memory_space<hbm>> -> memref<128xi32, #tpu.memory_space<hbm>>
      %dma_wait3A_48 = arith.constant 0 : i32
      %dma_wait3A_49 = tpu.memref_slice %arg3[%dma_wait3A_48] : memref<6422528xi32, #tpu.memory_space<hbm>> -> memref<128xi32, #tpu.memory_space<hbm>>
      tpu.wait_dma2 semaphore(%arg23 : memref<!tpu.dma_semaphore, #tpu.memory_space<semaphore_mem>>) src(%dma_wait3A_49 : memref<128xi32, #tpu.memory_space<hbm>>) dst(%arg14 : memref<128xi32, #tpu.memory_space<vmem>>)
      %dma_wait3A_50 = arith.constant 0 : i32
      %dma_wait3A_51 = tpu.memref_slice %arg2[%dma_wait3A_50] : memref<6422528xi32, #tpu.memory_space<hbm>> -> memref<512xi32, #tpu.memory_space<hbm>>
      %dma_wait3A_52 = arith.constant 0 : i32
      %dma_wait3A_53 = tpu.memref_slice %arg2[%dma_wait3A_52] : memref<6422528xi32, #tpu.memory_space<hbm>> -> memref<512xi32, #tpu.memory_space<hbm>>
      tpu.wait_dma2 semaphore(%arg23 : memref<!tpu.dma_semaphore, #tpu.memory_space<semaphore_mem>>) src(%dma_wait3A_53 : memref<512xi32, #tpu.memory_space<hbm>>) dst(%arg9 : memref<512xi32, #tpu.memory_space<vmem>>)
      %add3A_54 = arith.constant 1 : i32
      %add3A_55 = arith.addi %mul3A_34, %add3A_54 : i32
      %mul3A_56 = arith.constant 512 : i32
      %mul3A_57 = arith.muli %add3A_55, %mul3A_56 : i32
      %add3A_58 = arith.addi %mul3A_6, %mul3A_57 : i32
      %add3A_59 = arith.constant 0 : i32
      %add3A_60 = arith.addi %add3A_58, %add3A_59 : i32
      %dma_start3A_61 = tpu.memref_slice %arg3[%add3A_60] : memref<6422528xi32, #tpu.memory_space<hbm>> -> memref<128xi32, #tpu.memory_space<hbm>>
      %dma_start3A_62 = tpu.memref_slice %arg3[%add3A_60] : memref<6422528xi32, #tpu.memory_space<hbm>> -> memref<128xi32, #tpu.memory_space<hbm>>
      tpu.enqueue_dma source(%dma_start3A_62 : memref<128xi32, #tpu.memory_space<hbm>>) target(%arg15 : memref<128xi32, #tpu.memory_space<vmem>>) target_semaphore(%arg23 : memref<!tpu.dma_semaphore, #tpu.memory_space<semaphore_mem>>)
      %add3A_63 = arith.constant 128 : i32
      %add3A_64 = arith.addi %add3A_58, %add3A_63 : i32
      %dma_start3A_65 = tpu.memref_slice %arg3[%add3A_64] : memref<6422528xi32, #tpu.memory_space<hbm>> -> memref<128xi32, #tpu.memory_space<hbm>>
      %dma_start3A_66 = tpu.memref_slice %arg3[%add3A_64] : memref<6422528xi32, #tpu.memory_space<hbm>> -> memref<128xi32, #tpu.memory_space<hbm>>
      tpu.enqueue_dma source(%dma_start3A_66 : memref<128xi32, #tpu.memory_space<hbm>>) target(%arg16 : memref<128xi32, #tpu.memory_space<vmem>>) target_semaphore(%arg23 : memref<!tpu.dma_semaphore, #tpu.memory_space<semaphore_mem>>)
      %add3A_67 = arith.constant 256 : i32
      %add3A_68 = arith.addi %add3A_58, %add3A_67 : i32
      %dma_start3A_69 = tpu.memref_slice %arg3[%add3A_68] : memref<6422528xi32, #tpu.memory_space<hbm>> -> memref<128xi32, #tpu.memory_space<hbm>>
      %dma_start3A_70 = tpu.memref_slice %arg3[%add3A_68] : memref<6422528xi32, #tpu.memory_space<hbm>> -> memref<128xi32, #tpu.memory_space<hbm>>
      tpu.enqueue_dma source(%dma_start3A_70 : memref<128xi32, #tpu.memory_space<hbm>>) target(%arg17 : memref<128xi32, #tpu.memory_space<vmem>>) target_semaphore(%arg23 : memref<!tpu.dma_semaphore, #tpu.memory_space<semaphore_mem>>)
      %add3A_71 = arith.constant 384 : i32
      %add3A_72 = arith.addi %add3A_58, %add3A_71 : i32
      %dma_start3A_73 = tpu.memref_slice %arg3[%add3A_72] : memref<6422528xi32, #tpu.memory_space<hbm>> -> memref<128xi32, #tpu.memory_space<hbm>>
      %dma_start3A_74 = tpu.memref_slice %arg3[%add3A_72] : memref<6422528xi32, #tpu.memory_space<hbm>> -> memref<128xi32, #tpu.memory_space<hbm>>
      tpu.enqueue_dma source(%dma_start3A_74 : memref<128xi32, #tpu.memory_space<hbm>>) target(%arg18 : memref<128xi32, #tpu.memory_space<vmem>>) target_semaphore(%arg23 : memref<!tpu.dma_semaphore, #tpu.memory_space<semaphore_mem>>)
      %dma_start3A_75 = tpu.memref_slice %arg2[%add3A_58] : memref<6422528xi32, #tpu.memory_space<hbm>> -> memref<512xi32, #tpu.memory_space<hbm>>
      %dma_start3A_76 = tpu.memref_slice %arg2[%add3A_58] : memref<6422528xi32, #tpu.memory_space<hbm>> -> memref<512xi32, #tpu.memory_space<hbm>>
      tpu.enqueue_dma source(%dma_start3A_76 : memref<512xi32, #tpu.memory_space<hbm>>) target(%arg10 : memref<512xi32, #tpu.memory_space<vmem>>) target_semaphore(%arg23 : memref<!tpu.dma_semaphore, #tpu.memory_space<semaphore_mem>>)
      %dma_start3A_77 = arith.constant 0 : i32
      %dma_start3A_78 = tpu.memref_slice %arg9[%dma_start3A_77] : memref<512xi32, #tpu.memory_space<vmem>> -> memref<128xi32, #tpu.memory_space<vmem>>
      %dma_start3A_79 = arith.constant 0 : i32
      %dma_start3A_80 = arith.constant 0 : i32
      %dma_start3A_81 = tpu.memref_slice %arg7[%dma_start3A_79, %dma_start3A_80] : memref<100352x8xf32, #tpu.memory_space<vmem_shared>> -> memref<100352x8xf32, #tpu.memory_space<vmem_shared>>
      tpu.enqueue_indirect_dma source(%dma_start3A_81 : memref<100352x8xf32, #tpu.memory_space<vmem_shared>>) target(%arg19 : memref<128x8xf32, #tpu.memory_space<vmem>>) offsets(%dma_start3A_78 : memref<128xi32, #tpu.memory_space<vmem>>) semaphore(%arg24 : memref<!tpu.dma_semaphore, #tpu.memory_space<semaphore_mem>>)
      %dma_start3A_82 = arith.constant 128 : i32
      %dma_start3A_83 = tpu.memref_slice %arg9[%dma_start3A_82] : memref<512xi32, #tpu.memory_space<vmem>> -> memref<128xi32, #tpu.memory_space<vmem>>
      %dma_start3A_84 = arith.constant 0 : i32
      %dma_start3A_85 = arith.constant 0 : i32
      %dma_start3A_86 = tpu.memref_slice %arg7[%dma_start3A_84, %dma_start3A_85] : memref<100352x8xf32, #tpu.memory_space<vmem_shared>> -> memref<100352x8xf32, #tpu.memory_space<vmem_shared>>
      tpu.enqueue_indirect_dma source(%dma_start3A_86 : memref<100352x8xf32, #tpu.memory_space<vmem_shared>>) target(%arg20 : memref<128x8xf32, #tpu.memory_space<vmem>>) offsets(%dma_start3A_83 : memref<128xi32, #tpu.memory_space<vmem>>) semaphore(%arg24 : memref<!tpu.dma_semaphore, #tpu.memory_space<semaphore_mem>>)
      %dma_start3A_87 = arith.constant 256 : i32
      %dma_start3A_88 = tpu.memref_slice %arg9[%dma_start3A_87] : memref<512xi32, #tpu.memory_space<vmem>> -> memref<128xi32, #tpu.memory_space<vmem>>
      %dma_start3A_89 = arith.constant 0 : i32
      %dma_start3A_90 = arith.constant 0 : i32
      %dma_start3A_91 = tpu.memref_slice %arg7[%dma_start3A_89, %dma_start3A_90] : memref<100352x8xf32, #tpu.memory_space<vmem_shared>> -> memref<100352x8xf32, #tpu.memory_space<vmem_shared>>
      tpu.enqueue_indirect_dma source(%dma_start3A_91 : memref<100352x8xf32, #tpu.memory_space<vmem_shared>>) target(%arg21 : memref<128x8xf32, #tpu.memory_space<vmem>>) offsets(%dma_start3A_88 : memref<128xi32, #tpu.memory_space<vmem>>) semaphore(%arg24 : memref<!tpu.dma_semaphore, #tpu.memory_space<semaphore_mem>>)
      %dma_start3A_92 = arith.constant 384 : i32
      %dma_start3A_93 = tpu.memref_slice %arg9[%dma_start3A_92] : memref<512xi32, #tpu.memory_space<vmem>> -> memref<128xi32, #tpu.memory_space<vmem>>
      %dma_start3A_94 = arith.constant 0 : i32
      %dma_start3A_95 = arith.constant 0 : i32
      %dma_start3A_96 = tpu.memref_slice %arg7[%dma_start3A_94, %dma_start3A_95] : memref<100352x8xf32, #tpu.memory_space<vmem_shared>> -> memref<100352x8xf32, #tpu.memory_space<vmem_shared>>
      tpu.enqueue_indirect_dma source(%dma_start3A_96 : memref<100352x8xf32, #tpu.memory_space<vmem_shared>>) target(%arg22 : memref<128x8xf32, #tpu.memory_space<vmem>>) offsets(%dma_start3A_93 : memref<128xi32, #tpu.memory_space<vmem>>) semaphore(%arg24 : memref<!tpu.dma_semaphore, #tpu.memory_space<semaphore_mem>>)
      %dma_wait3A_97 = arith.constant 0 : i32
      %dma_wait3A_98 = tpu.memref_slice %arg9[%dma_wait3A_97] : memref<512xi32, #tpu.memory_space<vmem>> -> memref<128xi32, #tpu.memory_space<vmem>>
      %dma_wait3A_99 = arith.constant 0 : i32
      %dma_wait3A_100 = arith.constant 0 : i32
      %dma_wait3A_101 = tpu.memref_slice %arg7[%dma_wait3A_99, %dma_wait3A_100] : memref<100352x8xf32, #tpu.memory_space<vmem_shared>> -> memref<100352x8xf32, #tpu.memory_space<vmem_shared>>
      tpu.wait_indirect_dma semaphore(%arg24 : memref<!tpu.dma_semaphore, #tpu.memory_space<semaphore_mem>>) src(%dma_wait3A_101 : memref<100352x8xf32, #tpu.memory_space<vmem_shared>>) dst(%arg19 : memref<128x8xf32, #tpu.memory_space<vmem>>)
      %dma_start3A_102 = arith.constant 0 : i32
      %dma_start3A_103 = arith.constant 0 : i32
      %dma_start3A_104 = tpu.memref_slice %arg8[%dma_start3A_102, %dma_start3A_103] : memref<100352x8xf32, #tpu.memory_space<vmem_shared>> -> memref<100352x8xf32, #tpu.memory_space<vmem_shared>>
      tpu.enqueue_indirect_dma source(%arg19 : memref<128x8xf32, #tpu.memory_space<vmem>>) target(%dma_start3A_104 : memref<100352x8xf32, #tpu.memory_space<vmem_shared>>) offsets(%arg11 : memref<128xi32, #tpu.memory_space<vmem>>) semaphore(%arg25 : memref<!tpu.dma_semaphore, #tpu.memory_space<semaphore_mem>>) {add = true}
      %dma_wait3A_105 = arith.constant 128 : i32
      %dma_wait3A_106 = tpu.memref_slice %arg9[%dma_wait3A_105] : memref<512xi32, #tpu.memory_space<vmem>> -> memref<128xi32, #tpu.memory_space<vmem>>
      %dma_wait3A_107 = arith.constant 0 : i32
      %dma_wait3A_108 = arith.constant 0 : i32
      %dma_wait3A_109 = tpu.memref_slice %arg7[%dma_wait3A_107, %dma_wait3A_108] : memref<100352x8xf32, #tpu.memory_space<vmem_shared>> -> memref<100352x8xf32, #tpu.memory_space<vmem_shared>>
      tpu.wait_indirect_dma semaphore(%arg24 : memref<!tpu.dma_semaphore, #tpu.memory_space<semaphore_mem>>) src(%dma_wait3A_109 : memref<100352x8xf32, #tpu.memory_space<vmem_shared>>) dst(%arg20 : memref<128x8xf32, #tpu.memory_space<vmem>>)
      %dma_start3A_110 = arith.constant 0 : i32
      %dma_start3A_111 = arith.constant 0 : i32
      %dma_start3A_112 = tpu.memref_slice %arg8[%dma_start3A_110, %dma_start3A_111] : memref<100352x8xf32, #tpu.memory_space<vmem_shared>> -> memref<100352x8xf32, #tpu.memory_space<vmem_shared>>
      tpu.enqueue_indirect_dma source(%arg20 : memref<128x8xf32, #tpu.memory_space<vmem>>) target(%dma_start3A_112 : memref<100352x8xf32, #tpu.memory_space<vmem_shared>>) offsets(%arg12 : memref<128xi32, #tpu.memory_space<vmem>>) semaphore(%arg25 : memref<!tpu.dma_semaphore, #tpu.memory_space<semaphore_mem>>) {add = true}
      %dma_wait3A_113 = arith.constant 256 : i32
      %dma_wait3A_114 = tpu.memref_slice %arg9[%dma_wait3A_113] : memref<512xi32, #tpu.memory_space<vmem>> -> memref<128xi32, #tpu.memory_space<vmem>>
      %dma_wait3A_115 = arith.constant 0 : i32
      %dma_wait3A_116 = arith.constant 0 : i32
      %dma_wait3A_117 = tpu.memref_slice %arg7[%dma_wait3A_115, %dma_wait3A_116] : memref<100352x8xf32, #tpu.memory_space<vmem_shared>> -> memref<100352x8xf32, #tpu.memory_space<vmem_shared>>
      tpu.wait_indirect_dma semaphore(%arg24 : memref<!tpu.dma_semaphore, #tpu.memory_space<semaphore_mem>>) src(%dma_wait3A_117 : memref<100352x8xf32, #tpu.memory_space<vmem_shared>>) dst(%arg21 : memref<128x8xf32, #tpu.memory_space<vmem>>)
      %dma_start3A_118 = arith.constant 0 : i32
      %dma_start3A_119 = arith.constant 0 : i32
      %dma_start3A_120 = tpu.memref_slice %arg8[%dma_start3A_118, %dma_start3A_119] : memref<100352x8xf32, #tpu.memory_space<vmem_shared>> -> memref<100352x8xf32, #tpu.memory_space<vmem_shared>>
      tpu.enqueue_indirect_dma source(%arg21 : memref<128x8xf32, #tpu.memory_space<vmem>>) target(%dma_start3A_120 : memref<100352x8xf32, #tpu.memory_space<vmem_shared>>) offsets(%arg13 : memref<128xi32, #tpu.memory_space<vmem>>) semaphore(%arg25 : memref<!tpu.dma_semaphore, #tpu.memory_space<semaphore_mem>>) {add = true}
      %dma_wait3A_121 = arith.constant 384 : i32
      %dma_wait3A_122 = tpu.memref_slice %arg9[%dma_wait3A_121] : memref<512xi32, #tpu.memory_space<vmem>> -> memref<128xi32, #tpu.memory_space<vmem>>
      %dma_wait3A_123 = arith.constant 0 : i32
      %dma_wait3A_124 = arith.constant 0 : i32
      %dma_wait3A_125 = tpu.memref_slice %arg7[%dma_wait3A_123, %dma_wait3A_124] : memref<100352x8xf32, #tpu.memory_space<vmem_shared>> -> memref<100352x8xf32, #tpu.memory_space<vmem_shared>>
      tpu.wait_indirect_dma semaphore(%arg24 : memref<!tpu.dma_semaphore, #tpu.memory_space<semaphore_mem>>) src(%dma_wait3A_125 : memref<100352x8xf32, #tpu.memory_space<vmem_shared>>) dst(%arg22 : memref<128x8xf32, #tpu.memory_space<vmem>>)
      %dma_start3A_126 = arith.constant 0 : i32
      %dma_start3A_127 = arith.constant 0 : i32
      %dma_start3A_128 = tpu.memref_slice %arg8[%dma_start3A_126, %dma_start3A_127] : memref<100352x8xf32, #tpu.memory_space<vmem_shared>> -> memref<100352x8xf32, #tpu.memory_space<vmem_shared>>
      tpu.enqueue_indirect_dma source(%arg22 : memref<128x8xf32, #tpu.memory_space<vmem>>) target(%dma_start3A_128 : memref<100352x8xf32, #tpu.memory_space<vmem_shared>>) offsets(%arg14 : memref<128xi32, #tpu.memory_space<vmem>>) semaphore(%arg25 : memref<!tpu.dma_semaphore, #tpu.memory_space<semaphore_mem>>) {add = true}
      %dma_wait3A_129 = arith.constant 0 : i32
      %dma_wait3A_130 = tpu.memref_slice %arg3[%dma_wait3A_129] : memref<6422528xi32, #tpu.memory_space<hbm>> -> memref<128xi32, #tpu.memory_space<hbm>>
      %dma_wait3A_131 = arith.constant 0 : i32
      %dma_wait3A_132 = tpu.memref_slice %arg3[%dma_wait3A_131] : memref<6422528xi32, #tpu.memory_space<hbm>> -> memref<128xi32, #tpu.memory_space<hbm>>
      tpu.wait_dma2 semaphore(%arg23 : memref<!tpu.dma_semaphore, #tpu.memory_space<semaphore_mem>>) src(%dma_wait3A_132 : memref<128xi32, #tpu.memory_space<hbm>>) dst(%arg15 : memref<128xi32, #tpu.memory_space<vmem>>)
      %dma_wait3A_133 = arith.constant 0 : i32
      %dma_wait3A_134 = tpu.memref_slice %arg3[%dma_wait3A_133] : memref<6422528xi32, #tpu.memory_space<hbm>> -> memref<128xi32, #tpu.memory_space<hbm>>
      %dma_wait3A_135 = arith.constant 0 : i32
      %dma_wait3A_136 = tpu.memref_slice %arg3[%dma_wait3A_135] : memref<6422528xi32, #tpu.memory_space<hbm>> -> memref<128xi32, #tpu.memory_space<hbm>>
      tpu.wait_dma2 semaphore(%arg23 : memref<!tpu.dma_semaphore, #tpu.memory_space<semaphore_mem>>) src(%dma_wait3A_136 : memref<128xi32, #tpu.memory_space<hbm>>) dst(%arg16 : memref<128xi32, #tpu.memory_space<vmem>>)
      %dma_wait3A_137 = arith.constant 0 : i32
      %dma_wait3A_138 = tpu.memref_slice %arg3[%dma_wait3A_137] : memref<6422528xi32, #tpu.memory_space<hbm>> -> memref<128xi32, #tpu.memory_space<hbm>>
      %dma_wait3A_139 = arith.constant 0 : i32
      %dma_wait3A_140 = tpu.memref_slice %arg3[%dma_wait3A_139] : memref<6422528xi32, #tpu.memory_space<hbm>> -> memref<128xi32, #tpu.memory_space<hbm>>
      tpu.wait_dma2 semaphore(%arg23 : memref<!tpu.dma_semaphore, #tpu.memory_space<semaphore_mem>>) src(%dma_wait3A_140 : memref<128xi32, #tpu.memory_space<hbm>>) dst(%arg17 : memref<128xi32, #tpu.memory_space<vmem>>)
      %dma_wait3A_141 = arith.constant 0 : i32
      %dma_wait3A_142 = tpu.memref_slice %arg3[%dma_wait3A_141] : memref<6422528xi32, #tpu.memory_space<hbm>> -> memref<128xi32, #tpu.memory_space<hbm>>
      %dma_wait3A_143 = arith.constant 0 : i32
      %dma_wait3A_144 = tpu.memref_slice %arg3[%dma_wait3A_143] : memref<6422528xi32, #tpu.memory_space<hbm>> -> memref<128xi32, #tpu.memory_space<hbm>>
      tpu.wait_dma2 semaphore(%arg23 : memref<!tpu.dma_semaphore, #tpu.memory_space<semaphore_mem>>) src(%dma_wait3A_144 : memref<128xi32, #tpu.memory_space<hbm>>) dst(%arg18 : memref<128xi32, #tpu.memory_space<vmem>>)
      %dma_wait3A_145 = arith.constant 0 : i32
      %dma_wait3A_146 = tpu.memref_slice %arg2[%dma_wait3A_145] : memref<6422528xi32, #tpu.memory_space<hbm>> -> memref<512xi32, #tpu.memory_space<hbm>>
      %dma_wait3A_147 = arith.constant 0 : i32
      %dma_wait3A_148 = tpu.memref_slice %arg2[%dma_wait3A_147] : memref<6422528xi32, #tpu.memory_space<hbm>> -> memref<512xi32, #tpu.memory_space<hbm>>
      tpu.wait_dma2 semaphore(%arg23 : memref<!tpu.dma_semaphore, #tpu.memory_space<semaphore_mem>>) src(%dma_wait3A_148 : memref<512xi32, #tpu.memory_space<hbm>>) dst(%arg10 : memref<512xi32, #tpu.memory_space<vmem>>)
      %dma_wait3A_149 = arith.constant 0 : i32
      %dma_wait3A_150 = arith.constant 0 : i32
      %dma_wait3A_151 = tpu.memref_slice %arg8[%dma_wait3A_149, %dma_wait3A_150] : memref<100352x8xf32, #tpu.memory_space<vmem_shared>> -> memref<100352x8xf32, #tpu.memory_space<vmem_shared>>
      tpu.wait_indirect_dma semaphore(%arg25 : memref<!tpu.dma_semaphore, #tpu.memory_space<semaphore_mem>>) src(%arg19 : memref<128x8xf32, #tpu.memory_space<vmem>>) dst(%dma_wait3A_151 : memref<100352x8xf32, #tpu.memory_space<vmem_shared>>)
      %dma_wait3A_152 = arith.constant 0 : i32
      %dma_wait3A_153 = arith.constant 0 : i32
      %dma_wait3A_154 = tpu.memref_slice %arg8[%dma_wait3A_152, %dma_wait3A_153] : memref<100352x8xf32, #tpu.memory_space<vmem_shared>> -> memref<100352x8xf32, #tpu.memory_space<vmem_shared>>
      tpu.wait_indirect_dma semaphore(%arg25 : memref<!tpu.dma_semaphore, #tpu.memory_space<semaphore_mem>>) src(%arg20 : memref<128x8xf32, #tpu.memory_space<vmem>>) dst(%dma_wait3A_154 : memref<100352x8xf32, #tpu.memory_space<vmem_shared>>)
      %dma_wait3A_155 = arith.constant 0 : i32
      %dma_wait3A_156 = arith.constant 0 : i32
      %dma_wait3A_157 = tpu.memref_slice %arg8[%dma_wait3A_155, %dma_wait3A_156] : memref<100352x8xf32, #tpu.memory_space<vmem_shared>> -> memref<100352x8xf32, #tpu.memory_space<vmem_shared>>
      tpu.wait_indirect_dma semaphore(%arg25 : memref<!tpu.dma_semaphore, #tpu.memory_space<semaphore_mem>>) src(%arg21 : memref<128x8xf32, #tpu.memory_space<vmem>>) dst(%dma_wait3A_157 : memref<100352x8xf32, #tpu.memory_space<vmem_shared>>)
      %dma_wait3A_158 = arith.constant 0 : i32
      %dma_wait3A_159 = arith.constant 0 : i32
      %dma_wait3A_160 = tpu.memref_slice %arg8[%dma_wait3A_158, %dma_wait3A_159] : memref<100352x8xf32, #tpu.memory_space<vmem_shared>> -> memref<100352x8xf32, #tpu.memory_space<vmem_shared>>
      tpu.wait_indirect_dma semaphore(%arg25 : memref<!tpu.dma_semaphore, #tpu.memory_space<semaphore_mem>>) src(%arg22 : memref<128x8xf32, #tpu.memory_space<vmem>>) dst(%dma_wait3A_160 : memref<100352x8xf32, #tpu.memory_space<vmem_shared>>)
      %dma_start3A_161 = arith.constant 0 : i32
      %dma_start3A_162 = tpu.memref_slice %arg10[%dma_start3A_161] : memref<512xi32, #tpu.memory_space<vmem>> -> memref<128xi32, #tpu.memory_space<vmem>>
      %dma_start3A_163 = arith.constant 0 : i32
      %dma_start3A_164 = arith.constant 0 : i32
      %dma_start3A_165 = tpu.memref_slice %arg7[%dma_start3A_163, %dma_start3A_164] : memref<100352x8xf32, #tpu.memory_space<vmem_shared>> -> memref<100352x8xf32, #tpu.memory_space<vmem_shared>>
      tpu.enqueue_indirect_dma source(%dma_start3A_165 : memref<100352x8xf32, #tpu.memory_space<vmem_shared>>) target(%arg19 : memref<128x8xf32, #tpu.memory_space<vmem>>) offsets(%dma_start3A_162 : memref<128xi32, #tpu.memory_space<vmem>>) semaphore(%arg24 : memref<!tpu.dma_semaphore, #tpu.memory_space<semaphore_mem>>)
      %dma_start3A_166 = arith.constant 128 : i32
      %dma_start3A_167 = tpu.memref_slice %arg10[%dma_start3A_166] : memref<512xi32, #tpu.memory_space<vmem>> -> memref<128xi32, #tpu.memory_space<vmem>>
      %dma_start3A_168 = arith.constant 0 : i32
      %dma_start3A_169 = arith.constant 0 : i32
      %dma_start3A_170 = tpu.memref_slice %arg7[%dma_start3A_168, %dma_start3A_169] : memref<100352x8xf32, #tpu.memory_space<vmem_shared>> -> memref<100352x8xf32, #tpu.memory_space<vmem_shared>>
      tpu.enqueue_indirect_dma source(%dma_start3A_170 : memref<100352x8xf32, #tpu.memory_space<vmem_shared>>) target(%arg20 : memref<128x8xf32, #tpu.memory_space<vmem>>) offsets(%dma_start3A_167 : memref<128xi32, #tpu.memory_space<vmem>>) semaphore(%arg24 : memref<!tpu.dma_semaphore, #tpu.memory_space<semaphore_mem>>)
      %dma_start3A_171 = arith.constant 256 : i32
      %dma_start3A_172 = tpu.memref_slice %arg10[%dma_start3A_171] : memref<512xi32, #tpu.memory_space<vmem>> -> memref<128xi32, #tpu.memory_space<vmem>>
      %dma_start3A_173 = arith.constant 0 : i32
      %dma_start3A_174 = arith.constant 0 : i32
      %dma_start3A_175 = tpu.memref_slice %arg7[%dma_start3A_173, %dma_start3A_174] : memref<100352x8xf32, #tpu.memory_space<vmem_shared>> -> memref<100352x8xf32, #tpu.memory_space<vmem_shared>>
      tpu.enqueue_indirect_dma source(%dma_start3A_175 : memref<100352x8xf32, #tpu.memory_space<vmem_shared>>) target(%arg21 : memref<128x8xf32, #tpu.memory_space<vmem>>) offsets(%dma_start3A_172 : memref<128xi32, #tpu.memory_space<vmem>>) semaphore(%arg24 : memref<!tpu.dma_semaphore, #tpu.memory_space<semaphore_mem>>)
      %dma_start3A_176 = arith.constant 384 : i32
      %dma_start3A_177 = tpu.memref_slice %arg10[%dma_start3A_176] : memref<512xi32, #tpu.memory_space<vmem>> -> memref<128xi32, #tpu.memory_space<vmem>>
      %dma_start3A_178 = arith.constant 0 : i32
      %dma_start3A_179 = arith.constant 0 : i32
      %dma_start3A_180 = tpu.memref_slice %arg7[%dma_start3A_178, %dma_start3A_179] : memref<100352x8xf32, #tpu.memory_space<vmem_shared>> -> memref<100352x8xf32, #tpu.memory_space<vmem_shared>>
      tpu.enqueue_indirect_dma source(%dma_start3A_180 : memref<100352x8xf32, #tpu.memory_space<vmem_shared>>) target(%arg22 : memref<128x8xf32, #tpu.memory_space<vmem>>) offsets(%dma_start3A_177 : memref<128xi32, #tpu.memory_space<vmem>>) semaphore(%arg24 : memref<!tpu.dma_semaphore, #tpu.memory_space<semaphore_mem>>)
      %dma_wait3A_181 = arith.constant 0 : i32
      %dma_wait3A_182 = tpu.memref_slice %arg10[%dma_wait3A_181] : memref<512xi32, #tpu.memory_space<vmem>> -> memref<128xi32, #tpu.memory_space<vmem>>
      %dma_wait3A_183 = arith.constant 0 : i32
      %dma_wait3A_184 = arith.constant 0 : i32
      %dma_wait3A_185 = tpu.memref_slice %arg7[%dma_wait3A_183, %dma_wait3A_184] : memref<100352x8xf32, #tpu.memory_space<vmem_shared>> -> memref<100352x8xf32, #tpu.memory_space<vmem_shared>>
      tpu.wait_indirect_dma semaphore(%arg24 : memref<!tpu.dma_semaphore, #tpu.memory_space<semaphore_mem>>) src(%dma_wait3A_185 : memref<100352x8xf32, #tpu.memory_space<vmem_shared>>) dst(%arg19 : memref<128x8xf32, #tpu.memory_space<vmem>>)
      %dma_start3A_186 = arith.constant 0 : i32
      %dma_start3A_187 = arith.constant 0 : i32
      %dma_start3A_188 = tpu.memref_slice %arg8[%dma_start3A_186, %dma_start3A_187] : memref<100352x8xf32, #tpu.memory_space<vmem_shared>> -> memref<100352x8xf32, #tpu.memory_space<vmem_shared>>
      tpu.enqueue_indirect_dma source(%arg19 : memref<128x8xf32, #tpu.memory_space<vmem>>) target(%dma_start3A_188 : memref<100352x8xf32, #tpu.memory_space<vmem_shared>>) offsets(%arg15 : memref<128xi32, #tpu.memory_space<vmem>>) semaphore(%arg25 : memref<!tpu.dma_semaphore, #tpu.memory_space<semaphore_mem>>) {add = true}
      %dma_wait3A_189 = arith.constant 128 : i32
      %dma_wait3A_190 = tpu.memref_slice %arg10[%dma_wait3A_189] : memref<512xi32, #tpu.memory_space<vmem>> -> memref<128xi32, #tpu.memory_space<vmem>>
      %dma_wait3A_191 = arith.constant 0 : i32
      %dma_wait3A_192 = arith.constant 0 : i32
      %dma_wait3A_193 = tpu.memref_slice %arg7[%dma_wait3A_191, %dma_wait3A_192] : memref<100352x8xf32, #tpu.memory_space<vmem_shared>> -> memref<100352x8xf32, #tpu.memory_space<vmem_shared>>
      tpu.wait_indirect_dma semaphore(%arg24 : memref<!tpu.dma_semaphore, #tpu.memory_space<semaphore_mem>>) src(%dma_wait3A_193 : memref<100352x8xf32, #tpu.memory_space<vmem_shared>>) dst(%arg20 : memref<128x8xf32, #tpu.memory_space<vmem>>)
      %dma_start3A_194 = arith.constant 0 : i32
      %dma_start3A_195 = arith.constant 0 : i32
      %dma_start3A_196 = tpu.memref_slice %arg8[%dma_start3A_194, %dma_start3A_195] : memref<100352x8xf32, #tpu.memory_space<vmem_shared>> -> memref<100352x8xf32, #tpu.memory_space<vmem_shared>>
      tpu.enqueue_indirect_dma source(%arg20 : memref<128x8xf32, #tpu.memory_space<vmem>>) target(%dma_start3A_196 : memref<100352x8xf32, #tpu.memory_space<vmem_shared>>) offsets(%arg16 : memref<128xi32, #tpu.memory_space<vmem>>) semaphore(%arg25 : memref<!tpu.dma_semaphore, #tpu.memory_space<semaphore_mem>>) {add = true}
      %dma_wait3A_197 = arith.constant 256 : i32
      %dma_wait3A_198 = tpu.memref_slice %arg10[%dma_wait3A_197] : memref<512xi32, #tpu.memory_space<vmem>> -> memref<128xi32, #tpu.memory_space<vmem>>
      %dma_wait3A_199 = arith.constant 0 : i32
      %dma_wait3A_200 = arith.constant 0 : i32
      %dma_wait3A_201 = tpu.memref_slice %arg7[%dma_wait3A_199, %dma_wait3A_200] : memref<100352x8xf32, #tpu.memory_space<vmem_shared>> -> memref<100352x8xf32, #tpu.memory_space<vmem_shared>>
      tpu.wait_indirect_dma semaphore(%arg24 : memref<!tpu.dma_semaphore, #tpu.memory_space<semaphore_mem>>) src(%dma_wait3A_201 : memref<100352x8xf32, #tpu.memory_space<vmem_shared>>) dst(%arg21 : memref<128x8xf32, #tpu.memory_space<vmem>>)
      %dma_start3A_202 = arith.constant 0 : i32
      %dma_start3A_203 = arith.constant 0 : i32
      %dma_start3A_204 = tpu.memref_slice %arg8[%dma_start3A_202, %dma_start3A_203] : memref<100352x8xf32, #tpu.memory_space<vmem_shared>> -> memref<100352x8xf32, #tpu.memory_space<vmem_shared>>
      tpu.enqueue_indirect_dma source(%arg21 : memref<128x8xf32, #tpu.memory_space<vmem>>) target(%dma_start3A_204 : memref<100352x8xf32, #tpu.memory_space<vmem_shared>>) offsets(%arg17 : memref<128xi32, #tpu.memory_space<vmem>>) semaphore(%arg25 : memref<!tpu.dma_semaphore, #tpu.memory_space<semaphore_mem>>) {add = true}
      %dma_wait3A_205 = arith.constant 384 : i32
      %dma_wait3A_206 = tpu.memref_slice %arg10[%dma_wait3A_205] : memref<512xi32, #tpu.memory_space<vmem>> -> memref<128xi32, #tpu.memory_space<vmem>>
      %dma_wait3A_207 = arith.constant 0 : i32
      %dma_wait3A_208 = arith.constant 0 : i32
      %dma_wait3A_209 = tpu.memref_slice %arg7[%dma_wait3A_207, %dma_wait3A_208] : memref<100352x8xf32, #tpu.memory_space<vmem_shared>> -> memref<100352x8xf32, #tpu.memory_space<vmem_shared>>
      tpu.wait_indirect_dma semaphore(%arg24 : memref<!tpu.dma_semaphore, #tpu.memory_space<semaphore_mem>>) src(%dma_wait3A_209 : memref<100352x8xf32, #tpu.memory_space<vmem_shared>>) dst(%arg22 : memref<128x8xf32, #tpu.memory_space<vmem>>)
      %dma_start3A_210 = arith.constant 0 : i32
      %dma_start3A_211 = arith.constant 0 : i32
      %dma_start3A_212 = tpu.memref_slice %arg8[%dma_start3A_210, %dma_start3A_211] : memref<100352x8xf32, #tpu.memory_space<vmem_shared>> -> memref<100352x8xf32, #tpu.memory_space<vmem_shared>>
      tpu.enqueue_indirect_dma source(%arg22 : memref<128x8xf32, #tpu.memory_space<vmem>>) target(%dma_start3A_212 : memref<100352x8xf32, #tpu.memory_space<vmem_shared>>) offsets(%arg18 : memref<128xi32, #tpu.memory_space<vmem>>) semaphore(%arg25 : memref<!tpu.dma_semaphore, #tpu.memory_space<semaphore_mem>>) {add = true}
      %add3A_213 = arith.constant 2 : i32
      %add3A_214 = arith.addi %mul3A_34, %add3A_213 : i32
      %lt3A = arith.constant 392 : i32
      %lt3A_215 = arith.cmpi slt, %add3A_214, %lt3A : i32
      %convert_element_type3A = arith.extui %lt3A_215 : i1 to i32
      %cond3A = arith.constant 0 : i32
      %cond3A_216 = arith.cmpi ne, %convert_element_type3A, %cond3A : i32
      scf.if %cond3A_216 {
        %add3A_229 = arith.constant 2 : i32
        %add3A_230 = arith.addi %mul3A_34, %add3A_229 : i32
        %mul3A_231 = arith.constant 512 : i32
        %mul3A_232 = arith.muli %add3A_230, %mul3A_231 : i32
        %add3A_233 = arith.addi %mul3A_6, %mul3A_232 : i32
        %add3A_234 = arith.constant 0 : i32
        %add3A_235 = arith.addi %add3A_233, %add3A_234 : i32
        %dma_start3A_236 = tpu.memref_slice %arg3[%add3A_235] : memref<6422528xi32, #tpu.memory_space<hbm>> -> memref<128xi32, #tpu.memory_space<hbm>>
        %dma_start3A_237 = tpu.memref_slice %arg3[%add3A_235] : memref<6422528xi32, #tpu.memory_space<hbm>> -> memref<128xi32, #tpu.memory_space<hbm>>
        tpu.enqueue_dma source(%dma_start3A_237 : memref<128xi32, #tpu.memory_space<hbm>>) target(%arg11 : memref<128xi32, #tpu.memory_space<vmem>>) target_semaphore(%arg23 : memref<!tpu.dma_semaphore, #tpu.memory_space<semaphore_mem>>)
        %add3A_238 = arith.constant 128 : i32
        %add3A_239 = arith.addi %add3A_233, %add3A_238 : i32
        %dma_start3A_240 = tpu.memref_slice %arg3[%add3A_239] : memref<6422528xi32, #tpu.memory_space<hbm>> -> memref<128xi32, #tpu.memory_space<hbm>>
        %dma_start3A_241 = tpu.memref_slice %arg3[%add3A_239] : memref<6422528xi32, #tpu.memory_space<hbm>> -> memref<128xi32, #tpu.memory_space<hbm>>
        tpu.enqueue_dma source(%dma_start3A_241 : memref<128xi32, #tpu.memory_space<hbm>>) target(%arg12 : memref<128xi32, #tpu.memory_space<vmem>>) target_semaphore(%arg23 : memref<!tpu.dma_semaphore, #tpu.memory_space<semaphore_mem>>)
        %add3A_242 = arith.constant 256 : i32
        %add3A_243 = arith.addi %add3A_233, %add3A_242 : i32
        %dma_start3A_244 = tpu.memref_slice %arg3[%add3A_243] : memref<6422528xi32, #tpu.memory_space<hbm>> -> memref<128xi32, #tpu.memory_space<hbm>>
        %dma_start3A_245 = tpu.memref_slice %arg3[%add3A_243] : memref<6422528xi32, #tpu.memory_space<hbm>> -> memref<128xi32, #tpu.memory_space<hbm>>
        tpu.enqueue_dma source(%dma_start3A_245 : memref<128xi32, #tpu.memory_space<hbm>>) target(%arg13 : memref<128xi32, #tpu.memory_space<vmem>>) target_semaphore(%arg23 : memref<!tpu.dma_semaphore, #tpu.memory_space<semaphore_mem>>)
        %add3A_246 = arith.constant 384 : i32
        %add3A_247 = arith.addi %add3A_233, %add3A_246 : i32
        %dma_start3A_248 = tpu.memref_slice %arg3[%add3A_247] : memref<6422528xi32, #tpu.memory_space<hbm>> -> memref<128xi32, #tpu.memory_space<hbm>>
        %dma_start3A_249 = tpu.memref_slice %arg3[%add3A_247] : memref<6422528xi32, #tpu.memory_space<hbm>> -> memref<128xi32, #tpu.memory_space<hbm>>
        tpu.enqueue_dma source(%dma_start3A_249 : memref<128xi32, #tpu.memory_space<hbm>>) target(%arg14 : memref<128xi32, #tpu.memory_space<vmem>>) target_semaphore(%arg23 : memref<!tpu.dma_semaphore, #tpu.memory_space<semaphore_mem>>)
        %dma_start3A_250 = tpu.memref_slice %arg2[%add3A_233] : memref<6422528xi32, #tpu.memory_space<hbm>> -> memref<512xi32, #tpu.memory_space<hbm>>
        %dma_start3A_251 = tpu.memref_slice %arg2[%add3A_233] : memref<6422528xi32, #tpu.memory_space<hbm>> -> memref<512xi32, #tpu.memory_space<hbm>>
        tpu.enqueue_dma source(%dma_start3A_251 : memref<512xi32, #tpu.memory_space<hbm>>) target(%arg9 : memref<512xi32, #tpu.memory_space<vmem>>) target_semaphore(%arg23 : memref<!tpu.dma_semaphore, #tpu.memory_space<semaphore_mem>>)
      } else {
      }
      %dma_wait3A_217 = arith.constant 0 : i32
      %dma_wait3A_218 = arith.constant 0 : i32
      %dma_wait3A_219 = tpu.memref_slice %arg8[%dma_wait3A_217, %dma_wait3A_218] : memref<100352x8xf32, #tpu.memory_space<vmem_shared>> -> memref<100352x8xf32, #tpu.memory_space<vmem_shared>>
      tpu.wait_indirect_dma semaphore(%arg25 : memref<!tpu.dma_semaphore, #tpu.memory_space<semaphore_mem>>) src(%arg19 : memref<128x8xf32, #tpu.memory_space<vmem>>) dst(%dma_wait3A_219 : memref<100352x8xf32, #tpu.memory_space<vmem_shared>>)
      %dma_wait3A_220 = arith.constant 0 : i32
      %dma_wait3A_221 = arith.constant 0 : i32
      %dma_wait3A_222 = tpu.memref_slice %arg8[%dma_wait3A_220, %dma_wait3A_221] : memref<100352x8xf32, #tpu.memory_space<vmem_shared>> -> memref<100352x8xf32, #tpu.memory_space<vmem_shared>>
      tpu.wait_indirect_dma semaphore(%arg25 : memref<!tpu.dma_semaphore, #tpu.memory_space<semaphore_mem>>) src(%arg20 : memref<128x8xf32, #tpu.memory_space<vmem>>) dst(%dma_wait3A_222 : memref<100352x8xf32, #tpu.memory_space<vmem_shared>>)
      %dma_wait3A_223 = arith.constant 0 : i32
      %dma_wait3A_224 = arith.constant 0 : i32
      %dma_wait3A_225 = tpu.memref_slice %arg8[%dma_wait3A_223, %dma_wait3A_224] : memref<100352x8xf32, #tpu.memory_space<vmem_shared>> -> memref<100352x8xf32, #tpu.memory_space<vmem_shared>>
      tpu.wait_indirect_dma semaphore(%arg25 : memref<!tpu.dma_semaphore, #tpu.memory_space<semaphore_mem>>) src(%arg21 : memref<128x8xf32, #tpu.memory_space<vmem>>) dst(%dma_wait3A_225 : memref<100352x8xf32, #tpu.memory_space<vmem_shared>>)
      %dma_wait3A_226 = arith.constant 0 : i32
      %dma_wait3A_227 = arith.constant 0 : i32
      %dma_wait3A_228 = tpu.memref_slice %arg8[%dma_wait3A_226, %dma_wait3A_227] : memref<100352x8xf32, #tpu.memory_space<vmem_shared>> -> memref<100352x8xf32, #tpu.memory_space<vmem_shared>>
      tpu.wait_indirect_dma semaphore(%arg25 : memref<!tpu.dma_semaphore, #tpu.memory_space<semaphore_mem>>) src(%arg22 : memref<128x8xf32, #tpu.memory_space<vmem>>) dst(%dma_wait3A_228 : memref<100352x8xf32, #tpu.memory_space<vmem_shared>>)
    }
    %scan3A_30 = arith.constant 196 : i32
    %barrier3A_31 = arith.constant 0 : index
    tpu.barrier barrier_id(%barrier3A_31)
    "tpu.region"() ({
      %run_scoped3A = tpu.sem_alloc : memref<!tpu.dma_semaphore, #tpu.memory_space<semaphore_mem>>
      %dma_start3A_32 = arith.constant 0 : i32
      %dma_start3A_33 = tpu.memref_slice %arg6[%arg0, %mul3A_0, %dma_start3A_32] : memref<2x100352x8xf32, #tpu.memory_space<hbm>> -> memref<1x6272x8xf32, #tpu.memory_space<hbm>>
      %dma_start3A_34 = tpu.memref_squeeze %dma_start3A_33 : memref<1x6272x8xf32, #tpu.memory_space<hbm>> -> memref<6272x8xf32, #tpu.memory_space<hbm>>
      %dma_start3A_35 = arith.constant 0 : i32
      %dma_start3A_36 = tpu.memref_slice %arg8[%mul3A_0, %dma_start3A_35] : memref<100352x8xf32, #tpu.memory_space<vmem_shared>> -> memref<6272x8xf32, #tpu.memory_space<vmem_shared>>
      tpu.enqueue_dma source(%dma_start3A_36 : memref<6272x8xf32, #tpu.memory_space<vmem_shared>>) target(%dma_start3A_34 : memref<6272x8xf32, #tpu.memory_space<hbm>>) target_semaphore(%run_scoped3A : memref<!tpu.dma_semaphore, #tpu.memory_space<semaphore_mem>>)
      %dma_wait3A = arith.constant 0 : i32
      %dma_wait3A_37 = tpu.memref_slice %arg6[%arg0, %mul3A_0, %dma_wait3A] : memref<2x100352x8xf32, #tpu.memory_space<hbm>> -> memref<1x6272x8xf32, #tpu.memory_space<hbm>>
      %dma_wait3A_38 = tpu.memref_squeeze %dma_wait3A_37 : memref<1x6272x8xf32, #tpu.memory_space<hbm>> -> memref<6272x8xf32, #tpu.memory_space<hbm>>
      %dma_wait3A_39 = arith.constant 0 : i32
      %dma_wait3A_40 = tpu.memref_slice %arg8[%mul3A_0, %dma_wait3A_39] : memref<100352x8xf32, #tpu.memory_space<vmem_shared>> -> memref<6272x8xf32, #tpu.memory_space<vmem_shared>>
      tpu.wait_dma2 semaphore(%run_scoped3A : memref<!tpu.dma_semaphore, #tpu.memory_space<semaphore_mem>>) src(%dma_wait3A_40 : memref<6272x8xf32, #tpu.memory_space<vmem_shared>>) dst(%dma_wait3A_38 : memref<6272x8xf32, #tpu.memory_space<hbm>>)
      tpu.yield
    }) : () -> ()
    return
  }
}

module attributes {stable_mosaic.version = 14 : i64} {
  func.func @_stage_dis_body(%arg0: i32, %arg1: memref<2x2048x1xf32, #tpu.memory_space<vmem>>, %arg2: memref<2048x1xf32, #tpu.memory_space<vmem>>, %arg3: memref<2048x1xf32, #tpu.memory_space<vmem>>, %arg4: memref<2048x1xf32, #tpu.memory_space<vmem>>) attributes {dimension_semantics = [#tpu.dimension_semantics<arbitrary>], iteration_bounds = array<i64: 49>, scalar_prefetch = 0 : i64, scratch_operands = 0 : i64, tpu.core_type = #tpu.core_type<tc>, window_params = [{transform_indices = @transform_0, window_bounds = array<i64: 2, 2048, 1>}, {transform_indices = @transform_1, window_bounds = array<i64: 2048, 1>}, {transform_indices = @transform_2, window_bounds = array<i64: 2048, 1>}, {transform_indices = @transform_3, window_bounds = array<i64: 2048, 1>}]} {
    %get3A = arith.constant 0 : index
    %get3A_0 = arith.constant 0 : index
    %get3A_1 = arith.constant 0 : index
    %get3A_2 = vector.load %arg1[%get3A, %get3A_0, %get3A_1] : memref<2x2048x1xf32, #tpu.memory_space<vmem>>, vector<1x2048x1xf32>
    %get3A_3 = vector.shape_cast %get3A_2 : vector<1x2048x1xf32> to vector<2048x1xf32>
    %get3A_4 = arith.constant 1 : index
    %get3A_5 = arith.constant 0 : index
    %get3A_6 = arith.constant 0 : index
    %get3A_7 = vector.load %arg1[%get3A_4, %get3A_5, %get3A_6] : memref<2x2048x1xf32, #tpu.memory_space<vmem>>, vector<1x2048x1xf32>
    %get3A_8 = vector.shape_cast %get3A_7 : vector<1x2048x1xf32> to vector<2048x1xf32>
    %add3A = arith.addf %get3A_3, %get3A_8 : vector<2048x1xf32>
    %add3A_9 = arith.constant 1.000000e+00 : f32
    %add3A_10 = vector.broadcast %add3A_9 : f32 to vector<2048x1xf32>
    %add3A_11 = arith.addf %add3A, %add3A_10 : vector<2048x1xf32>
    %rsqrt3A = math.rsqrt %add3A_11 : vector<2048x1xf32>
    %swap3A = arith.constant 0 : index
    %swap3A_12 = arith.constant 0 : index
    %swap3A_13 = vector.load %arg3[%swap3A, %swap3A_12] : memref<2048x1xf32, #tpu.memory_space<vmem>>, vector<2048x1xf32>
    tpu.vector_store %arg3[%swap3A, %swap3A_12], %rsqrt3A {strides = array<i32>} : memref<2048x1xf32, #tpu.memory_space<vmem>>, vector<2048x1xf32>,
    %get3A_14 = arith.constant 0 : index
    %get3A_15 = arith.constant 0 : index
    %get3A_16 = vector.load %arg2[%get3A_14, %get3A_15] : memref<2048x1xf32, #tpu.memory_space<vmem>>, vector<2048x1xf32>
    %mul3A = arith.mulf %rsqrt3A, %get3A_16 : vector<2048x1xf32>
    %swap3A_17 = arith.constant 0 : index
    %swap3A_18 = arith.constant 0 : index
    %swap3A_19 = vector.load %arg4[%swap3A_17, %swap3A_18] : memref<2048x1xf32, #tpu.memory_space<vmem>>, vector<2048x1xf32>
    tpu.vector_store %arg4[%swap3A_17, %swap3A_18], %mul3A {strides = array<i32>} : memref<2048x1xf32, #tpu.memory_space<vmem>>, vector<2048x1xf32>,
    return
  }
  func.func @transform_0(%arg0: i32) -> (i32, i32, i32) {
    %c0_i32 = arith.constant 0 : i32
    %c0_i32_0 = arith.constant 0 : i32
    %c0_i32_1 = arith.constant 0 : i32
    return %c0_i32, %arg0, %c0_i32_0 : i32, i32, i32
  }
  func.func @transform_1(%arg0: i32) -> (i32, i32) {
    %c0_i32 = arith.constant 0 : i32
    %c0_i32_0 = arith.constant 0 : i32
    return %arg0, %c0_i32 : i32, i32
  }
  func.func @transform_2(%arg0: i32) -> (i32, i32) {
    %c0_i32 = arith.constant 0 : i32
    %c0_i32_0 = arith.constant 0 : i32
    return %arg0, %c0_i32 : i32, i32
  }
  func.func @transform_3(%arg0: i32) -> (i32, i32) {
    %c0_i32 = arith.constant 0 : i32
    %c0_i32_0 = arith.constant 0 : i32
    return %arg0, %c0_i32 : i32, i32
  }
}

module attributes {stable_mosaic.version = 14 : i64} {
  func.func @_stage1_body(%arg0: i32, %arg1: memref<2048x1xf32, #tpu.memory_space<vmem>>, %arg2: memref<2x2048x1xf32, #tpu.memory_space<vmem>>, %arg3: memref<2048x1xf32, #tpu.memory_space<vmem>>, %arg4: memref<1x4xf32, #tpu.memory_space<vmem>>, %arg5: memref<1x4xf32, #tpu.memory_space<vmem>>, %arg6: memref<4x4xf32, #tpu.memory_space<vmem>>, %arg7: memref<2048x8xf32, #tpu.memory_space<vmem>>) attributes {dimension_semantics = [#tpu.dimension_semantics<arbitrary>], iteration_bounds = array<i64: 49>, scalar_prefetch = 0 : i64, scratch_operands = 0 : i64, tpu.core_type = #tpu.core_type<tc>, window_params = [{transform_indices = @transform_0, window_bounds = array<i64: 2048, 1>}, {transform_indices = @transform_1, window_bounds = array<i64: 2, 2048, 1>}, {transform_indices = @transform_2, window_bounds = array<i64: 2048, 1>}, {pipeline_mode = #tpu.pipeline_mode<synchronous>, transform_indices = @transform_3, window_bounds = array<i64: 1, 4>}, {pipeline_mode = #tpu.pipeline_mode<synchronous>, transform_indices = @transform_4, window_bounds = array<i64: 1, 4>}, {pipeline_mode = #tpu.pipeline_mode<synchronous>, transform_indices = @transform_5, window_bounds = array<i64: 4, 4>}, {transform_indices = @transform_6, window_bounds = array<i64: 2048, 8>}]} {
    %get3A = arith.constant 0 : index
    %get3A_0 = arith.constant 0 : index
    %get3A_1 = vector.load %arg1[%get3A, %get3A_0] : memref<2048x1xf32, #tpu.memory_space<vmem>>, vector<2048x1xf32>
    %get3A_2 = arith.constant 0 : index
    %get3A_3 = arith.constant 0 : index
    %get3A_4 = arith.constant 0 : index
    %get3A_5 = vector.load %arg2[%get3A_2, %get3A_3, %get3A_4] : memref<2x2048x1xf32, #tpu.memory_space<vmem>>, vector<1x2048x1xf32>
    %get3A_6 = vector.shape_cast %get3A_5 : vector<1x2048x1xf32> to vector<2048x1xf32>
    %get3A_7 = arith.constant 1 : index
    %get3A_8 = arith.constant 0 : index
    %get3A_9 = arith.constant 0 : index
    %get3A_10 = vector.load %arg2[%get3A_7, %get3A_8, %get3A_9] : memref<2x2048x1xf32, #tpu.memory_space<vmem>>, vector<1x2048x1xf32>
    %get3A_11 = vector.shape_cast %get3A_10 : vector<1x2048x1xf32> to vector<2048x1xf32>
    %add3A = arith.addf %get3A_6, %get3A_11 : vector<2048x1xf32>
    %get3A_12 = arith.constant 0 : index
    %get3A_13 = arith.constant 0 : index
    %get3A_14 = vector.load %arg3[%get3A_12, %get3A_13] : memref<2048x1xf32, #tpu.memory_space<vmem>>, vector<2048x1xf32>
    %add3A_15 = arith.addf %add3A, %get3A_14 : vector<2048x1xf32>
    %mul3A = arith.mulf %get3A_1, %add3A_15 : vector<2048x1xf32>
    %get3A_16 = arith.constant 0 : index
    %get3A_17 = arith.constant 0 : index
    %get3A_18 = vector.load %arg4[%get3A_16, %get3A_17] : memref<1x4xf32, #tpu.memory_space<vmem>>, vector<1x4xf32>
    %mul3A_19 = vector.broadcast %mul3A : vector<2048x1xf32> to vector<2048x4xf32>
    %mul3A_20 = vector.broadcast %get3A_18 : vector<1x4xf32> to vector<2048x4xf32>
    %mul3A_21 = arith.mulf %mul3A_19, %mul3A_20 : vector<2048x4xf32>
    %get3A_22 = arith.constant 0 : index
    %get3A_23 = arith.constant 0 : index
    %get3A_24 = vector.load %arg5[%get3A_22, %get3A_23] : memref<1x4xf32, #tpu.memory_space<vmem>>, vector<1x4xf32>
    %add3A_25 = vector.broadcast %get3A_24 : vector<1x4xf32> to vector<2048x4xf32>
    %add3A_26 = arith.addf %mul3A_21, %add3A_25 : vector<2048x4xf32>
    %tanh3A = math.tanh %add3A_26 : vector<2048x4xf32>
    %get3A_27 = arith.constant 0 : index
    %get3A_28 = arith.constant 0 : index
    %get3A_29 = vector.load %arg6[%get3A_27, %get3A_28] : memref<4x4xf32, #tpu.memory_space<vmem>>, vector<4x4xf32>
    %convert_element_type3A = arith.truncf %tanh3A : vector<2048x4xf32> to vector<2048x4xbf16>
    %convert_element_type3A_30 = arith.extf %convert_element_type3A : vector<2048x4xbf16> to vector<2048x4xf32>
    %convert_element_type3A_31 = arith.truncf %get3A_29 : vector<4x4xf32> to vector<4x4xbf16>
    %convert_element_type3A_32 = arith.extf %convert_element_type3A_31 : vector<4x4xbf16> to vector<4x4xf32>
    %slice3A = vector.extract_strided_slice %convert_element_type3A_30 {offsets = [0, 0], sizes = [2048, 1], strides = [1, 1]} : vector<2048x4xf32> to vector<2048x1xf32>
    %slice3A_33 = vector.extract_strided_slice %convert_element_type3A_32 {offsets = [0, 0], sizes = [1, 4], strides = [1, 1]} : vector<4x4xf32> to vector<1x4xf32>
    %mul3A_34 = vector.broadcast %slice3A : vector<2048x1xf32> to vector<2048x4xf32>
    %mul3A_35 = vector.broadcast %slice3A_33 : vector<1x4xf32> to vector<2048x4xf32>
    %mul3A_36 = arith.mulf %mul3A_34, %mul3A_35 : vector<2048x4xf32>
    %slice3A_37 = vector.extract_strided_slice %convert_element_type3A_30 {offsets = [0, 1], sizes = [2048, 1], strides = [1, 1]} : vector<2048x4xf32> to vector<2048x1xf32>
    %slice3A_38 = vector.extract_strided_slice %convert_element_type3A_32 {offsets = [1, 0], sizes = [1, 4], strides = [1, 1]} : vector<4x4xf32> to vector<1x4xf32>
    %mul3A_39 = vector.broadcast %slice3A_37 : vector<2048x1xf32> to vector<2048x4xf32>
    %mul3A_40 = vector.broadcast %slice3A_38 : vector<1x4xf32> to vector<2048x4xf32>
    %mul3A_41 = arith.mulf %mul3A_39, %mul3A_40 : vector<2048x4xf32>
    %add3A_42 = arith.addf %mul3A_36, %mul3A_41 : vector<2048x4xf32>
    %slice3A_43 = vector.extract_strided_slice %convert_element_type3A_30 {offsets = [0, 2], sizes = [2048, 1], strides = [1, 1]} : vector<2048x4xf32> to vector<2048x1xf32>
    %slice3A_44 = vector.extract_strided_slice %convert_element_type3A_32 {offsets = [2, 0], sizes = [1, 4], strides = [1, 1]} : vector<4x4xf32> to vector<1x4xf32>
    %mul3A_45 = vector.broadcast %slice3A_43 : vector<2048x1xf32> to vector<2048x4xf32>
    %mul3A_46 = vector.broadcast %slice3A_44 : vector<1x4xf32> to vector<2048x4xf32>
    %mul3A_47 = arith.mulf %mul3A_45, %mul3A_46 : vector<2048x4xf32>
    %add3A_48 = arith.addf %add3A_42, %mul3A_47 : vector<2048x4xf32>
    %slice3A_49 = vector.extract_strided_slice %convert_element_type3A_30 {offsets = [0, 3], sizes = [2048, 1], strides = [1, 1]} : vector<2048x4xf32> to vector<2048x1xf32>
    %slice3A_50 = vector.extract_strided_slice %convert_element_type3A_32 {offsets = [3, 0], sizes = [1, 4], strides = [1, 1]} : vector<4x4xf32> to vector<1x4xf32>
    %mul3A_51 = vector.broadcast %slice3A_49 : vector<2048x1xf32> to vector<2048x4xf32>
    %mul3A_52 = vector.broadcast %slice3A_50 : vector<1x4xf32> to vector<2048x4xf32>
    %mul3A_53 = arith.mulf %mul3A_51, %mul3A_52 : vector<2048x4xf32>
    %add3A_54 = arith.addf %add3A_48, %mul3A_53 : vector<2048x4xf32>
    %mul3A_55 = vector.broadcast %get3A_1 : vector<2048x1xf32> to vector<2048x4xf32>
    %mul3A_56 = arith.mulf %mul3A_55, %add3A_54 : vector<2048x4xf32>
    %jit3A = arith.constant 0 : i32
    %convert_element_type3A_57 = arith.sitofp %jit3A : i32 to f32
    %pad3A = vector.broadcast %convert_element_type3A_57 : f32 to vector<2048x4xf32>
    %pad3A_58 = tpu.concatenate %mul3A_56, %pad3A in 1 : vector<2048x4xf32>, vector<2048x4xf32> -> vector<2048x8xf32>
    %swap3A = arith.constant 0 : index
    %swap3A_59 = arith.constant 0 : index
    %swap3A_60 = vector.load %arg7[%swap3A, %swap3A_59] : memref<2048x8xf32, #tpu.memory_space<vmem>>, vector<2048x8xf32>
    tpu.vector_store %arg7[%swap3A, %swap3A_59], %pad3A_58 {strides = array<i32>} : memref<2048x8xf32, #tpu.memory_space<vmem>>, vector<2048x8xf32>,
    return
  }
  func.func @transform_0(%arg0: i32) -> (i32, i32) {
    %c0_i32 = arith.constant 0 : i32
    %c0_i32_0 = arith.constant 0 : i32
    return %arg0, %c0_i32 : i32, i32
  }
  func.func @transform_1(%arg0: i32) -> (i32, i32, i32) {
    %c0_i32 = arith.constant 0 : i32
    %c0_i32_0 = arith.constant 0 : i32
    %c0_i32_1 = arith.constant 0 : i32
    return %c0_i32, %arg0, %c0_i32_0 : i32, i32, i32
  }
  func.func @transform_2(%arg0: i32) -> (i32, i32) {
    %c0_i32 = arith.constant 0 : i32
    %c0_i32_0 = arith.constant 0 : i32
    return %arg0, %c0_i32 : i32, i32
  }
  func.func @transform_3(%arg0: i32) -> (i32, i32) {
    %c0_i32 = arith.constant 0 : i32
    %c0_i32_0 = arith.constant 0 : i32
    %c0_i32_1 = arith.constant 0 : i32
    return %c0_i32, %c0_i32_0 : i32, i32
  }
  func.func @transform_4(%arg0: i32) -> (i32, i32) {
    %c0_i32 = arith.constant 0 : i32
    %c0_i32_0 = arith.constant 0 : i32
    %c0_i32_1 = arith.constant 0 : i32
    return %c0_i32, %c0_i32_0 : i32, i32
  }
  func.func @transform_5(%arg0: i32) -> (i32, i32) {
    %c0_i32 = arith.constant 0 : i32
    %c0_i32_0 = arith.constant 0 : i32
    %c0_i32_1 = arith.constant 0 : i32
    return %c0_i32, %c0_i32_0 : i32, i32
  }
  func.func @transform_6(%arg0: i32) -> (i32, i32) {
    %c0_i32 = arith.constant 0 : i32
    %c0_i32_0 = arith.constant 0 : i32
    return %arg0, %c0_i32 : i32, i32
  }
}

module attributes {stable_mosaic.version = 14 : i64} {
  func.func @_stage2_body(%arg0: i32, %arg1: memref<2048x1xf32, #tpu.memory_space<vmem>>, %arg2: memref<2x2048x8xf32, #tpu.memory_space<vmem>>, %arg3: memref<2048x8xf32, #tpu.memory_space<vmem>>, %arg4: memref<1x4xf32, #tpu.memory_space<vmem>>, %arg5: memref<4x2xf32, #tpu.memory_space<vmem>>, %arg6: memref<2048x8xf32, #tpu.memory_space<vmem>>) attributes {dimension_semantics = [#tpu.dimension_semantics<arbitrary>], iteration_bounds = array<i64: 49>, scalar_prefetch = 0 : i64, scratch_operands = 0 : i64, tpu.core_type = #tpu.core_type<tc>, window_params = [{transform_indices = @transform_0, window_bounds = array<i64: 2048, 1>}, {transform_indices = @transform_1, window_bounds = array<i64: 2, 2048, 8>}, {transform_indices = @transform_2, window_bounds = array<i64: 2048, 8>}, {pipeline_mode = #tpu.pipeline_mode<synchronous>, transform_indices = @transform_3, window_bounds = array<i64: 1, 4>}, {pipeline_mode = #tpu.pipeline_mode<synchronous>, transform_indices = @transform_4, window_bounds = array<i64: 4, 2>}, {transform_indices = @transform_5, window_bounds = array<i64: 2048, 8>}]} {
    %get3A = arith.constant 0 : index
    %get3A_0 = arith.constant 0 : index
    %get3A_1 = vector.load %arg1[%get3A, %get3A_0] : memref<2048x1xf32, #tpu.memory_space<vmem>>, vector<2048x1xf32>
    %get3A_2 = arith.constant 0 : index
    %get3A_3 = arith.constant 0 : index
    %get3A_4 = arith.constant 0 : index
    %get3A_5 = vector.load %arg2[%get3A_2, %get3A_3, %get3A_4] : memref<2x2048x8xf32, #tpu.memory_space<vmem>>, vector<1x2048x8xf32>
    %get3A_6 = vector.shape_cast %get3A_5 : vector<1x2048x8xf32> to vector<2048x8xf32>
    %slice3A = vector.extract_strided_slice %get3A_6 {offsets = [0, 0], sizes = [2048, 4], strides = [1, 1]} : vector<2048x8xf32> to vector<2048x4xf32>
    %get3A_7 = arith.constant 1 : index
    %get3A_8 = arith.constant 0 : index
    %get3A_9 = arith.constant 0 : index
    %get3A_10 = vector.load %arg2[%get3A_7, %get3A_8, %get3A_9] : memref<2x2048x8xf32, #tpu.memory_space<vmem>>, vector<1x2048x8xf32>
    %get3A_11 = vector.shape_cast %get3A_10 : vector<1x2048x8xf32> to vector<2048x8xf32>
    %slice3A_12 = vector.extract_strided_slice %get3A_11 {offsets = [0, 0], sizes = [2048, 4], strides = [1, 1]} : vector<2048x8xf32> to vector<2048x4xf32>
    %add3A = arith.addf %slice3A, %slice3A_12 : vector<2048x4xf32>
    %get3A_13 = arith.constant 0 : index
    %get3A_14 = arith.constant 0 : index
    %get3A_15 = vector.load %arg3[%get3A_13, %get3A_14] : memref<2048x8xf32, #tpu.memory_space<vmem>>, vector<2048x4xf32>
    %add3A_16 = arith.addf %add3A, %get3A_15 : vector<2048x4xf32>
    %mul3A = vector.broadcast %get3A_1 : vector<2048x1xf32> to vector<2048x4xf32>
    %mul3A_17 = arith.mulf %mul3A, %add3A_16 : vector<2048x4xf32>
    %get3A_18 = arith.constant 0 : index
    %get3A_19 = arith.constant 0 : index
    %get3A_20 = vector.load %arg4[%get3A_18, %get3A_19] : memref<1x4xf32, #tpu.memory_space<vmem>>, vector<1x4xf32>
    %add3A_21 = vector.broadcast %get3A_20 : vector<1x4xf32> to vector<2048x4xf32>
    %add3A_22 = arith.addf %mul3A_17, %add3A_21 : vector<2048x4xf32>
    %tanh3A = math.tanh %add3A_22 : vector<2048x4xf32>
    %get3A_23 = arith.constant 0 : index
    %get3A_24 = arith.constant 0 : index
    %get3A_25 = vector.load %arg5[%get3A_23, %get3A_24] : memref<4x2xf32, #tpu.memory_space<vmem>>, vector<4x2xf32>
    %convert_element_type3A = arith.truncf %tanh3A : vector<2048x4xf32> to vector<2048x4xbf16>
    %convert_element_type3A_26 = arith.extf %convert_element_type3A : vector<2048x4xbf16> to vector<2048x4xf32>
    %convert_element_type3A_27 = arith.truncf %get3A_25 : vector<4x2xf32> to vector<4x2xbf16>
    %convert_element_type3A_28 = arith.extf %convert_element_type3A_27 : vector<4x2xbf16> to vector<4x2xf32>
    %slice3A_29 = vector.extract_strided_slice %convert_element_type3A_26 {offsets = [0, 0], sizes = [2048, 1], strides = [1, 1]} : vector<2048x4xf32> to vector<2048x1xf32>
    %slice3A_30 = vector.extract_strided_slice %convert_element_type3A_28 {offsets = [0, 0], sizes = [1, 2], strides = [1, 1]} : vector<4x2xf32> to vector<1x2xf32>
    %mul3A_31 = vector.broadcast %slice3A_29 : vector<2048x1xf32> to vector<2048x2xf32>
    %mul3A_32 = vector.broadcast %slice3A_30 : vector<1x2xf32> to vector<2048x2xf32>
    %mul3A_33 = arith.mulf %mul3A_31, %mul3A_32 : vector<2048x2xf32>
    %slice3A_34 = vector.extract_strided_slice %convert_element_type3A_26 {offsets = [0, 1], sizes = [2048, 1], strides = [1, 1]} : vector<2048x4xf32> to vector<2048x1xf32>
    %slice3A_35 = vector.extract_strided_slice %convert_element_type3A_28 {offsets = [1, 0], sizes = [1, 2], strides = [1, 1]} : vector<4x2xf32> to vector<1x2xf32>
    %mul3A_36 = vector.broadcast %slice3A_34 : vector<2048x1xf32> to vector<2048x2xf32>
    %mul3A_37 = vector.broadcast %slice3A_35 : vector<1x2xf32> to vector<2048x2xf32>
    %mul3A_38 = arith.mulf %mul3A_36, %mul3A_37 : vector<2048x2xf32>
    %add3A_39 = arith.addf %mul3A_33, %mul3A_38 : vector<2048x2xf32>
    %slice3A_40 = vector.extract_strided_slice %convert_element_type3A_26 {offsets = [0, 2], sizes = [2048, 1], strides = [1, 1]} : vector<2048x4xf32> to vector<2048x1xf32>
    %slice3A_41 = vector.extract_strided_slice %convert_element_type3A_28 {offsets = [2, 0], sizes = [1, 2], strides = [1, 1]} : vector<4x2xf32> to vector<1x2xf32>
    %mul3A_42 = vector.broadcast %slice3A_40 : vector<2048x1xf32> to vector<2048x2xf32>
    %mul3A_43 = vector.broadcast %slice3A_41 : vector<1x2xf32> to vector<2048x2xf32>
    %mul3A_44 = arith.mulf %mul3A_42, %mul3A_43 : vector<2048x2xf32>
    %add3A_45 = arith.addf %add3A_39, %mul3A_44 : vector<2048x2xf32>
    %slice3A_46 = vector.extract_strided_slice %convert_element_type3A_26 {offsets = [0, 3], sizes = [2048, 1], strides = [1, 1]} : vector<2048x4xf32> to vector<2048x1xf32>
    %slice3A_47 = vector.extract_strided_slice %convert_element_type3A_28 {offsets = [3, 0], sizes = [1, 2], strides = [1, 1]} : vector<4x2xf32> to vector<1x2xf32>
    %mul3A_48 = vector.broadcast %slice3A_46 : vector<2048x1xf32> to vector<2048x2xf32>
    %mul3A_49 = vector.broadcast %slice3A_47 : vector<1x2xf32> to vector<2048x2xf32>
    %mul3A_50 = arith.mulf %mul3A_48, %mul3A_49 : vector<2048x2xf32>
    %add3A_51 = arith.addf %add3A_45, %mul3A_50 : vector<2048x2xf32>
    %mul3A_52 = vector.broadcast %get3A_1 : vector<2048x1xf32> to vector<2048x2xf32>
    %mul3A_53 = arith.mulf %mul3A_52, %add3A_51 : vector<2048x2xf32>
    %jit3A = arith.constant 0 : i32
    %convert_element_type3A_54 = arith.sitofp %jit3A : i32 to f32
    %pad3A = vector.broadcast %convert_element_type3A_54 : f32 to vector<2048x6xf32>
    %pad3A_55 = tpu.concatenate %mul3A_53, %pad3A in 1 : vector<2048x2xf32>, vector<2048x6xf32> -> vector<2048x8xf32>
    %swap3A = arith.constant 0 : index
    %swap3A_56 = arith.constant 0 : index
    %swap3A_57 = vector.load %arg6[%swap3A, %swap3A_56] : memref<2048x8xf32, #tpu.memory_space<vmem>>, vector<2048x8xf32>
    tpu.vector_store %arg6[%swap3A, %swap3A_56], %pad3A_55 {strides = array<i32>} : memref<2048x8xf32, #tpu.memory_space<vmem>>, vector<2048x8xf32>,
    return
  }
  func.func @transform_0(%arg0: i32) -> (i32, i32) {
    %c0_i32 = arith.constant 0 : i32
    %c0_i32_0 = arith.constant 0 : i32
    return %arg0, %c0_i32 : i32, i32
  }
  func.func @transform_1(%arg0: i32) -> (i32, i32, i32) {
    %c0_i32 = arith.constant 0 : i32
    %c0_i32_0 = arith.constant 0 : i32
    %c0_i32_1 = arith.constant 0 : i32
    return %c0_i32, %arg0, %c0_i32_0 : i32, i32, i32
  }
  func.func @transform_2(%arg0: i32) -> (i32, i32) {
    %c0_i32 = arith.constant 0 : i32
    %c0_i32_0 = arith.constant 0 : i32
    return %arg0, %c0_i32 : i32, i32
  }
  func.func @transform_3(%arg0: i32) -> (i32, i32) {
    %c0_i32 = arith.constant 0 : i32
    %c0_i32_0 = arith.constant 0 : i32
    %c0_i32_1 = arith.constant 0 : i32
    return %c0_i32, %c0_i32_0 : i32, i32
  }
  func.func @transform_4(%arg0: i32) -> (i32, i32) {
    %c0_i32 = arith.constant 0 : i32
    %c0_i32_0 = arith.constant 0 : i32
    %c0_i32_1 = arith.constant 0 : i32
    return %c0_i32, %c0_i32_0 : i32, i32
  }
  func.func @transform_5(%arg0: i32) -> (i32, i32) {
    %c0_i32 = arith.constant 0 : i32
    %c0_i32_0 = arith.constant 0 : i32
    return %arg0, %c0_i32 : i32, i32
  }
}

module attributes {stable_mosaic.version = 14 : i64} {
  func.func @_stage3_body(%arg0: i32, %arg1: memref<2048x1xf32, #tpu.memory_space<vmem>>, %arg2: memref<2x2048x8xf32, #tpu.memory_space<vmem>>, %arg3: memref<2048x8xf32, #tpu.memory_space<vmem>>, %arg4: memref<1x2xf32, #tpu.memory_space<vmem>>, %arg5: memref<2x1xf32, #tpu.memory_space<vmem>>, %arg6: memref<1x1xf32, #tpu.memory_space<vmem>>, %arg7: memref<2048x1xf32, #tpu.memory_space<vmem>>, %arg8: memref<2048x2xf32, #tpu.memory_space<vmem>>) attributes {dimension_semantics = [#tpu.dimension_semantics<arbitrary>], iteration_bounds = array<i64: 49>, scalar_prefetch = 0 : i64, scratch_operands = 0 : i64, tpu.core_type = #tpu.core_type<tc>, window_params = [{transform_indices = @transform_0, window_bounds = array<i64: 2048, 1>}, {transform_indices = @transform_1, window_bounds = array<i64: 2, 2048, 8>}, {transform_indices = @transform_2, window_bounds = array<i64: 2048, 8>}, {pipeline_mode = #tpu.pipeline_mode<synchronous>, transform_indices = @transform_3, window_bounds = array<i64: 1, 2>}, {pipeline_mode = #tpu.pipeline_mode<synchronous>, transform_indices = @transform_4, window_bounds = array<i64: 2, 1>}, {pipeline_mode = #tpu.pipeline_mode<synchronous>, transform_indices = @transform_5, window_bounds = array<i64: 1, 1>}, {transform_indices = @transform_6, window_bounds = array<i64: 2048, 1>}, {transform_indices = @transform_7, window_bounds = array<i64: 2048, 2>}]} {
    %get3A = arith.constant 0 : index
    %get3A_0 = arith.constant 0 : index
    %get3A_1 = vector.load %arg1[%get3A, %get3A_0] : memref<2048x1xf32, #tpu.memory_space<vmem>>, vector<2048x1xf32>
    %get3A_2 = arith.constant 0 : index
    %get3A_3 = arith.constant 0 : index
    %get3A_4 = arith.constant 0 : index
    %get3A_5 = vector.load %arg2[%get3A_2, %get3A_3, %get3A_4] : memref<2x2048x8xf32, #tpu.memory_space<vmem>>, vector<1x2048x8xf32>
    %get3A_6 = vector.shape_cast %get3A_5 : vector<1x2048x8xf32> to vector<2048x8xf32>
    %slice3A = vector.extract_strided_slice %get3A_6 {offsets = [0, 0], sizes = [2048, 2], strides = [1, 1]} : vector<2048x8xf32> to vector<2048x2xf32>
    %get3A_7 = arith.constant 1 : index
    %get3A_8 = arith.constant 0 : index
    %get3A_9 = arith.constant 0 : index
    %get3A_10 = vector.load %arg2[%get3A_7, %get3A_8, %get3A_9] : memref<2x2048x8xf32, #tpu.memory_space<vmem>>, vector<1x2048x8xf32>
    %get3A_11 = vector.shape_cast %get3A_10 : vector<1x2048x8xf32> to vector<2048x8xf32>
    %slice3A_12 = vector.extract_strided_slice %get3A_11 {offsets = [0, 0], sizes = [2048, 2], strides = [1, 1]} : vector<2048x8xf32> to vector<2048x2xf32>
    %add3A = arith.addf %slice3A, %slice3A_12 : vector<2048x2xf32>
    %get3A_13 = arith.constant 0 : index
    %get3A_14 = arith.constant 0 : index
    %get3A_15 = vector.load %arg3[%get3A_13, %get3A_14] : memref<2048x8xf32, #tpu.memory_space<vmem>>, vector<2048x2xf32>
    %add3A_16 = arith.addf %add3A, %get3A_15 : vector<2048x2xf32>
    %mul3A = vector.broadcast %get3A_1 : vector<2048x1xf32> to vector<2048x2xf32>
    %mul3A_17 = arith.mulf %mul3A, %add3A_16 : vector<2048x2xf32>
    %get3A_18 = arith.constant 0 : index
    %get3A_19 = arith.constant 0 : index
    %get3A_20 = vector.load %arg4[%get3A_18, %get3A_19] : memref<1x2xf32, #tpu.memory_space<vmem>>, vector<1x2xf32>
    %add3A_21 = vector.broadcast %get3A_20 : vector<1x2xf32> to vector<2048x2xf32>
    %add3A_22 = arith.addf %mul3A_17, %add3A_21 : vector<2048x2xf32>
    %tanh3A = math.tanh %add3A_22 : vector<2048x2xf32>
    %swap3A = arith.constant 0 : index
    %swap3A_23 = arith.constant 0 : index
    %swap3A_24 = vector.load %arg8[%swap3A, %swap3A_23] : memref<2048x2xf32, #tpu.memory_space<vmem>>, vector<2048x2xf32>
    tpu.vector_store %arg8[%swap3A, %swap3A_23], %tanh3A {strides = array<i32>} : memref<2048x2xf32, #tpu.memory_space<vmem>>, vector<2048x2xf32>,
    %get3A_25 = arith.constant 0 : index
    %get3A_26 = arith.constant 0 : index
    %get3A_27 = vector.load %arg5[%get3A_25, %get3A_26] : memref<2x1xf32, #tpu.memory_space<vmem>>, vector<2x1xf32>
    %convert_element_type3A = arith.truncf %tanh3A : vector<2048x2xf32> to vector<2048x2xbf16>
    %convert_element_type3A_28 = arith.extf %convert_element_type3A : vector<2048x2xbf16> to vector<2048x2xf32>
    %convert_element_type3A_29 = arith.truncf %get3A_27 : vector<2x1xf32> to vector<2x1xbf16>
    %convert_element_type3A_30 = arith.extf %convert_element_type3A_29 : vector<2x1xbf16> to vector<2x1xf32>
    %slice3A_31 = vector.extract_strided_slice %convert_element_type3A_28 {offsets = [0, 0], sizes = [2048, 1], strides = [1, 1]} : vector<2048x2xf32> to vector<2048x1xf32>
    %slice3A_32 = vector.extract_strided_slice %convert_element_type3A_30 {offsets = [0, 0], sizes = [1, 1], strides = [1, 1]} : vector<2x1xf32> to vector<1x1xf32>
    %mul3A_33 = vector.broadcast %slice3A_32 : vector<1x1xf32> to vector<2048x1xf32>
    %mul3A_34 = arith.mulf %slice3A_31, %mul3A_33 : vector<2048x1xf32>
    %slice3A_35 = vector.extract_strided_slice %convert_element_type3A_28 {offsets = [0, 1], sizes = [2048, 1], strides = [1, 1]} : vector<2048x2xf32> to vector<2048x1xf32>
    %slice3A_36 = vector.extract_strided_slice %convert_element_type3A_30 {offsets = [1, 0], sizes = [1, 1], strides = [1, 1]} : vector<2x1xf32> to vector<1x1xf32>
    %mul3A_37 = vector.broadcast %slice3A_36 : vector<1x1xf32> to vector<2048x1xf32>
    %mul3A_38 = arith.mulf %slice3A_35, %mul3A_37 : vector<2048x1xf32>
    %add3A_39 = arith.addf %mul3A_34, %mul3A_38 : vector<2048x1xf32>
    %get3A_40 = arith.constant 0 : index
    %get3A_41 = arith.constant 0 : index
    %get3A_42 = vector.load %arg6[%get3A_40, %get3A_41] : memref<1x1xf32, #tpu.memory_space<vmem>>, vector<1x1xf32>
    %add3A_43 = vector.broadcast %get3A_42 : vector<1x1xf32> to vector<2048x1xf32>
    %add3A_44 = arith.addf %add3A_39, %add3A_43 : vector<2048x1xf32>
    %swap3A_45 = arith.constant 0 : index
    %swap3A_46 = arith.constant 0 : index
    %swap3A_47 = vector.load %arg7[%swap3A_45, %swap3A_46] : memref<2048x1xf32, #tpu.memory_space<vmem>>, vector<2048x1xf32>
    tpu.vector_store %arg7[%swap3A_45, %swap3A_46], %add3A_44 {strides = array<i32>} : memref<2048x1xf32, #tpu.memory_space<vmem>>, vector<2048x1xf32>,
    return
  }
  func.func @transform_0(%arg0: i32) -> (i32, i32) {
    %c0_i32 = arith.constant 0 : i32
    %c0_i32_0 = arith.constant 0 : i32
    return %arg0, %c0_i32 : i32, i32
  }
  func.func @transform_1(%arg0: i32) -> (i32, i32, i32) {
    %c0_i32 = arith.constant 0 : i32
    %c0_i32_0 = arith.constant 0 : i32
    %c0_i32_1 = arith.constant 0 : i32
    return %c0_i32, %arg0, %c0_i32_0 : i32, i32, i32
  }
  func.func @transform_2(%arg0: i32) -> (i32, i32) {
    %c0_i32 = arith.constant 0 : i32
    %c0_i32_0 = arith.constant 0 : i32
    return %arg0, %c0_i32 : i32, i32
  }
  func.func @transform_3(%arg0: i32) -> (i32, i32) {
    %c0_i32 = arith.constant 0 : i32
    %c0_i32_0 = arith.constant 0 : i32
    %c0_i32_1 = arith.constant 0 : i32
    return %c0_i32, %c0_i32_0 : i32, i32
  }
  func.func @transform_4(%arg0: i32) -> (i32, i32) {
    %c0_i32 = arith.constant 0 : i32
    %c0_i32_0 = arith.constant 0 : i32
    %c0_i32_1 = arith.constant 0 : i32
    return %c0_i32, %c0_i32_0 : i32, i32
  }
  func.func @transform_5(%arg0: i32) -> (i32, i32) {
    %c0_i32 = arith.constant 0 : i32
    %c0_i32_0 = arith.constant 0 : i32
    %c0_i32_1 = arith.constant 0 : i32
    return %c0_i32, %c0_i32_0 : i32, i32
  }
  func.func @transform_6(%arg0: i32) -> (i32, i32) {
    %c0_i32 = arith.constant 0 : i32
    %c0_i32_0 = arith.constant 0 : i32
    return %arg0, %c0_i32 : i32, i32
  }
  func.func @transform_7(%arg0: i32) -> (i32, i32) {
    %c0_i32 = arith.constant 0 : i32
    %c0_i32_0 = arith.constant 0 : i32
    return %arg0, %c0_i32 : i32, i32
  }
}

</mosaic_0001>

<sc_bundles>
// kernel: kernel.10.cloned.1.call-start
scs
__scs_entry_jumppad:
0x0: {  	(pc) =	sbr.rel $0x88, $3  }
0x1: {  	(tag) =	ssettag $0x0;
	lr =	simm.s32 $0x1  }
0x2: {  	[smem:$0x3F97] =	sst lr;
	_ =	strace $0xD0000000  }
0x3: {  	_ = 	snop  }
0x4: {  	_ = 	snop  }
0x5: {  	_ = 	snop  }
0x6: {  	_ = 	snop  }
0x7: {  	_ = 	snop  }
__scs_overlays_trampoline_lowered:
0x8: {  	[smem:$0x3FA6] =	sst s0  }
0x9: {  	[smem:$0x3FA7] =	sst s1  }
0xa: {  	[smem:$0x3FA8] =	sst s2  }
0xb: {  	[smem:$0x3FA9] =	sst s3  }
0xc: {  	[smem:$0x3FAA] =	sst s4  }
0xd: {  	[smem:$0x3FAB] =	sst s5  }
0xe: {  	[smem:$0x3FAC] =	sst s6  }
0xf: {  	[smem:$0x3FAD] =	sst s7  }
0x10: {  	[smem:$0x3FAE] =	sst s8  }
0x11: {  	[smem:$0x3FAF] =	sst s9;
	s0 =	simm.s32 @!p0 $0x0  }
0x12: {  	s1 =	sld [smem:$0x3F95];
	s0 =	simm.s32 @p0 $0x1  }
0x13: {  	[smem:$0x3FB0] =	sst s0;
	s0 =	simm.s32 @!p1 $0x0  }
0x14: {  	s2 =	sld [smem:$0x3F94];
	s0 =	simm.s32 @p1 $0x1  }
0x15: {  	[smem:$0x3FB1] =	sst s0;
	s0 =	simm.s32 @!p2 $0x0  }
0x16: {  	s3 =	sld [smem:$0x3FDB];
	s0 =	simm.s32 @p2 $0x1  }
0x17: {  	s4 =	simm.s32 $0x1BF5;
	[smem:$0x3FB3] =	sst s0  }
0x18: {  	s0 =	sld [smem:$0x3F96];
	_ =	swait.ge [sflag:s4], $0x0  }
0x19: {  	s7 =	sld [smem:$0x3F97]  }
0x1a: {  	s8 =	sadd.s32 $0xFFFFE003, lr  }
0x1b: {  	s9 =	sadd.s32 $0xFFFFFEF7, lr;
	s5 =	simm.s32 $0xFFFFFFFF;
	p2 =	slt.u32 s8, $0xFFFFF086  }
0x1c: {  	p1 =	slt.u32 s9, $0xF7A;
	s5 =	simm.s32 @!p2 $0x0  }
0x1d: {  	s5 =	simm.s32 @p1 $0x1;
	p0 =	seq.s32 s7, s2  }
0x1e: {  	s7 =	smul.u32 @!p0 $0xF7A, s2;
	p2 =	seq.s32 @!p0 s5, $0x0  }
0x1f: {  	s9 =	smul.u32 $0xF7A, s1;
	s8 =	simm.s32 @!p0 $0x1BF5;
	p2 =	por !p2, p0  }
0x20: {  	[sflag:s8] =	ssyncset.s32 @!p0 $0xFFFFF086;
	s6 =	sadd.s32 @!p0 s3, s7;
	s7 =	simm.s32 @!p0 $0x108  }
0x21: {  	s3 =	sadd.s32 s3, s9;
	s6 =	sadd.s32 @!p0 $0x88, s6;
	s7 =	simm.s32 @p2 $0x1082  }
0x22: {  	[simem:s7], [sflag:s8] =	dma.local @!p0 [hbm:s6], $0xF7A  }
0x23: {  	s9 =	sor.u32 $0xD0000000, s2;
	s6 =	simm.s32 $0x108;
	_ =	swait.ge @!p0 [sflag:s8], $0x0  }
0x24: {  	s3 =	sadd.s32 $0x88, s3;
	s6 =	simm.s32 @!p1 $0x1082;
	[sflag:s4] =	ssyncset.s32 $0xFFFFF086  }
0x25: {  	[simem:s6], [sflag:s4] =	dma.local [hbm:s3], $0xF7A  }
0x26: {  	[smem:$0x3F97] =	sst s1;
	(tag) =	ssettag s2;
	_ =	strace s9  }
0x27: {  	s1 =	sld [smem:$0x3FA7]  }
0x28: {  	s2 =	sld [smem:$0x3FA8]  }
0x29: {  	s4 =	sld [smem:$0x3FAA]  }
0x2a: {  	p0 =	seq.s32 s5, $0x0;
	s5 =	sld [smem:$0x3FAB]  }
0x2b: {  	s6 =	sld [smem:$0x3FAC]  }
0x2c: {  	s7 =	sld [smem:$0x3FAD]  }
0x2d: {  	s3 =	simm.s32 $0x108;
	s8 =	sld [smem:$0x3FAE]  }
0x2e: {  	s3 =	simm.s32 @!p0 $0x1082;
	s9 =	sld [smem:$0x3FAF]  }
0x2f: {  	lr =	sadd.s32 s0, s3;
	s0 =	sld [smem:$0x3FA6]  }
0x30: {  	s3 =	sld [smem:$0x3FA9]  }
0x31: {  	[smem:$0x3FB2] =	sst s10  }
0x32: {  	s10 =	sld [smem:$0x3FB0];
	_ =	sdelay $0x3  }
0x33: {  	p0 =	seq.s32 s10, $0x1;
	s10 =	sld [smem:$0x3FB2];
	_ =	sdelay $0x3  }
0x34: {  	[smem:$0x3FB2] =	sst s10  }
0x35: {  	s10 =	sld [smem:$0x3FB1];
	_ =	sdelay $0x3  }
0x36: {  	p1 =	seq.s32 s10, $0x1;
	s10 =	sld [smem:$0x3FB2];
	_ =	sdelay $0x3  }
0x37: {  	[smem:$0x3FB2] =	sst s10  }
0x38: {  	s10 =	sld [smem:$0x3FB3]  }
0x39: {  	_ = 	snop;
	(pc) =	sbr.ind lr, $3  }
0x3a: {  	_ = 	snop  }
0x3b: {  	_ = 	snop  }
0x3c: {  	p2 =	seq.s32 s10, $0x1;
	s10 =	sld [smem:$0x3FB2]  }
0x3d: {  	_ =	shalt  }
0x3e: {  	_ =	shalt  }
0x3f: {  	_ =	shalt  }
0x40: {  	_ =	shalt  }
0x41: {  	_ =	shalt  }
0x42: {  	_ =	shalt  }
0x43: {  	_ =	shalt  }
0x44: {  	_ =	shalt  }
0x45: {  	_ =	shalt  }
0x46: {  	_ =	shalt  }
0x47: {  	_ =	shalt  }
0x48: {  	_ =	shalt  }
0x49: {  	_ =	shalt  }
0x4a: {  	_ =	shalt  }
0x4b: {  	_ =	shalt  }
0x4c: {  	_ =	shalt  }
0x4d: {  	_ =	shalt  }
0x4e: {  	_ =	shalt  }
0x4f: {  	_ =	shalt  }
0x50: {  	_ =	shalt  }
0x51: {  	_ =	shalt  }
0x52: {  	_ =	shalt  }
0x53: {  	_ =	shalt  }
0x54: {  	_ =	shalt  }
0x55: {  	_ =	shalt  }
0x56: {  	_ =	shalt  }
0x57: {  	_ =	shalt  }
0x58: {  	_ =	shalt  }
0x59: {  	_ =	shalt  }
0x5a: {  	_ =	shalt  }
0x5b: {  	_ =	shalt  }
0x5c: {  	_ =	shalt  }
0x5d: {  	_ =	shalt  }
0x5e: {  	_ =	shalt  }
0x5f: {  	_ =	shalt  }
0x60: {  	_ =	shalt  }
0x61: {  	_ =	shalt  }
0x62: {  	_ =	shalt  }
0x63: {  	_ =	shalt  }
0x64: {  	_ =	shalt  }
0x65: {  	_ =	shalt  }
0x66: {  	_ =	shalt  }
0x67: {  	_ =	shalt  }
0x68: {  	_ =	shalt  }
0x69: {  	_ =	shalt  }
0x6a: {  	_ =	shalt  }
0x6b: {  	_ =	shalt  }
0x6c: {  	_ =	shalt  }
0x6d: {  	_ =	shalt  }
0x6e: {  	_ =	shalt  }
0x6f: {  	_ =	shalt  }
0x70: {  	_ =	shalt  }
0x71: {  	_ =	shalt  }
0x72: {  	_ =	shalt  }
0x73: {  	_ =	shalt  }
0x74: {  	_ =	shalt  }
0x75: {  	_ =	shalt  }
0x76: {  	_ =	shalt  }
0x77: {  	_ =	shalt  }
0x78: {  	_ =	shalt  }
0x79: {  	_ =	shalt  }
0x7a: {  	_ =	shalt  }
0x7b: {  	_ =	shalt  }
0x7c: {  	_ =	shalt  }
0x7d: {  	_ =	shalt  }
0x7e: {  	_ =	shalt  }
0x7f: {  	_ =	shalt  }
0x80: {  	_ =	shalt  }
0x81: {  	_ =	shalt  }
0x82: {  	_ =	shalt  }
0x83: {  	_ =	shalt  }
0x84: {  	_ =	shalt  }
0x85: {  	_ =	shalt  }
0x86: {  	_ =	shalt  }
0x87: {  	_ =	shalt  }
.Lfunc_end0:
.L_simem_size_0:
called_computation_lowered:
.L_overlay_start_0:
0x88: {  	s2 =	sld [smem:$0x3FD9]  }
0x89: {  	s3 =	sld [smem:$0x3FFE];
	_ =	sdelay $0x1  }
0x8a: {  	s1 =	srdreg.scid  }
0x8b: {  	s0 =	sand.u32 $0x1, s1  }
0x8c: {  	s14 =	sshll.u32 s0, $0xA;
	s2 =	sadd.s32 s3, s2  }
0x8d: {  	s2 =	sadd.s32 s2, s14  }
0x8e: {  	[smem:$0x3FBE] =	sst s2  }
0x8f: {  	_ = 	snop  }
0x90: {  	s2 =	sld [smem:$0x3FD0];
	_ =	sdelay $0x2  }
0x91: {  	s15 =	simm.s32 $0xA;
	s4 =	simm.s32 $0x10  }
0x92: {  	[smem:s4], [sflag:s15] =	dma.local [hbm:s2], $0x1  }
0x93: {  	_ =	swait.eq [sflag:s15], $0x1  }
0x94: {  	[sflag:s15] =	ssyncset.done $0x0  }
0x95: {  	s16 =	sld [smem:$0x10];
	[sflag:s15] =	ssyncadd.s32 $0xFFFFFFFF  }
0x96: {  	s17 =	sld [smem:$0x11];
	(tm) =	ssettm $0x1  }
0x97: {  	s18 =	sld [smem:$0x3FFB];
	_ =	sdelay $0x3  }
0x98: {  	_ =	strace s18  }
0x99: {  	s4 =	sld [smem:$0x3FFC];
	_ =	sdelay $0x3  }
0x9a: {  	_ =	strace s4  }
0x9b: {  	s4 =	sld [smem:$0x3FFD];
	_ =	sdelay $0x3  }
0x9c: {  	_ =	strace s4  }
0x9d: {  	_ =	strace $0x8FFFFFFF  }
0x9e: {  	s19 =	sld [smem:$0x3FDB];
	_ =	sdelay $0x1  }
0x9f: {  	s5 =	simm.s32 $_scs_section_size  }
0xa0: {  	s6 =	simm.s32 $_size__tile_overlayer_lowered;
	s7 =	simm.s32 $_tile_overlayer_lowered  }
0xa1: {  	s22 =	simm.s32 $0x1BFF;
	s21 =	sshll.u32 s7, $0x1;
	s4 =	sadd.s32 s5, s19  }
0xa2: {  	s8 =	simm.s32 $0x0;
	s20 =	sshll.u32 s6, $0x1;
	s6 =	sadd.s32 s21, s4  }
0xa3: {  	[timem:s8], [sflag:s22] =	dma.local [hbm:s6], s20  }
0xa4: {  	_ =	swait.ge [sflag:s22], s20  }
0xa5: {  	s5 =	ssub.s32 $0x0, s20;
	[sflag:s22] =	ssyncset.done $0x0  }
0xa6: {  	[sflag:s22] =	ssyncadd.s32 s5;
	_ =	sdelay $0x1  }
0xa7: {  	s23 =	simm.s32 $0x1B8B  }
0xa8: {  	_ =	swait.ge [sflag:s23], $0x1  }
0xa9: {  	[sflag:s23] =	ssyncset.done $0x0  }
0xaa: {  	s25 =	simm.s32 $0x1B8E;
	s24 =	sld [smem:$0x3FFE];
	[sflag:s23] =	ssyncadd.s32 $0xFFFFFFFF  }
0xab: {  	s26 =	simm.s32 $execute0_lowered;
	[smem:$0x3FD2] =	sst s25  }
0xac: {  	s6 =	sshll.u32 s26, $0x1;
	_ =	strace $0x80000046;
	[dreg:$0x1] =	wrdreg $0xFFFFFFFF  }
0xad: {  	s28 =	simm.s32 $_size_execute0_lowered;
	s4 =	sadd.s32 s4, s6;
	[dreg:$0x0] =	wrdreg $0x0  }
0xae: {  	s6 =	sshll.u32 s28, $0x1;
	[dreg:$0x2] =	wrdreg s4  }
0xaf: {  	[dreg:$0x3] =	wrdreg s6  }
0xb0: {  	[dreg:$0x4] =	wrdreg $0xC0  }
0xb1: {  	_ =	task [dreg:s8], $0x5FFFF  }
0xb2: {  	[dreg:$0x1] =	wrdreg $0xFFFFFFFF  }
0xb3: {  	[dreg:$0x0] =	wrdreg $0x60  }
0xb4: {  	[dreg:$0x2] =	wrdreg s24  }
0xb5: {  	[dreg:$0x3] =	wrdreg s17  }
0xb6: {  	[dreg:$0x4] =	wrdreg s16  }
0xb7: {  	[dreg:$0x5] =	wrdreg $0x0  }
0xb8: {  	[dreg:$0x6] =	wrdreg $0x9  }
0xb9: {  	_ =	task.clear_ibuf [dreg:s8], $0x7FFFF;
	_ =	strace $0x90000046  }
0xba: {  	s29 =	simm.s32 $0x9;
	_ =	strace $0x80000048  }
0xbb: {  	_ =	swait.ge [sflag:s29], $0x1  }
0xbc: {  	[sflag:s29] =	ssyncadd.s32 $0xFFFFFFFF  }
0xbd: {  	_ =	strace $0x90000048  }
0xbe: {  	_ =	sfence  }
0xbf: {  	s30 =	sld [smem:$0x0];
	_ =	sdelay $0x2  }
0xc0: {  	s31 =	sshll.u32 s1, $0xD;
	s1 =	sshrl.u32 s1, $0x2  }
0xc1: {  	s3 =	sand.u32 $0x4000, s31;
	s1 =	sadd.s32 s1, s30  }
0xc2: {  	s0 =	sor.u32 s3, s0;
	s1 =	sshll.u32 s1, $0x11  }
0xc3: {  	s0 =	sor.u32 s1, s0  }
0xc4: {  	s0 =	sadd.s32 $0x8F2B, s0  }
0xc5: {  	[sflag:s0] =	ssyncadd.remote.s32 $0x1  }
0xc6: {  	_ =	sfence.sel $0xFFFF  }
0xc7: {  	[dreg:$0x0] =	wrdreg $0xFFFFFFFF;
	(pc) =	sbr.abs _section_cstart, $3  }
0xc8: {  	[dreg:$0x1] =	wrdreg $0xFFFFFFFF  }
0xc9: {  	_ =	task.clear_ibuf [dreg:s8], $0x2FFFF;
	_ =	strace $0x9FFFFFFF  }
0xca: {  	(tm) =	ssettm $0x7FFFFFFF  }
0xcb: {  	_ =	shalt  }
tec
execute0_lowered:
.L_overlay_start_1:
0x0: {  	(tag) =	ssettag $0x1  }
0x1: {  	s0 =	rddreg [dreg:$0x0]  }
0x2: {  	s1 =	rddreg [dreg:$0x1]  }
0x3: {  	s3 =	rddreg [dreg:$0x3]  }
0x4: {  	s2 =	srdreg.scid;
	s11 =	stileid.u32;
	s4 =	simm.s32 $0x0  }
0x5: {  	s28 =	simm.s32 $0x1C80;
	s29 =	simm.s32 $0x1;
	s30 =	simm.s32 $0x1D00  }
0x6: {  	s31 =	simm.s32 $0x1D80;
	s2 =	sand.u32 $0x1, s2;
	s5 =	smul.u32 $0x1880, s11  }
0x7: {  	[smem:$0x7FF] =	sst s4;
	s8 =	sadd.s32 $0xC5800, s0;
	s15 =	smul.u32 $0x31000, s11  }
0x8: {  	s13 =	sshll.u32 s11, $0x6;
	s6 =	smul.u32 $0x18800, s2;
	_ =	strace $0x80000047  }
0x9: {  	s7 =	sshll.u32 s2, $0x4;
	s9 =	ssub.s32 $0x2, s2;
	s2 =	smul.u32 $0x310000, s2  }
0xa: {  	s7 =	sor.u32 s11, s7;
	s10 =	sshrl.u32 s9, $0x1;
	s11 =	simm.s32 $0x2  }
0xb: {  	s6 =	sadd.s32 s5, s6;
	s7 =	smul.u32 $0x31000, s7;
	s9 =	ssub.s32 s9, s10  }
0xc: {  	s10 =	sadd.s32 s5, s3;
	s5 =	sshrl.u32 s5, $0x3;
	s6 =	sshrl.u32 s6, $0x3  }
0xd: {  	s1 =	sadd.s32 s1, s5;
	s25 =	smax.u32 s9, $0x1;
	s5 =	simm.s32 $0x1F80  }
0xe: {  	s9 =	simm.s32 $0x2080;
	s0 =	sadd.s32 s6, s0;
	[dreg:$0x7] =	wrdreg s1  }
0xf: {  	s12 =	sshrl.u32 s7, $0x3;
	s7 =	sor.u32 $0x1C03, s13;
	[dreg:$0x12] =	wrdreg s25  }
0x10: {  	s1 =	sadd.s32 s15, s2;
	s14 =	sadd.s32 s8, s12;
	[dreg:$0x9] =	wrdreg s7  }
0x11: {  	s13 =	simm.s32 $0x3;
	s0 =	sadd.s32 $0x2200, s0;
	[dreg:$0x8] =	wrdreg s14  }
0x12: {  	s25 =	simm.s32 $0x1B80;
	s12 =	sshrl.u32 s10, $0x3;
	[dreg:$0x11] =	wrdreg s0  }
0x13: {  	s22 =	sor.u32 $0x800, s1;
	s16 =	sadd.s32 $0x10, s14;
	[dreg:$0x13] =	wrdreg s12  }
0x14: {  	s1 =	sor.u32 $0x400, s1;
	s17 =	sadd.s32 $0x20, s14;
	[dreg:$0xa] =	wrdreg s16  }
0x15: {  	s10 =	simm.s32 $0x80;
	s18 =	sadd.s32 $0x30, s14;
	[dreg:$0xb] =	wrdreg s17  }
0x16: {  	s19 =	sadd.s32 $0x40, s14;
	s20 =	sadd.s32 $0x50, s14;
	[dreg:$0xc] =	wrdreg s18  }
0x17: {  	s21 =	sadd.s32 $0x60, s14;
	s23 =	sadd.s32 $0x70, s14;
	[dreg:$0xd] =	wrdreg s19  }
0x18: {  	s2 =	sshrl.u32 s22, $0x3;
	s1 =	sshrl.u32 s1, $0x3;
	[dreg:$0xe] =	wrdreg s20  }
0x19: {  	s22 =	simm.s32 $0x1A00;
	s0 =	simm.s32 $0x1E00;
	[dreg:$0xf] =	wrdreg s21  }
0x1a: {  	s14 =	simm.s32 $0x0;
	[dreg:$0x10] =	wrdreg s23;
	s24 =	sadd.s32 s2, s8  }
0x1b: {  	s26 =	sadd.s32 s1, s8;
	s19 =	simm.s32 $0x1880;
	s20 =	simm.s32 $0x1900  }
0x1c: {  	s21 =	simm.s32 $0x1980;
	s23 =	simm.s32 $0x1A80;
	s1 =	simm.s32 $0x1E80  }
0x1d: {  	s2 =	simm.s32 $0x1F00;
	s8 =	simm.s32 $0x2000;
	[dreg:$0x5] =	wrdreg s24  }
0x1e: {  	[dreg:$0x6] =	wrdreg s26;
	s24 =	simm.s32 $0x1B00;
	s26 =	simm.s32 $0x1C00  }
.LBB2_1:
0x1f: {  	[dreg:$0x14] =	wrdreg s14  }
0x20: {  	s6 =	rddreg [dreg:$0x7]  }
0x21: {  	[spmem:s12], [sflag:s7] =	dma.local [hbm:s6], $0x310  }
0x22: {  	_ =	swait.ge [sflag:s13], $0x310  }
0x23: {  	[sflag:s13] =	ssyncset.done $0x0  }
0x24: {  	[sflag:s13] =	ssyncadd.s32 $0xFFFFFCF0  }
0x25: {  	s18 =	rddreg [dreg:$0x2]  }
0x26: {  	[tilespmem:s19], [sflag:$0x3] =	stream.linear.gather [hbm4b:s18+s4], $0x80, $0x38;
	[tilespmem:$0x2100] =	vst v63  }
0x27: {  	_ =	swait.ge [sflag:s13], $0x80  }
0x28: {  	[sflag:s13] =	ssyncset.done $0x0  }
0x29: {  	[sflag:s13] =	ssyncadd.s32 $0xFFFFFF80  }
0x2a: {  	[bflag:$0x0] =	sbarrier.arrive $0xFFFF  }
0x2b: {  	s7 =	rddreg [dreg:$0x8]  }
0x2c: {  	[tilespmem:s20], [sflag:$0x1] =	stream.linear.gather [hbm4b:s7+s4], $0x80, $0x38;
	[tilespmem:$0x2100] =	vst v63  }
0x2d: {  	s12 =	rddreg [dreg:$0xa]  }
0x2e: {  	[tilespmem:s21], [sflag:$0x1] =	stream.linear.gather [hbm4b:s12+s4], $0x80, $0x38;
	[tilespmem:$0x2100] =	vst v63  }
0x2f: {  	s13 =	rddreg [dreg:$0xb]  }
0x30: {  	[tilespmem:s22], [sflag:$0x1] =	stream.linear.gather [hbm4b:s13+s4], $0x80, $0x38;
	[tilespmem:$0x2100] =	vst v63  }
0x31: {  	s14 =	rddreg [dreg:$0xc]  }
0x32: {  	[tilespmem:s23], [sflag:$0x1] =	stream.linear.gather [hbm4b:s14+s4], $0x80, $0x38;
	[tilespmem:$0x2100] =	vst v63  }
0x33: {  	s15 =	rddreg [dreg:$0xd]  }
0x34: {  	[tilespmem:s24], [sflag:$0x1] =	stream.linear.gather [hbm4b:s15+s4], $0x80, $0x38;
	[tilespmem:$0x2100] =	vst v63  }
0x35: {  	s16 =	rddreg [dreg:$0xe]  }
0x36: {  	[tilespmem:s25], [sflag:$0x1] =	stream.linear.gather [hbm4b:s16+s4], $0x80, $0x38;
	[tilespmem:$0x2100] =	vst v63  }
0x37: {  	s17 =	rddreg [dreg:$0xf]  }
0x38: {  	[tilespmem:s26], [sflag:$0x1] =	stream.linear.gather [hbm4b:s17+s4], $0x80, $0x38;
	[tilespmem:$0x2100] =	vst v63  }
0x39: {  	s18 =	rddreg [dreg:$0x10]  }
0x3a: {  	[tilespmem:s28], [sflag:$0x1] =	stream.linear.gather [hbm4b:s18+s4], $0x80, $0x38;
	[tilespmem:$0x2100] =	vst v63  }
0x3b: {  	_ =	swait.ge [sflag:s29], $0x80  }
0x3c: {  	[sflag:s29] =	ssyncset.done $0x0  }
0x3d: {  	[sflag:s29] =	ssyncadd.s32 $0xFFFFFF80  }
0x3e: {  	_ =	swait.ge [sflag:s29], $0x80  }
0x3f: {  	[sflag:s29] =	ssyncset.done $0x0  }
0x40: {  	[sflag:s29] =	ssyncadd.s32 $0xFFFFFF80  }
0x41: {  	_ =	swait.ge [sflag:s29], $0x80  }
0x42: {  	[sflag:s29] =	ssyncset.done $0x0  }
0x43: {  	[sflag:s29] =	ssyncadd.s32 $0xFFFFFF80  }
0x44: {  	_ =	swait.ge [sflag:s29], $0x80  }
0x45: {  	[sflag:s29] =	ssyncset.done $0x0  }
0x46: {  	[sflag:s29] =	ssyncadd.s32 $0xFFFFFF80  }
0x47: {  	_ =	swait.ge [sflag:s29], $0x80  }
0x48: {  	[sflag:s29] =	ssyncset.done $0x0  }
0x49: {  	[sflag:s29] =	ssyncadd.s32 $0xFFFFFF80  }
0x4a: {  	_ =	swait.ge [sflag:s29], $0x80  }
0x4b: {  	[sflag:s29] =	ssyncset.done $0x0  }
0x4c: {  	[sflag:s29] =	ssyncadd.s32 $0xFFFFFF80  }
0x4d: {  	_ =	swait.ge [sflag:s29], $0x80  }
0x4e: {  	[sflag:s29] =	ssyncset.done $0x0  }
0x4f: {  	[sflag:s29] =	ssyncadd.s32 $0xFFFFFF80  }
0x50: {  	_ =	swait.ge [sflag:s29], $0x80  }
0x51: {  	s6 =	rddreg [dreg:$0x6];
	[sflag:s29] =	ssyncset.done $0x0  }
0x52: {  	[sflag:s29] =	ssyncadd.s32 $0xFFFFFF80;
	s13 =	sadd.s32 $0x0, s6  }
0x53: {  	[tilespmem:s30], [sflag:$0x1] =	stream.linear.gather [hbm4b:s13+s4], $0x80, $0x38;
	[tilespmem:$0x2100] =	vst v63  }
0x54: {  	s7 =	sadd.s32 $0x10, s13  }
0x55: {  	[tilespmem:s31], [sflag:$0x1] =	stream.linear.gather [hbm4b:s7+s4], $0x80, $0x38;
	[tilespmem:$0x2100] =	vst v63  }
0x56: {  	s12 =	sadd.s32 $0x20, s13  }
0x57: {  	[tilespmem:s0], [sflag:$0x1] =	stream.linear.gather [hbm4b:s12+s4], $0x80, $0x38;
	[tilespmem:$0x2100] =	vst v63  }
0x58: {  	s15 =	sadd.s32 $0x30, s13  }
0x59: {  	[tilespmem:s1], [sflag:$0x1] =	stream.linear.gather [hbm4b:s15+s4], $0x80, $0x38;
	[tilespmem:$0x2100] =	vst v63  }
0x5a: {  	s16 =	sadd.s32 $0x40, s13  }
0x5b: {  	[tilespmem:s2], [sflag:$0x1] =	stream.linear.gather [hbm4b:s16+s4], $0x80, $0x38;
	[tilespmem:$0x2100] =	vst v63  }
0x5c: {  	s17 =	sadd.s32 $0x50, s13  }
0x5d: {  	[tilespmem:s5], [sflag:$0x1] =	stream.linear.gather [hbm4b:s17+s4], $0x80, $0x38;
	[tilespmem:$0x2100] =	vst v63  }
0x5e: {  	s18 =	sadd.s32 $0x60, s13  }
0x5f: {  	[tilespmem:s8], [sflag:$0x1] =	stream.linear.gather [hbm4b:s18+s4], $0x80, $0x38;
	[tilespmem:$0x2100] =	vst v63  }
0x60: {  	s13 =	sadd.s32 $0x70, s13  }
0x61: {  	[tilespmem:s9], [sflag:$0x1] =	stream.linear.gather [hbm4b:s13+s4], $0x80, $0x38;
	[tilespmem:$0x2100] =	vst v63  }
0x62: {  	_ = 	snop  }
0x63: {  	[spmem:s3] =	stream.indirect.scatter.add.f32 [tilespmem:s19], [sflag:$0x2], $0x1, s20, s10, $0xb8;
	[tilespmem:$0x2100] =	vst v63  }
0x64: {  	_ = 	snop  }
0x65: {  	[spmem:s3] =	stream.indirect.scatter.add.f32 [tilespmem:s19], [sflag:$0x2], $0x1, s21, s10, $0xb8;
	[tilespmem:$0x2100] =	vst v63  }
0x66: {  	_ = 	snop  }
0x67: {  	[spmem:s3] =	stream.indirect.scatter.add.f32 [tilespmem:s19], [sflag:$0x2], $0x1, s22, s10, $0xb8;
	[tilespmem:$0x2100] =	vst v63  }
0x68: {  	_ = 	snop  }
0x69: {  	[spmem:s3] =	stream.indirect.scatter.add.f32 [tilespmem:s19], [sflag:$0x2], $0x1, s23, s10, $0xb8;
	[tilespmem:$0x2100] =	vst v63  }
0x6a: {  	_ = 	snop  }
0x6b: {  	[spmem:s3] =	stream.indirect.scatter.add.f32 [tilespmem:s19], [sflag:$0x2], $0x1, s24, s10, $0xb8;
	[tilespmem:$0x2100] =	vst v63  }
0x6c: {  	_ = 	snop  }
0x6d: {  	[spmem:s3] =	stream.indirect.scatter.add.f32 [tilespmem:s19], [sflag:$0x2], $0x1, s25, s10, $0xb8;
	[tilespmem:$0x2100] =	vst v63  }
0x6e: {  	_ = 	snop  }
0x6f: {  	[spmem:s3] =	stream.indirect.scatter.add.f32 [tilespmem:s19], [sflag:$0x2], $0x1, s26, s10, $0xb8;
	[tilespmem:$0x2100] =	vst v63  }
0x70: {  	_ = 	snop  }
0x71: {  	[spmem:s3] =	stream.indirect.scatter.add.f32 [tilespmem:s19], [sflag:$0x2], $0x1, s28, s10, $0xb8;
	[tilespmem:$0x2100] =	vst v63  }
0x72: {  	_ =	swait.ge [sflag:s29], $0x80  }
0x73: {  	[sflag:s29] =	ssyncset.done $0x0  }
0x74: {  	[sflag:s29] =	ssyncadd.s32 $0xFFFFFF80  }
0x75: {  	_ =	swait.ge [sflag:s29], $0x80  }
0x76: {  	[sflag:s29] =	ssyncset.done $0x0  }
0x77: {  	[sflag:s29] =	ssyncadd.s32 $0xFFFFFF80  }
0x78: {  	_ =	swait.ge [sflag:s29], $0x80  }
0x79: {  	[sflag:s29] =	ssyncset.done $0x0  }
0x7a: {  	[sflag:s29] =	ssyncadd.s32 $0xFFFFFF80  }
0x7b: {  	_ =	swait.ge [sflag:s29], $0x80  }
0x7c: {  	[sflag:s29] =	ssyncset.done $0x0  }
0x7d: {  	[sflag:s29] =	ssyncadd.s32 $0xFFFFFF80  }
0x7e: {  	_ =	swait.ge [sflag:s29], $0x80  }
0x7f: {  	[sflag:s29] =	ssyncset.done $0x0  }
0x80: {  	[sflag:s29] =	ssyncadd.s32 $0xFFFFFF80  }
0x81: {  	_ =	swait.ge [sflag:s29], $0x80  }
0x82: {  	[sflag:s29] =	ssyncset.done $0x0  }
0x83: {  	[sflag:s29] =	ssyncadd.s32 $0xFFFFFF80  }
0x84: {  	_ =	swait.ge [sflag:s29], $0x80  }
0x85: {  	[sflag:s29] =	ssyncset.done $0x0  }
0x86: {  	[sflag:s29] =	ssyncadd.s32 $0xFFFFFF80  }
0x87: {  	_ =	swait.ge [sflag:s29], $0x80  }
0x88: {  	[sflag:s29] =	ssyncset.done $0x0  }
0x89: {  	[sflag:s29] =	ssyncadd.s32 $0xFFFFFF80  }
0x8a: {  	_ =	swait.ge [sflag:s11], $0x80  }
0x8b: {  	[sflag:s11] =	ssyncset.done $0x0  }
0x8c: {  	[sflag:s11] =	ssyncadd.s32 $0xFFFFFF80  }
0x8d: {  	_ =	swait.ge [sflag:s11], $0x80  }
0x8e: {  	[sflag:s11] =	ssyncset.done $0x0  }
0x8f: {  	[sflag:s11] =	ssyncadd.s32 $0xFFFFFF80  }
0x90: {  	_ =	swait.ge [sflag:s11], $0x80  }
0x91: {  	[sflag:s11] =	ssyncset.done $0x0  }
0x92: {  	[sflag:s11] =	ssyncadd.s32 $0xFFFFFF80  }
0x93: {  	_ =	swait.ge [sflag:s11], $0x80  }
0x94: {  	[sflag:s11] =	ssyncset.done $0x0  }
0x95: {  	[sflag:s11] =	ssyncadd.s32 $0xFFFFFF80  }
0x96: {  	_ =	swait.ge [sflag:s11], $0x80  }
0x97: {  	[sflag:s11] =	ssyncset.done $0x0  }
0x98: {  	[sflag:s11] =	ssyncadd.s32 $0xFFFFFF80  }
0x99: {  	_ =	swait.ge [sflag:s11], $0x80  }
0x9a: {  	[sflag:s11] =	ssyncset.done $0x0  }
0x9b: {  	[sflag:s11] =	ssyncadd.s32 $0xFFFFFF80  }
0x9c: {  	_ =	swait.ge [sflag:s11], $0x80  }
0x9d: {  	[sflag:s11] =	ssyncset.done $0x0  }
0x9e: {  	[sflag:s11] =	ssyncadd.s32 $0xFFFFFF80  }
0x9f: {  	p0 =	por $0x0, $0x0;
	_ =	swait.ge [sflag:s11], $0x80  }
0xa0: {  	s14 =	simm.s32 @!p0 $0x0;
	s13 =	rddreg [dreg:$0x5];
	[sflag:s11] =	ssyncset.done $0x0  }
0xa1: {  	s15 =	simm.s32 @!p0 $0x1900;
	[sflag:s11] =	ssyncadd.s32 $0xFFFFFF80;
	s13 =	sadd.s32 @!p0 $0x0, s13  }
0xa2: {  	[tilespmem:s15], [sflag:$0x1] =	stream.linear.gather @!p0 [hbm4b:s13+s14], $0x80, $0x38;
	[tilespmem:$0x2100] =	vst v63  }
0xa3: {  	s15 =	simm.s32 @!p0 $0x1980;
	s16 =	sadd.s32 @!p0 $0x10, s13  }
0xa4: {  	[tilespmem:s15], [sflag:$0x1] =	stream.linear.gather @!p0 [hbm4b:s16+s14], $0x80, $0x38;
	[tilespmem:$0x2100] =	vst v63  }
0xa5: {  	s15 =	sadd.s32 @!p0 $0x20, s13;
	s16 =	simm.s32 @!p0 $0x1A00  }
0xa6: {  	[tilespmem:s16], [sflag:$0x1] =	stream.linear.gather @!p0 [hbm4b:s15+s14], $0x80, $0x38;
	[tilespmem:$0x2100] =	vst v63  }
0xa7: {  	s15 =	sadd.s32 @!p0 $0x30, s13;
	s16 =	simm.s32 @!p0 $0x1A80  }
0xa8: {  	[tilespmem:s16], [sflag:$0x1] =	stream.linear.gather @!p0 [hbm4b:s15+s14], $0x80, $0x38;
	[tilespmem:$0x2100] =	vst v63  }
0xa9: {  	s15 =	sadd.s32 @!p0 $0x40, s13;
	s16 =	simm.s32 @!p0 $0x1B00  }
0xaa: {  	[tilespmem:s16], [sflag:$0x1] =	stream.linear.gather @!p0 [hbm4b:s15+s14], $0x80, $0x38;
	[tilespmem:$0x2100] =	vst v63  }
0xab: {  	s15 =	sadd.s32 @!p0 $0x50, s13;
	s16 =	simm.s32 @!p0 $0x1B80  }
0xac: {  	[tilespmem:s16], [sflag:$0x1] =	stream.linear.gather @!p0 [hbm4b:s15+s14], $0x80, $0x38;
	[tilespmem:$0x2100] =	vst v63  }
0xad: {  	s15 =	sadd.s32 @!p0 $0x60, s13;
	s16 =	simm.s32 @!p0 $0x1C00  }
0xae: {  	[tilespmem:s16], [sflag:$0x1] =	stream.linear.gather @!p0 [hbm4b:s15+s14], $0x80, $0x38;
	[tilespmem:$0x2100] =	vst v63  }
0xaf: {  	s13 =	sadd.s32 @!p0 $0x70, s13;
	s15 =	simm.s32 @!p0 $0x1C80  }
0xb0: {  	[tilespmem:s15], [sflag:$0x1] =	stream.linear.gather @!p0 [hbm4b:s13+s14], $0x80, $0x38;
	[tilespmem:$0x2100] =	vst v63  }
0xb1: {  	_ = 	snop  }
0xb2: {  	[spmem:s3] =	stream.indirect.scatter.add.f32 [tilespmem:s19], [sflag:$0x2], $0x1, s30, s10, $0xb8;
	[tilespmem:$0x2100] =	vst v63  }
0xb3: {  	_ = 	snop  }
0xb4: {  	[spmem:s3] =	stream.indirect.scatter.add.f32 [tilespmem:s19], [sflag:$0x2], $0x1, s31, s10, $0xb8;
	[tilespmem:$0x2100] =	vst v63  }
0xb5: {  	_ = 	snop  }
0xb6: {  	[spmem:s3] =	stream.indirect.scatter.add.f32 [tilespmem:s19], [sflag:$0x2], $0x1, s0, s10, $0xb8;
	[tilespmem:$0x2100] =	vst v63  }
0xb7: {  	_ = 	snop  }
0xb8: {  	[spmem:s3] =	stream.indirect.scatter.add.f32 [tilespmem:s19], [sflag:$0x2], $0x1, s1, s10, $0xb8;
	[tilespmem:$0x2100] =	vst v63  }
0xb9: {  	_ = 	snop  }
0xba: {  	[spmem:s3] =	stream.indirect.scatter.add.f32 [tilespmem:s19], [sflag:$0x2], $0x1, s2, s10, $0xb8;
	[tilespmem:$0x2100] =	vst v63  }
0xbb: {  	_ = 	snop  }
0xbc: {  	[spmem:s3] =	stream.indirect.scatter.add.f32 [tilespmem:s19], [sflag:$0x2], $0x1, s5, s10, $0xb8;
	[tilespmem:$0x2100] =	vst v63  }
0xbd: {  	_ = 	snop  }
0xbe: {  	[spmem:s3] =	stream.indirect.scatter.add.f32 [tilespmem:s19], [sflag:$0x2], $0x1, s8, s10, $0xb8;
	[tilespmem:$0x2100] =	vst v63  }
0xbf: {  	_ = 	snop  }
0xc0: {  	[spmem:s3] =	stream.indirect.scatter.add.f32 [tilespmem:s19], [sflag:$0x2], $0x1, s9, s10, $0xb8;
	[tilespmem:$0x2100] =	vst v63  }
0xc1: {  	_ =	swait.ge [sflag:s11], $0x80  }
0xc2: {  	[sflag:s11] =	ssyncset.done $0x0  }
0xc3: {  	[sflag:s11] =	ssyncadd.s32 $0xFFFFFF80  }
0xc4: {  	_ =	swait.ge [sflag:s11], $0x80  }
0xc5: {  	[sflag:s11] =	ssyncset.done $0x0  }
0xc6: {  	[sflag:s11] =	ssyncadd.s32 $0xFFFFFF80  }
0xc7: {  	_ =	swait.ge [sflag:s11], $0x80  }
0xc8: {  	[sflag:s11] =	ssyncset.done $0x0  }
0xc9: {  	[sflag:s11] =	ssyncadd.s32 $0xFFFFFF80  }
0xca: {  	_ =	swait.ge [sflag:s11], $0x80  }
0xcb: {  	[sflag:s11] =	ssyncset.done $0x0  }
0xcc: {  	[sflag:s11] =	ssyncadd.s32 $0xFFFFFF80  }
0xcd: {  	_ =	swait.ge [sflag:s11], $0x80  }
0xce: {  	[sflag:s11] =	ssyncset.done $0x0  }
0xcf: {  	[sflag:s11] =	ssyncadd.s32 $0xFFFFFF80  }
0xd0: {  	_ =	swait.ge [sflag:s11], $0x80  }
0xd1: {  	[sflag:s11] =	ssyncset.done $0x0  }
0xd2: {  	[sflag:s11] =	ssyncadd.s32 $0xFFFFFF80  }
0xd3: {  	_ =	swait.ge [sflag:s11], $0x80  }
0xd4: {  	[sflag:s11] =	ssyncset.done $0x0  }
0xd5: {  	[sflag:s11] =	ssyncadd.s32 $0xFFFFFF80  }
0xd6: {  	s13 =	simm.s32 $0x100;
	_ =	swait.ge [sflag:s11], $0x80  }
.LBB2_2:
0xd7: {  	[sflag:s11] =	ssyncset.done $0x0  }
0xd8: {  	[sflag:s11] =	ssyncadd.s32 $0xFFFFFF80  }
0xd9: {  	_ =	swait.ge [sflag:s29], $0x80  }
0xda: {  	[sflag:s29] =	ssyncset.done $0x0  }
0xdb: {  	[sflag:s29] =	ssyncadd.s32 $0xFFFFFF80  }
0xdc: {  	_ =	swait.ge [sflag:s29], $0x80  }
0xdd: {  	[sflag:s29] =	ssyncset.done $0x0  }
0xde: {  	[sflag:s29] =	ssyncadd.s32 $0xFFFFFF80  }
0xdf: {  	_ =	swait.ge [sflag:s29], $0x80  }
0xe0: {  	[sflag:s29] =	ssyncset.done $0x0  }
0xe1: {  	[sflag:s29] =	ssyncadd.s32 $0xFFFFFF80  }
0xe2: {  	_ =	swait.ge [sflag:s29], $0x80  }
0xe3: {  	[sflag:s29] =	ssyncset.done $0x0  }
0xe4: {  	[sflag:s29] =	ssyncadd.s32 $0xFFFFFF80  }
0xe5: {  	_ =	swait.ge [sflag:s29], $0x80  }
0xe6: {  	[sflag:s29] =	ssyncset.done $0x0  }
0xe7: {  	[sflag:s29] =	ssyncadd.s32 $0xFFFFFF80  }
0xe8: {  	_ =	swait.ge [sflag:s29], $0x80  }
0xe9: {  	[sflag:s29] =	ssyncset.done $0x0  }
0xea: {  	[sflag:s29] =	ssyncadd.s32 $0xFFFFFF80  }
0xeb: {  	_ =	swait.ge [sflag:s29], $0x80  }
0xec: {  	[sflag:s29] =	ssyncset.done $0x0  }
0xed: {  	[sflag:s29] =	ssyncadd.s32 $0xFFFFFF80  }
0xee: {  	_ =	swait.ge [sflag:s29], $0x80  }
0xef: {  	s14 =	smov.u32 s13;
	s15 =	rddreg [dreg:$0x6];
	[sflag:s29] =	ssyncset.done $0x0  }
0xf0: {  	[sflag:s29] =	ssyncadd.s32 $0xFFFFFF80;
	s15 =	sadd.s32 s14, s15  }
0xf1: {  	[tilespmem:s30], [sflag:$0x1] =	stream.linear.gather [hbm4b:s15+s4], $0x80, $0x38;
	[tilespmem:$0x2100] =	vst v63  }
0xf2: {  	s16 =	sadd.s32 $0x10, s15  }
0xf3: {  	[tilespmem:s31], [sflag:$0x1] =	stream.linear.gather [hbm4b:s16+s4], $0x80, $0x38;
	[tilespmem:$0x2100] =	vst v63  }
0xf4: {  	s6 =	sadd.s32 $0x20, s15  }
0xf5: {  	[tilespmem:s0], [sflag:$0x1] =	stream.linear.gather [hbm4b:s6+s4], $0x80, $0x38;
	[tilespmem:$0x2100] =	vst v63  }
0xf6: {  	s7 =	sadd.s32 $0x30, s15  }
0xf7: {  	[tilespmem:s1], [sflag:$0x1] =	stream.linear.gather [hbm4b:s7+s4], $0x80, $0x38;
	[tilespmem:$0x2100] =	vst v63  }
0xf8: {  	s12 =	sadd.s32 $0x40, s15  }
0xf9: {  	[tilespmem:s2], [sflag:$0x1] =	stream.linear.gather [hbm4b:s12+s4], $0x80, $0x38;
	[tilespmem:$0x2100] =	vst v63  }
0xfa: {  	s17 =	sadd.s32 $0x50, s15  }
0xfb: {  	[tilespmem:s5], [sflag:$0x1] =	stream.linear.gather [hbm4b:s17+s4], $0x80, $0x38;
	[tilespmem:$0x2100] =	vst v63  }
0xfc: {  	s18 =	sadd.s32 $0x60, s15  }
0xfd: {  	[tilespmem:s8], [sflag:$0x1] =	stream.linear.gather [hbm4b:s18+s4], $0x80, $0x38;
	[tilespmem:$0x2100] =	vst v63  }
0xfe: {  	s15 =	sadd.s32 $0x70, s15  }
0xff: {  	[tilespmem:s9], [sflag:$0x1] =	stream.linear.gather [hbm4b:s15+s4], $0x80, $0x38;
	[tilespmem:$0x2100] =	vst v63  }
0x100: {  	_ = 	snop  }
0x101: {  	[spmem:s3] =	stream.indirect.scatter.add.f32 [tilespmem:s19], [sflag:$0x2], $0x1, s20, s10, $0xb8;
	[tilespmem:$0x2100] =	vst v63  }
0x102: {  	_ = 	snop  }
0x103: {  	[spmem:s3] =	stream.indirect.scatter.add.f32 [tilespmem:s19], [sflag:$0x2], $0x1, s21, s10, $0xb8;
	[tilespmem:$0x2100] =	vst v63  }
0x104: {  	_ = 	snop  }
0x105: {  	[spmem:s3] =	stream.indirect.scatter.add.f32 [tilespmem:s19], [sflag:$0x2], $0x1, s22, s10, $0xb8;
	[tilespmem:$0x2100] =	vst v63  }
0x106: {  	_ = 	snop  }
0x107: {  	[spmem:s3] =	stream.indirect.scatter.add.f32 [tilespmem:s19], [sflag:$0x2], $0x1, s23, s10, $0xb8;
	[tilespmem:$0x2100] =	vst v63  }
0x108: {  	_ = 	snop  }
0x109: {  	[spmem:s3] =	stream.indirect.scatter.add.f32 [tilespmem:s19], [sflag:$0x2], $0x1, s24, s10, $0xb8;
	[tilespmem:$0x2100] =	vst v63  }
0x10a: {  	_ = 	snop  }
0x10b: {  	[spmem:s3] =	stream.indirect.scatter.add.f32 [tilespmem:s19], [sflag:$0x2], $0x1, s25, s10, $0xb8;
	[tilespmem:$0x2100] =	vst v63  }
0x10c: {  	_ = 	snop  }
0x10d: {  	[spmem:s3] =	stream.indirect.scatter.add.f32 [tilespmem:s19], [sflag:$0x2], $0x1, s26, s10, $0xb8;
	[tilespmem:$0x2100] =	vst v63  }
0x10e: {  	_ = 	snop  }
0x10f: {  	[spmem:s3] =	stream.indirect.scatter.add.f32 [tilespmem:s19], [sflag:$0x2], $0x1, s28, s10, $0xb8;
	[tilespmem:$0x2100] =	vst v63  }
0x110: {  	_ =	swait.ge [sflag:s29], $0x80  }
0x111: {  	[sflag:s29] =	ssyncset.done $0x0  }
0x112: {  	[sflag:s29] =	ssyncadd.s32 $0xFFFFFF80  }
0x113: {  	_ =	swait.ge [sflag:s29], $0x80  }
0x114: {  	[sflag:s29] =	ssyncset.done $0x0  }
0x115: {  	[sflag:s29] =	ssyncadd.s32 $0xFFFFFF80  }
0x116: {  	_ =	swait.ge [sflag:s29], $0x80  }
0x117: {  	[sflag:s29] =	ssyncset.done $0x0  }
0x118: {  	[sflag:s29] =	ssyncadd.s32 $0xFFFFFF80  }
0x119: {  	_ =	swait.ge [sflag:s29], $0x80  }
0x11a: {  	[sflag:s29] =	ssyncset.done $0x0  }
0x11b: {  	[sflag:s29] =	ssyncadd.s32 $0xFFFFFF80  }
0x11c: {  	_ =	swait.ge [sflag:s29], $0x80  }
0x11d: {  	[sflag:s29] =	ssyncset.done $0x0  }
0x11e: {  	[sflag:s29] =	ssyncadd.s32 $0xFFFFFF80  }
0x11f: {  	_ =	swait.ge [sflag:s29], $0x80  }
0x120: {  	[sflag:s29] =	ssyncset.done $0x0  }
0x121: {  	[sflag:s29] =	ssyncadd.s32 $0xFFFFFF80  }
0x122: {  	_ =	swait.ge [sflag:s29], $0x80  }
0x123: {  	[sflag:s29] =	ssyncset.done $0x0  }
0x124: {  	[sflag:s29] =	ssyncadd.s32 $0xFFFFFF80  }
0x125: {  	_ =	swait.ge [sflag:s29], $0x80  }
0x126: {  	[sflag:s29] =	ssyncset.done $0x0  }
0x127: {  	[sflag:s29] =	ssyncadd.s32 $0xFFFFFF80  }
0x128: {  	_ =	swait.ge [sflag:s11], $0x80  }
0x129: {  	[sflag:s11] =	ssyncset.done $0x0  }
0x12a: {  	[sflag:s11] =	ssyncadd.s32 $0xFFFFFF80  }
0x12b: {  	_ =	swait.ge [sflag:s11], $0x80  }
0x12c: {  	[sflag:s11] =	ssyncset.done $0x0  }
0x12d: {  	[sflag:s11] =	ssyncadd.s32 $0xFFFFFF80  }
0x12e: {  	_ =	swait.ge [sflag:s11], $0x80  }
0x12f: {  	[sflag:s11] =	ssyncset.done $0x0  }
0x130: {  	[sflag:s11] =	ssyncadd.s32 $0xFFFFFF80  }
0x131: {  	_ =	swait.ge [sflag:s11], $0x80  }
0x132: {  	[sflag:s11] =	ssyncset.done $0x0  }
0x133: {  	[sflag:s11] =	ssyncadd.s32 $0xFFFFFF80  }
0x134: {  	_ =	swait.ge [sflag:s11], $0x80  }
0x135: {  	[sflag:s11] =	ssyncset.done $0x0  }
0x136: {  	[sflag:s11] =	ssyncadd.s32 $0xFFFFFF80  }
0x137: {  	_ =	swait.ge [sflag:s11], $0x80  }
0x138: {  	[sflag:s11] =	ssyncset.done $0x0  }
0x139: {  	[sflag:s11] =	ssyncadd.s32 $0xFFFFFF80  }
0x13a: {  	_ =	swait.ge [sflag:s11], $0x80  }
0x13b: {  	[sflag:s11] =	ssyncset.done $0x0  }
0x13c: {  	[sflag:s11] =	ssyncadd.s32 $0xFFFFFF80  }
0x13d: {  	p1 =	seq.s32 s14, $0x6100;
	_ =	swait.ge [sflag:s11], $0x80  }
0x13e: {  	s16 =	simm.s32 @!p1 $0x0;
	s15 =	rddreg [dreg:$0x5];
	[sflag:s11] =	ssyncset.done $0x0  }
0x13f: {  	[sflag:s11] =	ssyncadd.s32 $0xFFFFFF80;
	s14 =	sadd.s32 @!p1 s14, s15;
	s15 =	simm.s32 @!p1 $0x1900  }
0x140: {  	[tilespmem:s15], [sflag:$0x1] =	stream.linear.gather @!p1 [hbm4b:s14+s16], $0x80, $0x38;
	[tilespmem:$0x2100] =	vst v63  }
0x141: {  	s6 =	simm.s32 @!p1 $0x1980;
	s15 =	sadd.s32 @!p1 $0x10, s14  }
0x142: {  	[tilespmem:s6], [sflag:$0x1] =	stream.linear.gather @!p1 [hbm4b:s15+s16], $0x80, $0x38;
	[tilespmem:$0x2100] =	vst v63  }
0x143: {  	s17 =	simm.s32 @!p1 $0x1A00;
	s7 =	sadd.s32 @!p1 $0x20, s14  }
0x144: {  	[tilespmem:s17], [sflag:$0x1] =	stream.linear.gather @!p1 [hbm4b:s7+s16], $0x80, $0x38;
	[tilespmem:$0x2100] =	vst v63  }
0x145: {  	s6 =	sadd.s32 @!p1 $0x30, s14;
	s15 =	simm.s32 @!p1 $0x1A80  }
0x146: {  	[tilespmem:s15], [sflag:$0x1] =	stream.linear.gather @!p1 [hbm4b:s6+s16], $0x80, $0x38;
	[tilespmem:$0x2100] =	vst v63  }
0x147: {  	s18 =	sadd.s32 @!p1 $0x40, s14;
	s7 =	simm.s32 @!p1 $0x1B00  }
0x148: {  	[tilespmem:s7], [sflag:$0x1] =	stream.linear.gather @!p1 [hbm4b:s18+s16], $0x80, $0x38;
	[tilespmem:$0x2100] =	vst v63  }
0x149: {  	s17 =	sadd.s32 @!p1 $0x50, s14;
	s6 =	simm.s32 @!p1 $0x1B80  }
0x14a: {  	[tilespmem:s6], [sflag:$0x1] =	stream.linear.gather @!p1 [hbm4b:s17+s16], $0x80, $0x38;
	[tilespmem:$0x2100] =	vst v63  }
0x14b: {  	s12 =	sadd.s32 @!p1 $0x60, s14;
	s7 =	simm.s32 @!p1 $0x1C00  }
0x14c: {  	[tilespmem:s7], [sflag:$0x1] =	stream.linear.gather @!p1 [hbm4b:s12+s16], $0x80, $0x38;
	[tilespmem:$0x2100] =	vst v63  }
0x14d: {  	s14 =	sadd.s32 @!p1 $0x70, s14;
	s6 =	simm.s32 @!p1 $0x1C80  }
0x14e: {  	[tilespmem:s6], [sflag:$0x1] =	stream.linear.gather @!p1 [hbm4b:s14+s16], $0x80, $0x38;
	[tilespmem:$0x2100] =	vst v63  }
0x14f: {  	_ = 	snop  }
0x150: {  	[spmem:s3] =	stream.indirect.scatter.add.f32 [tilespmem:s19], [sflag:$0x2], $0x1, s30, s10, $0xb8;
	[tilespmem:$0x2100] =	vst v63  }
0x151: {  	_ = 	snop  }
0x152: {  	[spmem:s3] =	stream.indirect.scatter.add.f32 [tilespmem:s19], [sflag:$0x2], $0x1, s31, s10, $0xb8;
	[tilespmem:$0x2100] =	vst v63  }
0x153: {  	_ = 	snop  }
0x154: {  	[spmem:s3] =	stream.indirect.scatter.add.f32 [tilespmem:s19], [sflag:$0x2], $0x1, s0, s10, $0xb8;
	[tilespmem:$0x2100] =	vst v63  }
0x155: {  	_ = 	snop  }
0x156: {  	[spmem:s3] =	stream.indirect.scatter.add.f32 [tilespmem:s19], [sflag:$0x2], $0x1, s1, s10, $0xb8;
	[tilespmem:$0x2100] =	vst v63  }
0x157: {  	_ = 	snop  }
0x158: {  	[spmem:s3] =	stream.indirect.scatter.add.f32 [tilespmem:s19], [sflag:$0x2], $0x1, s2, s10, $0xb8;
	[tilespmem:$0x2100] =	vst v63  }
0x159: {  	_ = 	snop  }
0x15a: {  	[spmem:s3] =	stream.indirect.scatter.add.f32 [tilespmem:s19], [sflag:$0x2], $0x1, s5, s10, $0xb8;
	[tilespmem:$0x2100] =	vst v63  }
0x15b: {  	_ = 	snop  }
0x15c: {  	[spmem:s3] =	stream.indirect.scatter.add.f32 [tilespmem:s19], [sflag:$0x2], $0x1, s8, s10, $0xb8;
	[tilespmem:$0x2100] =	vst v63  }
0x15d: {  	_ = 	snop  }
0x15e: {  	[spmem:s3] =	stream.indirect.scatter.add.f32 [tilespmem:s19], [sflag:$0x2], $0x1, s9, s10, $0xb8;
	[tilespmem:$0x2100] =	vst v63  }
0x15f: {  	_ =	swait.ge [sflag:s11], $0x80  }
0x160: {  	[sflag:s11] =	ssyncset.done $0x0  }
0x161: {  	[sflag:s11] =	ssyncadd.s32 $0xFFFFFF80  }
0x162: {  	_ =	swait.ge [sflag:s11], $0x80  }
0x163: {  	[sflag:s11] =	ssyncset.done $0x0  }
0x164: {  	[sflag:s11] =	ssyncadd.s32 $0xFFFFFF80  }
0x165: {  	_ =	swait.ge [sflag:s11], $0x80  }
0x166: {  	[sflag:s11] =	ssyncset.done $0x0  }
0x167: {  	[sflag:s11] =	ssyncadd.s32 $0xFFFFFF80  }
0x168: {  	_ =	swait.ge [sflag:s11], $0x80  }
0x169: {  	[sflag:s11] =	ssyncset.done $0x0  }
0x16a: {  	[sflag:s11] =	ssyncadd.s32 $0xFFFFFF80  }
0x16b: {  	_ =	swait.ge [sflag:s11], $0x80  }
0x16c: {  	[sflag:s11] =	ssyncset.done $0x0  }
0x16d: {  	[sflag:s11] =	ssyncadd.s32 $0xFFFFFF80  }
0x16e: {  	s13 =	sadd.s32 $0x100, s13;
	_ =	swait.ge [sflag:s11], $0x80  }
0x16f: {  	p0 =	sne.s32 s13, $0x6200;
	[sflag:s11] =	ssyncset.done $0x0  }
.Ltmp0:
0x170: {  	[sflag:s11] =	ssyncadd.s32 $0xFFFFFF80;
	(pc) =	sbr.rel @p0 .LBB2_2-.Ltmp0, $4  }
0x171: {  	_ =	swait.ge [sflag:s11], $0x80  }
0x172: {  	[sflag:s11] =	ssyncset.done $0x0  }
0x173: {  	[sflag:s11] =	ssyncadd.s32 $0xFFFFFF80  }
0x174: {  	_ =	swait.ge [sflag:s11], $0x80  }
0x175: {  	[sflag:s11] =	ssyncset.done $0x0  }
0x176: {  	[sflag:s11] =	ssyncadd.s32 $0xFFFFFF80  }
0x177: {  	[bflag:$0x0] =	sbarrier.arrive $0xFFFF  }
0x178: {  	s7 =	rddreg [dreg:$0x9]  }
0x179: {  	s6 =	rddreg [dreg:$0x11]  }
0x17a: {  	s13 =	simm.s32 $0x3;
	s12 =	rddreg [dreg:$0x13]  }
0x17b: {  	[hbm:s6], [sflag:s7] =	dma.local [spmem:s12], $0x310  }
0x17c: {  	_ =	swait.ge [sflag:s13], $0x310  }
0x17d: {  	s14 =	rddreg [dreg:$0x14]  }
0x17e: {  	s18 =	rddreg [dreg:$0x12];
	s14 =	sadd.s32 $0x1, s14  }
0x17f: {  	p0 =	sne.s32 s14, s18  }
.Ltmp1:
0x180: {  	_ = 	snop;
	(pc) =	sbr.rel @p0 .LBB2_1-.Ltmp1, $3  }
0x181: {  	_ =	sdelay $0x1  }
0x182: {  	[sflag:s13] =	ssyncset.done $0x0  }
0x183: {  	[sflag:s13] =	ssyncadd.s32 $0xFFFFFCF0  }
0x184: {  	_ =	sfence.sel $0x180000  }
0x185: {  	[bflag:$0x0] =	sbarrier.arrive $0xFFFF  }
0x186: {  	_ =	strace $0x90000047  }
0x187: {  	s0 =	stileid.u32;
	[bflag:$0x2] =	sbarrier.arrive $0xFFFF  }
0x188: {  	p0 =	sne.s32 s0, $0x0;
	s0 =	rddreg [dreg:$0x4]  }
0x189: {  	s0 =	sadd.s32 @!p0 $0x100000, s0  }
0x18a: {  	[sflag:s0] =	ssyncadd.tile.s32 @!p0 $0x1;
	_ =	shalt  }
.Lfunc_end2:
_tile_overlayer_lowered:
.L_overlay_start_2:
0x18b: {  	(tag) =	ssettag $0x2  }
0x18c: {  	s0 =	rddreg [dreg:$0x0];
	s2 =	stileid.u32  }
0x18d: {  	s1 =	rddreg [dreg:$0x1];
	p0 =	sne.s32 s2, $0x0  }
0x18e: {  	s3 =	rddreg [dreg:$0x2];
	[bflag:$0x3] =	sbarrier.arrive $0xFFFF;
	s2 =	simm.s32 @!p0 $0x1C03  }
0x18f: {  	[timem:s3], [sflag:s2] =	dma.local @!p0 [hbm:s0], s1  }
0x190: {  	s0 =	simm.s32 @!p0 $0x3  }
0x191: {  	_ =	swait.ge @!p0 [sflag:s0], s1  }
0x192: {  	s1 =	ssub.s32 @!p0 $0x0, s1;
	[sflag:s0] =	ssyncset.done @!p0 $0x0  }
0x193: {  	[sflag:s0] =	ssyncadd.s32 @!p0 s1  }
0x194: {  	[bflag:$0x3] =	sbarrier.arrive $0xFFFF  }
0x195: {  	_ =	shalt  }

// kernel: kernel.13.cloned.1.call-start
scs
__scs_entry_jumppad:
0x0: {  	(pc) =	sbr.rel $0x88, $3  }
0x1: {  	(tag) =	ssettag $0x0;
	lr =	simm.s32 $0x1  }
0x2: {  	[smem:$0x3F97] =	sst lr;
	_ =	strace $0xD0000000  }
0x3: {  	_ = 	snop  }
0x4: {  	_ = 	snop  }
0x5: {  	_ = 	snop  }
0x6: {  	_ = 	snop  }
0x7: {  	_ = 	snop  }
__scs_overlays_trampoline_lowered:
0x8: {  	[smem:$0x3FA6] =	sst s0  }
0x9: {  	[smem:$0x3FA7] =	sst s1  }
0xa: {  	[smem:$0x3FA8] =	sst s2  }
0xb: {  	[smem:$0x3FA9] =	sst s3  }
0xc: {  	[smem:$0x3FAA] =	sst s4  }
0xd: {  	[smem:$0x3FAB] =	sst s5  }
0xe: {  	[smem:$0x3FAC] =	sst s6  }
0xf: {  	[smem:$0x3FAD] =	sst s7  }
0x10: {  	[smem:$0x3FAE] =	sst s8  }
0x11: {  	[smem:$0x3FAF] =	sst s9;
	s0 =	simm.s32 @!p0 $0x0  }
0x12: {  	s1 =	sld [smem:$0x3F95];
	s0 =	simm.s32 @p0 $0x1  }
0x13: {  	[smem:$0x3FB0] =	sst s0;
	s0 =	simm.s32 @!p1 $0x0  }
0x14: {  	s2 =	sld [smem:$0x3F94];
	s0 =	simm.s32 @p1 $0x1  }
0x15: {  	[smem:$0x3FB1] =	sst s0;
	s0 =	simm.s32 @!p2 $0x0  }
0x16: {  	s3 =	sld [smem:$0x3FDB];
	s0 =	simm.s32 @p2 $0x1  }
0x17: {  	s4 =	simm.s32 $0x1BF5;
	[smem:$0x3FB3] =	sst s0  }
0x18: {  	s0 =	sld [smem:$0x3F96];
	_ =	swait.ge [sflag:s4], $0x0  }
0x19: {  	s7 =	sld [smem:$0x3F97]  }
0x1a: {  	s8 =	sadd.s32 $0xFFFFE003, lr  }
0x1b: {  	s9 =	sadd.s32 $0xFFFFFEF7, lr;
	s5 =	simm.s32 $0xFFFFFFFF;
	p2 =	slt.u32 s8, $0xFFFFF086  }
0x1c: {  	p1 =	slt.u32 s9, $0xF7A;
	s5 =	simm.s32 @!p2 $0x0  }
0x1d: {  	s5 =	simm.s32 @p1 $0x1;
	p0 =	seq.s32 s7, s2  }
0x1e: {  	s7 =	smul.u32 @!p0 $0xF7A, s2;
	p2 =	seq.s32 @!p0 s5, $0x0  }
0x1f: {  	s9 =	smul.u32 $0xF7A, s1;
	s8 =	simm.s32 @!p0 $0x1BF5;
	p2 =	por !p2, p0  }
0x20: {  	[sflag:s8] =	ssyncset.s32 @!p0 $0xFFFFF086;
	s6 =	sadd.s32 @!p0 s3, s7;
	s7 =	simm.s32 @!p0 $0x108  }
0x21: {  	s3 =	sadd.s32 s3, s9;
	s6 =	sadd.s32 @!p0 $0x88, s6;
	s7 =	simm.s32 @p2 $0x1082  }
0x22: {  	[simem:s7], [sflag:s8] =	dma.local @!p0 [hbm:s6], $0xF7A  }
0x23: {  	s9 =	sor.u32 $0xD0000000, s2;
	s6 =	simm.s32 $0x108;
	_ =	swait.ge @!p0 [sflag:s8], $0x0  }
0x24: {  	s3 =	sadd.s32 $0x88, s3;
	s6 =	simm.s32 @!p1 $0x1082;
	[sflag:s4] =	ssyncset.s32 $0xFFFFF086  }
0x25: {  	[simem:s6], [sflag:s4] =	dma.local [hbm:s3], $0xF7A  }
0x26: {  	[smem:$0x3F97] =	sst s1;
	(tag) =	ssettag s2;
	_ =	strace s9  }
0x27: {  	s1 =	sld [smem:$0x3FA7]  }
0x28: {  	s2 =	sld [smem:$0x3FA8]  }
0x29: {  	s4 =	sld [smem:$0x3FAA]  }
0x2a: {  	p0 =	seq.s32 s5, $0x0;
	s5 =	sld [smem:$0x3FAB]  }
0x2b: {  	s6 =	sld [smem:$0x3FAC]  }
0x2c: {  	s7 =	sld [smem:$0x3FAD]  }
0x2d: {  	s3 =	simm.s32 $0x108;
	s8 =	sld [smem:$0x3FAE]  }
0x2e: {  	s3 =	simm.s32 @!p0 $0x1082;
	s9 =	sld [smem:$0x3FAF]  }
0x2f: {  	lr =	sadd.s32 s0, s3;
	s0 =	sld [smem:$0x3FA6]  }
0x30: {  	s3 =	sld [smem:$0x3FA9]  }
0x31: {  	[smem:$0x3FB2] =	sst s10  }
0x32: {  	s10 =	sld [smem:$0x3FB0];
	_ =	sdelay $0x3  }
0x33: {  	p0 =	seq.s32 s10, $0x1;
	s10 =	sld [smem:$0x3FB2];
	_ =	sdelay $0x3  }
0x34: {  	[smem:$0x3FB2] =	sst s10  }
0x35: {  	s10 =	sld [smem:$0x3FB1];
	_ =	sdelay $0x3  }
0x36: {  	p1 =	seq.s32 s10, $0x1;
	s10 =	sld [smem:$0x3FB2];
	_ =	sdelay $0x3  }
0x37: {  	[smem:$0x3FB2] =	sst s10  }
0x38: {  	s10 =	sld [smem:$0x3FB3]  }
0x39: {  	_ = 	snop;
	(pc) =	sbr.ind lr, $3  }
0x3a: {  	_ = 	snop  }
0x3b: {  	_ = 	snop  }
0x3c: {  	p2 =	seq.s32 s10, $0x1;
	s10 =	sld [smem:$0x3FB2]  }
0x3d: {  	_ =	shalt  }
0x3e: {  	_ =	shalt  }
0x3f: {  	_ =	shalt  }
0x40: {  	_ =	shalt  }
0x41: {  	_ =	shalt  }
0x42: {  	_ =	shalt  }
0x43: {  	_ =	shalt  }
0x44: {  	_ =	shalt  }
0x45: {  	_ =	shalt  }
0x46: {  	_ =	shalt  }
0x47: {  	_ =	shalt  }
0x48: {  	_ =	shalt  }
0x49: {  	_ =	shalt  }
0x4a: {  	_ =	shalt  }
0x4b: {  	_ =	shalt  }
0x4c: {  	_ =	shalt  }
0x4d: {  	_ =	shalt  }
0x4e: {  	_ =	shalt  }
0x4f: {  	_ =	shalt  }
0x50: {  	_ =	shalt  }
0x51: {  	_ =	shalt  }
0x52: {  	_ =	shalt  }
0x53: {  	_ =	shalt  }
0x54: {  	_ =	shalt  }
0x55: {  	_ =	shalt  }
0x56: {  	_ =	shalt  }
0x57: {  	_ =	shalt  }
0x58: {  	_ =	shalt  }
0x59: {  	_ =	shalt  }
0x5a: {  	_ =	shalt  }
0x5b: {  	_ =	shalt  }
0x5c: {  	_ =	shalt  }
0x5d: {  	_ =	shalt  }
0x5e: {  	_ =	shalt  }
0x5f: {  	_ =	shalt  }
0x60: {  	_ =	shalt  }
0x61: {  	_ =	shalt  }
0x62: {  	_ =	shalt  }
0x63: {  	_ =	shalt  }
0x64: {  	_ =	shalt  }
0x65: {  	_ =	shalt  }
0x66: {  	_ =	shalt  }
0x67: {  	_ =	shalt  }
0x68: {  	_ =	shalt  }
0x69: {  	_ =	shalt  }
0x6a: {  	_ =	shalt  }
0x6b: {  	_ =	shalt  }
0x6c: {  	_ =	shalt  }
0x6d: {  	_ =	shalt  }
0x6e: {  	_ =	shalt  }
0x6f: {  	_ =	shalt  }
0x70: {  	_ =	shalt  }
0x71: {  	_ =	shalt  }
0x72: {  	_ =	shalt  }
0x73: {  	_ =	shalt  }
0x74: {  	_ =	shalt  }
0x75: {  	_ =	shalt  }
0x76: {  	_ =	shalt  }
0x77: {  	_ =	shalt  }
0x78: {  	_ =	shalt  }
0x79: {  	_ =	shalt  }
0x7a: {  	_ =	shalt  }
0x7b: {  	_ =	shalt  }
0x7c: {  	_ =	shalt  }
0x7d: {  	_ =	shalt  }
0x7e: {  	_ =	shalt  }
0x7f: {  	_ =	shalt  }
0x80: {  	_ =	shalt  }
0x81: {  	_ =	shalt  }
0x82: {  	_ =	shalt  }
0x83: {  	_ =	shalt  }
0x84: {  	_ =	shalt  }
0x85: {  	_ =	shalt  }
0x86: {  	_ =	shalt  }
0x87: {  	_ =	shalt  }
.Lfunc_end0:
.L_simem_size_0:
called_computation.1_lowered:
.L_overlay_start_0:
0x88: {  	s2 =	sld [smem:$0x3FD9]  }
0x89: {  	s3 =	sld [smem:$0x3FFE];
	_ =	sdelay $0x1  }
0x8a: {  	s1 =	srdreg.scid  }
0x8b: {  	s0 =	sand.u32 $0x1, s1  }
0x8c: {  	s14 =	sshll.u32 s0, $0xA;
	s2 =	sadd.s32 s3, s2  }
0x8d: {  	s2 =	sadd.s32 s2, s14  }
0x8e: {  	[smem:$0x3FBE] =	sst s2  }
0x8f: {  	_ = 	snop  }
0x90: {  	s2 =	sld [smem:$0x3FD0];
	_ =	sdelay $0x2  }
0x91: {  	s15 =	simm.s32 $0xA;
	s4 =	simm.s32 $0x10  }
0x92: {  	[smem:s4], [sflag:s15] =	dma.local [hbm:s2], $0x1  }
0x93: {  	_ =	swait.eq [sflag:s15], $0x1  }
0x94: {  	[sflag:s15] =	ssyncset.done $0x0  }
0x95: {  	[sflag:s15] =	ssyncadd.s32 $0xFFFFFFFF  }
0x96: {  	s16 =	sld [smem:$0x11];
	(tm) =	ssettm $0x1  }
0x97: {  	s17 =	sld [smem:$0x3FFB];
	_ =	sdelay $0x3  }
0x98: {  	_ =	strace s17  }
0x99: {  	s3 =	sld [smem:$0x3FFC];
	_ =	sdelay $0x3  }
0x9a: {  	_ =	strace s3  }
0x9b: {  	s3 =	sld [smem:$0x3FFD];
	_ =	sdelay $0x3  }
0x9c: {  	_ =	strace s3  }
0x9d: {  	_ =	strace $0x8FFFFFFF  }
0x9e: {  	s18 =	sld [smem:$0x3FDB];
	_ =	sdelay $0x1  }
0x9f: {  	s19 =	simm.s32 $_scs_section_size  }
0xa0: {  	s5 =	simm.s32 $_size__tile_overlayer_lowered;
	s6 =	simm.s32 $_tile_overlayer_lowered  }
0xa1: {  	s22 =	simm.s32 $0x1BFF;
	s21 =	sshll.u32 s6, $0x1;
	s3 =	sadd.s32 s19, s18  }
0xa2: {  	s7 =	simm.s32 $0x0;
	s20 =	sshll.u32 s5, $0x1;
	s5 =	sadd.s32 s21, s3  }
0xa3: {  	[timem:s7], [sflag:s22] =	dma.local [hbm:s5], s20  }
0xa4: {  	_ =	swait.ge [sflag:s22], s20  }
0xa5: {  	s4 =	ssub.s32 $0x0, s20;
	[sflag:s22] =	ssyncset.done $0x0  }
0xa6: {  	[sflag:s22] =	ssyncadd.s32 s4;
	_ =	sdelay $0x1  }
0xa7: {  	s23 =	simm.s32 $0x1B8B  }
0xa8: {  	_ =	swait.ge [sflag:s23], $0x1  }
0xa9: {  	[sflag:s23] =	ssyncset.done $0x0  }
0xaa: {  	s25 =	simm.s32 $0x1B8E;
	s24 =	sld [smem:$0x3FFE];
	[sflag:s23] =	ssyncadd.s32 $0xFFFFFFFF  }
0xab: {  	s26 =	simm.s32 $execute0_lowered;
	[smem:$0x3FD2] =	sst s25  }
0xac: {  	s5 =	sshll.u32 s26, $0x1;
	_ =	strace $0x80000049;
	[dreg:$0x1] =	wrdreg $0xFFFFFFFF  }
0xad: {  	s28 =	simm.s32 $_size_execute0_lowered;
	s3 =	sadd.s32 s3, s5;
	[dreg:$0x0] =	wrdreg $0x0  }
0xae: {  	s5 =	sshll.u32 s28, $0x1;
	[dreg:$0x2] =	wrdreg s3  }
0xaf: {  	[dreg:$0x3] =	wrdreg s5  }
0xb0: {  	[dreg:$0x4] =	wrdreg $0xC0  }
0xb1: {  	_ =	task [dreg:s7], $0x5FFFF  }
0xb2: {  	[dreg:$0x1] =	wrdreg $0xFFFFFFFF  }
0xb3: {  	[dreg:$0x0] =	wrdreg $0x60  }
0xb4: {  	[dreg:$0x2] =	wrdreg s24  }
0xb5: {  	[dreg:$0x3] =	wrdreg s16  }
0xb6: {  	[dreg:$0x4] =	wrdreg $0x0  }
0xb7: {  	[dreg:$0x5] =	wrdreg $0x18800  }
0xb8: {  	[dreg:$0x6] =	wrdreg $0x9  }
0xb9: {  	_ =	task.clear_ibuf [dreg:s7], $0x7FFFF;
	_ =	strace $0x90000049  }
0xba: {  	s29 =	simm.s32 $0x9;
	_ =	strace $0x8000004B  }
0xbb: {  	_ =	swait.ge [sflag:s29], $0x1  }
0xbc: {  	[sflag:s29] =	ssyncadd.s32 $0xFFFFFFFF  }
0xbd: {  	_ =	strace $0x9000004B  }
0xbe: {  	_ =	sfence  }
0xbf: {  	s30 =	sld [smem:$0x0];
	_ =	sdelay $0x2  }
0xc0: {  	s31 =	sshll.u32 s1, $0xD;
	s1 =	sshrl.u32 s1, $0x2  }
0xc1: {  	s3 =	sand.u32 $0x4000, s31;
	s1 =	sadd.s32 s1, s30  }
0xc2: {  	s0 =	sor.u32 s3, s0;
	s1 =	sshll.u32 s1, $0x11  }
0xc3: {  	s0 =	sor.u32 s1, s0  }
0xc4: {  	s0 =	sadd.s32 $0x8F2B, s0  }
0xc5: {  	[sflag:s0] =	ssyncadd.remote.s32 $0x1  }
0xc6: {  	_ =	sfence.sel $0xFFFF  }
0xc7: {  	[dreg:$0x0] =	wrdreg $0xFFFFFFFF;
	(pc) =	sbr.abs _section_cstart, $3  }
0xc8: {  	[dreg:$0x1] =	wrdreg $0xFFFFFFFF  }
0xc9: {  	_ =	task.clear_ibuf [dreg:s7], $0x2FFFF;
	_ =	strace $0x9FFFFFFF  }
0xca: {  	(tm) =	ssettm $0x7FFFFFFF  }
0xcb: {  	_ =	shalt  }
tec
execute0_lowered:
.L_overlay_start_1:
0x0: {  	(tag) =	ssettag $0x1  }
0x1: {  	s0 =	rddreg [dreg:$0x0]  }
0x2: {  	s2 =	rddreg [dreg:$0x1]  }
0x3: {  	s1 =	rddreg [dreg:$0x2]  }
0x4: {  	s3 =	rddreg [dreg:$0x3];
	s4 =	simm.s32 $0x0;
	s17 =	stileid.u32  }
0x5: {  	s6 =	srdreg.scid;
	s28 =	simm.s32 $0x3880;
	s29 =	simm.s32 $0x3300  }
0x6: {  	s30 =	simm.s32 $0x80;
	s31 =	simm.s32 $0x3900;
	[smem:$0x7FF] =	sst s4  }
0x7: {  	s5 =	smul.u32 $0x1880, s17;
	s7 =	sadd.s32 $0x189800, s0;
	s6 =	sand.u32 $0x1, s6  }
0x8: {  	s11 =	sadd.s32 $0xC5800, s0;
	s26 =	smul.u32 $0x31000, s17;
	s19 =	sshll.u32 s17, $0x6  }
0x9: {  	_ =	strace $0x8000004A;
	s8 =	smul.u32 $0x18800, s6;
	s10 =	sshll.u32 s6, $0x4  }
0xa: {  	s13 =	ssub.s32 $0x2, s6;
	s15 =	smul.u32 $0x310000, s6;
	s9 =	sshrl.u32 s5, $0x3  }
0xb: {  	s10 =	sor.u32 s17, s10;
	s14 =	sshrl.u32 s13, $0x1;
	s16 =	sadd.s32 s5, s1  }
0xc: {  	s12 =	sadd.s32 s9, s0;
	s8 =	sadd.s32 s5, s8;
	s10 =	smul.u32 $0x31000, s10  }
0xd: {  	s13 =	ssub.s32 s13, s14;
	s14 =	sor.u32 $0x1C04, s19;
	s5 =	sadd.s32 s5, s3  }
0xe: {  	s20 =	sadd.s32 s26, s15;
	s2 =	sadd.s32 s2, s9;
	[dreg:$0x11] =	wrdreg s5  }
0xf: {  	s9 =	simm.s32 $0x3;
	s8 =	sshrl.u32 s8, $0x3;
	[dreg:$0x13] =	wrdreg s2  }
0x10: {  	s18 =	sadd.s32 $0x2200, s12;
	s22 =	sor.u32 $0x400, s20;
	[dreg:$0x10] =	wrdreg s14  }
0x11: {  	s19 =	smax.u32 s13, $0x1;
	s0 =	sadd.s32 s8, s0;
	[dreg:$0xf] =	wrdreg s18  }
0x12: {  	s8 =	sor.u32 $0x200, s20;
	[dreg:$0x19] =	wrdreg s19;
	s20 =	sshrl.u32 s16, $0x3  }
0x13: {  	s24 =	sshrl.u32 s22, $0x3;
	s22 =	simm.s32 $0x3200;
	[dreg:$0x1a] =	wrdreg s20  }
0x14: {  	s10 =	sshrl.u32 s10, $0x3;
	s26 =	sadd.s32 s24, s11;
	[dreg:$0xa] =	wrdreg s22  }
0x15: {  	s5 =	simm.s32 $0x3A80;
	s21 =	sadd.s32 s11, s10;
	[dreg:$0x5] =	wrdreg s26  }
0x16: {  	s19 =	simm.s32 $0x3580;
	s2 =	sadd.s32 s24, s7;
	[dreg:$0x12] =	wrdreg s21  }
0x17: {  	s12 =	sshrl.u32 s8, $0x3;
	s17 =	sadd.s32 s7, s10;
	[dreg:$0x6] =	wrdreg s2  }
0x18: {  	s0 =	sadd.s32 $0x5400, s0;
	s20 =	simm.s32 $0x3600;
	[dreg:$0x17] =	wrdreg s17  }
0x19: {  	s24 =	simm.s32 $0x3380;
	s22 =	simm.s32 $0x3100;
	[dreg:$0x18] =	wrdreg s0  }
0x1a: {  	s10 =	simm.s32 $0x0;
	s23 =	sadd.s32 $0x10, s21;
	[dreg:$0xc] =	wrdreg s24  }
0x1b: {  	s25 =	sadd.s32 $0x20, s21;
	s6 =	sadd.s32 $0x30, s21;
	[dreg:$0x14] =	wrdreg s23  }
0x1c: {  	s15 =	sadd.s32 s12, s11;
	s18 =	sadd.s32 s12, s7;
	[dreg:$0x15] =	wrdreg s25  }
0x1d: {  	s17 =	simm.s32 $0x4;
	s21 =	simm.s32 $0x3180;
	[dreg:$0x16] =	wrdreg s6  }
0x1e: {  	s26 =	simm.s32 $0x3480;
	s24 =	simm.s32 $0x3700;
	[dreg:$0x7] =	wrdreg s15  }
0x1f: {  	s0 =	simm.s32 $0x3980;
	s2 =	simm.s32 $0x3A00;
	[dreg:$0x8] =	wrdreg s18  }
0x20: {  	s7 =	simm.s32 $0x2;
	s18 =	simm.s32 $0x3500;
	[dreg:$0x9] =	wrdreg s21  }
0x21: {  	s23 =	simm.s32 $0x3280;
	s21 =	simm.s32 $0x3680;
	[dreg:$0xe] =	wrdreg s26  }
0x22: {  	s25 =	simm.s32 $0x3400;
	s26 =	simm.s32 $0x3800;
	[dreg:$0xb] =	wrdreg s23  }
0x23: {  	[dreg:$0xd] =	wrdreg s25;
	s23 =	simm.s32 $0x1;
	s25 =	simm.s32 $0x3780  }
.LBB2_1:
0x24: {  	s6 =	rddreg [dreg:$0xf]  }
0x25: {  	s8 =	rddreg [dreg:$0x1a]  }
0x26: {  	[spmem:s8], [sflag:s14] =	dma.local [hbm:s6], $0x310  }
0x27: {  	_ =	swait.ge [sflag:s17], $0x310  }
0x28: {  	[sflag:s17] =	ssyncset.done $0x0;
	s16 =	rddreg [dreg:$0x11]  }
0x29: {  	s8 =	rddreg [dreg:$0x13];
	[sflag:s17] =	ssyncadd.s32 $0xFFFFFCF0;
	s11 =	sshrl.u32 s16, $0x3  }
0x2a: {  	[spmem:s11], [sflag:s14] =	dma.local [hbm:s8], $0x310  }
0x2b: {  	_ =	swait.ge [sflag:s17], $0x310  }
0x2c: {  	[sflag:s17] =	ssyncset.done $0x0  }
0x2d: {  	[sflag:s17] =	ssyncadd.s32 $0xFFFFFCF0  }
0x2e: {  	[bflag:$0x0] =	sbarrier.arrive $0xFFFF  }
0x2f: {  	s12 =	rddreg [dreg:$0x12]  }
0x30: {  	[tilespmem:s18], [sflag:$0x1] =	stream.linear.gather [hbm4b:s12+s4], $0x80, $0x38;
	[tilespmem:$0x3B00] =	vst v63  }
0x31: {  	s13 =	rddreg [dreg:$0x14]  }
0x32: {  	[tilespmem:s19], [sflag:$0x1] =	stream.linear.gather [hbm4b:s13+s4], $0x80, $0x38;
	[tilespmem:$0x3B00] =	vst v63  }
0x33: {  	s14 =	rddreg [dreg:$0x15]  }
0x34: {  	[tilespmem:s20], [sflag:$0x1] =	stream.linear.gather [hbm4b:s14+s4], $0x80, $0x38;
	[tilespmem:$0x3B00] =	vst v63  }
0x35: {  	s15 =	rddreg [dreg:$0x16]  }
0x36: {  	[tilespmem:s21], [sflag:$0x1] =	stream.linear.gather [hbm4b:s15+s4], $0x80, $0x38;
	[tilespmem:$0x3B00] =	vst v63  }
0x37: {  	s16 =	rddreg [dreg:$0x17]  }
0x38: {  	[tilespmem:s22], [sflag:$0x1] =	stream.linear.gather [hbm4b:s16+s4], $0x200, $0x38;
	[tilespmem:$0x3B00] =	vst v63  }
0x39: {  	_ =	swait.ge [sflag:s23], $0x80  }
0x3a: {  	[sflag:s23] =	ssyncset.done $0x0  }
0x3b: {  	[sflag:s23] =	ssyncadd.s32 $0xFFFFFF80  }
0x3c: {  	_ =	swait.ge [sflag:s23], $0x80  }
0x3d: {  	[sflag:s23] =	ssyncset.done $0x0  }
0x3e: {  	[sflag:s23] =	ssyncadd.s32 $0xFFFFFF80  }
0x3f: {  	_ =	swait.ge [sflag:s23], $0x80  }
0x40: {  	[sflag:s23] =	ssyncset.done $0x0  }
0x41: {  	[sflag:s23] =	ssyncadd.s32 $0xFFFFFF80  }
0x42: {  	_ =	swait.ge [sflag:s23], $0x80  }
0x43: {  	[sflag:s23] =	ssyncset.done $0x0  }
0x44: {  	[sflag:s23] =	ssyncadd.s32 $0xFFFFFF80  }
0x45: {  	_ =	swait.ge [sflag:s23], $0x200  }
0x46: {  	s12 =	rddreg [dreg:$0x7];
	[sflag:s23] =	ssyncset.done $0x0  }
0x47: {  	[sflag:s23] =	ssyncadd.s32 $0xFFFFFE00;
	s12 =	sadd.s32 $0x0, s12  }
0x48: {  	[tilespmem:s24], [sflag:$0x1] =	stream.linear.gather [hbm4b:s12+s4], $0x80, $0x38;
	[tilespmem:$0x3B00] =	vst v63  }
0x49: {  	s13 =	sadd.s32 $0x10, s12  }
0x4a: {  	[tilespmem:s25], [sflag:$0x1] =	stream.linear.gather [hbm4b:s13+s4], $0x80, $0x38;
	[tilespmem:$0x3B00] =	vst v63  }
0x4b: {  	s6 =	sadd.s32 $0x20, s12  }
0x4c: {  	[tilespmem:s26], [sflag:$0x1] =	stream.linear.gather [hbm4b:s6+s4], $0x80, $0x38;
	[tilespmem:$0x3B00] =	vst v63  }
0x4d: {  	s8 =	rddreg [dreg:$0x8];
	s12 =	sadd.s32 $0x30, s12  }
0x4e: {  	[tilespmem:s28], [sflag:$0x1] =	stream.linear.gather [hbm4b:s12+s4], $0x80, $0x38;
	[tilespmem:$0x3B00] =	vst v63  }
0x4f: {  	s15 =	sadd.s32 $0x0, s8  }
0x50: {  	[tilespmem:s29], [sflag:$0x1] =	stream.linear.gather [hbm4b:s15+s4], $0x200, $0x38;
	[tilespmem:$0x3B00] =	vst v63  }
0x51: {  	_ = 	snop  }
0x52: {  	[tilespmem:s31], [sflag:$0x2] =	stream.indirect.gather [spmem:s1], $0x1, s22, s30, $0xb8;
	[tilespmem:$0x3B00] =	vst v63  }
0x53: {  	s16 =	rddreg [dreg:$0x9]  }
0x54: {  	[tilespmem:s0], [sflag:$0x2] =	stream.indirect.gather [spmem:s1], $0x1, s16, s30, $0xb8;
	[tilespmem:$0x3B00] =	vst v63  }
0x55: {  	s6 =	rddreg [dreg:$0xa]  }
0x56: {  	[tilespmem:s2], [sflag:$0x2] =	stream.indirect.gather [spmem:s1], $0x1, s6, s30, $0xb8;
	[tilespmem:$0x3B00] =	vst v63  }
0x57: {  	s8 =	rddreg [dreg:$0xb]  }
0x58: {  	[tilespmem:s5], [sflag:$0x2] =	stream.indirect.gather [spmem:s1], $0x1, s8, s30, $0xb8;
	[tilespmem:$0x3B00] =	vst v63  }
0x59: {  	_ =	swait.ge [sflag:s7], $0x80  }
0x5a: {  	[sflag:s7] =	ssyncset.done $0x0  }
0x5b: {  	[sflag:s7] =	ssyncadd.s32 $0xFFFFFF80  }
0x5c: {  	[spmem:s3] =	stream.indirect.scatter.add.f32 [tilespmem:s31], [sflag:$0x3], $0x1, s18, s30, $0xb8;
	[tilespmem:$0x3B00] =	vst v63  }
0x5d: {  	_ =	swait.ge [sflag:s7], $0x80  }
0x5e: {  	[sflag:s7] =	ssyncset.done $0x0  }
0x5f: {  	[sflag:s7] =	ssyncadd.s32 $0xFFFFFF80  }
0x60: {  	[spmem:s3] =	stream.indirect.scatter.add.f32 [tilespmem:s0], [sflag:$0x3], $0x1, s19, s30, $0xb8;
	[tilespmem:$0x3B00] =	vst v63  }
0x61: {  	_ =	swait.ge [sflag:s7], $0x80  }
0x62: {  	[sflag:s7] =	ssyncset.done $0x0  }
0x63: {  	[sflag:s7] =	ssyncadd.s32 $0xFFFFFF80  }
0x64: {  	[spmem:s3] =	stream.indirect.scatter.add.f32 [tilespmem:s2], [sflag:$0x3], $0x1, s20, s30, $0xb8;
	[tilespmem:$0x3B00] =	vst v63  }
0x65: {  	_ =	swait.ge [sflag:s7], $0x80  }
0x66: {  	[sflag:s7] =	ssyncset.done $0x0  }
0x67: {  	[sflag:s7] =	ssyncadd.s32 $0xFFFFFF80  }
0x68: {  	[spmem:s3] =	stream.indirect.scatter.add.f32 [tilespmem:s5], [sflag:$0x3], $0x1, s21, s30, $0xb8;
	[tilespmem:$0x3B00] =	vst v63  }
0x69: {  	_ =	swait.ge [sflag:s23], $0x80  }
0x6a: {  	[sflag:s23] =	ssyncset.done $0x0  }
0x6b: {  	[sflag:s23] =	ssyncadd.s32 $0xFFFFFF80  }
0x6c: {  	_ =	swait.ge [sflag:s23], $0x80  }
0x6d: {  	[sflag:s23] =	ssyncset.done $0x0  }
0x6e: {  	[sflag:s23] =	ssyncadd.s32 $0xFFFFFF80  }
0x6f: {  	_ =	swait.ge [sflag:s23], $0x80  }
0x70: {  	[sflag:s23] =	ssyncset.done $0x0  }
0x71: {  	[sflag:s23] =	ssyncadd.s32 $0xFFFFFF80  }
0x72: {  	_ =	swait.ge [sflag:s23], $0x80  }
0x73: {  	[sflag:s23] =	ssyncset.done $0x0  }
0x74: {  	[sflag:s23] =	ssyncadd.s32 $0xFFFFFF80  }
0x75: {  	_ =	swait.ge [sflag:s23], $0x200  }
0x76: {  	[sflag:s23] =	ssyncset.done $0x0  }
0x77: {  	[sflag:s23] =	ssyncadd.s32 $0xFFFFFE00  }
0x78: {  	_ =	swait.ge [sflag:s9], $0x80  }
0x79: {  	[sflag:s9] =	ssyncset.done $0x0  }
0x7a: {  	[sflag:s9] =	ssyncadd.s32 $0xFFFFFF80  }
0x7b: {  	_ =	swait.ge [sflag:s9], $0x80  }
0x7c: {  	[sflag:s9] =	ssyncset.done $0x0  }
0x7d: {  	[sflag:s9] =	ssyncadd.s32 $0xFFFFFF80  }
0x7e: {  	_ =	swait.ge [sflag:s9], $0x80  }
0x7f: {  	[sflag:s9] =	ssyncset.done $0x0  }
0x80: {  	[sflag:s9] =	ssyncadd.s32 $0xFFFFFF80  }
0x81: {  	_ =	swait.ge [sflag:s9], $0x80  }
0x82: {  	[sflag:s9] =	ssyncset.done $0x0  }
0x83: {  	[sflag:s9] =	ssyncadd.s32 $0xFFFFFF80  }
0x84: {  	[tilespmem:s31], [sflag:$0x2] =	stream.indirect.gather [spmem:s1], $0x1, s29, s30, $0xb8;
	[tilespmem:$0x3B00] =	vst v63  }
0x85: {  	s14 =	rddreg [dreg:$0xc]  }
0x86: {  	[tilespmem:s0], [sflag:$0x2] =	stream.indirect.gather [spmem:s1], $0x1, s14, s30, $0xb8;
	[tilespmem:$0x3B00] =	vst v63  }
0x87: {  	s15 =	rddreg [dreg:$0xd]  }
0x88: {  	[tilespmem:s2], [sflag:$0x2] =	stream.indirect.gather [spmem:s1], $0x1, s15, s30, $0xb8;
	[tilespmem:$0x3B00] =	vst v63  }
0x89: {  	s16 =	rddreg [dreg:$0xe]  }
0x8a: {  	[tilespmem:s5], [sflag:$0x2] =	stream.indirect.gather [spmem:s1], $0x1, s16, s30, $0xb8;
	[tilespmem:$0x3B00] =	vst v63  }
0x8b: {  	_ =	swait.ge [sflag:s7], $0x80  }
0x8c: {  	[sflag:s7] =	ssyncset.done $0x0  }
0x8d: {  	[sflag:s7] =	ssyncadd.s32 $0xFFFFFF80  }
0x8e: {  	[spmem:s3] =	stream.indirect.scatter.add.f32 [tilespmem:s31], [sflag:$0x3], $0x1, s24, s30, $0xb8;
	[tilespmem:$0x3B00] =	vst v63  }
0x8f: {  	_ =	swait.ge [sflag:s7], $0x80  }
0x90: {  	[sflag:s7] =	ssyncset.done $0x0  }
0x91: {  	[sflag:s7] =	ssyncadd.s32 $0xFFFFFF80  }
0x92: {  	[spmem:s3] =	stream.indirect.scatter.add.f32 [tilespmem:s0], [sflag:$0x3], $0x1, s25, s30, $0xb8;
	[tilespmem:$0x3B00] =	vst v63  }
0x93: {  	_ =	swait.ge [sflag:s7], $0x80  }
0x94: {  	[sflag:s7] =	ssyncset.done $0x0  }
0x95: {  	[sflag:s7] =	ssyncadd.s32 $0xFFFFFF80  }
0x96: {  	[spmem:s3] =	stream.indirect.scatter.add.f32 [tilespmem:s2], [sflag:$0x3], $0x1, s26, s30, $0xb8;
	[tilespmem:$0x3B00] =	vst v63  }
0x97: {  	_ =	swait.ge [sflag:s7], $0x80  }
0x98: {  	[sflag:s7] =	ssyncset.done $0x0  }
0x99: {  	p0 =	por $0x0, $0x0;
	s12 =	rddreg [dreg:$0x5];
	[sflag:s7] =	ssyncadd.s32 $0xFFFFFF80  }
0x9a: {  	[spmem:s3] =	stream.indirect.scatter.add.f32 [tilespmem:s5], [sflag:$0x3], $0x1, s28, s30, $0xb8;
	[tilespmem:$0x3B00] =	vst v63  }
0x9b: {  	s13 =	simm.s32 @!p0 $0x0;
	s14 =	simm.s32 @!p0 $0x3500;
	s12 =	sadd.s32 @!p0 $0x0, s12  }
0x9c: {  	[tilespmem:s14], [sflag:$0x1] =	stream.linear.gather @!p0 [hbm4b:s12+s13], $0x80, $0x38;
	[tilespmem:$0x3B00] =	vst v63  }
0x9d: {  	s15 =	simm.s32 @!p0 $0x3580;
	s14 =	sadd.s32 @!p0 $0x10, s12  }
0x9e: {  	[tilespmem:s15], [sflag:$0x1] =	stream.linear.gather @!p0 [hbm4b:s14+s13], $0x80, $0x38;
	[tilespmem:$0x3B00] =	vst v63  }
0x9f: {  	s14 =	sadd.s32 @!p0 $0x20, s12;
	s15 =	simm.s32 @!p0 $0x3600  }
0xa0: {  	[tilespmem:s15], [sflag:$0x1] =	stream.linear.gather @!p0 [hbm4b:s14+s13], $0x80, $0x38;
	[tilespmem:$0x3B00] =	vst v63  }
0xa1: {  	s12 =	sadd.s32 @!p0 $0x30, s12;
	s14 =	rddreg [dreg:$0x6];
	s15 =	simm.s32 @!p0 $0x3680  }
0xa2: {  	[tilespmem:s15], [sflag:$0x1] =	stream.linear.gather @!p0 [hbm4b:s12+s13], $0x80, $0x38;
	[tilespmem:$0x3B00] =	vst v63  }
0xa3: {  	s12 =	sadd.s32 @!p0 $0x0, s14;
	s14 =	simm.s32 @!p0 $0x3100  }
0xa4: {  	[tilespmem:s14], [sflag:$0x1] =	stream.linear.gather @!p0 [hbm4b:s12+s13], $0x200, $0x38;
	[tilespmem:$0x3B00] =	vst v63  }
0xa5: {  	_ =	swait.ge [sflag:s9], $0x80  }
0xa6: {  	[sflag:s9] =	ssyncset.done $0x0  }
0xa7: {  	[sflag:s9] =	ssyncadd.s32 $0xFFFFFF80  }
0xa8: {  	_ =	swait.ge [sflag:s9], $0x80  }
0xa9: {  	[sflag:s9] =	ssyncset.done $0x0  }
0xaa: {  	[sflag:s9] =	ssyncadd.s32 $0xFFFFFF80  }
0xab: {  	_ =	swait.ge [sflag:s9], $0x80  }
0xac: {  	[sflag:s9] =	ssyncset.done $0x0  }
0xad: {  	[sflag:s9] =	ssyncadd.s32 $0xFFFFFF80  }
0xae: {  	_ =	swait.ge [sflag:s9], $0x80  }
0xaf: {  	s12 =	simm.s32 $0x80;
	[sflag:s9] =	ssyncset.done $0x0  }
.LBB2_2:
0xb0: {  	[sflag:s9] =	ssyncadd.s32 $0xFFFFFF80  }
0xb1: {  	_ =	swait.ge [sflag:s23], $0x80  }
0xb2: {  	[sflag:s23] =	ssyncset.done $0x0  }
0xb3: {  	[sflag:s23] =	ssyncadd.s32 $0xFFFFFF80  }
0xb4: {  	_ =	swait.ge [sflag:s23], $0x80  }
0xb5: {  	[sflag:s23] =	ssyncset.done $0x0  }
0xb6: {  	[sflag:s23] =	ssyncadd.s32 $0xFFFFFF80  }
0xb7: {  	_ =	swait.ge [sflag:s23], $0x80  }
0xb8: {  	[sflag:s23] =	ssyncset.done $0x0  }
0xb9: {  	[sflag:s23] =	ssyncadd.s32 $0xFFFFFF80  }
0xba: {  	_ =	swait.ge [sflag:s23], $0x80  }
0xbb: {  	[sflag:s23] =	ssyncset.done $0x0  }
0xbc: {  	[sflag:s23] =	ssyncadd.s32 $0xFFFFFF80  }
0xbd: {  	_ =	swait.ge [sflag:s23], $0x200  }
0xbe: {  	s13 =	smov.u32 s12;
	s14 =	rddreg [dreg:$0x7];
	[sflag:s23] =	ssyncset.done $0x0  }
0xbf: {  	[sflag:s23] =	ssyncadd.s32 $0xFFFFFE00;
	s14 =	sadd.s32 s13, s14  }
0xc0: {  	[tilespmem:s24], [sflag:$0x1] =	stream.linear.gather [hbm4b:s14+s4], $0x80, $0x38;
	[tilespmem:$0x3B00] =	vst v63  }
0xc1: {  	s15 =	sadd.s32 $0x10, s14  }
0xc2: {  	[tilespmem:s25], [sflag:$0x1] =	stream.linear.gather [hbm4b:s15+s4], $0x80, $0x38;
	[tilespmem:$0x3B00] =	vst v63  }
0xc3: {  	s8 =	sadd.s32 $0x20, s14  }
0xc4: {  	[tilespmem:s26], [sflag:$0x1] =	stream.linear.gather [hbm4b:s8+s4], $0x80, $0x38;
	[tilespmem:$0x3B00] =	vst v63  }
0xc5: {  	s16 =	rddreg [dreg:$0x8];
	s14 =	sadd.s32 $0x30, s14  }
0xc6: {  	[tilespmem:s28], [sflag:$0x1] =	stream.linear.gather [hbm4b:s14+s4], $0x80, $0x38;
	[tilespmem:$0x3B00] =	vst v63  }
0xc7: {  	s16 =	sadd.s32 s13, s16  }
0xc8: {  	[tilespmem:s29], [sflag:$0x1] =	stream.linear.gather [hbm4b:s16+s4], $0x200, $0x38;
	[tilespmem:$0x3B00] =	vst v63  }
0xc9: {  	_ = 	snop  }
0xca: {  	[tilespmem:s31], [sflag:$0x2] =	stream.indirect.gather [spmem:s1], $0x1, s22, s30, $0xb8;
	[tilespmem:$0x3B00] =	vst v63  }
0xcb: {  	s6 =	rddreg [dreg:$0x9]  }
0xcc: {  	[tilespmem:s0], [sflag:$0x2] =	stream.indirect.gather [spmem:s1], $0x1, s6, s30, $0xb8;
	[tilespmem:$0x3B00] =	vst v63  }
0xcd: {  	s8 =	rddreg [dreg:$0xa]  }
0xce: {  	[tilespmem:s2], [sflag:$0x2] =	stream.indirect.gather [spmem:s1], $0x1, s8, s30, $0xb8;
	[tilespmem:$0x3B00] =	vst v63  }
0xcf: {  	s16 =	rddreg [dreg:$0xb]  }
0xd0: {  	[tilespmem:s5], [sflag:$0x2] =	stream.indirect.gather [spmem:s1], $0x1, s16, s30, $0xb8;
	[tilespmem:$0x3B00] =	vst v63  }
0xd1: {  	_ =	swait.ge [sflag:s7], $0x80  }
0xd2: {  	[sflag:s7] =	ssyncset.done $0x0  }
0xd3: {  	[sflag:s7] =	ssyncadd.s32 $0xFFFFFF80  }
0xd4: {  	[spmem:s3] =	stream.indirect.scatter.add.f32 [tilespmem:s31], [sflag:$0x3], $0x1, s18, s30, $0xb8;
	[tilespmem:$0x3B00] =	vst v63  }
0xd5: {  	_ =	swait.ge [sflag:s7], $0x80  }
0xd6: {  	[sflag:s7] =	ssyncset.done $0x0  }
0xd7: {  	[sflag:s7] =	ssyncadd.s32 $0xFFFFFF80  }
0xd8: {  	[spmem:s3] =	stream.indirect.scatter.add.f32 [tilespmem:s0], [sflag:$0x3], $0x1, s19, s30, $0xb8;
	[tilespmem:$0x3B00] =	vst v63  }
0xd9: {  	_ =	swait.ge [sflag:s7], $0x80  }
0xda: {  	[sflag:s7] =	ssyncset.done $0x0  }
0xdb: {  	[sflag:s7] =	ssyncadd.s32 $0xFFFFFF80  }
0xdc: {  	[spmem:s3] =	stream.indirect.scatter.add.f32 [tilespmem:s2], [sflag:$0x3], $0x1, s20, s30, $0xb8;
	[tilespmem:$0x3B00] =	vst v63  }
0xdd: {  	_ =	swait.ge [sflag:s7], $0x80  }
0xde: {  	[sflag:s7] =	ssyncset.done $0x0  }
0xdf: {  	[sflag:s7] =	ssyncadd.s32 $0xFFFFFF80  }
0xe0: {  	[spmem:s3] =	stream.indirect.scatter.add.f32 [tilespmem:s5], [sflag:$0x3], $0x1, s21, s30, $0xb8;
	[tilespmem:$0x3B00] =	vst v63  }
0xe1: {  	_ =	swait.ge [sflag:s23], $0x80  }
0xe2: {  	[sflag:s23] =	ssyncset.done $0x0  }
0xe3: {  	[sflag:s23] =	ssyncadd.s32 $0xFFFFFF80  }
0xe4: {  	_ =	swait.ge [sflag:s23], $0x80  }
0xe5: {  	[sflag:s23] =	ssyncset.done $0x0  }
0xe6: {  	[sflag:s23] =	ssyncadd.s32 $0xFFFFFF80  }
0xe7: {  	_ =	swait.ge [sflag:s23], $0x80  }
0xe8: {  	[sflag:s23] =	ssyncset.done $0x0  }
0xe9: {  	[sflag:s23] =	ssyncadd.s32 $0xFFFFFF80  }
0xea: {  	_ =	swait.ge [sflag:s23], $0x80  }
0xeb: {  	[sflag:s23] =	ssyncset.done $0x0  }
0xec: {  	[sflag:s23] =	ssyncadd.s32 $0xFFFFFF80  }
0xed: {  	_ =	swait.ge [sflag:s23], $0x200  }
0xee: {  	[sflag:s23] =	ssyncset.done $0x0  }
0xef: {  	[sflag:s23] =	ssyncadd.s32 $0xFFFFFE00  }
0xf0: {  	_ =	swait.ge [sflag:s9], $0x80  }
0xf1: {  	[sflag:s9] =	ssyncset.done $0x0  }
0xf2: {  	[sflag:s9] =	ssyncadd.s32 $0xFFFFFF80  }
0xf3: {  	_ =	swait.ge [sflag:s9], $0x80  }
0xf4: {  	[sflag:s9] =	ssyncset.done $0x0  }
0xf5: {  	[sflag:s9] =	ssyncadd.s32 $0xFFFFFF80  }
0xf6: {  	_ =	swait.ge [sflag:s9], $0x80  }
0xf7: {  	[sflag:s9] =	ssyncset.done $0x0  }
0xf8: {  	[sflag:s9] =	ssyncadd.s32 $0xFFFFFF80  }
0xf9: {  	_ =	swait.ge [sflag:s9], $0x80  }
0xfa: {  	[sflag:s9] =	ssyncset.done $0x0  }
0xfb: {  	[sflag:s9] =	ssyncadd.s32 $0xFFFFFF80  }
0xfc: {  	[tilespmem:s31], [sflag:$0x2] =	stream.indirect.gather [spmem:s1], $0x1, s29, s30, $0xb8;
	[tilespmem:$0x3B00] =	vst v63  }
0xfd: {  	s6 =	rddreg [dreg:$0xc]  }
0xfe: {  	[tilespmem:s0], [sflag:$0x2] =	stream.indirect.gather [spmem:s1], $0x1, s6, s30, $0xb8;
	[tilespmem:$0x3B00] =	vst v63  }
0xff: {  	s8 =	rddreg [dreg:$0xd]  }
0x100: {  	[tilespmem:s2], [sflag:$0x2] =	stream.indirect.gather [spmem:s1], $0x1, s8, s30, $0xb8;
	[tilespmem:$0x3B00] =	vst v63  }
0x101: {  	s16 =	rddreg [dreg:$0xe]  }
0x102: {  	[tilespmem:s5], [sflag:$0x2] =	stream.indirect.gather [spmem:s1], $0x1, s16, s30, $0xb8;
	[tilespmem:$0x3B00] =	vst v63  }
0x103: {  	_ =	swait.ge [sflag:s7], $0x80  }
0x104: {  	[sflag:s7] =	ssyncset.done $0x0  }
0x105: {  	[sflag:s7] =	ssyncadd.s32 $0xFFFFFF80  }
0x106: {  	[spmem:s3] =	stream.indirect.scatter.add.f32 [tilespmem:s31], [sflag:$0x3], $0x1, s24, s30, $0xb8;
	[tilespmem:$0x3B00] =	vst v63  }
0x107: {  	_ =	swait.ge [sflag:s7], $0x80  }
0x108: {  	[sflag:s7] =	ssyncset.done $0x0  }
0x109: {  	[sflag:s7] =	ssyncadd.s32 $0xFFFFFF80  }
0x10a: {  	[spmem:s3] =	stream.indirect.scatter.add.f32 [tilespmem:s0], [sflag:$0x3], $0x1, s25, s30, $0xb8;
	[tilespmem:$0x3B00] =	vst v63  }
0x10b: {  	_ =	swait.ge [sflag:s7], $0x80  }
0x10c: {  	[sflag:s7] =	ssyncset.done $0x0  }
0x10d: {  	[sflag:s7] =	ssyncadd.s32 $0xFFFFFF80  }
0x10e: {  	[spmem:s3] =	stream.indirect.scatter.add.f32 [tilespmem:s2], [sflag:$0x3], $0x1, s26, s30, $0xb8;
	[tilespmem:$0x3B00] =	vst v63  }
0x10f: {  	_ =	swait.ge [sflag:s7], $0x80  }
0x110: {  	[sflag:s7] =	ssyncset.done $0x0  }
0x111: {  	p1 =	seq.s32 s13, $0x6180;
	s14 =	rddreg [dreg:$0x5];
	[sflag:s7] =	ssyncadd.s32 $0xFFFFFF80  }
0x112: {  	[spmem:s3] =	stream.indirect.scatter.add.f32 [tilespmem:s5], [sflag:$0x3], $0x1, s28, s30, $0xb8;
	[tilespmem:$0x3B00] =	vst v63  }
0x113: {  	s15 =	simm.s32 @!p1 $0x0;
	s16 =	simm.s32 @!p1 $0x3500;
	s14 =	sadd.s32 @!p1 s13, s14  }
0x114: {  	[tilespmem:s16], [sflag:$0x1] =	stream.linear.gather @!p1 [hbm4b:s14+s15], $0x80, $0x38;
	[tilespmem:$0x3B00] =	vst v63  }
0x115: {  	s8 =	simm.s32 @!p1 $0x3580;
	s16 =	sadd.s32 @!p1 $0x10, s14  }
0x116: {  	[tilespmem:s8], [sflag:$0x1] =	stream.linear.gather @!p1 [hbm4b:s16+s15], $0x80, $0x38;
	[tilespmem:$0x3B00] =	vst v63  }
0x117: {  	s8 =	sadd.s32 @!p1 $0x20, s14;
	s16 =	simm.s32 @!p1 $0x3600  }
0x118: {  	[tilespmem:s16], [sflag:$0x1] =	stream.linear.gather @!p1 [hbm4b:s8+s15], $0x80, $0x38;
	[tilespmem:$0x3B00] =	vst v63  }
0x119: {  	s6 =	rddreg [dreg:$0x6];
	s8 =	sadd.s32 @!p1 $0x30, s14;
	s14 =	simm.s32 @!p1 $0x3680  }
0x11a: {  	[tilespmem:s14], [sflag:$0x1] =	stream.linear.gather @!p1 [hbm4b:s8+s15], $0x80, $0x38;
	[tilespmem:$0x3B00] =	vst v63  }
0x11b: {  	s6 =	sadd.s32 @!p1 s13, s6;
	s8 =	simm.s32 @!p1 $0x3100  }
0x11c: {  	[tilespmem:s8], [sflag:$0x1] =	stream.linear.gather @!p1 [hbm4b:s6+s15], $0x200, $0x38;
	[tilespmem:$0x3B00] =	vst v63  }
0x11d: {  	_ =	swait.ge [sflag:s9], $0x80  }
0x11e: {  	[sflag:s9] =	ssyncset.done $0x0  }
0x11f: {  	[sflag:s9] =	ssyncadd.s32 $0xFFFFFF80  }
0x120: {  	_ =	swait.ge [sflag:s9], $0x80  }
0x121: {  	s12 =	sadd.s32 $0x80, s12;
	[sflag:s9] =	ssyncset.done $0x0  }
0x122: {  	p0 =	sne.s32 s12, $0x6200;
	[sflag:s9] =	ssyncadd.s32 $0xFFFFFF80  }
.Ltmp0:
0x123: {  	_ =	swait.ge [sflag:s9], $0x80;
	(pc) =	sbr.rel @p0 .LBB2_2-.Ltmp0, $4  }
0x124: {  	[sflag:s9] =	ssyncset.done $0x0  }
0x125: {  	[sflag:s9] =	ssyncadd.s32 $0xFFFFFF80  }
0x126: {  	_ =	swait.ge [sflag:s9], $0x80  }
0x127: {  	[sflag:s9] =	ssyncset.done $0x0  }
0x128: {  	[sflag:s9] =	ssyncadd.s32 $0xFFFFFF80  }
0x129: {  	[bflag:$0x0] =	sbarrier.arrive $0xFFFF  }
0x12a: {  	s14 =	rddreg [dreg:$0x10]  }
0x12b: {  	s6 =	rddreg [dreg:$0x18]  }
0x12c: {  	[hbm:s6], [sflag:s14] =	dma.local [spmem:s11], $0x310  }
0x12d: {  	_ =	swait.ge [sflag:s17], $0x310  }
0x12e: {  	s10 =	sadd.s32 $0x1, s10;
	s16 =	rddreg [dreg:$0x19]  }
0x12f: {  	p0 =	sne.s32 s10, s16  }
.Ltmp1:
0x130: {  	_ = 	snop;
	(pc) =	sbr.rel @p0 .LBB2_1-.Ltmp1, $3  }
0x131: {  	_ =	sdelay $0x1  }
0x132: {  	[sflag:s17] =	ssyncset.done $0x0  }
0x133: {  	[sflag:s17] =	ssyncadd.s32 $0xFFFFFCF0  }
0x134: {  	_ =	sfence.sel $0x180000  }
0x135: {  	[bflag:$0x0] =	sbarrier.arrive $0xFFFF  }
0x136: {  	_ =	strace $0x9000004A  }
0x137: {  	s0 =	stileid.u32;
	[bflag:$0x2] =	sbarrier.arrive $0xFFFF  }
0x138: {  	p0 =	sne.s32 s0, $0x0;
	s0 =	rddreg [dreg:$0x4]  }
0x139: {  	s0 =	sadd.s32 @!p0 $0x100000, s0  }
0x13a: {  	[sflag:s0] =	ssyncadd.tile.s32 @!p0 $0x1;
	_ =	shalt  }
.Lfunc_end2:
_tile_overlayer_lowered:
.L_overlay_start_2:
0x13b: {  	(tag) =	ssettag $0x2  }
0x13c: {  	s0 =	rddreg [dreg:$0x0];
	s2 =	stileid.u32  }
0x13d: {  	s1 =	rddreg [dreg:$0x1];
	p0 =	sne.s32 s2, $0x0  }
0x13e: {  	s3 =	rddreg [dreg:$0x2];
	[bflag:$0x3] =	sbarrier.arrive $0xFFFF;
	s2 =	simm.s32 @!p0 $0x1C04  }
0x13f: {  	[timem:s3], [sflag:s2] =	dma.local @!p0 [hbm:s0], s1  }
0x140: {  	s0 =	simm.s32 @!p0 $0x4  }
0x141: {  	_ =	swait.ge @!p0 [sflag:s0], s1  }
0x142: {  	s1 =	ssub.s32 @!p0 $0x0, s1;
	[sflag:s0] =	ssyncset.done @!p0 $0x0  }
0x143: {  	[sflag:s0] =	ssyncadd.s32 @!p0 s1  }
0x144: {  	[bflag:$0x3] =	sbarrier.arrive $0xFFFF  }
0x145: {  	_ =	shalt  }

// kernel: kernel.16.cloned.1.call-start
scs
__scs_entry_jumppad:
0x0: {  	(pc) =	sbr.rel $0x88, $3  }
0x1: {  	(tag) =	ssettag $0x0;
	lr =	simm.s32 $0x1  }
0x2: {  	[smem:$0x3F97] =	sst lr;
	_ =	strace $0xD0000000  }
0x3: {  	_ = 	snop  }
0x4: {  	_ = 	snop  }
0x5: {  	_ = 	snop  }
0x6: {  	_ = 	snop  }
0x7: {  	_ = 	snop  }
__scs_overlays_trampoline_lowered:
0x8: {  	[smem:$0x3FA6] =	sst s0  }
0x9: {  	[smem:$0x3FA7] =	sst s1  }
0xa: {  	[smem:$0x3FA8] =	sst s2  }
0xb: {  	[smem:$0x3FA9] =	sst s3  }
0xc: {  	[smem:$0x3FAA] =	sst s4  }
0xd: {  	[smem:$0x3FAB] =	sst s5  }
0xe: {  	[smem:$0x3FAC] =	sst s6  }
0xf: {  	[smem:$0x3FAD] =	sst s7  }
0x10: {  	[smem:$0x3FAE] =	sst s8  }
0x11: {  	[smem:$0x3FAF] =	sst s9;
	s0 =	simm.s32 @!p0 $0x0  }
0x12: {  	s1 =	sld [smem:$0x3F95];
	s0 =	simm.s32 @p0 $0x1  }
0x13: {  	[smem:$0x3FB0] =	sst s0;
	s0 =	simm.s32 @!p1 $0x0  }
0x14: {  	s2 =	sld [smem:$0x3F94];
	s0 =	simm.s32 @p1 $0x1  }
0x15: {  	[smem:$0x3FB1] =	sst s0;
	s0 =	simm.s32 @!p2 $0x0  }
0x16: {  	s3 =	sld [smem:$0x3FDB];
	s0 =	simm.s32 @p2 $0x1  }
0x17: {  	s4 =	simm.s32 $0x1BF5;
	[smem:$0x3FB3] =	sst s0  }
0x18: {  	s0 =	sld [smem:$0x3F96];
	_ =	swait.ge [sflag:s4], $0x0  }
0x19: {  	s7 =	sld [smem:$0x3F97]  }
0x1a: {  	s8 =	sadd.s32 $0xFFFFE003, lr  }
0x1b: {  	s9 =	sadd.s32 $0xFFFFFEF7, lr;
	s5 =	simm.s32 $0xFFFFFFFF;
	p2 =	slt.u32 s8, $0xFFFFF086  }
0x1c: {  	p1 =	slt.u32 s9, $0xF7A;
	s5 =	simm.s32 @!p2 $0x0  }
0x1d: {  	s5 =	simm.s32 @p1 $0x1;
	p0 =	seq.s32 s7, s2  }
0x1e: {  	s7 =	smul.u32 @!p0 $0xF7A, s2;
	p2 =	seq.s32 @!p0 s5, $0x0  }
0x1f: {  	s9 =	smul.u32 $0xF7A, s1;
	s8 =	simm.s32 @!p0 $0x1BF5;
	p2 =	por !p2, p0  }
0x20: {  	[sflag:s8] =	ssyncset.s32 @!p0 $0xFFFFF086;
	s6 =	sadd.s32 @!p0 s3, s7;
	s7 =	simm.s32 @!p0 $0x108  }
0x21: {  	s3 =	sadd.s32 s3, s9;
	s6 =	sadd.s32 @!p0 $0x88, s6;
	s7 =	simm.s32 @p2 $0x1082  }
0x22: {  	[simem:s7], [sflag:s8] =	dma.local @!p0 [hbm:s6], $0xF7A  }
0x23: {  	s9 =	sor.u32 $0xD0000000, s2;
	s6 =	simm.s32 $0x108;
	_ =	swait.ge @!p0 [sflag:s8], $0x0  }
0x24: {  	s3 =	sadd.s32 $0x88, s3;
	s6 =	simm.s32 @!p1 $0x1082;
	[sflag:s4] =	ssyncset.s32 $0xFFFFF086  }
0x25: {  	[simem:s6], [sflag:s4] =	dma.local [hbm:s3], $0xF7A  }
0x26: {  	[smem:$0x3F97] =	sst s1;
	(tag) =	ssettag s2;
	_ =	strace s9  }
0x27: {  	s1 =	sld [smem:$0x3FA7]  }
0x28: {  	s2 =	sld [smem:$0x3FA8]  }
0x29: {  	s4 =	sld [smem:$0x3FAA]  }
0x2a: {  	p0 =	seq.s32 s5, $0x0;
	s5 =	sld [smem:$0x3FAB]  }
0x2b: {  	s6 =	sld [smem:$0x3FAC]  }
0x2c: {  	s7 =	sld [smem:$0x3FAD]  }
0x2d: {  	s3 =	simm.s32 $0x108;
	s8 =	sld [smem:$0x3FAE]  }
0x2e: {  	s3 =	simm.s32 @!p0 $0x1082;
	s9 =	sld [smem:$0x3FAF]  }
0x2f: {  	lr =	sadd.s32 s0, s3;
	s0 =	sld [smem:$0x3FA6]  }
0x30: {  	s3 =	sld [smem:$0x3FA9]  }
0x31: {  	[smem:$0x3FB2] =	sst s10  }
0x32: {  	s10 =	sld [smem:$0x3FB0];
	_ =	sdelay $0x3  }
0x33: {  	p0 =	seq.s32 s10, $0x1;
	s10 =	sld [smem:$0x3FB2];
	_ =	sdelay $0x3  }
0x34: {  	[smem:$0x3FB2] =	sst s10  }
0x35: {  	s10 =	sld [smem:$0x3FB1];
	_ =	sdelay $0x3  }
0x36: {  	p1 =	seq.s32 s10, $0x1;
	s10 =	sld [smem:$0x3FB2];
	_ =	sdelay $0x3  }
0x37: {  	[smem:$0x3FB2] =	sst s10  }
0x38: {  	s10 =	sld [smem:$0x3FB3]  }
0x39: {  	_ = 	snop;
	(pc) =	sbr.ind lr, $3  }
0x3a: {  	_ = 	snop  }
0x3b: {  	_ = 	snop  }
0x3c: {  	p2 =	seq.s32 s10, $0x1;
	s10 =	sld [smem:$0x3FB2]  }
0x3d: {  	_ =	shalt  }
0x3e: {  	_ =	shalt  }
0x3f: {  	_ =	shalt  }
0x40: {  	_ =	shalt  }
0x41: {  	_ =	shalt  }
0x42: {  	_ =	shalt  }
0x43: {  	_ =	shalt  }
0x44: {  	_ =	shalt  }
0x45: {  	_ =	shalt  }
0x46: {  	_ =	shalt  }
0x47: {  	_ =	shalt  }
0x48: {  	_ =	shalt  }
0x49: {  	_ =	shalt  }
0x4a: {  	_ =	shalt  }
0x4b: {  	_ =	shalt  }
0x4c: {  	_ =	shalt  }
0x4d: {  	_ =	shalt  }
0x4e: {  	_ =	shalt  }
0x4f: {  	_ =	shalt  }
0x50: {  	_ =	shalt  }
0x51: {  	_ =	shalt  }
0x52: {  	_ =	shalt  }
0x53: {  	_ =	shalt  }
0x54: {  	_ =	shalt  }
0x55: {  	_ =	shalt  }
0x56: {  	_ =	shalt  }
0x57: {  	_ =	shalt  }
0x58: {  	_ =	shalt  }
0x59: {  	_ =	shalt  }
0x5a: {  	_ =	shalt  }
0x5b: {  	_ =	shalt  }
0x5c: {  	_ =	shalt  }
0x5d: {  	_ =	shalt  }
0x5e: {  	_ =	shalt  }
0x5f: {  	_ =	shalt  }
0x60: {  	_ =	shalt  }
0x61: {  	_ =	shalt  }
0x62: {  	_ =	shalt  }
0x63: {  	_ =	shalt  }
0x64: {  	_ =	shalt  }
0x65: {  	_ =	shalt  }
0x66: {  	_ =	shalt  }
0x67: {  	_ =	shalt  }
0x68: {  	_ =	shalt  }
0x69: {  	_ =	shalt  }
0x6a: {  	_ =	shalt  }
0x6b: {  	_ =	shalt  }
0x6c: {  	_ =	shalt  }
0x6d: {  	_ =	shalt  }
0x6e: {  	_ =	shalt  }
0x6f: {  	_ =	shalt  }
0x70: {  	_ =	shalt  }
0x71: {  	_ =	shalt  }
0x72: {  	_ =	shalt  }
0x73: {  	_ =	shalt  }
0x74: {  	_ =	shalt  }
0x75: {  	_ =	shalt  }
0x76: {  	_ =	shalt  }
0x77: {  	_ =	shalt  }
0x78: {  	_ =	shalt  }
0x79: {  	_ =	shalt  }
0x7a: {  	_ =	shalt  }
0x7b: {  	_ =	shalt  }
0x7c: {  	_ =	shalt  }
0x7d: {  	_ =	shalt  }
0x7e: {  	_ =	shalt  }
0x7f: {  	_ =	shalt  }
0x80: {  	_ =	shalt  }
0x81: {  	_ =	shalt  }
0x82: {  	_ =	shalt  }
0x83: {  	_ =	shalt  }
0x84: {  	_ =	shalt  }
0x85: {  	_ =	shalt  }
0x86: {  	_ =	shalt  }
0x87: {  	_ =	shalt  }
.Lfunc_end0:
.L_simem_size_0:
called_computation.2_lowered:
.L_overlay_start_0:
0x88: {  	s2 =	sld [smem:$0x3FD9]  }
0x89: {  	s3 =	sld [smem:$0x3FFE];
	_ =	sdelay $0x1  }
0x8a: {  	s1 =	srdreg.scid  }
0x8b: {  	s0 =	sand.u32 $0x1, s1  }
0x8c: {  	s16 =	sshll.u32 s0, $0xA;
	s2 =	sadd.s32 s3, s2  }
0x8d: {  	s2 =	sadd.s32 s2, s16  }
0x8e: {  	[smem:$0x3FBE] =	sst s2  }
0x8f: {  	_ = 	snop  }
0x90: {  	(tm) =	ssettm $0x1  }
0x91: {  	s17 =	sld [smem:$0x3FFB];
	_ =	sdelay $0x3  }
0x92: {  	_ =	strace s17  }
0x93: {  	s2 =	sld [smem:$0x3FFC];
	_ =	sdelay $0x3  }
0x94: {  	_ =	strace s2  }
0x95: {  	s2 =	sld [smem:$0x3FFD];
	_ =	sdelay $0x3  }
0x96: {  	_ =	strace s2  }
0x97: {  	_ =	strace $0x8FFFFFFF  }
0x98: {  	s18 =	sld [smem:$0x3FDB];
	_ =	sdelay $0x1  }
0x99: {  	s19 =	simm.s32 $_scs_section_size  }
0x9a: {  	s4 =	simm.s32 $_size__tile_overlayer_lowered;
	s5 =	simm.s32 $_tile_overlayer_lowered  }
0x9b: {  	s22 =	simm.s32 $0x1BFF;
	s21 =	sshll.u32 s5, $0x1;
	s2 =	sadd.s32 s19, s18  }
0x9c: {  	s6 =	simm.s32 $0x0;
	s20 =	sshll.u32 s4, $0x1;
	s4 =	sadd.s32 s21, s2  }
0x9d: {  	[timem:s6], [sflag:s22] =	dma.local [hbm:s4], s20  }
0x9e: {  	_ =	swait.ge [sflag:s22], s20  }
0x9f: {  	s3 =	ssub.s32 $0x0, s20;
	[sflag:s22] =	ssyncset.done $0x0  }
0xa0: {  	[sflag:s22] =	ssyncadd.s32 s3;
	_ =	sdelay $0x1  }
0xa1: {  	s23 =	simm.s32 $0x1B8B  }
0xa2: {  	_ =	swait.ge [sflag:s23], $0x1  }
0xa3: {  	[sflag:s23] =	ssyncset.done $0x0  }
0xa4: {  	s25 =	simm.s32 $0x1B8E;
	s24 =	sld [smem:$0x3FFE];
	[sflag:s23] =	ssyncadd.s32 $0xFFFFFFFF  }
0xa5: {  	s26 =	simm.s32 $execute0_lowered;
	[smem:$0x3FD2] =	sst s25  }
0xa6: {  	s4 =	sshll.u32 s26, $0x1;
	_ =	strace $0x8000004C;
	[dreg:$0x1] =	wrdreg $0xFFFFFFFF  }
0xa7: {  	s28 =	simm.s32 $_size_execute0_lowered;
	s2 =	sadd.s32 s2, s4;
	[dreg:$0x0] =	wrdreg $0x0  }
0xa8: {  	s4 =	sshll.u32 s28, $0x1;
	[dreg:$0x2] =	wrdreg s2  }
0xa9: {  	[dreg:$0x3] =	wrdreg s4  }
0xaa: {  	[dreg:$0x4] =	wrdreg $0xC0  }
0xab: {  	_ =	task [dreg:s6], $0x5FFFF  }
0xac: {  	[dreg:$0x1] =	wrdreg $0xFFFFFFFF  }
0xad: {  	[dreg:$0x0] =	wrdreg $0x60  }
0xae: {  	[dreg:$0x2] =	wrdreg s24  }
0xaf: {  	[dreg:$0x3] =	wrdreg $0x0  }
0xb0: {  	[dreg:$0x4] =	wrdreg $0xC4000  }
0xb1: {  	[dreg:$0x5] =	wrdreg $0x9  }
0xb2: {  	_ =	task.clear_ibuf [dreg:s6], $0x6FFFF;
	_ =	strace $0x9000004C  }
0xb3: {  	s29 =	simm.s32 $0x9;
	_ =	strace $0x8000004E  }
0xb4: {  	_ =	swait.ge [sflag:s29], $0x1  }
0xb5: {  	[sflag:s29] =	ssyncadd.s32 $0xFFFFFFFF  }
0xb6: {  	_ =	strace $0x9000004E  }
0xb7: {  	_ =	sfence  }
0xb8: {  	s30 =	sld [smem:$0x0];
	_ =	sdelay $0x2  }
0xb9: {  	s31 =	sshll.u32 s1, $0xD;
	s1 =	sshrl.u32 s1, $0x2  }
0xba: {  	s3 =	sand.u32 $0x4000, s31;
	s1 =	sadd.s32 s1, s30  }
0xbb: {  	s0 =	sor.u32 s3, s0;
	s1 =	sshll.u32 s1, $0x11  }
0xbc: {  	s0 =	sor.u32 s1, s0  }
0xbd: {  	s0 =	sadd.s32 $0x8F2B, s0  }
0xbe: {  	[sflag:s0] =	ssyncadd.remote.s32 $0x1  }
0xbf: {  	_ =	sfence.sel $0xFFFF  }
0xc0: {  	[dreg:$0x0] =	wrdreg $0xFFFFFFFF;
	(pc) =	sbr.abs _section_cstart, $3  }
0xc1: {  	[dreg:$0x1] =	wrdreg $0xFFFFFFFF  }
0xc2: {  	_ =	task.clear_ibuf [dreg:s6], $0x2FFFF;
	_ =	strace $0x9FFFFFFF  }
0xc3: {  	(tm) =	ssettm $0x7FFFFFFF  }
tec
execute0_lowered:
.L_overlay_start_1:
0x0: {  	(tag) =	ssettag $0x1  }
0x1: {  	s0 =	rddreg [dreg:$0x0]  }
0x2: {  	s1 =	rddreg [dreg:$0x1]  }
0x3: {  	s3 =	rddreg [dreg:$0x2];
	s4 =	simm.s32 $0x0;
	s14 =	stileid.u32  }
0x4: {  	s5 =	srdreg.scid;
	s28 =	simm.s32 $0x18F80;
	s29 =	simm.s32 $0x18A00  }
0x5: {  	s30 =	simm.s32 $0x80;
	s31 =	simm.s32 $0x19000;
	[smem:$0x7FF] =	sst s4  }
0x6: {  	s2 =	smul.u32 $0xC400, s14;
	s7 =	sadd.s32 $0x189800, s0;
	s5 =	sand.u32 $0x1, s5  }
0x7: {  	s10 =	sadd.s32 $0xC5800, s0;
	s20 =	smul.u32 $0x31000, s14;
	s22 =	sshll.u32 s14, $0x6  }
0x8: {  	_ =	strace $0x8000004D;
	s8 =	smul.u32 $0xC4000, s5;
	s9 =	sshll.u32 s5, $0x4  }
0x9: {  	s17 =	ssub.s32 $0x2, s5;
	s5 =	smul.u32 $0x310000, s5;
	s6 =	sshrl.u32 s2, $0x3  }
0xa: {  	s16 =	sor.u32 s14, s9;
	s19 =	sshrl.u32 s17, $0x1;
	s13 =	sadd.s32 s2, s1  }
0xb: {  	s14 =	sor.u32 $0x1C04, s22;
	s22 =	simm.s32 $0x18900;
	s11 =	sadd.s32 s6, s0  }
0xc: {  	s8 =	sadd.s32 s2, s8;
	s12 =	smul.u32 $0x31000, s16;
	s9 =	ssub.s32 s17, s19  }
0xd: {  	s5 =	sadd.s32 s20, s5;
	s2 =	sadd.s32 s2, s3;
	[dreg:$0x9] =	wrdreg s22  }
0xe: {  	s20 =	sshrl.u32 s13, $0x3;
	s22 =	simm.s32 $0x18800;
	[dreg:$0xf] =	wrdreg s14  }
0xf: {  	s18 =	sshrl.u32 s8, $0x3;
	s21 =	sadd.s32 $0x2200, s11;
	[dreg:$0x10] =	wrdreg s2  }
0x10: {  	s24 =	sor.u32 $0x400, s5;
	s25 =	sadd.s32 $0x1AA00, s11;
	[dreg:$0x19] =	wrdreg s20  }
0x11: {  	s5 =	sor.u32 $0x200, s5;
	s19 =	smax.u32 s9, $0x1;
	[dreg:$0xe] =	wrdreg s21  }
0x12: {  	s20 =	simm.s32 $0x18D00;
	s9 =	simm.s32 $0x3;
	[dreg:$0x12] =	wrdreg s25  }
0x13: {  	s0 =	sadd.s32 s18, s0;
	[dreg:$0x18] =	wrdreg s19;
	s21 =	simm.s32 $0x18880  }
0x14: {  	s2 =	sshrl.u32 s24, $0x3;
	s24 =	simm.s32 $0x18A80;
	[dreg:$0x8] =	wrdreg s21  }
0x15: {  	s12 =	sshrl.u32 s12, $0x3;
	s25 =	simm.s32 $0x18B00;
	[dreg:$0xb] =	wrdreg s24  }
0x16: {  	s5 =	sshrl.u32 s5, $0x3;
	s15 =	sadd.s32 s2, s10;
	[dreg:$0xc] =	wrdreg s25  }
0x17: {  	s19 =	simm.s32 $0x18C80;
	s23 =	sadd.s32 s10, s12;
	[dreg:$0x4] =	wrdreg s15  }
0x18: {  	s2 =	sadd.s32 s2, s7;
	s16 =	sadd.s32 s5, s10;
	[dreg:$0x11] =	wrdreg s23  }
0x19: {  	s17 =	sadd.s32 s7, s12;
	s18 =	sadd.s32 s5, s7;
	[dreg:$0x5] =	wrdreg s2  }
0x1a: {  	s0 =	sadd.s32 $0x33200, s0;
	s21 =	simm.s32 $0x18D80;
	[dreg:$0x16] =	wrdreg s17  }
0x1b: {  	s24 =	simm.s32 $0x18E00;
	s25 =	simm.s32 $0x18E80;
	[dreg:$0x6] =	wrdreg s16  }
0x1c: {  	s5 =	simm.s32 $0x19C00;
	s7 =	simm.s32 $0x2;
	[dreg:$0x17] =	wrdreg s0  }
0x1d: {  	s10 =	simm.s32 $0x0;
	s26 =	sadd.s32 $0x10, s23;
	[dreg:$0x7] =	wrdreg s18  }
0x1e: {  	s11 =	sadd.s32 $0x20, s23;
	s6 =	sadd.s32 $0x30, s23;
	[dreg:$0x13] =	wrdreg s26  }
0x1f: {  	s17 =	simm.s32 $0x4;
	s18 =	simm.s32 $0x18C00;
	[dreg:$0x14] =	wrdreg s11  }
0x20: {  	s23 =	simm.s32 $0x18980;
	s0 =	simm.s32 $0x19400;
	[dreg:$0x15] =	wrdreg s6  }
0x21: {  	s2 =	simm.s32 $0x19800;
	[dreg:$0xa] =	wrdreg s23;
	s26 =	simm.s32 $0x18B80  }
0x22: {  	s23 =	simm.s32 $0x1;
	[dreg:$0xd] =	wrdreg s26;
	s26 =	simm.s32 $0x18F00  }
.LBB2_1:
0x23: {  	s6 =	rddreg [dreg:$0xe]  }
0x24: {  	s8 =	rddreg [dreg:$0x19]  }
0x25: {  	[spmem:s8], [sflag:s14] =	dma.local [hbm:s6], $0x1880  }
0x26: {  	_ =	swait.ge [sflag:s17], $0x1880  }
0x27: {  	[sflag:s17] =	ssyncset.done $0x0;
	s16 =	rddreg [dreg:$0x10]  }
0x28: {  	s8 =	rddreg [dreg:$0x12];
	[sflag:s17] =	ssyncadd.s32 $0xFFFFE780;
	s11 =	sshrl.u32 s16, $0x3  }
0x29: {  	[spmem:s11], [sflag:s14] =	dma.local [hbm:s8], $0x1880  }
0x2a: {  	_ =	swait.ge [sflag:s17], $0x1880  }
0x2b: {  	[sflag:s17] =	ssyncset.done $0x0  }
0x2c: {  	[sflag:s17] =	ssyncadd.s32 $0xFFFFE780  }
0x2d: {  	[bflag:$0x0] =	sbarrier.arrive $0xFFFF  }
0x2e: {  	s12 =	rddreg [dreg:$0x11]  }
0x2f: {  	[tilespmem:s18], [sflag:$0x1] =	stream.linear.gather [hbm4b:s12+s4], $0x80, $0x38;
	[tilespmem:$0x1A000] =	vst v63  }
0x30: {  	s13 =	rddreg [dreg:$0x13]  }
0x31: {  	[tilespmem:s19], [sflag:$0x1] =	stream.linear.gather [hbm4b:s13+s4], $0x80, $0x38;
	[tilespmem:$0x1A000] =	vst v63  }
0x32: {  	s14 =	rddreg [dreg:$0x14]  }
0x33: {  	[tilespmem:s20], [sflag:$0x1] =	stream.linear.gather [hbm4b:s14+s4], $0x80, $0x38;
	[tilespmem:$0x1A000] =	vst v63  }
0x34: {  	s15 =	rddreg [dreg:$0x15]  }
0x35: {  	[tilespmem:s21], [sflag:$0x1] =	stream.linear.gather [hbm4b:s15+s4], $0x80, $0x38;
	[tilespmem:$0x1A000] =	vst v63  }
0x36: {  	s16 =	rddreg [dreg:$0x16]  }
0x37: {  	[tilespmem:s22], [sflag:$0x1] =	stream.linear.gather [hbm4b:s16+s4], $0x200, $0x38;
	[tilespmem:$0x1A000] =	vst v63  }
0x38: {  	_ =	swait.ge [sflag:s23], $0x80  }
0x39: {  	[sflag:s23] =	ssyncset.done $0x0  }
0x3a: {  	[sflag:s23] =	ssyncadd.s32 $0xFFFFFF80  }
0x3b: {  	_ =	swait.ge [sflag:s23], $0x80  }
0x3c: {  	[sflag:s23] =	ssyncset.done $0x0  }
0x3d: {  	[sflag:s23] =	ssyncadd.s32 $0xFFFFFF80  }
0x3e: {  	_ =	swait.ge [sflag:s23], $0x80  }
0x3f: {  	[sflag:s23] =	ssyncset.done $0x0  }
0x40: {  	[sflag:s23] =	ssyncadd.s32 $0xFFFFFF80  }
0x41: {  	_ =	swait.ge [sflag:s23], $0x80  }
0x42: {  	[sflag:s23] =	ssyncset.done $0x0  }
0x43: {  	[sflag:s23] =	ssyncadd.s32 $0xFFFFFF80  }
0x44: {  	_ =	swait.ge [sflag:s23], $0x200  }
0x45: {  	s12 =	rddreg [dreg:$0x6];
	[sflag:s23] =	ssyncset.done $0x0  }
0x46: {  	[sflag:s23] =	ssyncadd.s32 $0xFFFFFE00;
	s12 =	sadd.s32 $0x0, s12  }
0x47: {  	[tilespmem:s24], [sflag:$0x1] =	stream.linear.gather [hbm4b:s12+s4], $0x80, $0x38;
	[tilespmem:$0x1A000] =	vst v63  }
0x48: {  	s13 =	sadd.s32 $0x10, s12  }
0x49: {  	[tilespmem:s25], [sflag:$0x1] =	stream.linear.gather [hbm4b:s13+s4], $0x80, $0x38;
	[tilespmem:$0x1A000] =	vst v63  }
0x4a: {  	s6 =	sadd.s32 $0x20, s12  }
0x4b: {  	[tilespmem:s26], [sflag:$0x1] =	stream.linear.gather [hbm4b:s6+s4], $0x80, $0x38;
	[tilespmem:$0x1A000] =	vst v63  }
0x4c: {  	s8 =	rddreg [dreg:$0x7];
	s12 =	sadd.s32 $0x30, s12  }
0x4d: {  	[tilespmem:s28], [sflag:$0x1] =	stream.linear.gather [hbm4b:s12+s4], $0x80, $0x38;
	[tilespmem:$0x1A000] =	vst v63  }
0x4e: {  	s15 =	sadd.s32 $0x0, s8  }
0x4f: {  	[tilespmem:s29], [sflag:$0x1] =	stream.linear.gather [hbm4b:s15+s4], $0x200, $0x38;
	[tilespmem:$0x1A000] =	vst v63  }
0x50: {  	_ = 	snop  }
0x51: {  	[tilespmem:s31], [sflag:$0x2] =	stream.indirect.gather [spmem:s1], $0x8, s22, s30, $0xb8;
	[tilespmem:$0x1A000] =	vst v63  }
0x52: {  	s16 =	rddreg [dreg:$0x8]  }
0x53: {  	[tilespmem:s0], [sflag:$0x2] =	stream.indirect.gather [spmem:s1], $0x8, s16, s30, $0xb8;
	[tilespmem:$0x1A000] =	vst v63  }
0x54: {  	s6 =	rddreg [dreg:$0x9]  }
0x55: {  	[tilespmem:s2], [sflag:$0x2] =	stream.indirect.gather [spmem:s1], $0x8, s6, s30, $0xb8;
	[tilespmem:$0x1A000] =	vst v63  }
0x56: {  	s8 =	rddreg [dreg:$0xa]  }
0x57: {  	[tilespmem:s5], [sflag:$0x2] =	stream.indirect.gather [spmem:s1], $0x8, s8, s30, $0xb8;
	[tilespmem:$0x1A000] =	vst v63  }
0x58: {  	_ =	swait.ge [sflag:s7], $0x400  }
0x59: {  	[sflag:s7] =	ssyncset.done $0x0  }
0x5a: {  	[sflag:s7] =	ssyncadd.s32 $0xFFFFFC00  }
0x5b: {  	[spmem:s3] =	stream.indirect.scatter.add.f32 [tilespmem:s31], [sflag:$0x3], $0x8, s18, s30, $0xb8;
	[tilespmem:$0x1A000] =	vst v63  }
0x5c: {  	_ =	swait.ge [sflag:s7], $0x400  }
0x5d: {  	[sflag:s7] =	ssyncset.done $0x0  }
0x5e: {  	[sflag:s7] =	ssyncadd.s32 $0xFFFFFC00  }
0x5f: {  	[spmem:s3] =	stream.indirect.scatter.add.f32 [tilespmem:s0], [sflag:$0x3], $0x8, s19, s30, $0xb8;
	[tilespmem:$0x1A000] =	vst v63  }
0x60: {  	_ =	swait.ge [sflag:s7], $0x400  }
0x61: {  	[sflag:s7] =	ssyncset.done $0x0  }
0x62: {  	[sflag:s7] =	ssyncadd.s32 $0xFFFFFC00  }
0x63: {  	[spmem:s3] =	stream.indirect.scatter.add.f32 [tilespmem:s2], [sflag:$0x3], $0x8, s20, s30, $0xb8;
	[tilespmem:$0x1A000] =	vst v63  }
0x64: {  	_ =	swait.ge [sflag:s7], $0x400  }
0x65: {  	[sflag:s7] =	ssyncset.done $0x0  }
0x66: {  	[sflag:s7] =	ssyncadd.s32 $0xFFFFFC00  }
0x67: {  	[spmem:s3] =	stream.indirect.scatter.add.f32 [tilespmem:s5], [sflag:$0x3], $0x8, s21, s30, $0xb8;
	[tilespmem:$0x1A000] =	vst v63  }
0x68: {  	_ =	swait.ge [sflag:s23], $0x80  }
0x69: {  	[sflag:s23] =	ssyncset.done $0x0  }
0x6a: {  	[sflag:s23] =	ssyncadd.s32 $0xFFFFFF80  }
0x6b: {  	_ =	swait.ge [sflag:s23], $0x80  }
0x6c: {  	[sflag:s23] =	ssyncset.done $0x0  }
0x6d: {  	[sflag:s23] =	ssyncadd.s32 $0xFFFFFF80  }
0x6e: {  	_ =	swait.ge [sflag:s23], $0x80  }
0x6f: {  	[sflag:s23] =	ssyncset.done $0x0  }
0x70: {  	[sflag:s23] =	ssyncadd.s32 $0xFFFFFF80  }
0x71: {  	_ =	swait.ge [sflag:s23], $0x80  }
0x72: {  	[sflag:s23] =	ssyncset.done $0x0  }
0x73: {  	[sflag:s23] =	ssyncadd.s32 $0xFFFFFF80  }
0x74: {  	_ =	swait.ge [sflag:s23], $0x200  }
0x75: {  	[sflag:s23] =	ssyncset.done $0x0  }
0x76: {  	[sflag:s23] =	ssyncadd.s32 $0xFFFFFE00  }
0x77: {  	_ =	swait.ge [sflag:s9], $0x400  }
0x78: {  	[sflag:s9] =	ssyncset.done $0x0  }
0x79: {  	[sflag:s9] =	ssyncadd.s32 $0xFFFFFC00  }
0x7a: {  	_ =	swait.ge [sflag:s9], $0x400  }
0x7b: {  	[sflag:s9] =	ssyncset.done $0x0  }
0x7c: {  	[sflag:s9] =	ssyncadd.s32 $0xFFFFFC00  }
0x7d: {  	_ =	swait.ge [sflag:s9], $0x400  }
0x7e: {  	[sflag:s9] =	ssyncset.done $0x0  }
0x7f: {  	[sflag:s9] =	ssyncadd.s32 $0xFFFFFC00  }
0x80: {  	_ =	swait.ge [sflag:s9], $0x400  }
0x81: {  	[sflag:s9] =	ssyncset.done $0x0  }
0x82: {  	[sflag:s9] =	ssyncadd.s32 $0xFFFFFC00  }
0x83: {  	[tilespmem:s31], [sflag:$0x2] =	stream.indirect.gather [spmem:s1], $0x8, s29, s30, $0xb8;
	[tilespmem:$0x1A000] =	vst v63  }
0x84: {  	s14 =	rddreg [dreg:$0xb]  }
0x85: {  	[tilespmem:s0], [sflag:$0x2] =	stream.indirect.gather [spmem:s1], $0x8, s14, s30, $0xb8;
	[tilespmem:$0x1A000] =	vst v63  }
0x86: {  	s15 =	rddreg [dreg:$0xc]  }
0x87: {  	[tilespmem:s2], [sflag:$0x2] =	stream.indirect.gather [spmem:s1], $0x8, s15, s30, $0xb8;
	[tilespmem:$0x1A000] =	vst v63  }
0x88: {  	s16 =	rddreg [dreg:$0xd]  }
0x89: {  	[tilespmem:s5], [sflag:$0x2] =	stream.indirect.gather [spmem:s1], $0x8, s16, s30, $0xb8;
	[tilespmem:$0x1A000] =	vst v63  }
0x8a: {  	_ =	swait.ge [sflag:s7], $0x400  }
0x8b: {  	[sflag:s7] =	ssyncset.done $0x0  }
0x8c: {  	[sflag:s7] =	ssyncadd.s32 $0xFFFFFC00  }
0x8d: {  	[spmem:s3] =	stream.indirect.scatter.add.f32 [tilespmem:s31], [sflag:$0x3], $0x8, s24, s30, $0xb8;
	[tilespmem:$0x1A000] =	vst v63  }
0x8e: {  	_ =	swait.ge [sflag:s7], $0x400  }
0x8f: {  	[sflag:s7] =	ssyncset.done $0x0  }
0x90: {  	[sflag:s7] =	ssyncadd.s32 $0xFFFFFC00  }
0x91: {  	[spmem:s3] =	stream.indirect.scatter.add.f32 [tilespmem:s0], [sflag:$0x3], $0x8, s25, s30, $0xb8;
	[tilespmem:$0x1A000] =	vst v63  }
0x92: {  	_ =	swait.ge [sflag:s7], $0x400  }
0x93: {  	[sflag:s7] =	ssyncset.done $0x0  }
0x94: {  	[sflag:s7] =	ssyncadd.s32 $0xFFFFFC00  }
0x95: {  	[spmem:s3] =	stream.indirect.scatter.add.f32 [tilespmem:s2], [sflag:$0x3], $0x8, s26, s30, $0xb8;
	[tilespmem:$0x1A000] =	vst v63  }
0x96: {  	_ =	swait.ge [sflag:s7], $0x400  }
0x97: {  	[sflag:s7] =	ssyncset.done $0x0  }
0x98: {  	p0 =	por $0x0, $0x0;
	s12 =	rddreg [dreg:$0x4];
	[sflag:s7] =	ssyncadd.s32 $0xFFFFFC00  }
0x99: {  	[spmem:s3] =	stream.indirect.scatter.add.f32 [tilespmem:s5], [sflag:$0x3], $0x8, s28, s30, $0xb8;
	[tilespmem:$0x1A000] =	vst v63  }
0x9a: {  	s13 =	simm.s32 @!p0 $0x0;
	s14 =	simm.s32 @!p0 $0x18C00;
	s12 =	sadd.s32 @!p0 $0x0, s12  }
0x9b: {  	[tilespmem:s14], [sflag:$0x1] =	stream.linear.gather @!p0 [hbm4b:s12+s13], $0x80, $0x38;
	[tilespmem:$0x1A000] =	vst v63  }
0x9c: {  	s15 =	simm.s32 @!p0 $0x18C80;
	s14 =	sadd.s32 @!p0 $0x10, s12  }
0x9d: {  	[tilespmem:s15], [sflag:$0x1] =	stream.linear.gather @!p0 [hbm4b:s14+s13], $0x80, $0x38;
	[tilespmem:$0x1A000] =	vst v63  }
0x9e: {  	s14 =	sadd.s32 @!p0 $0x20, s12;
	s15 =	simm.s32 @!p0 $0x18D00  }
0x9f: {  	[tilespmem:s15], [sflag:$0x1] =	stream.linear.gather @!p0 [hbm4b:s14+s13], $0x80, $0x38;
	[tilespmem:$0x1A000] =	vst v63  }
0xa0: {  	s12 =	sadd.s32 @!p0 $0x30, s12;
	s14 =	rddreg [dreg:$0x5];
	s15 =	simm.s32 @!p0 $0x18D80  }
0xa1: {  	[tilespmem:s15], [sflag:$0x1] =	stream.linear.gather @!p0 [hbm4b:s12+s13], $0x80, $0x38;
	[tilespmem:$0x1A000] =	vst v63  }
0xa2: {  	s12 =	sadd.s32 @!p0 $0x0, s14;
	s14 =	simm.s32 @!p0 $0x18800  }
0xa3: {  	[tilespmem:s14], [sflag:$0x1] =	stream.linear.gather @!p0 [hbm4b:s12+s13], $0x200, $0x38;
	[tilespmem:$0x1A000] =	vst v63  }
0xa4: {  	_ =	swait.ge [sflag:s9], $0x400  }
0xa5: {  	[sflag:s9] =	ssyncset.done $0x0  }
0xa6: {  	[sflag:s9] =	ssyncadd.s32 $0xFFFFFC00  }
0xa7: {  	_ =	swait.ge [sflag:s9], $0x400  }
0xa8: {  	[sflag:s9] =	ssyncset.done $0x0  }
0xa9: {  	[sflag:s9] =	ssyncadd.s32 $0xFFFFFC00  }
0xaa: {  	_ =	swait.ge [sflag:s9], $0x400  }
0xab: {  	[sflag:s9] =	ssyncset.done $0x0  }
0xac: {  	[sflag:s9] =	ssyncadd.s32 $0xFFFFFC00  }
0xad: {  	_ =	swait.ge [sflag:s9], $0x400  }
0xae: {  	s12 =	simm.s32 $0x80;
	[sflag:s9] =	ssyncset.done $0x0  }
.LBB2_2:
0xaf: {  	[sflag:s9] =	ssyncadd.s32 $0xFFFFFC00  }
0xb0: {  	_ =	swait.ge [sflag:s23], $0x80  }
0xb1: {  	[sflag:s23] =	ssyncset.done $0x0  }
0xb2: {  	[sflag:s23] =	ssyncadd.s32 $0xFFFFFF80  }
0xb3: {  	_ =	swait.ge [sflag:s23], $0x80  }
0xb4: {  	[sflag:s23] =	ssyncset.done $0x0  }
0xb5: {  	[sflag:s23] =	ssyncadd.s32 $0xFFFFFF80  }
0xb6: {  	_ =	swait.ge [sflag:s23], $0x80  }
0xb7: {  	[sflag:s23] =	ssyncset.done $0x0  }
0xb8: {  	[sflag:s23] =	ssyncadd.s32 $0xFFFFFF80  }
0xb9: {  	_ =	swait.ge [sflag:s23], $0x80  }
0xba: {  	[sflag:s23] =	ssyncset.done $0x0  }
0xbb: {  	[sflag:s23] =	ssyncadd.s32 $0xFFFFFF80  }
0xbc: {  	_ =	swait.ge [sflag:s23], $0x200  }
0xbd: {  	s13 =	smov.u32 s12;
	s14 =	rddreg [dreg:$0x6];
	[sflag:s23] =	ssyncset.done $0x0  }
0xbe: {  	[sflag:s23] =	ssyncadd.s32 $0xFFFFFE00;
	s14 =	sadd.s32 s13, s14  }
0xbf: {  	[tilespmem:s24], [sflag:$0x1] =	stream.linear.gather [hbm4b:s14+s4], $0x80, $0x38;
	[tilespmem:$0x1A000] =	vst v63  }
0xc0: {  	s15 =	sadd.s32 $0x10, s14  }
0xc1: {  	[tilespmem:s25], [sflag:$0x1] =	stream.linear.gather [hbm4b:s15+s4], $0x80, $0x38;
	[tilespmem:$0x1A000] =	vst v63  }
0xc2: {  	s8 =	sadd.s32 $0x20, s14  }
0xc3: {  	[tilespmem:s26], [sflag:$0x1] =	stream.linear.gather [hbm4b:s8+s4], $0x80, $0x38;
	[tilespmem:$0x1A000] =	vst v63  }
0xc4: {  	s16 =	rddreg [dreg:$0x7];
	s14 =	sadd.s32 $0x30, s14  }
0xc5: {  	[tilespmem:s28], [sflag:$0x1] =	stream.linear.gather [hbm4b:s14+s4], $0x80, $0x38;
	[tilespmem:$0x1A000] =	vst v63  }
0xc6: {  	s16 =	sadd.s32 s13, s16  }
0xc7: {  	[tilespmem:s29], [sflag:$0x1] =	stream.linear.gather [hbm4b:s16+s4], $0x200, $0x38;
	[tilespmem:$0x1A000] =	vst v63  }
0xc8: {  	_ = 	snop  }
0xc9: {  	[tilespmem:s31], [sflag:$0x2] =	stream.indirect.gather [spmem:s1], $0x8, s22, s30, $0xb8;
	[tilespmem:$0x1A000] =	vst v63  }
0xca: {  	s6 =	rddreg [dreg:$0x8]  }
0xcb: {  	[tilespmem:s0], [sflag:$0x2] =	stream.indirect.gather [spmem:s1], $0x8, s6, s30, $0xb8;
	[tilespmem:$0x1A000] =	vst v63  }
0xcc: {  	s8 =	rddreg [dreg:$0x9]  }
0xcd: {  	[tilespmem:s2], [sflag:$0x2] =	stream.indirect.gather [spmem:s1], $0x8, s8, s30, $0xb8;
	[tilespmem:$0x1A000] =	vst v63  }
0xce: {  	s16 =	rddreg [dreg:$0xa]  }
0xcf: {  	[tilespmem:s5], [sflag:$0x2] =	stream.indirect.gather [spmem:s1], $0x8, s16, s30, $0xb8;
	[tilespmem:$0x1A000] =	vst v63  }
0xd0: {  	_ =	swait.ge [sflag:s7], $0x400  }
0xd1: {  	[sflag:s7] =	ssyncset.done $0x0  }
0xd2: {  	[sflag:s7] =	ssyncadd.s32 $0xFFFFFC00  }
0xd3: {  	[spmem:s3] =	stream.indirect.scatter.add.f32 [tilespmem:s31], [sflag:$0x3], $0x8, s18, s30, $0xb8;
	[tilespmem:$0x1A000] =	vst v63  }
0xd4: {  	_ =	swait.ge [sflag:s7], $0x400  }
0xd5: {  	[sflag:s7] =	ssyncset.done $0x0  }
0xd6: {  	[sflag:s7] =	ssyncadd.s32 $0xFFFFFC00  }
0xd7: {  	[spmem:s3] =	stream.indirect.scatter.add.f32 [tilespmem:s0], [sflag:$0x3], $0x8, s19, s30, $0xb8;
	[tilespmem:$0x1A000] =	vst v63  }
0xd8: {  	_ =	swait.ge [sflag:s7], $0x400  }
0xd9: {  	[sflag:s7] =	ssyncset.done $0x0  }
0xda: {  	[sflag:s7] =	ssyncadd.s32 $0xFFFFFC00  }
0xdb: {  	[spmem:s3] =	stream.indirect.scatter.add.f32 [tilespmem:s2], [sflag:$0x3], $0x8, s20, s30, $0xb8;
	[tilespmem:$0x1A000] =	vst v63  }
0xdc: {  	_ =	swait.ge [sflag:s7], $0x400  }
0xdd: {  	[sflag:s7] =	ssyncset.done $0x0  }
0xde: {  	[sflag:s7] =	ssyncadd.s32 $0xFFFFFC00  }
0xdf: {  	[spmem:s3] =	stream.indirect.scatter.add.f32 [tilespmem:s5], [sflag:$0x3], $0x8, s21, s30, $0xb8;
	[tilespmem:$0x1A000] =	vst v63  }
0xe0: {  	_ =	swait.ge [sflag:s23], $0x80  }
0xe1: {  	[sflag:s23] =	ssyncset.done $0x0  }
0xe2: {  	[sflag:s23] =	ssyncadd.s32 $0xFFFFFF80  }
0xe3: {  	_ =	swait.ge [sflag:s23], $0x80  }
0xe4: {  	[sflag:s23] =	ssyncset.done $0x0  }
0xe5: {  	[sflag:s23] =	ssyncadd.s32 $0xFFFFFF80  }
0xe6: {  	_ =	swait.ge [sflag:s23], $0x80  }
0xe7: {  	[sflag:s23] =	ssyncset.done $0x0  }
0xe8: {  	[sflag:s23] =	ssyncadd.s32 $0xFFFFFF80  }
0xe9: {  	_ =	swait.ge [sflag:s23], $0x80  }
0xea: {  	[sflag:s23] =	ssyncset.done $0x0  }
0xeb: {  	[sflag:s23] =	ssyncadd.s32 $0xFFFFFF80  }
0xec: {  	_ =	swait.ge [sflag:s23], $0x200  }
0xed: {  	[sflag:s23] =	ssyncset.done $0x0  }
0xee: {  	[sflag:s23] =	ssyncadd.s32 $0xFFFFFE00  }
0xef: {  	_ =	swait.ge [sflag:s9], $0x400  }
0xf0: {  	[sflag:s9] =	ssyncset.done $0x0  }
0xf1: {  	[sflag:s9] =	ssyncadd.s32 $0xFFFFFC00  }
0xf2: {  	_ =	swait.ge [sflag:s9], $0x400  }
0xf3: {  	[sflag:s9] =	ssyncset.done $0x0  }
0xf4: {  	[sflag:s9] =	ssyncadd.s32 $0xFFFFFC00  }
0xf5: {  	_ =	swait.ge [sflag:s9], $0x400  }
0xf6: {  	[sflag:s9] =	ssyncset.done $0x0  }
0xf7: {  	[sflag:s9] =	ssyncadd.s32 $0xFFFFFC00  }
0xf8: {  	_ =	swait.ge [sflag:s9], $0x400  }
0xf9: {  	[sflag:s9] =	ssyncset.done $0x0  }
0xfa: {  	[sflag:s9] =	ssyncadd.s32 $0xFFFFFC00  }
0xfb: {  	[tilespmem:s31], [sflag:$0x2] =	stream.indirect.gather [spmem:s1], $0x8, s29, s30, $0xb8;
	[tilespmem:$0x1A000] =	vst v63  }
0xfc: {  	s6 =	rddreg [dreg:$0xb]  }
0xfd: {  	[tilespmem:s0], [sflag:$0x2] =	stream.indirect.gather [spmem:s1], $0x8, s6, s30, $0xb8;
	[tilespmem:$0x1A000] =	vst v63  }
0xfe: {  	s8 =	rddreg [dreg:$0xc]  }
0xff: {  	[tilespmem:s2], [sflag:$0x2] =	stream.indirect.gather [spmem:s1], $0x8, s8, s30, $0xb8;
	[tilespmem:$0x1A000] =	vst v63  }
0x100: {  	s16 =	rddreg [dreg:$0xd]  }
0x101: {  	[tilespmem:s5], [sflag:$0x2] =	stream.indirect.gather [spmem:s1], $0x8, s16, s30, $0xb8;
	[tilespmem:$0x1A000] =	vst v63  }
0x102: {  	_ =	swait.ge [sflag:s7], $0x400  }
0x103: {  	[sflag:s7] =	ssyncset.done $0x0  }
0x104: {  	[sflag:s7] =	ssyncadd.s32 $0xFFFFFC00  }
0x105: {  	[spmem:s3] =	stream.indirect.scatter.add.f32 [tilespmem:s31], [sflag:$0x3], $0x8, s24, s30, $0xb8;
	[tilespmem:$0x1A000] =	vst v63  }
0x106: {  	_ =	swait.ge [sflag:s7], $0x400  }
0x107: {  	[sflag:s7] =	ssyncset.done $0x0  }
0x108: {  	[sflag:s7] =	ssyncadd.s32 $0xFFFFFC00  }
0x109: {  	[spmem:s3] =	stream.indirect.scatter.add.f32 [tilespmem:s0], [sflag:$0x3], $0x8, s25, s30, $0xb8;
	[tilespmem:$0x1A000] =	vst v63  }
0x10a: {  	_ =	swait.ge [sflag:s7], $0x400  }
0x10b: {  	[sflag:s7] =	ssyncset.done $0x0  }
0x10c: {  	[sflag:s7] =	ssyncadd.s32 $0xFFFFFC00  }
0x10d: {  	[spmem:s3] =	stream.indirect.scatter.add.f32 [tilespmem:s2], [sflag:$0x3], $0x8, s26, s30, $0xb8;
	[tilespmem:$0x1A000] =	vst v63  }
0x10e: {  	_ =	swait.ge [sflag:s7], $0x400  }
0x10f: {  	[sflag:s7] =	ssyncset.done $0x0  }
0x110: {  	p1 =	seq.s32 s13, $0x6180;
	s14 =	rddreg [dreg:$0x4];
	[sflag:s7] =	ssyncadd.s32 $0xFFFFFC00  }
0x111: {  	[spmem:s3] =	stream.indirect.scatter.add.f32 [tilespmem:s5], [sflag:$0x3], $0x8, s28, s30, $0xb8;
	[tilespmem:$0x1A000] =	vst v63  }
0x112: {  	s15 =	simm.s32 @!p1 $0x0;
	s16 =	simm.s32 @!p1 $0x18C00;
	s14 =	sadd.s32 @!p1 s13, s14  }
0x113: {  	[tilespmem:s16], [sflag:$0x1] =	stream.linear.gather @!p1 [hbm4b:s14+s15], $0x80, $0x38;
	[tilespmem:$0x1A000] =	vst v63  }
0x114: {  	s8 =	simm.s32 @!p1 $0x18C80;
	s16 =	sadd.s32 @!p1 $0x10, s14  }
0x115: {  	[tilespmem:s8], [sflag:$0x1] =	stream.linear.gather @!p1 [hbm4b:s16+s15], $0x80, $0x38;
	[tilespmem:$0x1A000] =	vst v63  }
0x116: {  	s8 =	sadd.s32 @!p1 $0x20, s14;
	s16 =	simm.s32 @!p1 $0x18D00  }
0x117: {  	[tilespmem:s16], [sflag:$0x1] =	stream.linear.gather @!p1 [hbm4b:s8+s15], $0x80, $0x38;
	[tilespmem:$0x1A000] =	vst v63  }
0x118: {  	s6 =	rddreg [dreg:$0x5];
	s8 =	sadd.s32 @!p1 $0x30, s14;
	s14 =	simm.s32 @!p1 $0x18D80  }
0x119: {  	[tilespmem:s14], [sflag:$0x1] =	stream.linear.gather @!p1 [hbm4b:s8+s15], $0x80, $0x38;
	[tilespmem:$0x1A000] =	vst v63  }
0x11a: {  	s6 =	sadd.s32 @!p1 s13, s6;
	s8 =	simm.s32 @!p1 $0x18800  }
0x11b: {  	[tilespmem:s8], [sflag:$0x1] =	stream.linear.gather @!p1 [hbm4b:s6+s15], $0x200, $0x38;
	[tilespmem:$0x1A000] =	vst v63  }
0x11c: {  	_ =	swait.ge [sflag:s9], $0x400  }
0x11d: {  	[sflag:s9] =	ssyncset.done $0x0  }
0x11e: {  	[sflag:s9] =	ssyncadd.s32 $0xFFFFFC00  }
0x11f: {  	_ =	swait.ge [sflag:s9], $0x400  }
0x120: {  	s12 =	sadd.s32 $0x80, s12;
	[sflag:s9] =	ssyncset.done $0x0  }
0x121: {  	p0 =	sne.s32 s12, $0x6200;
	[sflag:s9] =	ssyncadd.s32 $0xFFFFFC00  }
.Ltmp0:
0x122: {  	_ =	swait.ge [sflag:s9], $0x400;
	(pc) =	sbr.rel @p0 .LBB2_2-.Ltmp0, $4  }
0x123: {  	[sflag:s9] =	ssyncset.done $0x0  }
0x124: {  	[sflag:s9] =	ssyncadd.s32 $0xFFFFFC00  }
0x125: {  	_ =	swait.ge [sflag:s9], $0x400  }
0x126: {  	[sflag:s9] =	ssyncset.done $0x0  }
0x127: {  	[sflag:s9] =	ssyncadd.s32 $0xFFFFFC00  }
0x128: {  	[bflag:$0x0] =	sbarrier.arrive $0xFFFF  }
0x129: {  	s14 =	rddreg [dreg:$0xf]  }
0x12a: {  	s6 =	rddreg [dreg:$0x17]  }
0x12b: {  	[hbm:s6], [sflag:s14] =	dma.local [spmem:s11], $0x1880  }
0x12c: {  	_ =	swait.ge [sflag:s17], $0x1880  }
0x12d: {  	s10 =	sadd.s32 $0x1, s10;
	s16 =	rddreg [dreg:$0x18]  }
0x12e: {  	p0 =	sne.s32 s10, s16  }
.Ltmp1:
0x12f: {  	_ = 	snop;
	(pc) =	sbr.rel @p0 .LBB2_1-.Ltmp1, $3  }
0x130: {  	_ =	sdelay $0x1  }
0x131: {  	[sflag:s17] =	ssyncset.done $0x0  }
0x132: {  	[sflag:s17] =	ssyncadd.s32 $0xFFFFE780  }
0x133: {  	_ =	sfence.sel $0x180000  }
0x134: {  	[bflag:$0x0] =	sbarrier.arrive $0xFFFF  }
0x135: {  	_ =	strace $0x9000004D  }
0x136: {  	s0 =	stileid.u32;
	[bflag:$0x2] =	sbarrier.arrive $0xFFFF  }
0x137: {  	p0 =	sne.s32 s0, $0x0;
	s0 =	rddreg [dreg:$0x3]  }
0x138: {  	s0 =	sadd.s32 @!p0 $0x100000, s0  }
0x139: {  	[sflag:s0] =	ssyncadd.tile.s32 @!p0 $0x1;
	_ =	shalt  }
.Lfunc_end2:
_tile_overlayer_lowered:
.L_overlay_start_2:
0x13a: {  	(tag) =	ssettag $0x2  }
0x13b: {  	s0 =	rddreg [dreg:$0x0];
	s2 =	stileid.u32  }
0x13c: {  	s1 =	rddreg [dreg:$0x1];
	p0 =	sne.s32 s2, $0x0  }
0x13d: {  	s3 =	rddreg [dreg:$0x2];
	[bflag:$0x3] =	sbarrier.arrive $0xFFFF;
	s2 =	simm.s32 @!p0 $0x1C04  }
0x13e: {  	[timem:s3], [sflag:s2] =	dma.local @!p0 [hbm:s0], s1  }
0x13f: {  	s0 =	simm.s32 @!p0 $0x4  }
0x140: {  	_ =	swait.ge @!p0 [sflag:s0], s1  }
0x141: {  	s1 =	ssub.s32 @!p0 $0x0, s1;
	[sflag:s0] =	ssyncset.done @!p0 $0x0  }
0x142: {  	[sflag:s0] =	ssyncadd.s32 @!p0 s1  }
0x143: {  	[bflag:$0x3] =	sbarrier.arrive $0xFFFF  }
0x144: {  	_ =	shalt  }

// kernel: kernel.19.cloned.1.call-start
scs
__scs_entry_jumppad:
0x0: {  	(pc) =	sbr.rel $0x88, $3  }
0x1: {  	(tag) =	ssettag $0x0;
	lr =	simm.s32 $0x1  }
0x2: {  	[smem:$0x3F97] =	sst lr;
	_ =	strace $0xD0000000  }
0x3: {  	_ = 	snop  }
0x4: {  	_ = 	snop  }
0x5: {  	_ = 	snop  }
0x6: {  	_ = 	snop  }
0x7: {  	_ = 	snop  }
__scs_overlays_trampoline_lowered:
0x8: {  	[smem:$0x3FA6] =	sst s0  }
0x9: {  	[smem:$0x3FA7] =	sst s1  }
0xa: {  	[smem:$0x3FA8] =	sst s2  }
0xb: {  	[smem:$0x3FA9] =	sst s3  }
0xc: {  	[smem:$0x3FAA] =	sst s4  }
0xd: {  	[smem:$0x3FAB] =	sst s5  }
0xe: {  	[smem:$0x3FAC] =	sst s6  }
0xf: {  	[smem:$0x3FAD] =	sst s7  }
0x10: {  	[smem:$0x3FAE] =	sst s8  }
0x11: {  	[smem:$0x3FAF] =	sst s9;
	s0 =	simm.s32 @!p0 $0x0  }
0x12: {  	s1 =	sld [smem:$0x3F95];
	s0 =	simm.s32 @p0 $0x1  }
0x13: {  	[smem:$0x3FB0] =	sst s0;
	s0 =	simm.s32 @!p1 $0x0  }
0x14: {  	s2 =	sld [smem:$0x3F94];
	s0 =	simm.s32 @p1 $0x1  }
0x15: {  	[smem:$0x3FB1] =	sst s0;
	s0 =	simm.s32 @!p2 $0x0  }
0x16: {  	s3 =	sld [smem:$0x3FDB];
	s0 =	simm.s32 @p2 $0x1  }
0x17: {  	s4 =	simm.s32 $0x1BF5;
	[smem:$0x3FB3] =	sst s0  }
0x18: {  	s0 =	sld [smem:$0x3F96];
	_ =	swait.ge [sflag:s4], $0x0  }
0x19: {  	s7 =	sld [smem:$0x3F97]  }
0x1a: {  	s8 =	sadd.s32 $0xFFFFE003, lr  }
0x1b: {  	s9 =	sadd.s32 $0xFFFFFEF7, lr;
	s5 =	simm.s32 $0xFFFFFFFF;
	p2 =	slt.u32 s8, $0xFFFFF086  }
0x1c: {  	p1 =	slt.u32 s9, $0xF7A;
	s5 =	simm.s32 @!p2 $0x0  }
0x1d: {  	s5 =	simm.s32 @p1 $0x1;
	p0 =	seq.s32 s7, s2  }
0x1e: {  	s7 =	smul.u32 @!p0 $0xF7A, s2;
	p2 =	seq.s32 @!p0 s5, $0x0  }
0x1f: {  	s9 =	smul.u32 $0xF7A, s1;
	s8 =	simm.s32 @!p0 $0x1BF5;
	p2 =	por !p2, p0  }
0x20: {  	[sflag:s8] =	ssyncset.s32 @!p0 $0xFFFFF086;
	s6 =	sadd.s32 @!p0 s3, s7;
	s7 =	simm.s32 @!p0 $0x108  }
0x21: {  	s3 =	sadd.s32 s3, s9;
	s6 =	sadd.s32 @!p0 $0x88, s6;
	s7 =	simm.s32 @p2 $0x1082  }
0x22: {  	[simem:s7], [sflag:s8] =	dma.local @!p0 [hbm:s6], $0xF7A  }
0x23: {  	s9 =	sor.u32 $0xD0000000, s2;
	s6 =	simm.s32 $0x108;
	_ =	swait.ge @!p0 [sflag:s8], $0x0  }
0x24: {  	s3 =	sadd.s32 $0x88, s3;
	s6 =	simm.s32 @!p1 $0x1082;
	[sflag:s4] =	ssyncset.s32 $0xFFFFF086  }
0x25: {  	[simem:s6], [sflag:s4] =	dma.local [hbm:s3], $0xF7A  }
0x26: {  	[smem:$0x3F97] =	sst s1;
	(tag) =	ssettag s2;
	_ =	strace s9  }
0x27: {  	s1 =	sld [smem:$0x3FA7]  }
0x28: {  	s2 =	sld [smem:$0x3FA8]  }
0x29: {  	s4 =	sld [smem:$0x3FAA]  }
0x2a: {  	p0 =	seq.s32 s5, $0x0;
	s5 =	sld [smem:$0x3FAB]  }
0x2b: {  	s6 =	sld [smem:$0x3FAC]  }
0x2c: {  	s7 =	sld [smem:$0x3FAD]  }
0x2d: {  	s3 =	simm.s32 $0x108;
	s8 =	sld [smem:$0x3FAE]  }
0x2e: {  	s3 =	simm.s32 @!p0 $0x1082;
	s9 =	sld [smem:$0x3FAF]  }
0x2f: {  	lr =	sadd.s32 s0, s3;
	s0 =	sld [smem:$0x3FA6]  }
0x30: {  	s3 =	sld [smem:$0x3FA9]  }
0x31: {  	[smem:$0x3FB2] =	sst s10  }
0x32: {  	s10 =	sld [smem:$0x3FB0];
	_ =	sdelay $0x3  }
0x33: {  	p0 =	seq.s32 s10, $0x1;
	s10 =	sld [smem:$0x3FB2];
	_ =	sdelay $0x3  }
0x34: {  	[smem:$0x3FB2] =	sst s10  }
0x35: {  	s10 =	sld [smem:$0x3FB1];
	_ =	sdelay $0x3  }
0x36: {  	p1 =	seq.s32 s10, $0x1;
	s10 =	sld [smem:$0x3FB2];
	_ =	sdelay $0x3  }
0x37: {  	[smem:$0x3FB2] =	sst s10  }
0x38: {  	s10 =	sld [smem:$0x3FB3]  }
0x39: {  	_ = 	snop;
	(pc) =	sbr.ind lr, $3  }
0x3a: {  	_ = 	snop  }
0x3b: {  	_ = 	snop  }
0x3c: {  	p2 =	seq.s32 s10, $0x1;
	s10 =	sld [smem:$0x3FB2]  }
0x3d: {  	_ =	shalt  }
0x3e: {  	_ =	shalt  }
0x3f: {  	_ =	shalt  }
0x40: {  	_ =	shalt  }
0x41: {  	_ =	shalt  }
0x42: {  	_ =	shalt  }
0x43: {  	_ =	shalt  }
0x44: {  	_ =	shalt  }
0x45: {  	_ =	shalt  }
0x46: {  	_ =	shalt  }
0x47: {  	_ =	shalt  }
0x48: {  	_ =	shalt  }
0x49: {  	_ =	shalt  }
0x4a: {  	_ =	shalt  }
0x4b: {  	_ =	shalt  }
0x4c: {  	_ =	shalt  }
0x4d: {  	_ =	shalt  }
0x4e: {  	_ =	shalt  }
0x4f: {  	_ =	shalt  }
0x50: {  	_ =	shalt  }
0x51: {  	_ =	shalt  }
0x52: {  	_ =	shalt  }
0x53: {  	_ =	shalt  }
0x54: {  	_ =	shalt  }
0x55: {  	_ =	shalt  }
0x56: {  	_ =	shalt  }
0x57: {  	_ =	shalt  }
0x58: {  	_ =	shalt  }
0x59: {  	_ =	shalt  }
0x5a: {  	_ =	shalt  }
0x5b: {  	_ =	shalt  }
0x5c: {  	_ =	shalt  }
0x5d: {  	_ =	shalt  }
0x5e: {  	_ =	shalt  }
0x5f: {  	_ =	shalt  }
0x60: {  	_ =	shalt  }
0x61: {  	_ =	shalt  }
0x62: {  	_ =	shalt  }
0x63: {  	_ =	shalt  }
0x64: {  	_ =	shalt  }
0x65: {  	_ =	shalt  }
0x66: {  	_ =	shalt  }
0x67: {  	_ =	shalt  }
0x68: {  	_ =	shalt  }
0x69: {  	_ =	shalt  }
0x6a: {  	_ =	shalt  }
0x6b: {  	_ =	shalt  }
0x6c: {  	_ =	shalt  }
0x6d: {  	_ =	shalt  }
0x6e: {  	_ =	shalt  }
0x6f: {  	_ =	shalt  }
0x70: {  	_ =	shalt  }
0x71: {  	_ =	shalt  }
0x72: {  	_ =	shalt  }
0x73: {  	_ =	shalt  }
0x74: {  	_ =	shalt  }
0x75: {  	_ =	shalt  }
0x76: {  	_ =	shalt  }
0x77: {  	_ =	shalt  }
0x78: {  	_ =	shalt  }
0x79: {  	_ =	shalt  }
0x7a: {  	_ =	shalt  }
0x7b: {  	_ =	shalt  }
0x7c: {  	_ =	shalt  }
0x7d: {  	_ =	shalt  }
0x7e: {  	_ =	shalt  }
0x7f: {  	_ =	shalt  }
0x80: {  	_ =	shalt  }
0x81: {  	_ =	shalt  }
0x82: {  	_ =	shalt  }
0x83: {  	_ =	shalt  }
0x84: {  	_ =	shalt  }
0x85: {  	_ =	shalt  }
0x86: {  	_ =	shalt  }
0x87: {  	_ =	shalt  }
.Lfunc_end0:
.L_simem_size_0:
called_computation.3_lowered:
.L_overlay_start_0:
0x88: {  	s2 =	sld [smem:$0x3FD9]  }
0x89: {  	s3 =	sld [smem:$0x3FFE];
	_ =	sdelay $0x1  }
0x8a: {  	s1 =	srdreg.scid  }
0x8b: {  	s0 =	sand.u32 $0x1, s1  }
0x8c: {  	s16 =	sshll.u32 s0, $0xA;
	s2 =	sadd.s32 s3, s2  }
0x8d: {  	s2 =	sadd.s32 s2, s16  }
0x8e: {  	[smem:$0x3FBE] =	sst s2  }
0x8f: {  	_ = 	snop  }
0x90: {  	(tm) =	ssettm $0x1  }
0x91: {  	s17 =	sld [smem:$0x3FFB];
	_ =	sdelay $0x3  }
0x92: {  	_ =	strace s17  }
0x93: {  	s2 =	sld [smem:$0x3FFC];
	_ =	sdelay $0x3  }
0x94: {  	_ =	strace s2  }
0x95: {  	s2 =	sld [smem:$0x3FFD];
	_ =	sdelay $0x3  }
0x96: {  	_ =	strace s2  }
0x97: {  	_ =	strace $0x8FFFFFFF  }
0x98: {  	s18 =	sld [smem:$0x3FDB];
	_ =	sdelay $0x1  }
0x99: {  	s19 =	simm.s32 $_scs_section_size  }
0x9a: {  	s4 =	simm.s32 $_size__tile_overlayer_lowered;
	s5 =	simm.s32 $_tile_overlayer_lowered  }
0x9b: {  	s22 =	simm.s32 $0x1BFF;
	s21 =	sshll.u32 s5, $0x1;
	s2 =	sadd.s32 s19, s18  }
0x9c: {  	s6 =	simm.s32 $0x0;
	s20 =	sshll.u32 s4, $0x1;
	s4 =	sadd.s32 s21, s2  }
0x9d: {  	[timem:s6], [sflag:s22] =	dma.local [hbm:s4], s20  }
0x9e: {  	_ =	swait.ge [sflag:s22], s20  }
0x9f: {  	s3 =	ssub.s32 $0x0, s20;
	[sflag:s22] =	ssyncset.done $0x0  }
0xa0: {  	[sflag:s22] =	ssyncadd.s32 s3;
	_ =	sdelay $0x1  }
0xa1: {  	s23 =	simm.s32 $0x1B8B  }
0xa2: {  	_ =	swait.ge [sflag:s23], $0x1  }
0xa3: {  	[sflag:s23] =	ssyncset.done $0x0  }
0xa4: {  	s25 =	simm.s32 $0x1B8E;
	s24 =	sld [smem:$0x3FFE];
	[sflag:s23] =	ssyncadd.s32 $0xFFFFFFFF  }
0xa5: {  	s26 =	simm.s32 $execute0_lowered;
	[smem:$0x3FD2] =	sst s25  }
0xa6: {  	s4 =	sshll.u32 s26, $0x1;
	_ =	strace $0x8000004F;
	[dreg:$0x1] =	wrdreg $0xFFFFFFFF  }
0xa7: {  	s28 =	simm.s32 $_size_execute0_lowered;
	s2 =	sadd.s32 s2, s4;
	[dreg:$0x0] =	wrdreg $0x0  }
0xa8: {  	s4 =	sshll.u32 s28, $0x1;
	[dreg:$0x2] =	wrdreg s2  }
0xa9: {  	[dreg:$0x3] =	wrdreg s4  }
0xaa: {  	[dreg:$0x4] =	wrdreg $0xC0  }
0xab: {  	_ =	task [dreg:s6], $0x5FFFF  }
0xac: {  	[dreg:$0x1] =	wrdreg $0xFFFFFFFF  }
0xad: {  	[dreg:$0x0] =	wrdreg $0x60  }
0xae: {  	[dreg:$0x2] =	wrdreg s24  }
0xaf: {  	[dreg:$0x3] =	wrdreg $0x0  }
0xb0: {  	[dreg:$0x4] =	wrdreg $0xC4000  }
0xb1: {  	[dreg:$0x5] =	wrdreg $0x9  }
0xb2: {  	_ =	task.clear_ibuf [dreg:s6], $0x6FFFF;
	_ =	strace $0x9000004F  }
0xb3: {  	s29 =	simm.s32 $0x9;
	_ =	strace $0x80000051  }
0xb4: {  	_ =	swait.ge [sflag:s29], $0x1  }
0xb5: {  	[sflag:s29] =	ssyncadd.s32 $0xFFFFFFFF  }
0xb6: {  	_ =	strace $0x90000051  }
0xb7: {  	_ =	sfence  }
0xb8: {  	s30 =	sld [smem:$0x0];
	_ =	sdelay $0x2  }
0xb9: {  	s31 =	sshll.u32 s1, $0xD;
	s1 =	sshrl.u32 s1, $0x2  }
0xba: {  	s3 =	sand.u32 $0x4000, s31;
	s1 =	sadd.s32 s1, s30  }
0xbb: {  	s0 =	sor.u32 s3, s0;
	s1 =	sshll.u32 s1, $0x11  }
0xbc: {  	s0 =	sor.u32 s1, s0  }
0xbd: {  	s0 =	sadd.s32 $0x8F2B, s0  }
0xbe: {  	[sflag:s0] =	ssyncadd.remote.s32 $0x1  }
0xbf: {  	_ =	sfence.sel $0xFFFF  }
0xc0: {  	[dreg:$0x0] =	wrdreg $0xFFFFFFFF;
	(pc) =	sbr.abs _section_cstart, $3  }
0xc1: {  	[dreg:$0x1] =	wrdreg $0xFFFFFFFF  }
0xc2: {  	_ =	task.clear_ibuf [dreg:s6], $0x2FFFF;
	_ =	strace $0x9FFFFFFF  }
0xc3: {  	(tm) =	ssettm $0x7FFFFFFF  }
tec
execute0_lowered:
.L_overlay_start_1:
0x0: {  	(tag) =	ssettag $0x1  }
0x1: {  	s0 =	rddreg [dreg:$0x0]  }
0x2: {  	s1 =	rddreg [dreg:$0x1]  }
0x3: {  	s3 =	rddreg [dreg:$0x2];
	s4 =	simm.s32 $0x0;
	s14 =	stileid.u32  }
0x4: {  	s5 =	srdreg.scid;
	s28 =	simm.s32 $0x18F80;
	s29 =	simm.s32 $0x18A00  }
0x5: {  	s30 =	simm.s32 $0x80;
	s31 =	simm.s32 $0x19000;
	[smem:$0x7FF] =	sst s4  }
0x6: {  	s2 =	smul.u32 $0xC400, s14;
	s7 =	sadd.s32 $0x189800, s0;
	s5 =	sand.u32 $0x1, s5  }
0x7: {  	s10 =	sadd.s32 $0xC5800, s0;
	s20 =	smul.u32 $0x31000, s14;
	s22 =	sshll.u32 s14, $0x6  }
0x8: {  	_ =	strace $0x80000050;
	s8 =	smul.u32 $0xC4000, s5;
	s9 =	sshll.u32 s5, $0x4  }
0x9: {  	s17 =	ssub.s32 $0x2, s5;
	s5 =	smul.u32 $0x310000, s5;
	s6 =	sshrl.u32 s2, $0x3  }
0xa: {  	s16 =	sor.u32 s14, s9;
	s19 =	sshrl.u32 s17, $0x1;
	s13 =	sadd.s32 s2, s1  }
0xb: {  	s14 =	sor.u32 $0x1C04, s22;
	s22 =	simm.s32 $0x18900;
	s11 =	sadd.s32 s6, s0  }
0xc: {  	s8 =	sadd.s32 s2, s8;
	s12 =	smul.u32 $0x31000, s16;
	s9 =	ssub.s32 s17, s19  }
0xd: {  	s5 =	sadd.s32 s20, s5;
	s2 =	sadd.s32 s2, s3;
	[dreg:$0x9] =	wrdreg s22  }
0xe: {  	s20 =	sshrl.u32 s13, $0x3;
	s22 =	simm.s32 $0x18800;
	[dreg:$0xf] =	wrdreg s14  }
0xf: {  	s18 =	sshrl.u32 s8, $0x3;
	s21 =	sadd.s32 $0x2200, s11;
	[dreg:$0x10] =	wrdreg s2  }
0x10: {  	s24 =	sor.u32 $0x400, s5;
	s25 =	sadd.s32 $0x1AA00, s11;
	[dreg:$0x19] =	wrdreg s20  }
0x11: {  	s5 =	sor.u32 $0x200, s5;
	s19 =	smax.u32 s9, $0x1;
	[dreg:$0xe] =	wrdreg s21  }
0x12: {  	s20 =	simm.s32 $0x18D00;
	s9 =	simm.s32 $0x3;
	[dreg:$0x12] =	wrdreg s25  }
0x13: {  	s0 =	sadd.s32 s18, s0;
	[dreg:$0x18] =	wrdreg s19;
	s21 =	simm.s32 $0x18880  }
0x14: {  	s2 =	sshrl.u32 s24, $0x3;
	s24 =	simm.s32 $0x18A80;
	[dreg:$0x8] =	wrdreg s21  }
0x15: {  	s12 =	sshrl.u32 s12, $0x3;
	s25 =	simm.s32 $0x18B00;
	[dreg:$0xb] =	wrdreg s24  }
0x16: {  	s5 =	sshrl.u32 s5, $0x3;
	s15 =	sadd.s32 s2, s10;
	[dreg:$0xc] =	wrdreg s25  }
0x17: {  	s19 =	simm.s32 $0x18C80;
	s23 =	sadd.s32 s10, s12;
	[dreg:$0x4] =	wrdreg s15  }
0x18: {  	s2 =	sadd.s32 s2, s7;
	s16 =	sadd.s32 s5, s10;
	[dreg:$0x11] =	wrdreg s23  }
0x19: {  	s17 =	sadd.s32 s7, s12;
	s18 =	sadd.s32 s5, s7;
	[dreg:$0x5] =	wrdreg s2  }
0x1a: {  	s0 =	sadd.s32 $0x33200, s0;
	s21 =	simm.s32 $0x18D80;
	[dreg:$0x16] =	wrdreg s17  }
0x1b: {  	s24 =	simm.s32 $0x18E00;
	s25 =	simm.s32 $0x18E80;
	[dreg:$0x6] =	wrdreg s16  }
0x1c: {  	s5 =	simm.s32 $0x19C00;
	s7 =	simm.s32 $0x2;
	[dreg:$0x17] =	wrdreg s0  }
0x1d: {  	s10 =	simm.s32 $0x0;
	s26 =	sadd.s32 $0x10, s23;
	[dreg:$0x7] =	wrdreg s18  }
0x1e: {  	s11 =	sadd.s32 $0x20, s23;
	s6 =	sadd.s32 $0x30, s23;
	[dreg:$0x13] =	wrdreg s26  }
0x1f: {  	s17 =	simm.s32 $0x4;
	s18 =	simm.s32 $0x18C00;
	[dreg:$0x14] =	wrdreg s11  }
0x20: {  	s23 =	simm.s32 $0x18980;
	s0 =	simm.s32 $0x19400;
	[dreg:$0x15] =	wrdreg s6  }
0x21: {  	s2 =	simm.s32 $0x19800;
	[dreg:$0xa] =	wrdreg s23;
	s26 =	simm.s32 $0x18B80  }
0x22: {  	s23 =	simm.s32 $0x1;
	[dreg:$0xd] =	wrdreg s26;
	s26 =	simm.s32 $0x18F00  }
.LBB2_1:
0x23: {  	s6 =	rddreg [dreg:$0xe]  }
0x24: {  	s8 =	rddreg [dreg:$0x19]  }
0x25: {  	[spmem:s8], [sflag:s14] =	dma.local [hbm:s6], $0x1880  }
0x26: {  	_ =	swait.ge [sflag:s17], $0x1880  }
0x27: {  	[sflag:s17] =	ssyncset.done $0x0;
	s16 =	rddreg [dreg:$0x10]  }
0x28: {  	s8 =	rddreg [dreg:$0x12];
	[sflag:s17] =	ssyncadd.s32 $0xFFFFE780;
	s11 =	sshrl.u32 s16, $0x3  }
0x29: {  	[spmem:s11], [sflag:s14] =	dma.local [hbm:s8], $0x1880  }
0x2a: {  	_ =	swait.ge [sflag:s17], $0x1880  }
0x2b: {  	[sflag:s17] =	ssyncset.done $0x0  }
0x2c: {  	[sflag:s17] =	ssyncadd.s32 $0xFFFFE780  }
0x2d: {  	[bflag:$0x0] =	sbarrier.arrive $0xFFFF  }
0x2e: {  	s12 =	rddreg [dreg:$0x11]  }
0x2f: {  	[tilespmem:s18], [sflag:$0x1] =	stream.linear.gather [hbm4b:s12+s4], $0x80, $0x38;
	[tilespmem:$0x1A000] =	vst v63  }
0x30: {  	s13 =	rddreg [dreg:$0x13]  }
0x31: {  	[tilespmem:s19], [sflag:$0x1] =	stream.linear.gather [hbm4b:s13+s4], $0x80, $0x38;
	[tilespmem:$0x1A000] =	vst v63  }
0x32: {  	s14 =	rddreg [dreg:$0x14]  }
0x33: {  	[tilespmem:s20], [sflag:$0x1] =	stream.linear.gather [hbm4b:s14+s4], $0x80, $0x38;
	[tilespmem:$0x1A000] =	vst v63  }
0x34: {  	s15 =	rddreg [dreg:$0x15]  }
0x35: {  	[tilespmem:s21], [sflag:$0x1] =	stream.linear.gather [hbm4b:s15+s4], $0x80, $0x38;
	[tilespmem:$0x1A000] =	vst v63  }
0x36: {  	s16 =	rddreg [dreg:$0x16]  }
0x37: {  	[tilespmem:s22], [sflag:$0x1] =	stream.linear.gather [hbm4b:s16+s4], $0x200, $0x38;
	[tilespmem:$0x1A000] =	vst v63  }
0x38: {  	_ =	swait.ge [sflag:s23], $0x80  }
0x39: {  	[sflag:s23] =	ssyncset.done $0x0  }
0x3a: {  	[sflag:s23] =	ssyncadd.s32 $0xFFFFFF80  }
0x3b: {  	_ =	swait.ge [sflag:s23], $0x80  }
0x3c: {  	[sflag:s23] =	ssyncset.done $0x0  }
0x3d: {  	[sflag:s23] =	ssyncadd.s32 $0xFFFFFF80  }
0x3e: {  	_ =	swait.ge [sflag:s23], $0x80  }
0x3f: {  	[sflag:s23] =	ssyncset.done $0x0  }
0x40: {  	[sflag:s23] =	ssyncadd.s32 $0xFFFFFF80  }
0x41: {  	_ =	swait.ge [sflag:s23], $0x80  }
0x42: {  	[sflag:s23] =	ssyncset.done $0x0  }
0x43: {  	[sflag:s23] =	ssyncadd.s32 $0xFFFFFF80  }
0x44: {  	_ =	swait.ge [sflag:s23], $0x200  }
0x45: {  	s12 =	rddreg [dreg:$0x6];
	[sflag:s23] =	ssyncset.done $0x0  }
0x46: {  	[sflag:s23] =	ssyncadd.s32 $0xFFFFFE00;
	s12 =	sadd.s32 $0x0, s12  }
0x47: {  	[tilespmem:s24], [sflag:$0x1] =	stream.linear.gather [hbm4b:s12+s4], $0x80, $0x38;
	[tilespmem:$0x1A000] =	vst v63  }
0x48: {  	s13 =	sadd.s32 $0x10, s12  }
0x49: {  	[tilespmem:s25], [sflag:$0x1] =	stream.linear.gather [hbm4b:s13+s4], $0x80, $0x38;
	[tilespmem:$0x1A000] =	vst v63  }
0x4a: {  	s6 =	sadd.s32 $0x20, s12  }
0x4b: {  	[tilespmem:s26], [sflag:$0x1] =	stream.linear.gather [hbm4b:s6+s4], $0x80, $0x38;
	[tilespmem:$0x1A000] =	vst v63  }
0x4c: {  	s8 =	rddreg [dreg:$0x7];
	s12 =	sadd.s32 $0x30, s12  }
0x4d: {  	[tilespmem:s28], [sflag:$0x1] =	stream.linear.gather [hbm4b:s12+s4], $0x80, $0x38;
	[tilespmem:$0x1A000] =	vst v63  }
0x4e: {  	s15 =	sadd.s32 $0x0, s8  }
0x4f: {  	[tilespmem:s29], [sflag:$0x1] =	stream.linear.gather [hbm4b:s15+s4], $0x200, $0x38;
	[tilespmem:$0x1A000] =	vst v63  }
0x50: {  	_ = 	snop  }
0x51: {  	[tilespmem:s31], [sflag:$0x2] =	stream.indirect.gather [spmem:s1], $0x8, s22, s30, $0xb8;
	[tilespmem:$0x1A000] =	vst v63  }
0x52: {  	s16 =	rddreg [dreg:$0x8]  }
0x53: {  	[tilespmem:s0], [sflag:$0x2] =	stream.indirect.gather [spmem:s1], $0x8, s16, s30, $0xb8;
	[tilespmem:$0x1A000] =	vst v63  }
0x54: {  	s6 =	rddreg [dreg:$0x9]  }
0x55: {  	[tilespmem:s2], [sflag:$0x2] =	stream.indirect.gather [spmem:s1], $0x8, s6, s30, $0xb8;
	[tilespmem:$0x1A000] =	vst v63  }
0x56: {  	s8 =	rddreg [dreg:$0xa]  }
0x57: {  	[tilespmem:s5], [sflag:$0x2] =	stream.indirect.gather [spmem:s1], $0x8, s8, s30, $0xb8;
	[tilespmem:$0x1A000] =	vst v63  }
0x58: {  	_ =	swait.ge [sflag:s7], $0x400  }
0x59: {  	[sflag:s7] =	ssyncset.done $0x0  }
0x5a: {  	[sflag:s7] =	ssyncadd.s32 $0xFFFFFC00  }
0x5b: {  	[spmem:s3] =	stream.indirect.scatter.add.f32 [tilespmem:s31], [sflag:$0x3], $0x8, s18, s30, $0xb8;
	[tilespmem:$0x1A000] =	vst v63  }
0x5c: {  	_ =	swait.ge [sflag:s7], $0x400  }
0x5d: {  	[sflag:s7] =	ssyncset.done $0x0  }
0x5e: {  	[sflag:s7] =	ssyncadd.s32 $0xFFFFFC00  }
0x5f: {  	[spmem:s3] =	stream.indirect.scatter.add.f32 [tilespmem:s0], [sflag:$0x3], $0x8, s19, s30, $0xb8;
	[tilespmem:$0x1A000] =	vst v63  }
0x60: {  	_ =	swait.ge [sflag:s7], $0x400  }
0x61: {  	[sflag:s7] =	ssyncset.done $0x0  }
0x62: {  	[sflag:s7] =	ssyncadd.s32 $0xFFFFFC00  }
0x63: {  	[spmem:s3] =	stream.indirect.scatter.add.f32 [tilespmem:s2], [sflag:$0x3], $0x8, s20, s30, $0xb8;
	[tilespmem:$0x1A000] =	vst v63  }
0x64: {  	_ =	swait.ge [sflag:s7], $0x400  }
0x65: {  	[sflag:s7] =	ssyncset.done $0x0  }
0x66: {  	[sflag:s7] =	ssyncadd.s32 $0xFFFFFC00  }
0x67: {  	[spmem:s3] =	stream.indirect.scatter.add.f32 [tilespmem:s5], [sflag:$0x3], $0x8, s21, s30, $0xb8;
	[tilespmem:$0x1A000] =	vst v63  }
0x68: {  	_ =	swait.ge [sflag:s23], $0x80  }
0x69: {  	[sflag:s23] =	ssyncset.done $0x0  }
0x6a: {  	[sflag:s23] =	ssyncadd.s32 $0xFFFFFF80  }
0x6b: {  	_ =	swait.ge [sflag:s23], $0x80  }
0x6c: {  	[sflag:s23] =	ssyncset.done $0x0  }
0x6d: {  	[sflag:s23] =	ssyncadd.s32 $0xFFFFFF80  }
0x6e: {  	_ =	swait.ge [sflag:s23], $0x80  }
0x6f: {  	[sflag:s23] =	ssyncset.done $0x0  }
0x70: {  	[sflag:s23] =	ssyncadd.s32 $0xFFFFFF80  }
0x71: {  	_ =	swait.ge [sflag:s23], $0x80  }
0x72: {  	[sflag:s23] =	ssyncset.done $0x0  }
0x73: {  	[sflag:s23] =	ssyncadd.s32 $0xFFFFFF80  }
0x74: {  	_ =	swait.ge [sflag:s23], $0x200  }
0x75: {  	[sflag:s23] =	ssyncset.done $0x0  }
0x76: {  	[sflag:s23] =	ssyncadd.s32 $0xFFFFFE00  }
0x77: {  	_ =	swait.ge [sflag:s9], $0x400  }
0x78: {  	[sflag:s9] =	ssyncset.done $0x0  }
0x79: {  	[sflag:s9] =	ssyncadd.s32 $0xFFFFFC00  }
0x7a: {  	_ =	swait.ge [sflag:s9], $0x400  }
0x7b: {  	[sflag:s9] =	ssyncset.done $0x0  }
0x7c: {  	[sflag:s9] =	ssyncadd.s32 $0xFFFFFC00  }
0x7d: {  	_ =	swait.ge [sflag:s9], $0x400  }
0x7e: {  	[sflag:s9] =	ssyncset.done $0x0  }
0x7f: {  	[sflag:s9] =	ssyncadd.s32 $0xFFFFFC00  }
0x80: {  	_ =	swait.ge [sflag:s9], $0x400  }
0x81: {  	[sflag:s9] =	ssyncset.done $0x0  }
0x82: {  	[sflag:s9] =	ssyncadd.s32 $0xFFFFFC00  }
0x83: {  	[tilespmem:s31], [sflag:$0x2] =	stream.indirect.gather [spmem:s1], $0x8, s29, s30, $0xb8;
	[tilespmem:$0x1A000] =	vst v63  }
0x84: {  	s14 =	rddreg [dreg:$0xb]  }
0x85: {  	[tilespmem:s0], [sflag:$0x2] =	stream.indirect.gather [spmem:s1], $0x8, s14, s30, $0xb8;
	[tilespmem:$0x1A000] =	vst v63  }
0x86: {  	s15 =	rddreg [dreg:$0xc]  }
0x87: {  	[tilespmem:s2], [sflag:$0x2] =	stream.indirect.gather [spmem:s1], $0x8, s15, s30, $0xb8;
	[tilespmem:$0x1A000] =	vst v63  }
0x88: {  	s16 =	rddreg [dreg:$0xd]  }
0x89: {  	[tilespmem:s5], [sflag:$0x2] =	stream.indirect.gather [spmem:s1], $0x8, s16, s30, $0xb8;
	[tilespmem:$0x1A000] =	vst v63  }
0x8a: {  	_ =	swait.ge [sflag:s7], $0x400  }
0x8b: {  	[sflag:s7] =	ssyncset.done $0x0  }
0x8c: {  	[sflag:s7] =	ssyncadd.s32 $0xFFFFFC00  }
0x8d: {  	[spmem:s3] =	stream.indirect.scatter.add.f32 [tilespmem:s31], [sflag:$0x3], $0x8, s24, s30, $0xb8;
	[tilespmem:$0x1A000] =	vst v63  }
0x8e: {  	_ =	swait.ge [sflag:s7], $0x400  }
0x8f: {  	[sflag:s7] =	ssyncset.done $0x0  }
0x90: {  	[sflag:s7] =	ssyncadd.s32 $0xFFFFFC00  }
0x91: {  	[spmem:s3] =	stream.indirect.scatter.add.f32 [tilespmem:s0], [sflag:$0x3], $0x8, s25, s30, $0xb8;
	[tilespmem:$0x1A000] =	vst v63  }
0x92: {  	_ =	swait.ge [sflag:s7], $0x400  }
0x93: {  	[sflag:s7] =	ssyncset.done $0x0  }
0x94: {  	[sflag:s7] =	ssyncadd.s32 $0xFFFFFC00  }
0x95: {  	[spmem:s3] =	stream.indirect.scatter.add.f32 [tilespmem:s2], [sflag:$0x3], $0x8, s26, s30, $0xb8;
	[tilespmem:$0x1A000] =	vst v63  }
0x96: {  	_ =	swait.ge [sflag:s7], $0x400  }
0x97: {  	[sflag:s7] =	ssyncset.done $0x0  }
0x98: {  	p0 =	por $0x0, $0x0;
	s12 =	rddreg [dreg:$0x4];
	[sflag:s7] =	ssyncadd.s32 $0xFFFFFC00  }
0x99: {  	[spmem:s3] =	stream.indirect.scatter.add.f32 [tilespmem:s5], [sflag:$0x3], $0x8, s28, s30, $0xb8;
	[tilespmem:$0x1A000] =	vst v63  }
0x9a: {  	s13 =	simm.s32 @!p0 $0x0;
	s14 =	simm.s32 @!p0 $0x18C00;
	s12 =	sadd.s32 @!p0 $0x0, s12  }
0x9b: {  	[tilespmem:s14], [sflag:$0x1] =	stream.linear.gather @!p0 [hbm4b:s12+s13], $0x80, $0x38;
	[tilespmem:$0x1A000] =	vst v63  }
0x9c: {  	s15 =	simm.s32 @!p0 $0x18C80;
	s14 =	sadd.s32 @!p0 $0x10, s12  }
0x9d: {  	[tilespmem:s15], [sflag:$0x1] =	stream.linear.gather @!p0 [hbm4b:s14+s13], $0x80, $0x38;
	[tilespmem:$0x1A000] =	vst v63  }
0x9e: {  	s14 =	sadd.s32 @!p0 $0x20, s12;
	s15 =	simm.s32 @!p0 $0x18D00  }
0x9f: {  	[tilespmem:s15], [sflag:$0x1] =	stream.linear.gather @!p0 [hbm4b:s14+s13], $0x80, $0x38;
	[tilespmem:$0x1A000] =	vst v63  }
0xa0: {  	s12 =	sadd.s32 @!p0 $0x30, s12;
	s14 =	rddreg [dreg:$0x5];
	s15 =	simm.s32 @!p0 $0x18D80  }
0xa1: {  	[tilespmem:s15], [sflag:$0x1] =	stream.linear.gather @!p0 [hbm4b:s12+s13], $0x80, $0x38;
	[tilespmem:$0x1A000] =	vst v63  }
0xa2: {  	s12 =	sadd.s32 @!p0 $0x0, s14;
	s14 =	simm.s32 @!p0 $0x18800  }
0xa3: {  	[tilespmem:s14], [sflag:$0x1] =	stream.linear.gather @!p0 [hbm4b:s12+s13], $0x200, $0x38;
	[tilespmem:$0x1A000] =	vst v63  }
0xa4: {  	_ =	swait.ge [sflag:s9], $0x400  }
0xa5: {  	[sflag:s9] =	ssyncset.done $0x0  }
0xa6: {  	[sflag:s9] =	ssyncadd.s32 $0xFFFFFC00  }
0xa7: {  	_ =	swait.ge [sflag:s9], $0x400  }
0xa8: {  	[sflag:s9] =	ssyncset.done $0x0  }
0xa9: {  	[sflag:s9] =	ssyncadd.s32 $0xFFFFFC00  }
0xaa: {  	_ =	swait.ge [sflag:s9], $0x400  }
0xab: {  	[sflag:s9] =	ssyncset.done $0x0  }
0xac: {  	[sflag:s9] =	ssyncadd.s32 $0xFFFFFC00  }
0xad: {  	_ =	swait.ge [sflag:s9], $0x400  }
0xae: {  	s12 =	simm.s32 $0x80;
	[sflag:s9] =	ssyncset.done $0x0  }
.LBB2_2:
0xaf: {  	[sflag:s9] =	ssyncadd.s32 $0xFFFFFC00  }
0xb0: {  	_ =	swait.ge [sflag:s23], $0x80  }
0xb1: {  	[sflag:s23] =	ssyncset.done $0x0  }
0xb2: {  	[sflag:s23] =	ssyncadd.s32 $0xFFFFFF80  }
0xb3: {  	_ =	swait.ge [sflag:s23], $0x80  }
0xb4: {  	[sflag:s23] =	ssyncset.done $0x0  }
0xb5: {  	[sflag:s23] =	ssyncadd.s32 $0xFFFFFF80  }
0xb6: {  	_ =	swait.ge [sflag:s23], $0x80  }
0xb7: {  	[sflag:s23] =	ssyncset.done $0x0  }
0xb8: {  	[sflag:s23] =	ssyncadd.s32 $0xFFFFFF80  }
0xb9: {  	_ =	swait.ge [sflag:s23], $0x80  }
0xba: {  	[sflag:s23] =	ssyncset.done $0x0  }
0xbb: {  	[sflag:s23] =	ssyncadd.s32 $0xFFFFFF80  }
0xbc: {  	_ =	swait.ge [sflag:s23], $0x200  }
0xbd: {  	s13 =	smov.u32 s12;
	s14 =	rddreg [dreg:$0x6];
	[sflag:s23] =	ssyncset.done $0x0  }
0xbe: {  	[sflag:s23] =	ssyncadd.s32 $0xFFFFFE00;
	s14 =	sadd.s32 s13, s14  }
0xbf: {  	[tilespmem:s24], [sflag:$0x1] =	stream.linear.gather [hbm4b:s14+s4], $0x80, $0x38;
	[tilespmem:$0x1A000] =	vst v63  }
0xc0: {  	s15 =	sadd.s32 $0x10, s14  }
0xc1: {  	[tilespmem:s25], [sflag:$0x1] =	stream.linear.gather [hbm4b:s15+s4], $0x80, $0x38;
	[tilespmem:$0x1A000] =	vst v63  }
0xc2: {  	s8 =	sadd.s32 $0x20, s14  }
0xc3: {  	[tilespmem:s26], [sflag:$0x1] =	stream.linear.gather [hbm4b:s8+s4], $0x80, $0x38;
	[tilespmem:$0x1A000] =	vst v63  }
0xc4: {  	s16 =	rddreg [dreg:$0x7];
	s14 =	sadd.s32 $0x30, s14  }
0xc5: {  	[tilespmem:s28], [sflag:$0x1] =	stream.linear.gather [hbm4b:s14+s4], $0x80, $0x38;
	[tilespmem:$0x1A000] =	vst v63  }
0xc6: {  	s16 =	sadd.s32 s13, s16  }
0xc7: {  	[tilespmem:s29], [sflag:$0x1] =	stream.linear.gather [hbm4b:s16+s4], $0x200, $0x38;
	[tilespmem:$0x1A000] =	vst v63  }
0xc8: {  	_ = 	snop  }
0xc9: {  	[tilespmem:s31], [sflag:$0x2] =	stream.indirect.gather [spmem:s1], $0x8, s22, s30, $0xb8;
	[tilespmem:$0x1A000] =	vst v63  }
0xca: {  	s6 =	rddreg [dreg:$0x8]  }
0xcb: {  	[tilespmem:s0], [sflag:$0x2] =	stream.indirect.gather [spmem:s1], $0x8, s6, s30, $0xb8;
	[tilespmem:$0x1A000] =	vst v63  }
0xcc: {  	s8 =	rddreg [dreg:$0x9]  }
0xcd: {  	[tilespmem:s2], [sflag:$0x2] =	stream.indirect.gather [spmem:s1], $0x8, s8, s30, $0xb8;
	[tilespmem:$0x1A000] =	vst v63  }
0xce: {  	s16 =	rddreg [dreg:$0xa]  }
0xcf: {  	[tilespmem:s5], [sflag:$0x2] =	stream.indirect.gather [spmem:s1], $0x8, s16, s30, $0xb8;
	[tilespmem:$0x1A000] =	vst v63  }
0xd0: {  	_ =	swait.ge [sflag:s7], $0x400  }
0xd1: {  	[sflag:s7] =	ssyncset.done $0x0  }
0xd2: {  	[sflag:s7] =	ssyncadd.s32 $0xFFFFFC00  }
0xd3: {  	[spmem:s3] =	stream.indirect.scatter.add.f32 [tilespmem:s31], [sflag:$0x3], $0x8, s18, s30, $0xb8;
	[tilespmem:$0x1A000] =	vst v63  }
0xd4: {  	_ =	swait.ge [sflag:s7], $0x400  }
0xd5: {  	[sflag:s7] =	ssyncset.done $0x0  }
0xd6: {  	[sflag:s7] =	ssyncadd.s32 $0xFFFFFC00  }
0xd7: {  	[spmem:s3] =	stream.indirect.scatter.add.f32 [tilespmem:s0], [sflag:$0x3], $0x8, s19, s30, $0xb8;
	[tilespmem:$0x1A000] =	vst v63  }
0xd8: {  	_ =	swait.ge [sflag:s7], $0x400  }
0xd9: {  	[sflag:s7] =	ssyncset.done $0x0  }
0xda: {  	[sflag:s7] =	ssyncadd.s32 $0xFFFFFC00  }
0xdb: {  	[spmem:s3] =	stream.indirect.scatter.add.f32 [tilespmem:s2], [sflag:$0x3], $0x8, s20, s30, $0xb8;
	[tilespmem:$0x1A000] =	vst v63  }
0xdc: {  	_ =	swait.ge [sflag:s7], $0x400  }
0xdd: {  	[sflag:s7] =	ssyncset.done $0x0  }
0xde: {  	[sflag:s7] =	ssyncadd.s32 $0xFFFFFC00  }
0xdf: {  	[spmem:s3] =	stream.indirect.scatter.add.f32 [tilespmem:s5], [sflag:$0x3], $0x8, s21, s30, $0xb8;
	[tilespmem:$0x1A000] =	vst v63  }
0xe0: {  	_ =	swait.ge [sflag:s23], $0x80  }
0xe1: {  	[sflag:s23] =	ssyncset.done $0x0  }
0xe2: {  	[sflag:s23] =	ssyncadd.s32 $0xFFFFFF80  }
0xe3: {  	_ =	swait.ge [sflag:s23], $0x80  }
0xe4: {  	[sflag:s23] =	ssyncset.done $0x0  }
0xe5: {  	[sflag:s23] =	ssyncadd.s32 $0xFFFFFF80  }
0xe6: {  	_ =	swait.ge [sflag:s23], $0x80  }
0xe7: {  	[sflag:s23] =	ssyncset.done $0x0  }
0xe8: {  	[sflag:s23] =	ssyncadd.s32 $0xFFFFFF80  }
0xe9: {  	_ =	swait.ge [sflag:s23], $0x80  }
0xea: {  	[sflag:s23] =	ssyncset.done $0x0  }
0xeb: {  	[sflag:s23] =	ssyncadd.s32 $0xFFFFFF80  }
0xec: {  	_ =	swait.ge [sflag:s23], $0x200  }
0xed: {  	[sflag:s23] =	ssyncset.done $0x0  }
0xee: {  	[sflag:s23] =	ssyncadd.s32 $0xFFFFFE00  }
0xef: {  	_ =	swait.ge [sflag:s9], $0x400  }
0xf0: {  	[sflag:s9] =	ssyncset.done $0x0  }
0xf1: {  	[sflag:s9] =	ssyncadd.s32 $0xFFFFFC00  }
0xf2: {  	_ =	swait.ge [sflag:s9], $0x400  }
0xf3: {  	[sflag:s9] =	ssyncset.done $0x0  }
0xf4: {  	[sflag:s9] =	ssyncadd.s32 $0xFFFFFC00  }
0xf5: {  	_ =	swait.ge [sflag:s9], $0x400  }
0xf6: {  	[sflag:s9] =	ssyncset.done $0x0  }
0xf7: {  	[sflag:s9] =	ssyncadd.s32 $0xFFFFFC00  }
0xf8: {  	_ =	swait.ge [sflag:s9], $0x400  }
0xf9: {  	[sflag:s9] =	ssyncset.done $0x0  }
0xfa: {  	[sflag:s9] =	ssyncadd.s32 $0xFFFFFC00  }
0xfb: {  	[tilespmem:s31], [sflag:$0x2] =	stream.indirect.gather [spmem:s1], $0x8, s29, s30, $0xb8;
	[tilespmem:$0x1A000] =	vst v63  }
0xfc: {  	s6 =	rddreg [dreg:$0xb]  }
0xfd: {  	[tilespmem:s0], [sflag:$0x2] =	stream.indirect.gather [spmem:s1], $0x8, s6, s30, $0xb8;
	[tilespmem:$0x1A000] =	vst v63  }
0xfe: {  	s8 =	rddreg [dreg:$0xc]  }
0xff: {  	[tilespmem:s2], [sflag:$0x2] =	stream.indirect.gather [spmem:s1], $0x8, s8, s30, $0xb8;
	[tilespmem:$0x1A000] =	vst v63  }
0x100: {  	s16 =	rddreg [dreg:$0xd]  }
0x101: {  	[tilespmem:s5], [sflag:$0x2] =	stream.indirect.gather [spmem:s1], $0x8, s16, s30, $0xb8;
	[tilespmem:$0x1A000] =	vst v63  }
0x102: {  	_ =	swait.ge [sflag:s7], $0x400  }
0x103: {  	[sflag:s7] =	ssyncset.done $0x0  }
0x104: {  	[sflag:s7] =	ssyncadd.s32 $0xFFFFFC00  }
0x105: {  	[spmem:s3] =	stream.indirect.scatter.add.f32 [tilespmem:s31], [sflag:$0x3], $0x8, s24, s30, $0xb8;
	[tilespmem:$0x1A000] =	vst v63  }
0x106: {  	_ =	swait.ge [sflag:s7], $0x400  }
0x107: {  	[sflag:s7] =	ssyncset.done $0x0  }
0x108: {  	[sflag:s7] =	ssyncadd.s32 $0xFFFFFC00  }
0x109: {  	[spmem:s3] =	stream.indirect.scatter.add.f32 [tilespmem:s0], [sflag:$0x3], $0x8, s25, s30, $0xb8;
	[tilespmem:$0x1A000] =	vst v63  }
0x10a: {  	_ =	swait.ge [sflag:s7], $0x400  }
0x10b: {  	[sflag:s7] =	ssyncset.done $0x0  }
0x10c: {  	[sflag:s7] =	ssyncadd.s32 $0xFFFFFC00  }
0x10d: {  	[spmem:s3] =	stream.indirect.scatter.add.f32 [tilespmem:s2], [sflag:$0x3], $0x8, s26, s30, $0xb8;
	[tilespmem:$0x1A000] =	vst v63  }
0x10e: {  	_ =	swait.ge [sflag:s7], $0x400  }
0x10f: {  	[sflag:s7] =	ssyncset.done $0x0  }
0x110: {  	p1 =	seq.s32 s13, $0x6180;
	s14 =	rddreg [dreg:$0x4];
	[sflag:s7] =	ssyncadd.s32 $0xFFFFFC00  }
0x111: {  	[spmem:s3] =	stream.indirect.scatter.add.f32 [tilespmem:s5], [sflag:$0x3], $0x8, s28, s30, $0xb8;
	[tilespmem:$0x1A000] =	vst v63  }
0x112: {  	s15 =	simm.s32 @!p1 $0x0;
	s16 =	simm.s32 @!p1 $0x18C00;
	s14 =	sadd.s32 @!p1 s13, s14  }
0x113: {  	[tilespmem:s16], [sflag:$0x1] =	stream.linear.gather @!p1 [hbm4b:s14+s15], $0x80, $0x38;
	[tilespmem:$0x1A000] =	vst v63  }
0x114: {  	s8 =	simm.s32 @!p1 $0x18C80;
	s16 =	sadd.s32 @!p1 $0x10, s14  }
0x115: {  	[tilespmem:s8], [sflag:$0x1] =	stream.linear.gather @!p1 [hbm4b:s16+s15], $0x80, $0x38;
	[tilespmem:$0x1A000] =	vst v63  }
0x116: {  	s8 =	sadd.s32 @!p1 $0x20, s14;
	s16 =	simm.s32 @!p1 $0x18D00  }
0x117: {  	[tilespmem:s16], [sflag:$0x1] =	stream.linear.gather @!p1 [hbm4b:s8+s15], $0x80, $0x38;
	[tilespmem:$0x1A000] =	vst v63  }
0x118: {  	s6 =	rddreg [dreg:$0x5];
	s8 =	sadd.s32 @!p1 $0x30, s14;
	s14 =	simm.s32 @!p1 $0x18D80  }
0x119: {  	[tilespmem:s14], [sflag:$0x1] =	stream.linear.gather @!p1 [hbm4b:s8+s15], $0x80, $0x38;
	[tilespmem:$0x1A000] =	vst v63  }
0x11a: {  	s6 =	sadd.s32 @!p1 s13, s6;
	s8 =	simm.s32 @!p1 $0x18800  }
0x11b: {  	[tilespmem:s8], [sflag:$0x1] =	stream.linear.gather @!p1 [hbm4b:s6+s15], $0x200, $0x38;
	[tilespmem:$0x1A000] =	vst v63  }
0x11c: {  	_ =	swait.ge [sflag:s9], $0x400  }
0x11d: {  	[sflag:s9] =	ssyncset.done $0x0  }
0x11e: {  	[sflag:s9] =	ssyncadd.s32 $0xFFFFFC00  }
0x11f: {  	_ =	swait.ge [sflag:s9], $0x400  }
0x120: {  	s12 =	sadd.s32 $0x80, s12;
	[sflag:s9] =	ssyncset.done $0x0  }
0x121: {  	p0 =	sne.s32 s12, $0x6200;
	[sflag:s9] =	ssyncadd.s32 $0xFFFFFC00  }
.Ltmp0:
0x122: {  	_ =	swait.ge [sflag:s9], $0x400;
	(pc) =	sbr.rel @p0 .LBB2_2-.Ltmp0, $4  }
0x123: {  	[sflag:s9] =	ssyncset.done $0x0  }
0x124: {  	[sflag:s9] =	ssyncadd.s32 $0xFFFFFC00  }
0x125: {  	_ =	swait.ge [sflag:s9], $0x400  }
0x126: {  	[sflag:s9] =	ssyncset.done $0x0  }
0x127: {  	[sflag:s9] =	ssyncadd.s32 $0xFFFFFC00  }
0x128: {  	[bflag:$0x0] =	sbarrier.arrive $0xFFFF  }
0x129: {  	s14 =	rddreg [dreg:$0xf]  }
0x12a: {  	s6 =	rddreg [dreg:$0x17]  }
0x12b: {  	[hbm:s6], [sflag:s14] =	dma.local [spmem:s11], $0x1880  }
0x12c: {  	_ =	swait.ge [sflag:s17], $0x1880  }
0x12d: {  	s10 =	sadd.s32 $0x1, s10;
	s16 =	rddreg [dreg:$0x18]  }
0x12e: {  	p0 =	sne.s32 s10, s16  }
.Ltmp1:
0x12f: {  	_ = 	snop;
	(pc) =	sbr.rel @p0 .LBB2_1-.Ltmp1, $3  }
0x130: {  	_ =	sdelay $0x1  }
0x131: {  	[sflag:s17] =	ssyncset.done $0x0  }
0x132: {  	[sflag:s17] =	ssyncadd.s32 $0xFFFFE780  }
0x133: {  	_ =	sfence.sel $0x180000  }
0x134: {  	[bflag:$0x0] =	sbarrier.arrive $0xFFFF  }
0x135: {  	_ =	strace $0x90000050  }
0x136: {  	s0 =	stileid.u32;
	[bflag:$0x2] =	sbarrier.arrive $0xFFFF  }
0x137: {  	p0 =	sne.s32 s0, $0x0;
	s0 =	rddreg [dreg:$0x3]  }
0x138: {  	s0 =	sadd.s32 @!p0 $0x100000, s0  }
0x139: {  	[sflag:s0] =	ssyncadd.tile.s32 @!p0 $0x1;
	_ =	shalt  }
.Lfunc_end2:
_tile_overlayer_lowered:
.L_overlay_start_2:
0x13a: {  	(tag) =	ssettag $0x2  }
0x13b: {  	s0 =	rddreg [dreg:$0x0];
	s2 =	stileid.u32  }
0x13c: {  	s1 =	rddreg [dreg:$0x1];
	p0 =	sne.s32 s2, $0x0  }
0x13d: {  	s3 =	rddreg [dreg:$0x2];
	[bflag:$0x3] =	sbarrier.arrive $0xFFFF;
	s2 =	simm.s32 @!p0 $0x1C04  }
0x13e: {  	[timem:s3], [sflag:s2] =	dma.local @!p0 [hbm:s0], s1  }
0x13f: {  	s0 =	simm.s32 @!p0 $0x4  }
0x140: {  	_ =	swait.ge @!p0 [sflag:s0], s1  }
0x141: {  	s1 =	ssub.s32 @!p0 $0x0, s1;
	[sflag:s0] =	ssyncset.done @!p0 $0x0  }
0x142: {  	[sflag:s0] =	ssyncadd.s32 @!p0 s1  }
0x143: {  	[bflag:$0x3] =	sbarrier.arrive $0xFFFF  }
0x144: {  	_ =	shalt  }

</sc_bundles>
